<compile_context>
chip_gen: v7x
topology: tpu7x:2x2x1
jax: 0.10.2.dev20260603
libtpu: 0.0.44.dev20260713+nightly
codegen_flags: <defaults>
</compile_context>

<pallas_src>
import functools
import math

import jax
import jax.numpy as jnp
from jax import lax
from jax.experimental import pallas as pl
from jax.experimental.pallas import tpu as pltpu
from jax.experimental.pallas import tpu_sc as plsc

EMB_DEPTH = 32
ROWS = 16384
COLS = 200
SCALE = math.sqrt(float(EMB_DEPTH))

_info = plsc.get_sparse_core_info()
NC = _info.num_cores
NS = _info.num_subcores
L = _info.num_lanes
NW = NC * NS
RPW = ROWS // NW
RCH = 4
NCHUNK = RPW // RCH
NQUAD = NCHUNK // 4

assert ROWS % NW == 0 and RPW % RCH == 0 and NCHUNK % 4 == 0

_mesh = plsc.VectorSubcoreMesh(core_axis_name="c", subcore_axis_name="s")


@functools.partial(
    pl.kernel,
    mesh=_mesh,
    out_type=jax.ShapeDtypeStruct((ROWS, COLS, 128), jnp.float32),
    scratch_types=[
        pltpu.VMEM((4, RCH, COLS), jnp.int32),
        pltpu.VMEM((4, RCH, COLS, EMB_DEPTH), jnp.float32),
        pltpu.SemaphoreType.DMA((4,)),
        pltpu.SemaphoreType.DMA((4,)),
        pltpu.SemaphoreType.DMA((4,)),
    ],
    compiler_params=pltpu.CompilerParams(use_tc_tiling_on_sc=False),
)
def _embed(x_hbm, table_hbm, out_hbm, idx_v, rows_v, si, sg, so):
    wid = lax.axis_index("s") * NC + lax.axis_index("c")
    rbase = wid * RPW

    def r0(g):
        return rbase + g * RCH

    def idx_start(g, b):
        pltpu.async_copy(x_hbm.at[pl.ds(r0(g), RCH), :], idx_v.at[b], si.at[b])

    def idx_wait(b):
        pltpu.make_async_copy(
            x_hbm.at[pl.ds(0, RCH), :], idx_v.at[b], si.at[b]).wait()

    def gather_start(b):
        for r in range(RCH):
            pltpu.async_copy(
                table_hbm.at[idx_v.at[b, r]], rows_v.at[b, r], sg.at[b])

    def gather_wait(b):
        for r in range(RCH):
            pltpu.make_async_copy(
                table_hbm.at[idx_v.at[b, r]], rows_v.at[b, r], sg.at[b]).wait()

    def store_start(g, b):
        pltpu.async_copy(
            rows_v.at[b],
            out_hbm.at[pl.ds(r0(g), RCH), :, pl.ds(0, EMB_DEPTH)], so.at[b])

    def store_wait(b):
        pltpu.make_async_copy(
            rows_v.at[b],
            out_hbm.at[pl.ds(0, RCH), :, pl.ds(0, EMB_DEPTH)], so.at[b]).wait()

    def scale_rows(b):
        for r in range(RCH):
            @plsc.parallel_loop(0, COLS, 1, unroll=8)
            def _(c):
                rows_v[b, r, c, pl.ds(0, L)] = rows_v[b, r, c, pl.ds(0, L)] * SCALE
                rows_v[b, r, c, pl.ds(L, L)] = rows_v[b, r, c, pl.ds(L, L)] * SCALE

    for b in range(4):
        idx_start(b, b)
    for b in range(3):
        idx_wait(b)
        gather_start(b)

    def quad_body(p, carry):
        for b in (0, 1, 2, 3):
            g = 4 * p + b
            b3 = (b + 3) % 4
            gather_wait(b)

            @pl.when(g + 4 < NCHUNK)
            def _():
                idx_start(g + 4, b)

            @pl.when(g + 3 < NCHUNK)
            def _():
                @pl.when(g >= 1)
                def _():
                    store_wait(b3)
                idx_wait(b3)
                gather_start(b3)

            scale_rows(b)
            store_start(g, b)
        return carry

    lax.fori_loop(0, NQUAD, quad_body, 0)
    for b in range(4):
        store_wait(b)


def kernel(x, table):
    return _embed(x, table)[..., :EMB_DEPTH]

# --- scband reference (transcript-rebuilt; emitter-appended) ---
"""Pipeline reference for scband-input-embedding-60808146977409 (READ-ONLY COPY).

The authoritative reference and input builder live on the scoring server;
editing this copy changes nothing except your own understanding.
"""

import jax, jax.numpy as jnp
import numpy as np
import math

EMB_DEPTH = 32
VOC_SIZE = 1000000

def setup_inputs(seed: int = 0) -> dict:
    key = jax.random.key(seed)
    k1, k2 = jax.random.split(key)
    x = jax.random.randint(k1, (16384, 200), 0, VOC_SIZE, dtype=jnp.int64 if jax.config.jax_enable_x64 else jnp.int32)
    table = jax.random.normal(k2, (VOC_SIZE, EMB_DEPTH), dtype=jnp.float32)
    return {"x": x, "table": table}

def reference(x, table):
    # InputEmbedding.forward: embedding(x) * sqrt(emb_depth)
    emb = jnp.take(table, x, axis=0)
    return emb * math.sqrt(EMB_DEPTH)

if __name__ == "__main__":
    import jax
    _d = setup_inputs()
    print(jax.jit(kernel)(*tuple(_d.values())))

</pallas_src>

<mosaic_0001>
#map = affine_map<(d0, d1) -> (0, 0)>
#map1 = affine_map<(d0, d1) -> (0, 0, 0)>
module attributes {stable_mosaic.version = 14 : i64} {
  func.func @_embed(%arg0: i32, %arg1: i32, %arg2: memref<16384x200xi32, #tpu.memory_space<hbm>>, %arg3: memref<1000000x32xf32, #tpu.memory_space<hbm>>, %arg4: memref<16384x200x128xf32, #tpu.memory_space<hbm>>, %arg5: memref<4x4x200xi32, #tpu.memory_space<vmem>>, %arg6: memref<4x4x200x32xf32, #tpu.memory_space<vmem>>, %arg7: memref<4x!tpu.dma_semaphore, #tpu.memory_space<semaphore_mem>>, %arg8: memref<4x!tpu.dma_semaphore, #tpu.memory_space<semaphore_mem>>, %arg9: memref<4x!tpu.dma_semaphore, #tpu.memory_space<semaphore_mem>>) attributes {dimension_semantics = [#tpu.dimension_semantics<core_parallel>, #tpu.dimension_semantics<subcore_parallel>], iteration_bounds = array<i64: 2, 16>, scalar_prefetch = 0 : i64, scratch_operands = 5 : i64, tpu.core_type = #tpu.core_type<sc_vector_subcore>, window_params = [{transform_indices = #map}, {transform_indices = #map}, {transform_indices = #map1}]} {
    %mul3A = arith.constant 2 : i32
    %mul3A_0 = arith.muli %arg1, %mul3A : i32
    %add3A = arith.addi %mul3A_0, %arg0 : i32
    %mul3A_1 = arith.constant 512 : i32
    %mul3A_2 = arith.muli %add3A, %mul3A_1 : i32
    %add3A_3 = arith.constant 0 : i32
    %add3A_4 = arith.addi %mul3A_2, %add3A_3 : i32
    %dma_start3A = arith.constant 0 : i32
    %dma_start3A_5 = arith.constant 0 : i32
    %dma_start3A_6 = arith.constant 0 : i32
    %dma_start3A_7 = arith.constant 0 : i32
    %dma_start3A_8 = tpu.memref_slice %arg5[%dma_start3A, %dma_start3A_6, %dma_start3A_7] : memref<4x4x200xi32, #tpu.memory_space<vmem>> -> memref<1x4x200xi32, #tpu.memory_space<vmem>>
    %dma_start3A_9 = tpu.memref_squeeze %dma_start3A_8 : memref<1x4x200xi32, #tpu.memory_space<vmem>> -> memref<4x200xi32, #tpu.memory_space<vmem>>
    %dma_start3A_10 = arith.constant 0 : i32
    %dma_start3A_11 = tpu.memref_slice %arg2[%add3A_4, %dma_start3A_10] : memref<16384x200xi32, #tpu.memory_space<hbm>> -> memref<4x200xi32, #tpu.memory_space<hbm>>
    %dma_start3A_12 = tpu.memref_slice %arg7[%dma_start3A_5] : memref<4x!tpu.dma_semaphore, #tpu.memory_space<semaphore_mem>> -> memref<1x!tpu.dma_semaphore, #tpu.memory_space<semaphore_mem>>
    %dma_start3A_13 = tpu.memref_squeeze %dma_start3A_12 : memref<1x!tpu.dma_semaphore, #tpu.memory_space<semaphore_mem>> -> memref<!tpu.dma_semaphore, #tpu.memory_space<semaphore_mem>>
    %dma_start3A_14 = arith.constant 0 : i32
    %dma_start3A_15 = arith.constant 0 : i32
    %dma_start3A_16 = tpu.memref_slice %arg5[%dma_start3A, %dma_start3A_14, %dma_start3A_15] : memref<4x4x200xi32, #tpu.memory_space<vmem>> -> memref<1x4x200xi32, #tpu.memory_space<vmem>>
    %dma_start3A_17 = tpu.memref_squeeze %dma_start3A_16 : memref<1x4x200xi32, #tpu.memory_space<vmem>> -> memref<4x200xi32, #tpu.memory_space<vmem>>
    %dma_start3A_18 = arith.constant 0 : i32
    %dma_start3A_19 = tpu.memref_slice %arg2[%add3A_4, %dma_start3A_18] : memref<16384x200xi32, #tpu.memory_space<hbm>> -> memref<4x200xi32, #tpu.memory_space<hbm>>
    tpu.enqueue_dma source(%dma_start3A_19 : memref<4x200xi32, #tpu.memory_space<hbm>>) target(%dma_start3A_17 : memref<4x200xi32, #tpu.memory_space<vmem>>) target_semaphore(%dma_start3A_13 : memref<!tpu.dma_semaphore, #tpu.memory_space<semaphore_mem>>)
    %add3A_20 = arith.constant 4 : i32
    %add3A_21 = arith.addi %mul3A_2, %add3A_20 : i32
    %dma_start3A_22 = arith.constant 1 : i32
    %dma_start3A_23 = arith.constant 1 : i32
    %dma_start3A_24 = arith.constant 0 : i32
    %dma_start3A_25 = arith.constant 0 : i32
    %dma_start3A_26 = tpu.memref_slice %arg5[%dma_start3A_22, %dma_start3A_24, %dma_start3A_25] : memref<4x4x200xi32, #tpu.memory_space<vmem>> -> memref<1x4x200xi32, #tpu.memory_space<vmem>>
    %dma_start3A_27 = tpu.memref_squeeze %dma_start3A_26 : memref<1x4x200xi32, #tpu.memory_space<vmem>> -> memref<4x200xi32, #tpu.memory_space<vmem>>
    %dma_start3A_28 = arith.constant 0 : i32
    %dma_start3A_29 = tpu.memref_slice %arg2[%add3A_21, %dma_start3A_28] : memref<16384x200xi32, #tpu.memory_space<hbm>> -> memref<4x200xi32, #tpu.memory_space<hbm>>
    %dma_start3A_30 = tpu.memref_slice %arg7[%dma_start3A_23] : memref<4x!tpu.dma_semaphore, #tpu.memory_space<semaphore_mem>> -> memref<1x!tpu.dma_semaphore, #tpu.memory_space<semaphore_mem>>
    %dma_start3A_31 = tpu.memref_squeeze %dma_start3A_30 : memref<1x!tpu.dma_semaphore, #tpu.memory_space<semaphore_mem>> -> memref<!tpu.dma_semaphore, #tpu.memory_space<semaphore_mem>>
    %dma_start3A_32 = arith.constant 0 : i32
    %dma_start3A_33 = arith.constant 0 : i32
    %dma_start3A_34 = tpu.memref_slice %arg5[%dma_start3A_22, %dma_start3A_32, %dma_start3A_33] : memref<4x4x200xi32, #tpu.memory_space<vmem>> -> memref<1x4x200xi32, #tpu.memory_space<vmem>>
    %dma_start3A_35 = tpu.memref_squeeze %dma_start3A_34 : memref<1x4x200xi32, #tpu.memory_space<vmem>> -> memref<4x200xi32, #tpu.memory_space<vmem>>
    %dma_start3A_36 = arith.constant 0 : i32
    %dma_start3A_37 = tpu.memref_slice %arg2[%add3A_21, %dma_start3A_36] : memref<16384x200xi32, #tpu.memory_space<hbm>> -> memref<4x200xi32, #tpu.memory_space<hbm>>
    tpu.enqueue_dma source(%dma_start3A_37 : memref<4x200xi32, #tpu.memory_space<hbm>>) target(%dma_start3A_35 : memref<4x200xi32, #tpu.memory_space<vmem>>) target_semaphore(%dma_start3A_31 : memref<!tpu.dma_semaphore, #tpu.memory_space<semaphore_mem>>)
    %add3A_38 = arith.constant 8 : i32
    %add3A_39 = arith.addi %mul3A_2, %add3A_38 : i32
    %dma_start3A_40 = arith.constant 2 : i32
    %dma_start3A_41 = arith.constant 2 : i32
    %dma_start3A_42 = arith.constant 0 : i32
    %dma_start3A_43 = arith.constant 0 : i32
    %dma_start3A_44 = tpu.memref_slice %arg5[%dma_start3A_40, %dma_start3A_42, %dma_start3A_43] : memref<4x4x200xi32, #tpu.memory_space<vmem>> -> memref<1x4x200xi32, #tpu.memory_space<vmem>>
    %dma_start3A_45 = tpu.memref_squeeze %dma_start3A_44 : memref<1x4x200xi32, #tpu.memory_space<vmem>> -> memref<4x200xi32, #tpu.memory_space<vmem>>
    %dma_start3A_46 = arith.constant 0 : i32
    %dma_start3A_47 = tpu.memref_slice %arg2[%add3A_39, %dma_start3A_46] : memref<16384x200xi32, #tpu.memory_space<hbm>> -> memref<4x200xi32, #tpu.memory_space<hbm>>
    %dma_start3A_48 = tpu.memref_slice %arg7[%dma_start3A_41] : memref<4x!tpu.dma_semaphore, #tpu.memory_space<semaphore_mem>> -> memref<1x!tpu.dma_semaphore, #tpu.memory_space<semaphore_mem>>
    %dma_start3A_49 = tpu.memref_squeeze %dma_start3A_48 : memref<1x!tpu.dma_semaphore, #tpu.memory_space<semaphore_mem>> -> memref<!tpu.dma_semaphore, #tpu.memory_space<semaphore_mem>>
    %dma_start3A_50 = arith.constant 0 : i32
    %dma_start3A_51 = arith.constant 0 : i32
    %dma_start3A_52 = tpu.memref_slice %arg5[%dma_start3A_40, %dma_start3A_50, %dma_start3A_51] : memref<4x4x200xi32, #tpu.memory_space<vmem>> -> memref<1x4x200xi32, #tpu.memory_space<vmem>>
    %dma_start3A_53 = tpu.memref_squeeze %dma_start3A_52 : memref<1x4x200xi32, #tpu.memory_space<vmem>> -> memref<4x200xi32, #tpu.memory_space<vmem>>
    %dma_start3A_54 = arith.constant 0 : i32
    %dma_start3A_55 = tpu.memref_slice %arg2[%add3A_39, %dma_start3A_54] : memref<16384x200xi32, #tpu.memory_space<hbm>> -> memref<4x200xi32, #tpu.memory_space<hbm>>
    tpu.enqueue_dma source(%dma_start3A_55 : memref<4x200xi32, #tpu.memory_space<hbm>>) target(%dma_start3A_53 : memref<4x200xi32, #tpu.memory_space<vmem>>) target_semaphore(%dma_start3A_49 : memref<!tpu.dma_semaphore, #tpu.memory_space<semaphore_mem>>)
    %add3A_56 = arith.constant 12 : i32
    %add3A_57 = arith.addi %mul3A_2, %add3A_56 : i32
    %dma_start3A_58 = arith.constant 3 : i32
    %dma_start3A_59 = arith.constant 3 : i32
    %dma_start3A_60 = arith.constant 0 : i32
    %dma_start3A_61 = arith.constant 0 : i32
    %dma_start3A_62 = tpu.memref_slice %arg5[%dma_start3A_58, %dma_start3A_60, %dma_start3A_61] : memref<4x4x200xi32, #tpu.memory_space<vmem>> -> memref<1x4x200xi32, #tpu.memory_space<vmem>>
    %dma_start3A_63 = tpu.memref_squeeze %dma_start3A_62 : memref<1x4x200xi32, #tpu.memory_space<vmem>> -> memref<4x200xi32, #tpu.memory_space<vmem>>
    %dma_start3A_64 = arith.constant 0 : i32
    %dma_start3A_65 = tpu.memref_slice %arg2[%add3A_57, %dma_start3A_64] : memref<16384x200xi32, #tpu.memory_space<hbm>> -> memref<4x200xi32, #tpu.memory_space<hbm>>
    %dma_start3A_66 = tpu.memref_slice %arg7[%dma_start3A_59] : memref<4x!tpu.dma_semaphore, #tpu.memory_space<semaphore_mem>> -> memref<1x!tpu.dma_semaphore, #tpu.memory_space<semaphore_mem>>
    %dma_start3A_67 = tpu.memref_squeeze %dma_start3A_66 : memref<1x!tpu.dma_semaphore, #tpu.memory_space<semaphore_mem>> -> memref<!tpu.dma_semaphore, #tpu.memory_space<semaphore_mem>>
    %dma_start3A_68 = arith.constant 0 : i32
    %dma_start3A_69 = arith.constant 0 : i32
    %dma_start3A_70 = tpu.memref_slice %arg5[%dma_start3A_58, %dma_start3A_68, %dma_start3A_69] : memref<4x4x200xi32, #tpu.memory_space<vmem>> -> memref<1x4x200xi32, #tpu.memory_space<vmem>>
    %dma_start3A_71 = tpu.memref_squeeze %dma_start3A_70 : memref<1x4x200xi32, #tpu.memory_space<vmem>> -> memref<4x200xi32, #tpu.memory_space<vmem>>
    %dma_start3A_72 = arith.constant 0 : i32
    %dma_start3A_73 = tpu.memref_slice %arg2[%add3A_57, %dma_start3A_72] : memref<16384x200xi32, #tpu.memory_space<hbm>> -> memref<4x200xi32, #tpu.memory_space<hbm>>
    tpu.enqueue_dma source(%dma_start3A_73 : memref<4x200xi32, #tpu.memory_space<hbm>>) target(%dma_start3A_71 : memref<4x200xi32, #tpu.memory_space<vmem>>) target_semaphore(%dma_start3A_67 : memref<!tpu.dma_semaphore, #tpu.memory_space<semaphore_mem>>)
    %dma_wait3A = arith.constant 0 : i32
    %dma_wait3A_74 = arith.constant 0 : i32
    %dma_wait3A_75 = arith.constant 0 : i32
    %dma_wait3A_76 = arith.constant 0 : i32
    %dma_wait3A_77 = tpu.memref_slice %arg5[%dma_wait3A, %dma_wait3A_75, %dma_wait3A_76] : memref<4x4x200xi32, #tpu.memory_space<vmem>> -> memref<1x4x200xi32, #tpu.memory_space<vmem>>
    %dma_wait3A_78 = tpu.memref_squeeze %dma_wait3A_77 : memref<1x4x200xi32, #tpu.memory_space<vmem>> -> memref<4x200xi32, #tpu.memory_space<vmem>>
    %dma_wait3A_79 = arith.constant 0 : i32
    %dma_wait3A_80 = arith.constant 0 : i32
    %dma_wait3A_81 = tpu.memref_slice %arg2[%dma_wait3A_79, %dma_wait3A_80] : memref<16384x200xi32, #tpu.memory_space<hbm>> -> memref<4x200xi32, #tpu.memory_space<hbm>>
    %dma_wait3A_82 = tpu.memref_slice %arg7[%dma_wait3A_74] : memref<4x!tpu.dma_semaphore, #tpu.memory_space<semaphore_mem>> -> memref<1x!tpu.dma_semaphore, #tpu.memory_space<semaphore_mem>>
    %dma_wait3A_83 = tpu.memref_squeeze %dma_wait3A_82 : memref<1x!tpu.dma_semaphore, #tpu.memory_space<semaphore_mem>> -> memref<!tpu.dma_semaphore, #tpu.memory_space<semaphore_mem>>
    %dma_wait3A_84 = arith.constant 0 : i32
    %dma_wait3A_85 = arith.constant 0 : i32
    %dma_wait3A_86 = tpu.memref_slice %arg5[%dma_wait3A, %dma_wait3A_84, %dma_wait3A_85] : memref<4x4x200xi32, #tpu.memory_space<vmem>> -> memref<1x4x200xi32, #tpu.memory_space<vmem>>
    %dma_wait3A_87 = tpu.memref_squeeze %dma_wait3A_86 : memref<1x4x200xi32, #tpu.memory_space<vmem>> -> memref<4x200xi32, #tpu.memory_space<vmem>>
    %dma_wait3A_88 = arith.constant 0 : i32
    %dma_wait3A_89 = arith.constant 0 : i32
    %dma_wait3A_90 = tpu.memref_slice %arg2[%dma_wait3A_88, %dma_wait3A_89] : memref<16384x200xi32, #tpu.memory_space<hbm>> -> memref<4x200xi32, #tpu.memory_space<hbm>>
    tpu.wait_dma2 semaphore(%dma_wait3A_83 : memref<!tpu.dma_semaphore, #tpu.memory_space<semaphore_mem>>) src(%dma_wait3A_90 : memref<4x200xi32, #tpu.memory_space<hbm>>) dst(%dma_wait3A_87 : memref<4x200xi32, #tpu.memory_space<vmem>>)
    %dma_start3A_91 = arith.constant 0 : i32
    %dma_start3A_92 = arith.constant 0 : i32
    %dma_start3A_93 = arith.constant 0 : i32
    %dma_start3A_94 = arith.constant 0 : i32
    %dma_start3A_95 = arith.constant 0 : i32
    %dma_start3A_96 = arith.constant 0 : i32
    %dma_start3A_97 = arith.constant 0 : i32
    %dma_start3A_98 = tpu.memref_slice %arg6[%dma_start3A_93, %dma_start3A_94, %dma_start3A_96, %dma_start3A_97] : memref<4x4x200x32xf32, #tpu.memory_space<vmem>> -> memref<1x1x200x32xf32, #tpu.memory_space<vmem>>
    %dma_start3A_99 = tpu.memref_squeeze %dma_start3A_98 : memref<1x1x200x32xf32, #tpu.memory_space<vmem>> -> memref<200x32xf32, #tpu.memory_space<vmem>>
    %dma_start3A_100 = arith.constant 0 : i32
    %dma_start3A_101 = tpu.memref_slice %arg5[%dma_start3A_91, %dma_start3A_92, %dma_start3A_100] : memref<4x4x200xi32, #tpu.memory_space<vmem>> -> memref<1x1x200xi32, #tpu.memory_space<vmem>>
    %dma_start3A_102 = tpu.memref_squeeze %dma_start3A_101 : memref<1x1x200xi32, #tpu.memory_space<vmem>> -> memref<200xi32, #tpu.memory_space<vmem>>
    %dma_start3A_103 = arith.constant 0 : i32
    %dma_start3A_104 = arith.constant 0 : i32
    %dma_start3A_105 = tpu.memref_slice %arg3[%dma_start3A_103, %dma_start3A_104] : memref<1000000x32xf32, #tpu.memory_space<hbm>> -> memref<1000000x32xf32, #tpu.memory_space<hbm>>
    %dma_start3A_106 = tpu.memref_slice %arg8[%dma_start3A_95] : memref<4x!tpu.dma_semaphore, #tpu.memory_space<semaphore_mem>> -> memref<1x!tpu.dma_semaphore, #tpu.memory_space<semaphore_mem>>
    %dma_start3A_107 = tpu.memref_squeeze %dma_start3A_106 : memref<1x!tpu.dma_semaphore, #tpu.memory_space<semaphore_mem>> -> memref<!tpu.dma_semaphore, #tpu.memory_space<semaphore_mem>>
    tpu.enqueue_indirect_dma source(%dma_start3A_105 : memref<1000000x32xf32, #tpu.memory_space<hbm>>) target(%dma_start3A_99 : memref<200x32xf32, #tpu.memory_space<vmem>>) offsets(%dma_start3A_102 : memref<200xi32, #tpu.memory_space<vmem>>) semaphore(%dma_start3A_107 : memref<!tpu.dma_semaphore, #tpu.memory_space<semaphore_mem>>)
    %dma_start3A_108 = arith.constant 0 : i32
    %dma_start3A_109 = arith.constant 1 : i32
    %dma_start3A_110 = arith.constant 0 : i32
    %dma_start3A_111 = arith.constant 1 : i32
    %dma_start3A_112 = arith.constant 0 : i32
    %dma_start3A_113 = arith.constant 0 : i32
    %dma_start3A_114 = arith.constant 0 : i32
    %dma_start3A_115 = tpu.memref_slice %arg6[%dma_start3A_110, %dma_start3A_111, %dma_start3A_113, %dma_start3A_114] : memref<4x4x200x32xf32, #tpu.memory_space<vmem>> -> memref<1x1x200x32xf32, #tpu.memory_space<vmem>>
    %dma_start3A_116 = tpu.memref_squeeze %dma_start3A_115 : memref<1x1x200x32xf32, #tpu.memory_space<vmem>> -> memref<200x32xf32, #tpu.memory_space<vmem>>
    %dma_start3A_117 = arith.constant 0 : i32
    %dma_start3A_118 = tpu.memref_slice %arg5[%dma_start3A_108, %dma_start3A_109, %dma_start3A_117] : memref<4x4x200xi32, #tpu.memory_space<vmem>> -> memref<1x1x200xi32, #tpu.memory_space<vmem>>
    %dma_start3A_119 = tpu.memref_squeeze %dma_start3A_118 : memref<1x1x200xi32, #tpu.memory_space<vmem>> -> memref<200xi32, #tpu.memory_space<vmem>>
    %dma_start3A_120 = arith.constant 0 : i32
    %dma_start3A_121 = arith.constant 0 : i32
    %dma_start3A_122 = tpu.memref_slice %arg3[%dma_start3A_120, %dma_start3A_121] : memref<1000000x32xf32, #tpu.memory_space<hbm>> -> memref<1000000x32xf32, #tpu.memory_space<hbm>>
    %dma_start3A_123 = tpu.memref_slice %arg8[%dma_start3A_112] : memref<4x!tpu.dma_semaphore, #tpu.memory_space<semaphore_mem>> -> memref<1x!tpu.dma_semaphore, #tpu.memory_space<semaphore_mem>>
    %dma_start3A_124 = tpu.memref_squeeze %dma_start3A_123 : memref<1x!tpu.dma_semaphore, #tpu.memory_space<semaphore_mem>> -> memref<!tpu.dma_semaphore, #tpu.memory_space<semaphore_mem>>
    tpu.enqueue_indirect_dma source(%dma_start3A_122 : memref<1000000x32xf32, #tpu.memory_space<hbm>>) target(%dma_start3A_116 : memref<200x32xf32, #tpu.memory_space<vmem>>) offsets(%dma_start3A_119 : memref<200xi32, #tpu.memory_space<vmem>>) semaphore(%dma_start3A_124 : memref<!tpu.dma_semaphore, #tpu.memory_space<semaphore_mem>>)
    %dma_start3A_125 = arith.constant 0 : i32
    %dma_start3A_126 = arith.constant 2 : i32
    %dma_start3A_127 = arith.constant 0 : i32
    %dma_start3A_128 = arith.constant 2 : i32
    %dma_start3A_129 = arith.constant 0 : i32
    %dma_start3A_130 = arith.constant 0 : i32
    %dma_start3A_131 = arith.constant 0 : i32
    %dma_start3A_132 = tpu.memref_slice %arg6[%dma_start3A_127, %dma_start3A_128, %dma_start3A_130, %dma_start3A_131] : memref<4x4x200x32xf32, #tpu.memory_space<vmem>> -> memref<1x1x200x32xf32, #tpu.memory_space<vmem>>
    %dma_start3A_133 = tpu.memref_squeeze %dma_start3A_132 : memref<1x1x200x32xf32, #tpu.memory_space<vmem>> -> memref<200x32xf32, #tpu.memory_space<vmem>>
    %dma_start3A_134 = arith.constant 0 : i32
    %dma_start3A_135 = tpu.memref_slice %arg5[%dma_start3A_125, %dma_start3A_126, %dma_start3A_134] : memref<4x4x200xi32, #tpu.memory_space<vmem>> -> memref<1x1x200xi32, #tpu.memory_space<vmem>>
    %dma_start3A_136 = tpu.memref_squeeze %dma_start3A_135 : memref<1x1x200xi32, #tpu.memory_space<vmem>> -> memref<200xi32, #tpu.memory_space<vmem>>
    %dma_start3A_137 = arith.constant 0 : i32
    %dma_start3A_138 = arith.constant 0 : i32
    %dma_start3A_139 = tpu.memref_slice %arg3[%dma_start3A_137, %dma_start3A_138] : memref<1000000x32xf32, #tpu.memory_space<hbm>> -> memref<1000000x32xf32, #tpu.memory_space<hbm>>
    %dma_start3A_140 = tpu.memref_slice %arg8[%dma_start3A_129] : memref<4x!tpu.dma_semaphore, #tpu.memory_space<semaphore_mem>> -> memref<1x!tpu.dma_semaphore, #tpu.memory_space<semaphore_mem>>
    %dma_start3A_141 = tpu.memref_squeeze %dma_start3A_140 : memref<1x!tpu.dma_semaphore, #tpu.memory_space<semaphore_mem>> -> memref<!tpu.dma_semaphore, #tpu.memory_space<semaphore_mem>>
    tpu.enqueue_indirect_dma source(%dma_start3A_139 : memref<1000000x32xf32, #tpu.memory_space<hbm>>) target(%dma_start3A_133 : memref<200x32xf32, #tpu.memory_space<vmem>>) offsets(%dma_start3A_136 : memref<200xi32, #tpu.memory_space<vmem>>) semaphore(%dma_start3A_141 : memref<!tpu.dma_semaphore, #tpu.memory_space<semaphore_mem>>)
    %dma_start3A_142 = arith.constant 0 : i32
    %dma_start3A_143 = arith.constant 3 : i32
    %dma_start3A_144 = arith.constant 0 : i32
    %dma_start3A_145 = arith.constant 3 : i32
    %dma_start3A_146 = arith.constant 0 : i32
    %dma_start3A_147 = arith.constant 0 : i32
    %dma_start3A_148 = arith.constant 0 : i32
    %dma_start3A_149 = tpu.memref_slice %arg6[%dma_start3A_144, %dma_start3A_145, %dma_start3A_147, %dma_start3A_148] : memref<4x4x200x32xf32, #tpu.memory_space<vmem>> -> memref<1x1x200x32xf32, #tpu.memory_space<vmem>>
    %dma_start3A_150 = tpu.memref_squeeze %dma_start3A_149 : memref<1x1x200x32xf32, #tpu.memory_space<vmem>> -> memref<200x32xf32, #tpu.memory_space<vmem>>
    %dma_start3A_151 = arith.constant 0 : i32
    %dma_start3A_152 = tpu.memref_slice %arg5[%dma_start3A_142, %dma_start3A_143, %dma_start3A_151] : memref<4x4x200xi32, #tpu.memory_space<vmem>> -> memref<1x1x200xi32, #tpu.memory_space<vmem>>
    %dma_start3A_153 = tpu.memref_squeeze %dma_start3A_152 : memref<1x1x200xi32, #tpu.memory_space<vmem>> -> memref<200xi32, #tpu.memory_space<vmem>>
    %dma_start3A_154 = arith.constant 0 : i32
    %dma_start3A_155 = arith.constant 0 : i32
    %dma_start3A_156 = tpu.memref_slice %arg3[%dma_start3A_154, %dma_start3A_155] : memref<1000000x32xf32, #tpu.memory_space<hbm>> -> memref<1000000x32xf32, #tpu.memory_space<hbm>>
    %dma_start3A_157 = tpu.memref_slice %arg8[%dma_start3A_146] : memref<4x!tpu.dma_semaphore, #tpu.memory_space<semaphore_mem>> -> memref<1x!tpu.dma_semaphore, #tpu.memory_space<semaphore_mem>>
    %dma_start3A_158 = tpu.memref_squeeze %dma_start3A_157 : memref<1x!tpu.dma_semaphore, #tpu.memory_space<semaphore_mem>> -> memref<!tpu.dma_semaphore, #tpu.memory_space<semaphore_mem>>
    tpu.enqueue_indirect_dma source(%dma_start3A_156 : memref<1000000x32xf32, #tpu.memory_space<hbm>>) target(%dma_start3A_150 : memref<200x32xf32, #tpu.memory_space<vmem>>) offsets(%dma_start3A_153 : memref<200xi32, #tpu.memory_space<vmem>>) semaphore(%dma_start3A_158 : memref<!tpu.dma_semaphore, #tpu.memory_space<semaphore_mem>>)
    %dma_wait3A_159 = arith.constant 1 : i32
    %dma_wait3A_160 = arith.constant 1 : i32
    %dma_wait3A_161 = arith.constant 0 : i32
    %dma_wait3A_162 = arith.constant 0 : i32
    %dma_wait3A_163 = tpu.memref_slice %arg5[%dma_wait3A_159, %dma_wait3A_161, %dma_wait3A_162] : memref<4x4x200xi32, #tpu.memory_space<vmem>> -> memref<1x4x200xi32, #tpu.memory_space<vmem>>
    %dma_wait3A_164 = tpu.memref_squeeze %dma_wait3A_163 : memref<1x4x200xi32, #tpu.memory_space<vmem>> -> memref<4x200xi32, #tpu.memory_space<vmem>>
    %dma_wait3A_165 = arith.constant 0 : i32
    %dma_wait3A_166 = arith.constant 0 : i32
    %dma_wait3A_167 = tpu.memref_slice %arg2[%dma_wait3A_165, %dma_wait3A_166] : memref<16384x200xi32, #tpu.memory_space<hbm>> -> memref<4x200xi32, #tpu.memory_space<hbm>>
    %dma_wait3A_168 = tpu.memref_slice %arg7[%dma_wait3A_160] : memref<4x!tpu.dma_semaphore, #tpu.memory_space<semaphore_mem>> -> memref<1x!tpu.dma_semaphore, #tpu.memory_space<semaphore_mem>>
    %dma_wait3A_169 = tpu.memref_squeeze %dma_wait3A_168 : memref<1x!tpu.dma_semaphore, #tpu.memory_space<semaphore_mem>> -> memref<!tpu.dma_semaphore, #tpu.memory_space<semaphore_mem>>
    %dma_wait3A_170 = arith.constant 0 : i32
    %dma_wait3A_171 = arith.constant 0 : i32
    %dma_wait3A_172 = tpu.memref_slice %arg5[%dma_wait3A_159, %dma_wait3A_170, %dma_wait3A_171] : memref<4x4x200xi32, #tpu.memory_space<vmem>> -> memref<1x4x200xi32, #tpu.memory_space<vmem>>
    %dma_wait3A_173 = tpu.memref_squeeze %dma_wait3A_172 : memref<1x4x200xi32, #tpu.memory_space<vmem>> -> memref<4x200xi32, #tpu.memory_space<vmem>>
    %dma_wait3A_174 = arith.constant 0 : i32
    %dma_wait3A_175 = arith.constant 0 : i32
    %dma_wait3A_176 = tpu.memref_slice %arg2[%dma_wait3A_174, %dma_wait3A_175] : memref<16384x200xi32, #tpu.memory_space<hbm>> -> memref<4x200xi32, #tpu.memory_space<hbm>>
    tpu.wait_dma2 semaphore(%dma_wait3A_169 : memref<!tpu.dma_semaphore, #tpu.memory_space<semaphore_mem>>) src(%dma_wait3A_176 : memref<4x200xi32, #tpu.memory_space<hbm>>) dst(%dma_wait3A_173 : memref<4x200xi32, #tpu.memory_space<vmem>>)
    %dma_start3A_177 = arith.constant 1 : i32
    %dma_start3A_178 = arith.constant 0 : i32
    %dma_start3A_179 = arith.constant 1 : i32
    %dma_start3A_180 = arith.constant 0 : i32
    %dma_start3A_181 = arith.constant 1 : i32
    %dma_start3A_182 = arith.constant 0 : i32
    %dma_start3A_183 = arith.constant 0 : i32
    %dma_start3A_184 = tpu.memref_slice %arg6[%dma_start3A_179, %dma_start3A_180, %dma_start3A_182, %dma_start3A_183] : memref<4x4x200x32xf32, #tpu.memory_space<vmem>> -> memref<1x1x200x32xf32, #tpu.memory_space<vmem>>
    %dma_start3A_185 = tpu.memref_squeeze %dma_start3A_184 : memref<1x1x200x32xf32, #tpu.memory_space<vmem>> -> memref<200x32xf32, #tpu.memory_space<vmem>>
    %dma_start3A_186 = arith.constant 0 : i32
    %dma_start3A_187 = tpu.memref_slice %arg5[%dma_start3A_177, %dma_start3A_178, %dma_start3A_186] : memref<4x4x200xi32, #tpu.memory_space<vmem>> -> memref<1x1x200xi32, #tpu.memory_space<vmem>>
    %dma_start3A_188 = tpu.memref_squeeze %dma_start3A_187 : memref<1x1x200xi32, #tpu.memory_space<vmem>> -> memref<200xi32, #tpu.memory_space<vmem>>
    %dma_start3A_189 = arith.constant 0 : i32
    %dma_start3A_190 = arith.constant 0 : i32
    %dma_start3A_191 = tpu.memref_slice %arg3[%dma_start3A_189, %dma_start3A_190] : memref<1000000x32xf32, #tpu.memory_space<hbm>> -> memref<1000000x32xf32, #tpu.memory_space<hbm>>
    %dma_start3A_192 = tpu.memref_slice %arg8[%dma_start3A_181] : memref<4x!tpu.dma_semaphore, #tpu.memory_space<semaphore_mem>> -> memref<1x!tpu.dma_semaphore, #tpu.memory_space<semaphore_mem>>
    %dma_start3A_193 = tpu.memref_squeeze %dma_start3A_192 : memref<1x!tpu.dma_semaphore, #tpu.memory_space<semaphore_mem>> -> memref<!tpu.dma_semaphore, #tpu.memory_space<semaphore_mem>>
    tpu.enqueue_indirect_dma source(%dma_start3A_191 : memref<1000000x32xf32, #tpu.memory_space<hbm>>) target(%dma_start3A_185 : memref<200x32xf32, #tpu.memory_space<vmem>>) offsets(%dma_start3A_188 : memref<200xi32, #tpu.memory_space<vmem>>) semaphore(%dma_start3A_193 : memref<!tpu.dma_semaphore, #tpu.memory_space<semaphore_mem>>)
    %dma_start3A_194 = arith.constant 1 : i32
    %dma_start3A_195 = arith.constant 1 : i32
    %dma_start3A_196 = arith.constant 1 : i32
    %dma_start3A_197 = arith.constant 1 : i32
    %dma_start3A_198 = arith.constant 1 : i32
    %dma_start3A_199 = arith.constant 0 : i32
    %dma_start3A_200 = arith.constant 0 : i32
    %dma_start3A_201 = tpu.memref_slice %arg6[%dma_start3A_196, %dma_start3A_197, %dma_start3A_199, %dma_start3A_200] : memref<4x4x200x32xf32, #tpu.memory_space<vmem>> -> memref<1x1x200x32xf32, #tpu.memory_space<vmem>>
    %dma_start3A_202 = tpu.memref_squeeze %dma_start3A_201 : memref<1x1x200x32xf32, #tpu.memory_space<vmem>> -> memref<200x32xf32, #tpu.memory_space<vmem>>
    %dma_start3A_203 = arith.constant 0 : i32
    %dma_start3A_204 = tpu.memref_slice %arg5[%dma_start3A_194, %dma_start3A_195, %dma_start3A_203] : memref<4x4x200xi32, #tpu.memory_space<vmem>> -> memref<1x1x200xi32, #tpu.memory_space<vmem>>
    %dma_start3A_205 = tpu.memref_squeeze %dma_start3A_204 : memref<1x1x200xi32, #tpu.memory_space<vmem>> -> memref<200xi32, #tpu.memory_space<vmem>>
    %dma_start3A_206 = arith.constant 0 : i32
    %dma_start3A_207 = arith.constant 0 : i32
    %dma_start3A_208 = tpu.memref_slice %arg3[%dma_start3A_206, %dma_start3A_207] : memref<1000000x32xf32, #tpu.memory_space<hbm>> -> memref<1000000x32xf32, #tpu.memory_space<hbm>>
    %dma_start3A_209 = tpu.memref_slice %arg8[%dma_start3A_198] : memref<4x!tpu.dma_semaphore, #tpu.memory_space<semaphore_mem>> -> memref<1x!tpu.dma_semaphore, #tpu.memory_space<semaphore_mem>>
    %dma_start3A_210 = tpu.memref_squeeze %dma_start3A_209 : memref<1x!tpu.dma_semaphore, #tpu.memory_space<semaphore_mem>> -> memref<!tpu.dma_semaphore, #tpu.memory_space<semaphore_mem>>
    tpu.enqueue_indirect_dma source(%dma_start3A_208 : memref<1000000x32xf32, #tpu.memory_space<hbm>>) target(%dma_start3A_202 : memref<200x32xf32, #tpu.memory_space<vmem>>) offsets(%dma_start3A_205 : memref<200xi32, #tpu.memory_space<vmem>>) semaphore(%dma_start3A_210 : memref<!tpu.dma_semaphore, #tpu.memory_space<semaphore_mem>>)
    %dma_start3A_211 = arith.constant 1 : i32
    %dma_start3A_212 = arith.constant 2 : i32
    %dma_start3A_213 = arith.constant 1 : i32
    %dma_start3A_214 = arith.constant 2 : i32
    %dma_start3A_215 = arith.constant 1 : i32
    %dma_start3A_216 = arith.constant 0 : i32
    %dma_start3A_217 = arith.constant 0 : i32
    %dma_start3A_218 = tpu.memref_slice %arg6[%dma_start3A_213, %dma_start3A_214, %dma_start3A_216, %dma_start3A_217] : memref<4x4x200x32xf32, #tpu.memory_space<vmem>> -> memref<1x1x200x32xf32, #tpu.memory_space<vmem>>
    %dma_start3A_219 = tpu.memref_squeeze %dma_start3A_218 : memref<1x1x200x32xf32, #tpu.memory_space<vmem>> -> memref<200x32xf32, #tpu.memory_space<vmem>>
    %dma_start3A_220 = arith.constant 0 : i32
    %dma_start3A_221 = tpu.memref_slice %arg5[%dma_start3A_211, %dma_start3A_212, %dma_start3A_220] : memref<4x4x200xi32, #tpu.memory_space<vmem>> -> memref<1x1x200xi32, #tpu.memory_space<vmem>>
    %dma_start3A_222 = tpu.memref_squeeze %dma_start3A_221 : memref<1x1x200xi32, #tpu.memory_space<vmem>> -> memref<200xi32, #tpu.memory_space<vmem>>
    %dma_start3A_223 = arith.constant 0 : i32
    %dma_start3A_224 = arith.constant 0 : i32
    %dma_start3A_225 = tpu.memref_slice %arg3[%dma_start3A_223, %dma_start3A_224] : memref<1000000x32xf32, #tpu.memory_space<hbm>> -> memref<1000000x32xf32, #tpu.memory_space<hbm>>
    %dma_start3A_226 = tpu.memref_slice %arg8[%dma_start3A_215] : memref<4x!tpu.dma_semaphore, #tpu.memory_space<semaphore_mem>> -> memref<1x!tpu.dma_semaphore, #tpu.memory_space<semaphore_mem>>
    %dma_start3A_227 = tpu.memref_squeeze %dma_start3A_226 : memref<1x!tpu.dma_semaphore, #tpu.memory_space<semaphore_mem>> -> memref<!tpu.dma_semaphore, #tpu.memory_space<semaphore_mem>>
    tpu.enqueue_indirect_dma source(%dma_start3A_225 : memref<1000000x32xf32, #tpu.memory_space<hbm>>) target(%dma_start3A_219 : memref<200x32xf32, #tpu.memory_space<vmem>>) offsets(%dma_start3A_222 : memref<200xi32, #tpu.memory_space<vmem>>) semaphore(%dma_start3A_227 : memref<!tpu.dma_semaphore, #tpu.memory_space<semaphore_mem>>)
    %dma_start3A_228 = arith.constant 1 : i32
    %dma_start3A_229 = arith.constant 3 : i32
    %dma_start3A_230 = arith.constant 1 : i32
    %dma_start3A_231 = arith.constant 3 : i32
    %dma_start3A_232 = arith.constant 1 : i32
    %dma_start3A_233 = arith.constant 0 : i32
    %dma_start3A_234 = arith.constant 0 : i32
    %dma_start3A_235 = tpu.memref_slice %arg6[%dma_start3A_230, %dma_start3A_231, %dma_start3A_233, %dma_start3A_234] : memref<4x4x200x32xf32, #tpu.memory_space<vmem>> -> memref<1x1x200x32xf32, #tpu.memory_space<vmem>>
    %dma_start3A_236 = tpu.memref_squeeze %dma_start3A_235 : memref<1x1x200x32xf32, #tpu.memory_space<vmem>> -> memref<200x32xf32, #tpu.memory_space<vmem>>
    %dma_start3A_237 = arith.constant 0 : i32
    %dma_start3A_238 = tpu.memref_slice %arg5[%dma_start3A_228, %dma_start3A_229, %dma_start3A_237] : memref<4x4x200xi32, #tpu.memory_space<vmem>> -> memref<1x1x200xi32, #tpu.memory_space<vmem>>
    %dma_start3A_239 = tpu.memref_squeeze %dma_start3A_238 : memref<1x1x200xi32, #tpu.memory_space<vmem>> -> memref<200xi32, #tpu.memory_space<vmem>>
    %dma_start3A_240 = arith.constant 0 : i32
    %dma_start3A_241 = arith.constant 0 : i32
    %dma_start3A_242 = tpu.memref_slice %arg3[%dma_start3A_240, %dma_start3A_241] : memref<1000000x32xf32, #tpu.memory_space<hbm>> -> memref<1000000x32xf32, #tpu.memory_space<hbm>>
    %dma_start3A_243 = tpu.memref_slice %arg8[%dma_start3A_232] : memref<4x!tpu.dma_semaphore, #tpu.memory_space<semaphore_mem>> -> memref<1x!tpu.dma_semaphore, #tpu.memory_space<semaphore_mem>>
    %dma_start3A_244 = tpu.memref_squeeze %dma_start3A_243 : memref<1x!tpu.dma_semaphore, #tpu.memory_space<semaphore_mem>> -> memref<!tpu.dma_semaphore, #tpu.memory_space<semaphore_mem>>
    tpu.enqueue_indirect_dma source(%dma_start3A_242 : memref<1000000x32xf32, #tpu.memory_space<hbm>>) target(%dma_start3A_236 : memref<200x32xf32, #tpu.memory_space<vmem>>) offsets(%dma_start3A_239 : memref<200xi32, #tpu.memory_space<vmem>>) semaphore(%dma_start3A_244 : memref<!tpu.dma_semaphore, #tpu.memory_space<semaphore_mem>>)
    %dma_wait3A_245 = arith.constant 2 : i32
    %dma_wait3A_246 = arith.constant 2 : i32
    %dma_wait3A_247 = arith.constant 0 : i32
    %dma_wait3A_248 = arith.constant 0 : i32
    %dma_wait3A_249 = tpu.memref_slice %arg5[%dma_wait3A_245, %dma_wait3A_247, %dma_wait3A_248] : memref<4x4x200xi32, #tpu.memory_space<vmem>> -> memref<1x4x200xi32, #tpu.memory_space<vmem>>
    %dma_wait3A_250 = tpu.memref_squeeze %dma_wait3A_249 : memref<1x4x200xi32, #tpu.memory_space<vmem>> -> memref<4x200xi32, #tpu.memory_space<vmem>>
    %dma_wait3A_251 = arith.constant 0 : i32
    %dma_wait3A_252 = arith.constant 0 : i32
    %dma_wait3A_253 = tpu.memref_slice %arg2[%dma_wait3A_251, %dma_wait3A_252] : memref<16384x200xi32, #tpu.memory_space<hbm>> -> memref<4x200xi32, #tpu.memory_space<hbm>>
    %dma_wait3A_254 = tpu.memref_slice %arg7[%dma_wait3A_246] : memref<4x!tpu.dma_semaphore, #tpu.memory_space<semaphore_mem>> -> memref<1x!tpu.dma_semaphore, #tpu.memory_space<semaphore_mem>>
    %dma_wait3A_255 = tpu.memref_squeeze %dma_wait3A_254 : memref<1x!tpu.dma_semaphore, #tpu.memory_space<semaphore_mem>> -> memref<!tpu.dma_semaphore, #tpu.memory_space<semaphore_mem>>
    %dma_wait3A_256 = arith.constant 0 : i32
    %dma_wait3A_257 = arith.constant 0 : i32
    %dma_wait3A_258 = tpu.memref_slice %arg5[%dma_wait3A_245, %dma_wait3A_256, %dma_wait3A_257] : memref<4x4x200xi32, #tpu.memory_space<vmem>> -> memref<1x4x200xi32, #tpu.memory_space<vmem>>
    %dma_wait3A_259 = tpu.memref_squeeze %dma_wait3A_258 : memref<1x4x200xi32, #tpu.memory_space<vmem>> -> memref<4x200xi32, #tpu.memory_space<vmem>>
    %dma_wait3A_260 = arith.constant 0 : i32
    %dma_wait3A_261 = arith.constant 0 : i32
    %dma_wait3A_262 = tpu.memref_slice %arg2[%dma_wait3A_260, %dma_wait3A_261] : memref<16384x200xi32, #tpu.memory_space<hbm>> -> memref<4x200xi32, #tpu.memory_space<hbm>>
    tpu.wait_dma2 semaphore(%dma_wait3A_255 : memref<!tpu.dma_semaphore, #tpu.memory_space<semaphore_mem>>) src(%dma_wait3A_262 : memref<4x200xi32, #tpu.memory_space<hbm>>) dst(%dma_wait3A_259 : memref<4x200xi32, #tpu.memory_space<vmem>>)
    %dma_start3A_263 = arith.constant 2 : i32
    %dma_start3A_264 = arith.constant 0 : i32
    %dma_start3A_265 = arith.constant 2 : i32
    %dma_start3A_266 = arith.constant 0 : i32
    %dma_start3A_267 = arith.constant 2 : i32
    %dma_start3A_268 = arith.constant 0 : i32
    %dma_start3A_269 = arith.constant 0 : i32
    %dma_start3A_270 = tpu.memref_slice %arg6[%dma_start3A_265, %dma_start3A_266, %dma_start3A_268, %dma_start3A_269] : memref<4x4x200x32xf32, #tpu.memory_space<vmem>> -> memref<1x1x200x32xf32, #tpu.memory_space<vmem>>
    %dma_start3A_271 = tpu.memref_squeeze %dma_start3A_270 : memref<1x1x200x32xf32, #tpu.memory_space<vmem>> -> memref<200x32xf32, #tpu.memory_space<vmem>>
    %dma_start3A_272 = arith.constant 0 : i32
    %dma_start3A_273 = tpu.memref_slice %arg5[%dma_start3A_263, %dma_start3A_264, %dma_start3A_272] : memref<4x4x200xi32, #tpu.memory_space<vmem>> -> memref<1x1x200xi32, #tpu.memory_space<vmem>>
    %dma_start3A_274 = tpu.memref_squeeze %dma_start3A_273 : memref<1x1x200xi32, #tpu.memory_space<vmem>> -> memref<200xi32, #tpu.memory_space<vmem>>
    %dma_start3A_275 = arith.constant 0 : i32
    %dma_start3A_276 = arith.constant 0 : i32
    %dma_start3A_277 = tpu.memref_slice %arg3[%dma_start3A_275, %dma_start3A_276] : memref<1000000x32xf32, #tpu.memory_space<hbm>> -> memref<1000000x32xf32, #tpu.memory_space<hbm>>
    %dma_start3A_278 = tpu.memref_slice %arg8[%dma_start3A_267] : memref<4x!tpu.dma_semaphore, #tpu.memory_space<semaphore_mem>> -> memref<1x!tpu.dma_semaphore, #tpu.memory_space<semaphore_mem>>
    %dma_start3A_279 = tpu.memref_squeeze %dma_start3A_278 : memref<1x!tpu.dma_semaphore, #tpu.memory_space<semaphore_mem>> -> memref<!tpu.dma_semaphore, #tpu.memory_space<semaphore_mem>>
    tpu.enqueue_indirect_dma source(%dma_start3A_277 : memref<1000000x32xf32, #tpu.memory_space<hbm>>) target(%dma_start3A_271 : memref<200x32xf32, #tpu.memory_space<vmem>>) offsets(%dma_start3A_274 : memref<200xi32, #tpu.memory_space<vmem>>) semaphore(%dma_start3A_279 : memref<!tpu.dma_semaphore, #tpu.memory_space<semaphore_mem>>)
    %dma_start3A_280 = arith.constant 2 : i32
    %dma_start3A_281 = arith.constant 1 : i32
    %dma_start3A_282 = arith.constant 2 : i32
    %dma_start3A_283 = arith.constant 1 : i32
    %dma_start3A_284 = arith.constant 2 : i32
    %dma_start3A_285 = arith.constant 0 : i32
    %dma_start3A_286 = arith.constant 0 : i32
    %dma_start3A_287 = tpu.memref_slice %arg6[%dma_start3A_282, %dma_start3A_283, %dma_start3A_285, %dma_start3A_286] : memref<4x4x200x32xf32, #tpu.memory_space<vmem>> -> memref<1x1x200x32xf32, #tpu.memory_space<vmem>>
    %dma_start3A_288 = tpu.memref_squeeze %dma_start3A_287 : memref<1x1x200x32xf32, #tpu.memory_space<vmem>> -> memref<200x32xf32, #tpu.memory_space<vmem>>
    %dma_start3A_289 = arith.constant 0 : i32
    %dma_start3A_290 = tpu.memref_slice %arg5[%dma_start3A_280, %dma_start3A_281, %dma_start3A_289] : memref<4x4x200xi32, #tpu.memory_space<vmem>> -> memref<1x1x200xi32, #tpu.memory_space<vmem>>
    %dma_start3A_291 = tpu.memref_squeeze %dma_start3A_290 : memref<1x1x200xi32, #tpu.memory_space<vmem>> -> memref<200xi32, #tpu.memory_space<vmem>>
    %dma_start3A_292 = arith.constant 0 : i32
    %dma_start3A_293 = arith.constant 0 : i32
    %dma_start3A_294 = tpu.memref_slice %arg3[%dma_start3A_292, %dma_start3A_293] : memref<1000000x32xf32, #tpu.memory_space<hbm>> -> memref<1000000x32xf32, #tpu.memory_space<hbm>>
    %dma_start3A_295 = tpu.memref_slice %arg8[%dma_start3A_284] : memref<4x!tpu.dma_semaphore, #tpu.memory_space<semaphore_mem>> -> memref<1x!tpu.dma_semaphore, #tpu.memory_space<semaphore_mem>>
    %dma_start3A_296 = tpu.memref_squeeze %dma_start3A_295 : memref<1x!tpu.dma_semaphore, #tpu.memory_space<semaphore_mem>> -> memref<!tpu.dma_semaphore, #tpu.memory_space<semaphore_mem>>
    tpu.enqueue_indirect_dma source(%dma_start3A_294 : memref<1000000x32xf32, #tpu.memory_space<hbm>>) target(%dma_start3A_288 : memref<200x32xf32, #tpu.memory_space<vmem>>) offsets(%dma_start3A_291 : memref<200xi32, #tpu.memory_space<vmem>>) semaphore(%dma_start3A_296 : memref<!tpu.dma_semaphore, #tpu.memory_space<semaphore_mem>>)
    %dma_start3A_297 = arith.constant 2 : i32
    %dma_start3A_298 = arith.constant 2 : i32
    %dma_start3A_299 = arith.constant 2 : i32
    %dma_start3A_300 = arith.constant 2 : i32
    %dma_start3A_301 = arith.constant 2 : i32
    %dma_start3A_302 = arith.constant 0 : i32
    %dma_start3A_303 = arith.constant 0 : i32
    %dma_start3A_304 = tpu.memref_slice %arg6[%dma_start3A_299, %dma_start3A_300, %dma_start3A_302, %dma_start3A_303] : memref<4x4x200x32xf32, #tpu.memory_space<vmem>> -> memref<1x1x200x32xf32, #tpu.memory_space<vmem>>
    %dma_start3A_305 = tpu.memref_squeeze %dma_start3A_304 : memref<1x1x200x32xf32, #tpu.memory_space<vmem>> -> memref<200x32xf32, #tpu.memory_space<vmem>>
    %dma_start3A_306 = arith.constant 0 : i32
    %dma_start3A_307 = tpu.memref_slice %arg5[%dma_start3A_297, %dma_start3A_298, %dma_start3A_306] : memref<4x4x200xi32, #tpu.memory_space<vmem>> -> memref<1x1x200xi32, #tpu.memory_space<vmem>>
    %dma_start3A_308 = tpu.memref_squeeze %dma_start3A_307 : memref<1x1x200xi32, #tpu.memory_space<vmem>> -> memref<200xi32, #tpu.memory_space<vmem>>
    %dma_start3A_309 = arith.constant 0 : i32
    %dma_start3A_310 = arith.constant 0 : i32
    %dma_start3A_311 = tpu.memref_slice %arg3[%dma_start3A_309, %dma_start3A_310] : memref<1000000x32xf32, #tpu.memory_space<hbm>> -> memref<1000000x32xf32, #tpu.memory_space<hbm>>
    %dma_start3A_312 = tpu.memref_slice %arg8[%dma_start3A_301] : memref<4x!tpu.dma_semaphore, #tpu.memory_space<semaphore_mem>> -> memref<1x!tpu.dma_semaphore, #tpu.memory_space<semaphore_mem>>
    %dma_start3A_313 = tpu.memref_squeeze %dma_start3A_312 : memref<1x!tpu.dma_semaphore, #tpu.memory_space<semaphore_mem>> -> memref<!tpu.dma_semaphore, #tpu.memory_space<semaphore_mem>>
    tpu.enqueue_indirect_dma source(%dma_start3A_311 : memref<1000000x32xf32, #tpu.memory_space<hbm>>) target(%dma_start3A_305 : memref<200x32xf32, #tpu.memory_space<vmem>>) offsets(%dma_start3A_308 : memref<200xi32, #tpu.memory_space<vmem>>) semaphore(%dma_start3A_313 : memref<!tpu.dma_semaphore, #tpu.memory_space<semaphore_mem>>)
    %dma_start3A_314 = arith.constant 2 : i32
    %dma_start3A_315 = arith.constant 3 : i32
    %dma_start3A_316 = arith.constant 2 : i32
    %dma_start3A_317 = arith.constant 3 : i32
    %dma_start3A_318 = arith.constant 2 : i32
    %dma_start3A_319 = arith.constant 0 : i32
    %dma_start3A_320 = arith.constant 0 : i32
    %dma_start3A_321 = tpu.memref_slice %arg6[%dma_start3A_316, %dma_start3A_317, %dma_start3A_319, %dma_start3A_320] : memref<4x4x200x32xf32, #tpu.memory_space<vmem>> -> memref<1x1x200x32xf32, #tpu.memory_space<vmem>>
    %dma_start3A_322 = tpu.memref_squeeze %dma_start3A_321 : memref<1x1x200x32xf32, #tpu.memory_space<vmem>> -> memref<200x32xf32, #tpu.memory_space<vmem>>
    %dma_start3A_323 = arith.constant 0 : i32
    %dma_start3A_324 = tpu.memref_slice %arg5[%dma_start3A_314, %dma_start3A_315, %dma_start3A_323] : memref<4x4x200xi32, #tpu.memory_space<vmem>> -> memref<1x1x200xi32, #tpu.memory_space<vmem>>
    %dma_start3A_325 = tpu.memref_squeeze %dma_start3A_324 : memref<1x1x200xi32, #tpu.memory_space<vmem>> -> memref<200xi32, #tpu.memory_space<vmem>>
    %dma_start3A_326 = arith.constant 0 : i32
    %dma_start3A_327 = arith.constant 0 : i32
    %dma_start3A_328 = tpu.memref_slice %arg3[%dma_start3A_326, %dma_start3A_327] : memref<1000000x32xf32, #tpu.memory_space<hbm>> -> memref<1000000x32xf32, #tpu.memory_space<hbm>>
    %dma_start3A_329 = tpu.memref_slice %arg8[%dma_start3A_318] : memref<4x!tpu.dma_semaphore, #tpu.memory_space<semaphore_mem>> -> memref<1x!tpu.dma_semaphore, #tpu.memory_space<semaphore_mem>>
    %dma_start3A_330 = tpu.memref_squeeze %dma_start3A_329 : memref<1x!tpu.dma_semaphore, #tpu.memory_space<semaphore_mem>> -> memref<!tpu.dma_semaphore, #tpu.memory_space<semaphore_mem>>
    tpu.enqueue_indirect_dma source(%dma_start3A_328 : memref<1000000x32xf32, #tpu.memory_space<hbm>>) target(%dma_start3A_322 : memref<200x32xf32, #tpu.memory_space<vmem>>) offsets(%dma_start3A_325 : memref<200xi32, #tpu.memory_space<vmem>>) semaphore(%dma_start3A_330 : memref<!tpu.dma_semaphore, #tpu.memory_space<semaphore_mem>>)
    %scan3A = arith.constant 0 : i32
    %scan3A_331 = arith.constant 0 : i32
    %scan3A_332 = arith.constant 32 : i32
    %scan3A_333 = arith.addi %scan3A_331, %scan3A_332 : i32
    %scan3A_334 = arith.constant 1 : i32
    scf.for %scan3A_424 = %scan3A_331 to %scan3A_333 step %scan3A_334  : i32 {
      %mul3A_425 = arith.constant 4 : i32
      %mul3A_426 = arith.muli %mul3A_425, %scan3A_424 : i32
      %add3A_427 = arith.constant 0 : i32
      %add3A_428 = arith.addi %mul3A_426, %add3A_427 : i32
      %dma_wait3A_429 = arith.constant 0 : i32
      %dma_wait3A_430 = arith.constant 0 : i32
      %dma_wait3A_431 = arith.constant 0 : i32
      %dma_wait3A_432 = arith.constant 0 : i32
      %dma_wait3A_433 = arith.constant 0 : i32
      %dma_wait3A_434 = arith.constant 0 : i32
      %dma_wait3A_435 = arith.constant 0 : i32
      %dma_wait3A_436 = tpu.memref_slice %arg6[%dma_wait3A_431, %dma_wait3A_432, %dma_wait3A_434, %dma_wait3A_435] : memref<4x4x200x32xf32, #tpu.memory_space<vmem>> -> memref<1x1x200x32xf32, #tpu.memory_space<vmem>>
      %dma_wait3A_437 = tpu.memref_squeeze %dma_wait3A_436 : memref<1x1x200x32xf32, #tpu.memory_space<vmem>> -> memref<200x32xf32, #tpu.memory_space<vmem>>
      %dma_wait3A_438 = arith.constant 0 : i32
      %dma_wait3A_439 = tpu.memref_slice %arg5[%dma_wait3A_429, %dma_wait3A_430, %dma_wait3A_438] : memref<4x4x200xi32, #tpu.memory_space<vmem>> -> memref<1x1x200xi32, #tpu.memory_space<vmem>>
      %dma_wait3A_440 = tpu.memref_squeeze %dma_wait3A_439 : memref<1x1x200xi32, #tpu.memory_space<vmem>> -> memref<200xi32, #tpu.memory_space<vmem>>
      %dma_wait3A_441 = arith.constant 0 : i32
      %dma_wait3A_442 = arith.constant 0 : i32
      %dma_wait3A_443 = tpu.memref_slice %arg3[%dma_wait3A_441, %dma_wait3A_442] : memref<1000000x32xf32, #tpu.memory_space<hbm>> -> memref<1000000x32xf32, #tpu.memory_space<hbm>>
      %dma_wait3A_444 = tpu.memref_slice %arg8[%dma_wait3A_433] : memref<4x!tpu.dma_semaphore, #tpu.memory_space<semaphore_mem>> -> memref<1x!tpu.dma_semaphore, #tpu.memory_space<semaphore_mem>>
      %dma_wait3A_445 = tpu.memref_squeeze %dma_wait3A_444 : memref<1x!tpu.dma_semaphore, #tpu.memory_space<semaphore_mem>> -> memref<!tpu.dma_semaphore, #tpu.memory_space<semaphore_mem>>
      tpu.wait_indirect_dma semaphore(%dma_wait3A_445 : memref<!tpu.dma_semaphore, #tpu.memory_space<semaphore_mem>>) src(%dma_wait3A_443 : memref<1000000x32xf32, #tpu.memory_space<hbm>>) dst(%dma_wait3A_437 : memref<200x32xf32, #tpu.memory_space<vmem>>)
      %dma_wait3A_446 = arith.constant 0 : i32
      %dma_wait3A_447 = arith.constant 1 : i32
      %dma_wait3A_448 = arith.constant 0 : i32
      %dma_wait3A_449 = arith.constant 1 : i32
      %dma_wait3A_450 = arith.constant 0 : i32
      %dma_wait3A_451 = arith.constant 0 : i32
      %dma_wait3A_452 = arith.constant 0 : i32
      %dma_wait3A_453 = tpu.memref_slice %arg6[%dma_wait3A_448, %dma_wait3A_449, %dma_wait3A_451, %dma_wait3A_452] : memref<4x4x200x32xf32, #tpu.memory_space<vmem>> -> memref<1x1x200x32xf32, #tpu.memory_space<vmem>>
      %dma_wait3A_454 = tpu.memref_squeeze %dma_wait3A_453 : memref<1x1x200x32xf32, #tpu.memory_space<vmem>> -> memref<200x32xf32, #tpu.memory_space<vmem>>
      %dma_wait3A_455 = arith.constant 0 : i32
      %dma_wait3A_456 = tpu.memref_slice %arg5[%dma_wait3A_446, %dma_wait3A_447, %dma_wait3A_455] : memref<4x4x200xi32, #tpu.memory_space<vmem>> -> memref<1x1x200xi32, #tpu.memory_space<vmem>>
      %dma_wait3A_457 = tpu.memref_squeeze %dma_wait3A_456 : memref<1x1x200xi32, #tpu.memory_space<vmem>> -> memref<200xi32, #tpu.memory_space<vmem>>
      %dma_wait3A_458 = arith.constant 0 : i32
      %dma_wait3A_459 = arith.constant 0 : i32
      %dma_wait3A_460 = tpu.memref_slice %arg3[%dma_wait3A_458, %dma_wait3A_459] : memref<1000000x32xf32, #tpu.memory_space<hbm>> -> memref<1000000x32xf32, #tpu.memory_space<hbm>>
      %dma_wait3A_461 = tpu.memref_slice %arg8[%dma_wait3A_450] : memref<4x!tpu.dma_semaphore, #tpu.memory_space<semaphore_mem>> -> memref<1x!tpu.dma_semaphore, #tpu.memory_space<semaphore_mem>>
      %dma_wait3A_462 = tpu.memref_squeeze %dma_wait3A_461 : memref<1x!tpu.dma_semaphore, #tpu.memory_space<semaphore_mem>> -> memref<!tpu.dma_semaphore, #tpu.memory_space<semaphore_mem>>
      tpu.wait_indirect_dma semaphore(%dma_wait3A_462 : memref<!tpu.dma_semaphore, #tpu.memory_space<semaphore_mem>>) src(%dma_wait3A_460 : memref<1000000x32xf32, #tpu.memory_space<hbm>>) dst(%dma_wait3A_454 : memref<200x32xf32, #tpu.memory_space<vmem>>)
      %dma_wait3A_463 = arith.constant 0 : i32
      %dma_wait3A_464 = arith.constant 2 : i32
      %dma_wait3A_465 = arith.constant 0 : i32
      %dma_wait3A_466 = arith.constant 2 : i32
      %dma_wait3A_467 = arith.constant 0 : i32
      %dma_wait3A_468 = arith.constant 0 : i32
      %dma_wait3A_469 = arith.constant 0 : i32
      %dma_wait3A_470 = tpu.memref_slice %arg6[%dma_wait3A_465, %dma_wait3A_466, %dma_wait3A_468, %dma_wait3A_469] : memref<4x4x200x32xf32, #tpu.memory_space<vmem>> -> memref<1x1x200x32xf32, #tpu.memory_space<vmem>>
      %dma_wait3A_471 = tpu.memref_squeeze %dma_wait3A_470 : memref<1x1x200x32xf32, #tpu.memory_space<vmem>> -> memref<200x32xf32, #tpu.memory_space<vmem>>
      %dma_wait3A_472 = arith.constant 0 : i32
      %dma_wait3A_473 = tpu.memref_slice %arg5[%dma_wait3A_463, %dma_wait3A_464, %dma_wait3A_472] : memref<4x4x200xi32, #tpu.memory_space<vmem>> -> memref<1x1x200xi32, #tpu.memory_space<vmem>>
      %dma_wait3A_474 = tpu.memref_squeeze %dma_wait3A_473 : memref<1x1x200xi32, #tpu.memory_space<vmem>> -> memref<200xi32, #tpu.memory_space<vmem>>
      %dma_wait3A_475 = arith.constant 0 : i32
      %dma_wait3A_476 = arith.constant 0 : i32
      %dma_wait3A_477 = tpu.memref_slice %arg3[%dma_wait3A_475, %dma_wait3A_476] : memref<1000000x32xf32, #tpu.memory_space<hbm>> -> memref<1000000x32xf32, #tpu.memory_space<hbm>>
      %dma_wait3A_478 = tpu.memref_slice %arg8[%dma_wait3A_467] : memref<4x!tpu.dma_semaphore, #tpu.memory_space<semaphore_mem>> -> memref<1x!tpu.dma_semaphore, #tpu.memory_space<semaphore_mem>>
      %dma_wait3A_479 = tpu.memref_squeeze %dma_wait3A_478 : memref<1x!tpu.dma_semaphore, #tpu.memory_space<semaphore_mem>> -> memref<!tpu.dma_semaphore, #tpu.memory_space<semaphore_mem>>
      tpu.wait_indirect_dma semaphore(%dma_wait3A_479 : memref<!tpu.dma_semaphore, #tpu.memory_space<semaphore_mem>>) src(%dma_wait3A_477 : memref<1000000x32xf32, #tpu.memory_space<hbm>>) dst(%dma_wait3A_471 : memref<200x32xf32, #tpu.memory_space<vmem>>)
      %dma_wait3A_480 = arith.constant 0 : i32
      %dma_wait3A_481 = arith.constant 3 : i32
      %dma_wait3A_482 = arith.constant 0 : i32
      %dma_wait3A_483 = arith.constant 3 : i32
      %dma_wait3A_484 = arith.constant 0 : i32
      %dma_wait3A_485 = arith.constant 0 : i32
      %dma_wait3A_486 = arith.constant 0 : i32
      %dma_wait3A_487 = tpu.memref_slice %arg6[%dma_wait3A_482, %dma_wait3A_483, %dma_wait3A_485, %dma_wait3A_486] : memref<4x4x200x32xf32, #tpu.memory_space<vmem>> -> memref<1x1x200x32xf32, #tpu.memory_space<vmem>>
      %dma_wait3A_488 = tpu.memref_squeeze %dma_wait3A_487 : memref<1x1x200x32xf32, #tpu.memory_space<vmem>> -> memref<200x32xf32, #tpu.memory_space<vmem>>
      %dma_wait3A_489 = arith.constant 0 : i32
      %dma_wait3A_490 = tpu.memref_slice %arg5[%dma_wait3A_480, %dma_wait3A_481, %dma_wait3A_489] : memref<4x4x200xi32, #tpu.memory_space<vmem>> -> memref<1x1x200xi32, #tpu.memory_space<vmem>>
      %dma_wait3A_491 = tpu.memref_squeeze %dma_wait3A_490 : memref<1x1x200xi32, #tpu.memory_space<vmem>> -> memref<200xi32, #tpu.memory_space<vmem>>
      %dma_wait3A_492 = arith.constant 0 : i32
      %dma_wait3A_493 = arith.constant 0 : i32
      %dma_wait3A_494 = tpu.memref_slice %arg3[%dma_wait3A_492, %dma_wait3A_493] : memref<1000000x32xf32, #tpu.memory_space<hbm>> -> memref<1000000x32xf32, #tpu.memory_space<hbm>>
      %dma_wait3A_495 = tpu.memref_slice %arg8[%dma_wait3A_484] : memref<4x!tpu.dma_semaphore, #tpu.memory_space<semaphore_mem>> -> memref<1x!tpu.dma_semaphore, #tpu.memory_space<semaphore_mem>>
      %dma_wait3A_496 = tpu.memref_squeeze %dma_wait3A_495 : memref<1x!tpu.dma_semaphore, #tpu.memory_space<semaphore_mem>> -> memref<!tpu.dma_semaphore, #tpu.memory_space<semaphore_mem>>
      tpu.wait_indirect_dma semaphore(%dma_wait3A_496 : memref<!tpu.dma_semaphore, #tpu.memory_space<semaphore_mem>>) src(%dma_wait3A_494 : memref<1000000x32xf32, #tpu.memory_space<hbm>>) dst(%dma_wait3A_488 : memref<200x32xf32, #tpu.memory_space<vmem>>)
      %add3A_497 = arith.constant 4 : i32
      %add3A_498 = arith.addi %add3A_428, %add3A_497 : i32
      %lt3A = arith.constant 128 : i32
      %lt3A_499 = arith.cmpi slt, %add3A_498, %lt3A : i32
      %convert_element_type3A = arith.extui %lt3A_499 : i1 to i32
      %cond3A = arith.constant 0 : i32
      %cond3A_500 = arith.cmpi ne, %convert_element_type3A, %cond3A : i32
      scf.if %cond3A_500 {
        %add3A_905 = arith.constant 4 : i32
        %add3A_906 = arith.addi %add3A_428, %add3A_905 : i32
        %mul3A_907 = arith.constant 4 : i32
        %mul3A_908 = arith.muli %add3A_906, %mul3A_907 : i32
        %add3A_909 = arith.addi %mul3A_2, %mul3A_908 : i32
        %dma_start3A_910 = arith.constant 0 : i32
        %dma_start3A_911 = arith.constant 0 : i32
        %dma_start3A_912 = arith.constant 0 : i32
        %dma_start3A_913 = arith.constant 0 : i32
        %dma_start3A_914 = tpu.memref_slice %arg5[%dma_start3A_910, %dma_start3A_912, %dma_start3A_913] : memref<4x4x200xi32, #tpu.memory_space<vmem>> -> memref<1x4x200xi32, #tpu.memory_space<vmem>>
        %dma_start3A_915 = tpu.memref_squeeze %dma_start3A_914 : memref<1x4x200xi32, #tpu.memory_space<vmem>> -> memref<4x200xi32, #tpu.memory_space<vmem>>
        %dma_start3A_916 = arith.constant 0 : i32
        %dma_start3A_917 = tpu.memref_slice %arg2[%add3A_909, %dma_start3A_916] : memref<16384x200xi32, #tpu.memory_space<hbm>> -> memref<4x200xi32, #tpu.memory_space<hbm>>
        %dma_start3A_918 = tpu.memref_slice %arg7[%dma_start3A_911] : memref<4x!tpu.dma_semaphore, #tpu.memory_space<semaphore_mem>> -> memref<1x!tpu.dma_semaphore, #tpu.memory_space<semaphore_mem>>
        %dma_start3A_919 = tpu.memref_squeeze %dma_start3A_918 : memref<1x!tpu.dma_semaphore, #tpu.memory_space<semaphore_mem>> -> memref<!tpu.dma_semaphore, #tpu.memory_space<semaphore_mem>>
        %dma_start3A_920 = arith.constant 0 : i32
        %dma_start3A_921 = arith.constant 0 : i32
        %dma_start3A_922 = tpu.memref_slice %arg5[%dma_start3A_910, %dma_start3A_920, %dma_start3A_921] : memref<4x4x200xi32, #tpu.memory_space<vmem>> -> memref<1x4x200xi32, #tpu.memory_space<vmem>>
        %dma_start3A_923 = tpu.memref_squeeze %dma_start3A_922 : memref<1x4x200xi32, #tpu.memory_space<vmem>> -> memref<4x200xi32, #tpu.memory_space<vmem>>
        %dma_start3A_924 = arith.constant 0 : i32
        %dma_start3A_925 = tpu.memref_slice %arg2[%add3A_909, %dma_start3A_924] : memref<16384x200xi32, #tpu.memory_space<hbm>> -> memref<4x200xi32, #tpu.memory_space<hbm>>
        tpu.enqueue_dma source(%dma_start3A_925 : memref<4x200xi32, #tpu.memory_space<hbm>>) target(%dma_start3A_923 : memref<4x200xi32, #tpu.memory_space<vmem>>) target_semaphore(%dma_start3A_919 : memref<!tpu.dma_semaphore, #tpu.memory_space<semaphore_mem>>)
      } else {
      }
      %add3A_501 = arith.constant 3 : i32
      %add3A_502 = arith.addi %add3A_428, %add3A_501 : i32
      %lt3A_503 = arith.constant 128 : i32
      %lt3A_504 = arith.cmpi slt, %add3A_502, %lt3A_503 : i32
      %convert_element_type3A_505 = arith.extui %lt3A_504 : i1 to i32
      %cond3A_506 = arith.constant 0 : i32
      %cond3A_507 = arith.cmpi ne, %convert_element_type3A_505, %cond3A_506 : i32
      scf.if %cond3A_507 {
        %ge3A = arith.constant 1 : i32
        %ge3A_905 = arith.cmpi sge, %add3A_428, %ge3A : i32
        %convert_element_type3A_906 = arith.extui %ge3A_905 : i1 to i32
        %cond3A_907 = arith.constant 0 : i32
        %cond3A_908 = arith.cmpi ne, %convert_element_type3A_906, %cond3A_907 : i32
        scf.if %cond3A_908 {
          %dma_wait3A_995 = arith.constant 3 : i32
          %dma_wait3A_996 = arith.constant 3 : i32
          %dma_wait3A_997 = arith.constant 0 : i32
          %dma_wait3A_998 = arith.constant 0 : i32
          %dma_wait3A_999 = arith.constant 0 : i32
          %dma_wait3A_1000 = tpu.memref_slice %arg6[%dma_wait3A_995, %dma_wait3A_997, %dma_wait3A_998, %dma_wait3A_999] : memref<4x4x200x32xf32, #tpu.memory_space<vmem>> -> memref<1x4x200x32xf32, #tpu.memory_space<vmem>>
          %dma_wait3A_1001 = tpu.memref_squeeze %dma_wait3A_1000 : memref<1x4x200x32xf32, #tpu.memory_space<vmem>> -> memref<4x200x32xf32, #tpu.memory_space<vmem>>
          %dma_wait3A_1002 = arith.constant 0 : i32
          %dma_wait3A_1003 = arith.constant 0 : i32
          %dma_wait3A_1004 = arith.constant 0 : i32
          %dma_wait3A_1005 = tpu.memref_slice %arg4[%dma_wait3A_1002, %dma_wait3A_1003, %dma_wait3A_1004] : memref<16384x200x128xf32, #tpu.memory_space<hbm>> -> memref<4x200x32xf32, #tpu.memory_space<hbm>>
          %dma_wait3A_1006 = tpu.memref_slice %arg9[%dma_wait3A_996] : memref<4x!tpu.dma_semaphore, #tpu.memory_space<semaphore_mem>> -> memref<1x!tpu.dma_semaphore, #tpu.memory_space<semaphore_mem>>
          %dma_wait3A_1007 = tpu.memref_squeeze %dma_wait3A_1006 : memref<1x!tpu.dma_semaphore, #tpu.memory_space<semaphore_mem>> -> memref<!tpu.dma_semaphore, #tpu.memory_space<semaphore_mem>>
          %dma_wait3A_1008 = arith.constant 0 : i32
          %dma_wait3A_1009 = arith.constant 0 : i32
          %dma_wait3A_1010 = arith.constant 0 : i32
          %dma_wait3A_1011 = tpu.memref_slice %arg4[%dma_wait3A_1008, %dma_wait3A_1009, %dma_wait3A_1010] : memref<16384x200x128xf32, #tpu.memory_space<hbm>> -> memref<4x200x32xf32, #tpu.memory_space<hbm>>
          %dma_wait3A_1012 = arith.constant 0 : i32
          %dma_wait3A_1013 = arith.constant 0 : i32
          %dma_wait3A_1014 = arith.constant 0 : i32
          %dma_wait3A_1015 = tpu.memref_slice %arg6[%dma_wait3A_995, %dma_wait3A_1012, %dma_wait3A_1013, %dma_wait3A_1014] : memref<4x4x200x32xf32, #tpu.memory_space<vmem>> -> memref<1x4x200x32xf32, #tpu.memory_space<vmem>>
          %dma_wait3A_1016 = tpu.memref_squeeze %dma_wait3A_1015 : memref<1x4x200x32xf32, #tpu.memory_space<vmem>> -> memref<4x200x32xf32, #tpu.memory_space<vmem>>
          tpu.wait_dma2 semaphore(%dma_wait3A_1007 : memref<!tpu.dma_semaphore, #tpu.memory_space<semaphore_mem>>) src(%dma_wait3A_1016 : memref<4x200x32xf32, #tpu.memory_space<vmem>>) dst(%dma_wait3A_1011 : memref<4x200x32xf32, #tpu.memory_space<hbm>>)
        } else {
        }
        %dma_wait3A_909 = arith.constant 3 : i32
        %dma_wait3A_910 = arith.constant 3 : i32
        %dma_wait3A_911 = arith.constant 0 : i32
        %dma_wait3A_912 = arith.constant 0 : i32
        %dma_wait3A_913 = tpu.memref_slice %arg5[%dma_wait3A_909, %dma_wait3A_911, %dma_wait3A_912] : memref<4x4x200xi32, #tpu.memory_space<vmem>> -> memref<1x4x200xi32, #tpu.memory_space<vmem>>
        %dma_wait3A_914 = tpu.memref_squeeze %dma_wait3A_913 : memref<1x4x200xi32, #tpu.memory_space<vmem>> -> memref<4x200xi32, #tpu.memory_space<vmem>>
        %dma_wait3A_915 = arith.constant 0 : i32
        %dma_wait3A_916 = arith.constant 0 : i32
        %dma_wait3A_917 = tpu.memref_slice %arg2[%dma_wait3A_915, %dma_wait3A_916] : memref<16384x200xi32, #tpu.memory_space<hbm>> -> memref<4x200xi32, #tpu.memory_space<hbm>>
        %dma_wait3A_918 = tpu.memref_slice %arg7[%dma_wait3A_910] : memref<4x!tpu.dma_semaphore, #tpu.memory_space<semaphore_mem>> -> memref<1x!tpu.dma_semaphore, #tpu.memory_space<semaphore_mem>>
        %dma_wait3A_919 = tpu.memref_squeeze %dma_wait3A_918 : memref<1x!tpu.dma_semaphore, #tpu.memory_space<semaphore_mem>> -> memref<!tpu.dma_semaphore, #tpu.memory_space<semaphore_mem>>
        %dma_wait3A_920 = arith.constant 0 : i32
        %dma_wait3A_921 = arith.constant 0 : i32
        %dma_wait3A_922 = tpu.memref_slice %arg5[%dma_wait3A_909, %dma_wait3A_920, %dma_wait3A_921] : memref<4x4x200xi32, #tpu.memory_space<vmem>> -> memref<1x4x200xi32, #tpu.memory_space<vmem>>
        %dma_wait3A_923 = tpu.memref_squeeze %dma_wait3A_922 : memref<1x4x200xi32, #tpu.memory_space<vmem>> -> memref<4x200xi32, #tpu.memory_space<vmem>>
        %dma_wait3A_924 = arith.constant 0 : i32
        %dma_wait3A_925 = arith.constant 0 : i32
        %dma_wait3A_926 = tpu.memref_slice %arg2[%dma_wait3A_924, %dma_wait3A_925] : memref<16384x200xi32, #tpu.memory_space<hbm>> -> memref<4x200xi32, #tpu.memory_space<hbm>>
        tpu.wait_dma2 semaphore(%dma_wait3A_919 : memref<!tpu.dma_semaphore, #tpu.memory_space<semaphore_mem>>) src(%dma_wait3A_926 : memref<4x200xi32, #tpu.memory_space<hbm>>) dst(%dma_wait3A_923 : memref<4x200xi32, #tpu.memory_space<vmem>>)
        %dma_start3A_927 = arith.constant 3 : i32
        %dma_start3A_928 = arith.constant 0 : i32
        %dma_start3A_929 = arith.constant 3 : i32
        %dma_start3A_930 = arith.constant 0 : i32
        %dma_start3A_931 = arith.constant 3 : i32
        %dma_start3A_932 = arith.constant 0 : i32
        %dma_start3A_933 = arith.constant 0 : i32
        %dma_start3A_934 = tpu.memref_slice %arg6[%dma_start3A_929, %dma_start3A_930, %dma_start3A_932, %dma_start3A_933] : memref<4x4x200x32xf32, #tpu.memory_space<vmem>> -> memref<1x1x200x32xf32, #tpu.memory_space<vmem>>
        %dma_start3A_935 = tpu.memref_squeeze %dma_start3A_934 : memref<1x1x200x32xf32, #tpu.memory_space<vmem>> -> memref<200x32xf32, #tpu.memory_space<vmem>>
        %dma_start3A_936 = arith.constant 0 : i32
        %dma_start3A_937 = tpu.memref_slice %arg5[%dma_start3A_927, %dma_start3A_928, %dma_start3A_936] : memref<4x4x200xi32, #tpu.memory_space<vmem>> -> memref<1x1x200xi32, #tpu.memory_space<vmem>>
        %dma_start3A_938 = tpu.memref_squeeze %dma_start3A_937 : memref<1x1x200xi32, #tpu.memory_space<vmem>> -> memref<200xi32, #tpu.memory_space<vmem>>
        %dma_start3A_939 = arith.constant 0 : i32
        %dma_start3A_940 = arith.constant 0 : i32
        %dma_start3A_941 = tpu.memref_slice %arg3[%dma_start3A_939, %dma_start3A_940] : memref<1000000x32xf32, #tpu.memory_space<hbm>> -> memref<1000000x32xf32, #tpu.memory_space<hbm>>
        %dma_start3A_942 = tpu.memref_slice %arg8[%dma_start3A_931] : memref<4x!tpu.dma_semaphore, #tpu.memory_space<semaphore_mem>> -> memref<1x!tpu.dma_semaphore, #tpu.memory_space<semaphore_mem>>
        %dma_start3A_943 = tpu.memref_squeeze %dma_start3A_942 : memref<1x!tpu.dma_semaphore, #tpu.memory_space<semaphore_mem>> -> memref<!tpu.dma_semaphore, #tpu.memory_space<semaphore_mem>>
        tpu.enqueue_indirect_dma source(%dma_start3A_941 : memref<1000000x32xf32, #tpu.memory_space<hbm>>) target(%dma_start3A_935 : memref<200x32xf32, #tpu.memory_space<vmem>>) offsets(%dma_start3A_938 : memref<200xi32, #tpu.memory_space<vmem>>) semaphore(%dma_start3A_943 : memref<!tpu.dma_semaphore, #tpu.memory_space<semaphore_mem>>)
        %dma_start3A_944 = arith.constant 3 : i32
        %dma_start3A_945 = arith.constant 1 : i32
        %dma_start3A_946 = arith.constant 3 : i32
        %dma_start3A_947 = arith.constant 1 : i32
        %dma_start3A_948 = arith.constant 3 : i32
        %dma_start3A_949 = arith.constant 0 : i32
        %dma_start3A_950 = arith.constant 0 : i32
        %dma_start3A_951 = tpu.memref_slice %arg6[%dma_start3A_946, %dma_start3A_947, %dma_start3A_949, %dma_start3A_950] : memref<4x4x200x32xf32, #tpu.memory_space<vmem>> -> memref<1x1x200x32xf32, #tpu.memory_space<vmem>>
        %dma_start3A_952 = tpu.memref_squeeze %dma_start3A_951 : memref<1x1x200x32xf32, #tpu.memory_space<vmem>> -> memref<200x32xf32, #tpu.memory_space<vmem>>
        %dma_start3A_953 = arith.constant 0 : i32
        %dma_start3A_954 = tpu.memref_slice %arg5[%dma_start3A_944, %dma_start3A_945, %dma_start3A_953] : memref<4x4x200xi32, #tpu.memory_space<vmem>> -> memref<1x1x200xi32, #tpu.memory_space<vmem>>
        %dma_start3A_955 = tpu.memref_squeeze %dma_start3A_954 : memref<1x1x200xi32, #tpu.memory_space<vmem>> -> memref<200xi32, #tpu.memory_space<vmem>>
        %dma_start3A_956 = arith.constant 0 : i32
        %dma_start3A_957 = arith.constant 0 : i32
        %dma_start3A_958 = tpu.memref_slice %arg3[%dma_start3A_956, %dma_start3A_957] : memref<1000000x32xf32, #tpu.memory_space<hbm>> -> memref<1000000x32xf32, #tpu.memory_space<hbm>>
        %dma_start3A_959 = tpu.memref_slice %arg8[%dma_start3A_948] : memref<4x!tpu.dma_semaphore, #tpu.memory_space<semaphore_mem>> -> memref<1x!tpu.dma_semaphore, #tpu.memory_space<semaphore_mem>>
        %dma_start3A_960 = tpu.memref_squeeze %dma_start3A_959 : memref<1x!tpu.dma_semaphore, #tpu.memory_space<semaphore_mem>> -> memref<!tpu.dma_semaphore, #tpu.memory_space<semaphore_mem>>
        tpu.enqueue_indirect_dma source(%dma_start3A_958 : memref<1000000x32xf32, #tpu.memory_space<hbm>>) target(%dma_start3A_952 : memref<200x32xf32, #tpu.memory_space<vmem>>) offsets(%dma_start3A_955 : memref<200xi32, #tpu.memory_space<vmem>>) semaphore(%dma_start3A_960 : memref<!tpu.dma_semaphore, #tpu.memory_space<semaphore_mem>>)
        %dma_start3A_961 = arith.constant 3 : i32
        %dma_start3A_962 = arith.constant 2 : i32
        %dma_start3A_963 = arith.constant 3 : i32
        %dma_start3A_964 = arith.constant 2 : i32
        %dma_start3A_965 = arith.constant 3 : i32
        %dma_start3A_966 = arith.constant 0 : i32
        %dma_start3A_967 = arith.constant 0 : i32
        %dma_start3A_968 = tpu.memref_slice %arg6[%dma_start3A_963, %dma_start3A_964, %dma_start3A_966, %dma_start3A_967] : memref<4x4x200x32xf32, #tpu.memory_space<vmem>> -> memref<1x1x200x32xf32, #tpu.memory_space<vmem>>
        %dma_start3A_969 = tpu.memref_squeeze %dma_start3A_968 : memref<1x1x200x32xf32, #tpu.memory_space<vmem>> -> memref<200x32xf32, #tpu.memory_space<vmem>>
        %dma_start3A_970 = arith.constant 0 : i32
        %dma_start3A_971 = tpu.memref_slice %arg5[%dma_start3A_961, %dma_start3A_962, %dma_start3A_970] : memref<4x4x200xi32, #tpu.memory_space<vmem>> -> memref<1x1x200xi32, #tpu.memory_space<vmem>>
        %dma_start3A_972 = tpu.memref_squeeze %dma_start3A_971 : memref<1x1x200xi32, #tpu.memory_space<vmem>> -> memref<200xi32, #tpu.memory_space<vmem>>
        %dma_start3A_973 = arith.constant 0 : i32
        %dma_start3A_974 = arith.constant 0 : i32
        %dma_start3A_975 = tpu.memref_slice %arg3[%dma_start3A_973, %dma_start3A_974] : memref<1000000x32xf32, #tpu.memory_space<hbm>> -> memref<1000000x32xf32, #tpu.memory_space<hbm>>
        %dma_start3A_976 = tpu.memref_slice %arg8[%dma_start3A_965] : memref<4x!tpu.dma_semaphore, #tpu.memory_space<semaphore_mem>> -> memref<1x!tpu.dma_semaphore, #tpu.memory_space<semaphore_mem>>
        %dma_start3A_977 = tpu.memref_squeeze %dma_start3A_976 : memref<1x!tpu.dma_semaphore, #tpu.memory_space<semaphore_mem>> -> memref<!tpu.dma_semaphore, #tpu.memory_space<semaphore_mem>>
        tpu.enqueue_indirect_dma source(%dma_start3A_975 : memref<1000000x32xf32, #tpu.memory_space<hbm>>) target(%dma_start3A_969 : memref<200x32xf32, #tpu.memory_space<vmem>>) offsets(%dma_start3A_972 : memref<200xi32, #tpu.memory_space<vmem>>) semaphore(%dma_start3A_977 : memref<!tpu.dma_semaphore, #tpu.memory_space<semaphore_mem>>)
        %dma_start3A_978 = arith.constant 3 : i32
        %dma_start3A_979 = arith.constant 3 : i32
        %dma_start3A_980 = arith.constant 3 : i32
        %dma_start3A_981 = arith.constant 3 : i32
        %dma_start3A_982 = arith.constant 3 : i32
        %dma_start3A_983 = arith.constant 0 : i32
        %dma_start3A_984 = arith.constant 0 : i32
        %dma_start3A_985 = tpu.memref_slice %arg6[%dma_start3A_980, %dma_start3A_981, %dma_start3A_983, %dma_start3A_984] : memref<4x4x200x32xf32, #tpu.memory_space<vmem>> -> memref<1x1x200x32xf32, #tpu.memory_space<vmem>>
        %dma_start3A_986 = tpu.memref_squeeze %dma_start3A_985 : memref<1x1x200x32xf32, #tpu.memory_space<vmem>> -> memref<200x32xf32, #tpu.memory_space<vmem>>
        %dma_start3A_987 = arith.constant 0 : i32
        %dma_start3A_988 = tpu.memref_slice %arg5[%dma_start3A_978, %dma_start3A_979, %dma_start3A_987] : memref<4x4x200xi32, #tpu.memory_space<vmem>> -> memref<1x1x200xi32, #tpu.memory_space<vmem>>
        %dma_start3A_989 = tpu.memref_squeeze %dma_start3A_988 : memref<1x1x200xi32, #tpu.memory_space<vmem>> -> memref<200xi32, #tpu.memory_space<vmem>>
        %dma_start3A_990 = arith.constant 0 : i32
        %dma_start3A_991 = arith.constant 0 : i32
        %dma_start3A_992 = tpu.memref_slice %arg3[%dma_start3A_990, %dma_start3A_991] : memref<1000000x32xf32, #tpu.memory_space<hbm>> -> memref<1000000x32xf32, #tpu.memory_space<hbm>>
        %dma_start3A_993 = tpu.memref_slice %arg8[%dma_start3A_982] : memref<4x!tpu.dma_semaphore, #tpu.memory_space<semaphore_mem>> -> memref<1x!tpu.dma_semaphore, #tpu.memory_space<semaphore_mem>>
        %dma_start3A_994 = tpu.memref_squeeze %dma_start3A_993 : memref<1x!tpu.dma_semaphore, #tpu.memory_space<semaphore_mem>> -> memref<!tpu.dma_semaphore, #tpu.memory_space<semaphore_mem>>
        tpu.enqueue_indirect_dma source(%dma_start3A_992 : memref<1000000x32xf32, #tpu.memory_space<hbm>>) target(%dma_start3A_986 : memref<200x32xf32, #tpu.memory_space<vmem>>) offsets(%dma_start3A_989 : memref<200xi32, #tpu.memory_space<vmem>>) semaphore(%dma_start3A_994 : memref<!tpu.dma_semaphore, #tpu.memory_space<semaphore_mem>>)
      } else {
      }
      %parallel_loop3A = arith.constant 0 : i32
      %parallel_loop3A_508 = arith.constant 200 : i32
      %parallel_loop3A_509 = arith.constant 1 : i32
      scf.for %parallel_loop3A_905 = %parallel_loop3A to %parallel_loop3A_508 step %parallel_loop3A_509  : i32 {
        %parallel_loop3A_906 = arith.constant 0 : i32
        %parallel_loop3A_907 = arith.constant 0 : i32
        %parallel_loop3A_908 = arith.index_cast %parallel_loop3A_906 : i32 to index
        %parallel_loop3A_909 = arith.index_cast %parallel_loop3A_907 : i32 to index
        %parallel_loop3A_910 = arith.index_cast %parallel_loop3A_905 : i32 to index
        %parallel_loop3A_911 = arith.constant 0 : index
        %parallel_loop3A_912 = tpu.vector_load %arg6[%parallel_loop3A_908, %parallel_loop3A_909, %parallel_loop3A_910, %parallel_loop3A_911] {strides = array<i32>} : memref<4x4x200x32xf32, #tpu.memory_space<vmem>>, vector<1x1x1x16xf32>,
        %parallel_loop3A_913 = vector.shape_cast %parallel_loop3A_912 : vector<1x1x1x16xf32> to vector<16xf32>
        %parallel_loop3A_914 = arith.constant 5.65685415 : f32
        %parallel_loop3A_915 = vector.broadcast %parallel_loop3A_914 : f32 to vector<16xf32>
        %parallel_loop3A_916 = arith.mulf %parallel_loop3A_913, %parallel_loop3A_915 : vector<16xf32>
        %parallel_loop3A_917 = arith.constant 0 : i32
        %parallel_loop3A_918 = arith.constant 0 : i32
        %parallel_loop3A_919 = arith.index_cast %parallel_loop3A_917 : i32 to index
        %parallel_loop3A_920 = arith.index_cast %parallel_loop3A_918 : i32 to index
        %parallel_loop3A_921 = arith.index_cast %parallel_loop3A_905 : i32 to index
        %parallel_loop3A_922 = arith.constant 0 : index
        %parallel_loop3A_923 = tpu.vector_load %arg6[%parallel_loop3A_919, %parallel_loop3A_920, %parallel_loop3A_921, %parallel_loop3A_922] {strides = array<i32>} : memref<4x4x200x32xf32, #tpu.memory_space<vmem>>, vector<1x1x1x16xf32>,
        %parallel_loop3A_924 = vector.shape_cast %parallel_loop3A_923 : vector<1x1x1x16xf32> to vector<16xf32>
        %parallel_loop3A_925 = vector.shape_cast %parallel_loop3A_916 : vector<16xf32> to vector<1x1x1x16xf32>
        tpu.vector_store %arg6[%parallel_loop3A_919, %parallel_loop3A_920, %parallel_loop3A_921, %parallel_loop3A_922], %parallel_loop3A_925 {strides = array<i32>} : memref<4x4x200x32xf32, #tpu.memory_space<vmem>>, vector<1x1x1x16xf32>,
        %parallel_loop3A_926 = arith.constant 0 : i32
        %parallel_loop3A_927 = arith.constant 0 : i32
        %parallel_loop3A_928 = arith.index_cast %parallel_loop3A_926 : i32 to index
        %parallel_loop3A_929 = arith.index_cast %parallel_loop3A_927 : i32 to index
        %parallel_loop3A_930 = arith.index_cast %parallel_loop3A_905 : i32 to index
        %parallel_loop3A_931 = arith.constant 16 : index
        %parallel_loop3A_932 = tpu.vector_load %arg6[%parallel_loop3A_928, %parallel_loop3A_929, %parallel_loop3A_930, %parallel_loop3A_931] {strides = array<i32>} : memref<4x4x200x32xf32, #tpu.memory_space<vmem>>, vector<1x1x1x16xf32>,
        %parallel_loop3A_933 = vector.shape_cast %parallel_loop3A_932 : vector<1x1x1x16xf32> to vector<16xf32>
        %parallel_loop3A_934 = arith.constant 5.65685415 : f32
        %parallel_loop3A_935 = vector.broadcast %parallel_loop3A_934 : f32 to vector<16xf32>
        %parallel_loop3A_936 = arith.mulf %parallel_loop3A_933, %parallel_loop3A_935 : vector<16xf32>
        %parallel_loop3A_937 = arith.constant 0 : i32
        %parallel_loop3A_938 = arith.constant 0 : i32
        %parallel_loop3A_939 = arith.index_cast %parallel_loop3A_937 : i32 to index
        %parallel_loop3A_940 = arith.index_cast %parallel_loop3A_938 : i32 to index
        %parallel_loop3A_941 = arith.index_cast %parallel_loop3A_905 : i32 to index
        %parallel_loop3A_942 = arith.constant 16 : index
        %parallel_loop3A_943 = tpu.vector_load %arg6[%parallel_loop3A_939, %parallel_loop3A_940, %parallel_loop3A_941, %parallel_loop3A_942] {strides = array<i32>} : memref<4x4x200x32xf32, #tpu.memory_space<vmem>>, vector<1x1x1x16xf32>,
        %parallel_loop3A_944 = vector.shape_cast %parallel_loop3A_943 : vector<1x1x1x16xf32> to vector<16xf32>
        %parallel_loop3A_945 = vector.shape_cast %parallel_loop3A_936 : vector<16xf32> to vector<1x1x1x16xf32>
        tpu.vector_store %arg6[%parallel_loop3A_939, %parallel_loop3A_940, %parallel_loop3A_941, %parallel_loop3A_942], %parallel_loop3A_945 {strides = array<i32>} : memref<4x4x200x32xf32, #tpu.memory_space<vmem>>, vector<1x1x1x16xf32>,
      } {sc.loop_unroll_factor = 8 : i64, sc.parallel_access}
      %parallel_loop3A_510 = arith.constant 0 : i32
      %parallel_loop3A_511 = arith.constant 200 : i32
      %parallel_loop3A_512 = arith.constant 1 : i32
      scf.for %parallel_loop3A_905 = %parallel_loop3A_510 to %parallel_loop3A_511 step %parallel_loop3A_512  : i32 {
        %parallel_loop3A_906 = arith.constant 0 : i32
        %parallel_loop3A_907 = arith.constant 1 : i32
        %parallel_loop3A_908 = arith.index_cast %parallel_loop3A_906 : i32 to index
        %parallel_loop3A_909 = arith.index_cast %parallel_loop3A_907 : i32 to index
        %parallel_loop3A_910 = arith.index_cast %parallel_loop3A_905 : i32 to index
        %parallel_loop3A_911 = arith.constant 0 : index
        %parallel_loop3A_912 = tpu.vector_load %arg6[%parallel_loop3A_908, %parallel_loop3A_909, %parallel_loop3A_910, %parallel_loop3A_911] {strides = array<i32>} : memref<4x4x200x32xf32, #tpu.memory_space<vmem>>, vector<1x1x1x16xf32>,
        %parallel_loop3A_913 = vector.shape_cast %parallel_loop3A_912 : vector<1x1x1x16xf32> to vector<16xf32>
        %parallel_loop3A_914 = arith.constant 5.65685415 : f32
        %parallel_loop3A_915 = vector.broadcast %parallel_loop3A_914 : f32 to vector<16xf32>
        %parallel_loop3A_916 = arith.mulf %parallel_loop3A_913, %parallel_loop3A_915 : vector<16xf32>
        %parallel_loop3A_917 = arith.constant 0 : i32
        %parallel_loop3A_918 = arith.constant 1 : i32
        %parallel_loop3A_919 = arith.index_cast %parallel_loop3A_917 : i32 to index
        %parallel_loop3A_920 = arith.index_cast %parallel_loop3A_918 : i32 to index
        %parallel_loop3A_921 = arith.index_cast %parallel_loop3A_905 : i32 to index
        %parallel_loop3A_922 = arith.constant 0 : index
        %parallel_loop3A_923 = tpu.vector_load %arg6[%parallel_loop3A_919, %parallel_loop3A_920, %parallel_loop3A_921, %parallel_loop3A_922] {strides = array<i32>} : memref<4x4x200x32xf32, #tpu.memory_space<vmem>>, vector<1x1x1x16xf32>,
        %parallel_loop3A_924 = vector.shape_cast %parallel_loop3A_923 : vector<1x1x1x16xf32> to vector<16xf32>
        %parallel_loop3A_925 = vector.shape_cast %parallel_loop3A_916 : vector<16xf32> to vector<1x1x1x16xf32>
        tpu.vector_store %arg6[%parallel_loop3A_919, %parallel_loop3A_920, %parallel_loop3A_921, %parallel_loop3A_922], %parallel_loop3A_925 {strides = array<i32>} : memref<4x4x200x32xf32, #tpu.memory_space<vmem>>, vector<1x1x1x16xf32>,
        %parallel_loop3A_926 = arith.constant 0 : i32
        %parallel_loop3A_927 = arith.constant 1 : i32
        %parallel_loop3A_928 = arith.index_cast %parallel_loop3A_926 : i32 to index
        %parallel_loop3A_929 = arith.index_cast %parallel_loop3A_927 : i32 to index
        %parallel_loop3A_930 = arith.index_cast %parallel_loop3A_905 : i32 to index
        %parallel_loop3A_931 = arith.constant 16 : index
        %parallel_loop3A_932 = tpu.vector_load %arg6[%parallel_loop3A_928, %parallel_loop3A_929, %parallel_loop3A_930, %parallel_loop3A_931] {strides = array<i32>} : memref<4x4x200x32xf32, #tpu.memory_space<vmem>>, vector<1x1x1x16xf32>,
        %parallel_loop3A_933 = vector.shape_cast %parallel_loop3A_932 : vector<1x1x1x16xf32> to vector<16xf32>
        %parallel_loop3A_934 = arith.constant 5.65685415 : f32
        %parallel_loop3A_935 = vector.broadcast %parallel_loop3A_934 : f32 to vector<16xf32>
        %parallel_loop3A_936 = arith.mulf %parallel_loop3A_933, %parallel_loop3A_935 : vector<16xf32>
        %parallel_loop3A_937 = arith.constant 0 : i32
        %parallel_loop3A_938 = arith.constant 1 : i32
        %parallel_loop3A_939 = arith.index_cast %parallel_loop3A_937 : i32 to index
        %parallel_loop3A_940 = arith.index_cast %parallel_loop3A_938 : i32 to index
        %parallel_loop3A_941 = arith.index_cast %parallel_loop3A_905 : i32 to index
        %parallel_loop3A_942 = arith.constant 16 : index
        %parallel_loop3A_943 = tpu.vector_load %arg6[%parallel_loop3A_939, %parallel_loop3A_940, %parallel_loop3A_941, %parallel_loop3A_942] {strides = array<i32>} : memref<4x4x200x32xf32, #tpu.memory_space<vmem>>, vector<1x1x1x16xf32>,
        %parallel_loop3A_944 = vector.shape_cast %parallel_loop3A_943 : vector<1x1x1x16xf32> to vector<16xf32>
        %parallel_loop3A_945 = vector.shape_cast %parallel_loop3A_936 : vector<16xf32> to vector<1x1x1x16xf32>
        tpu.vector_store %arg6[%parallel_loop3A_939, %parallel_loop3A_940, %parallel_loop3A_941, %parallel_loop3A_942], %parallel_loop3A_945 {strides = array<i32>} : memref<4x4x200x32xf32, #tpu.memory_space<vmem>>, vector<1x1x1x16xf32>,
      } {sc.loop_unroll_factor = 8 : i64, sc.parallel_access}
      %parallel_loop3A_513 = arith.constant 0 : i32
      %parallel_loop3A_514 = arith.constant 200 : i32
      %parallel_loop3A_515 = arith.constant 1 : i32
      scf.for %parallel_loop3A_905 = %parallel_loop3A_513 to %parallel_loop3A_514 step %parallel_loop3A_515  : i32 {
        %parallel_loop3A_906 = arith.constant 0 : i32
        %parallel_loop3A_907 = arith.constant 2 : i32
        %parallel_loop3A_908 = arith.index_cast %parallel_loop3A_906 : i32 to index
        %parallel_loop3A_909 = arith.index_cast %parallel_loop3A_907 : i32 to index
        %parallel_loop3A_910 = arith.index_cast %parallel_loop3A_905 : i32 to index
        %parallel_loop3A_911 = arith.constant 0 : index
        %parallel_loop3A_912 = tpu.vector_load %arg6[%parallel_loop3A_908, %parallel_loop3A_909, %parallel_loop3A_910, %parallel_loop3A_911] {strides = array<i32>} : memref<4x4x200x32xf32, #tpu.memory_space<vmem>>, vector<1x1x1x16xf32>,
        %parallel_loop3A_913 = vector.shape_cast %parallel_loop3A_912 : vector<1x1x1x16xf32> to vector<16xf32>
        %parallel_loop3A_914 = arith.constant 5.65685415 : f32
        %parallel_loop3A_915 = vector.broadcast %parallel_loop3A_914 : f32 to vector<16xf32>
        %parallel_loop3A_916 = arith.mulf %parallel_loop3A_913, %parallel_loop3A_915 : vector<16xf32>
        %parallel_loop3A_917 = arith.constant 0 : i32
        %parallel_loop3A_918 = arith.constant 2 : i32
        %parallel_loop3A_919 = arith.index_cast %parallel_loop3A_917 : i32 to index
        %parallel_loop3A_920 = arith.index_cast %parallel_loop3A_918 : i32 to index
        %parallel_loop3A_921 = arith.index_cast %parallel_loop3A_905 : i32 to index
        %parallel_loop3A_922 = arith.constant 0 : index
        %parallel_loop3A_923 = tpu.vector_load %arg6[%parallel_loop3A_919, %parallel_loop3A_920, %parallel_loop3A_921, %parallel_loop3A_922] {strides = array<i32>} : memref<4x4x200x32xf32, #tpu.memory_space<vmem>>, vector<1x1x1x16xf32>,
        %parallel_loop3A_924 = vector.shape_cast %parallel_loop3A_923 : vector<1x1x1x16xf32> to vector<16xf32>
        %parallel_loop3A_925 = vector.shape_cast %parallel_loop3A_916 : vector<16xf32> to vector<1x1x1x16xf32>
        tpu.vector_store %arg6[%parallel_loop3A_919, %parallel_loop3A_920, %parallel_loop3A_921, %parallel_loop3A_922], %parallel_loop3A_925 {strides = array<i32>} : memref<4x4x200x32xf32, #tpu.memory_space<vmem>>, vector<1x1x1x16xf32>,
        %parallel_loop3A_926 = arith.constant 0 : i32
        %parallel_loop3A_927 = arith.constant 2 : i32
        %parallel_loop3A_928 = arith.index_cast %parallel_loop3A_926 : i32 to index
        %parallel_loop3A_929 = arith.index_cast %parallel_loop3A_927 : i32 to index
        %parallel_loop3A_930 = arith.index_cast %parallel_loop3A_905 : i32 to index
        %parallel_loop3A_931 = arith.constant 16 : index
        %parallel_loop3A_932 = tpu.vector_load %arg6[%parallel_loop3A_928, %parallel_loop3A_929, %parallel_loop3A_930, %parallel_loop3A_931] {strides = array<i32>} : memref<4x4x200x32xf32, #tpu.memory_space<vmem>>, vector<1x1x1x16xf32>,
        %parallel_loop3A_933 = vector.shape_cast %parallel_loop3A_932 : vector<1x1x1x16xf32> to vector<16xf32>
        %parallel_loop3A_934 = arith.constant 5.65685415 : f32
        %parallel_loop3A_935 = vector.broadcast %parallel_loop3A_934 : f32 to vector<16xf32>
        %parallel_loop3A_936 = arith.mulf %parallel_loop3A_933, %parallel_loop3A_935 : vector<16xf32>
        %parallel_loop3A_937 = arith.constant 0 : i32
        %parallel_loop3A_938 = arith.constant 2 : i32
        %parallel_loop3A_939 = arith.index_cast %parallel_loop3A_937 : i32 to index
        %parallel_loop3A_940 = arith.index_cast %parallel_loop3A_938 : i32 to index
        %parallel_loop3A_941 = arith.index_cast %parallel_loop3A_905 : i32 to index
        %parallel_loop3A_942 = arith.constant 16 : index
        %parallel_loop3A_943 = tpu.vector_load %arg6[%parallel_loop3A_939, %parallel_loop3A_940, %parallel_loop3A_941, %parallel_loop3A_942] {strides = array<i32>} : memref<4x4x200x32xf32, #tpu.memory_space<vmem>>, vector<1x1x1x16xf32>,
        %parallel_loop3A_944 = vector.shape_cast %parallel_loop3A_943 : vector<1x1x1x16xf32> to vector<16xf32>
        %parallel_loop3A_945 = vector.shape_cast %parallel_loop3A_936 : vector<16xf32> to vector<1x1x1x16xf32>
        tpu.vector_store %arg6[%parallel_loop3A_939, %parallel_loop3A_940, %parallel_loop3A_941, %parallel_loop3A_942], %parallel_loop3A_945 {strides = array<i32>} : memref<4x4x200x32xf32, #tpu.memory_space<vmem>>, vector<1x1x1x16xf32>,
      } {sc.loop_unroll_factor = 8 : i64, sc.parallel_access}
      %parallel_loop3A_516 = arith.constant 0 : i32
      %parallel_loop3A_517 = arith.constant 200 : i32
      %parallel_loop3A_518 = arith.constant 1 : i32
      scf.for %parallel_loop3A_905 = %parallel_loop3A_516 to %parallel_loop3A_517 step %parallel_loop3A_518  : i32 {
        %parallel_loop3A_906 = arith.constant 0 : i32
        %parallel_loop3A_907 = arith.constant 3 : i32
        %parallel_loop3A_908 = arith.index_cast %parallel_loop3A_906 : i32 to index
        %parallel_loop3A_909 = arith.index_cast %parallel_loop3A_907 : i32 to index
        %parallel_loop3A_910 = arith.index_cast %parallel_loop3A_905 : i32 to index
        %parallel_loop3A_911 = arith.constant 0 : index
        %parallel_loop3A_912 = tpu.vector_load %arg6[%parallel_loop3A_908, %parallel_loop3A_909, %parallel_loop3A_910, %parallel_loop3A_911] {strides = array<i32>} : memref<4x4x200x32xf32, #tpu.memory_space<vmem>>, vector<1x1x1x16xf32>,
        %parallel_loop3A_913 = vector.shape_cast %parallel_loop3A_912 : vector<1x1x1x16xf32> to vector<16xf32>
        %parallel_loop3A_914 = arith.constant 5.65685415 : f32
        %parallel_loop3A_915 = vector.broadcast %parallel_loop3A_914 : f32 to vector<16xf32>
        %parallel_loop3A_916 = arith.mulf %parallel_loop3A_913, %parallel_loop3A_915 : vector<16xf32>
        %parallel_loop3A_917 = arith.constant 0 : i32
        %parallel_loop3A_918 = arith.constant 3 : i32
        %parallel_loop3A_919 = arith.index_cast %parallel_loop3A_917 : i32 to index
        %parallel_loop3A_920 = arith.index_cast %parallel_loop3A_918 : i32 to index
        %parallel_loop3A_921 = arith.index_cast %parallel_loop3A_905 : i32 to index
        %parallel_loop3A_922 = arith.constant 0 : index
        %parallel_loop3A_923 = tpu.vector_load %arg6[%parallel_loop3A_919, %parallel_loop3A_920, %parallel_loop3A_921, %parallel_loop3A_922] {strides = array<i32>} : memref<4x4x200x32xf32, #tpu.memory_space<vmem>>, vector<1x1x1x16xf32>,
        %parallel_loop3A_924 = vector.shape_cast %parallel_loop3A_923 : vector<1x1x1x16xf32> to vector<16xf32>
        %parallel_loop3A_925 = vector.shape_cast %parallel_loop3A_916 : vector<16xf32> to vector<1x1x1x16xf32>
        tpu.vector_store %arg6[%parallel_loop3A_919, %parallel_loop3A_920, %parallel_loop3A_921, %parallel_loop3A_922], %parallel_loop3A_925 {strides = array<i32>} : memref<4x4x200x32xf32, #tpu.memory_space<vmem>>, vector<1x1x1x16xf32>,
        %parallel_loop3A_926 = arith.constant 0 : i32
        %parallel_loop3A_927 = arith.constant 3 : i32
        %parallel_loop3A_928 = arith.index_cast %parallel_loop3A_926 : i32 to index
        %parallel_loop3A_929 = arith.index_cast %parallel_loop3A_927 : i32 to index
        %parallel_loop3A_930 = arith.index_cast %parallel_loop3A_905 : i32 to index
        %parallel_loop3A_931 = arith.constant 16 : index
        %parallel_loop3A_932 = tpu.vector_load %arg6[%parallel_loop3A_928, %parallel_loop3A_929, %parallel_loop3A_930, %parallel_loop3A_931] {strides = array<i32>} : memref<4x4x200x32xf32, #tpu.memory_space<vmem>>, vector<1x1x1x16xf32>,
        %parallel_loop3A_933 = vector.shape_cast %parallel_loop3A_932 : vector<1x1x1x16xf32> to vector<16xf32>
        %parallel_loop3A_934 = arith.constant 5.65685415 : f32
        %parallel_loop3A_935 = vector.broadcast %parallel_loop3A_934 : f32 to vector<16xf32>
        %parallel_loop3A_936 = arith.mulf %parallel_loop3A_933, %parallel_loop3A_935 : vector<16xf32>
        %parallel_loop3A_937 = arith.constant 0 : i32
        %parallel_loop3A_938 = arith.constant 3 : i32
        %parallel_loop3A_939 = arith.index_cast %parallel_loop3A_937 : i32 to index
        %parallel_loop3A_940 = arith.index_cast %parallel_loop3A_938 : i32 to index
        %parallel_loop3A_941 = arith.index_cast %parallel_loop3A_905 : i32 to index
        %parallel_loop3A_942 = arith.constant 16 : index
        %parallel_loop3A_943 = tpu.vector_load %arg6[%parallel_loop3A_939, %parallel_loop3A_940, %parallel_loop3A_941, %parallel_loop3A_942] {strides = array<i32>} : memref<4x4x200x32xf32, #tpu.memory_space<vmem>>, vector<1x1x1x16xf32>,
        %parallel_loop3A_944 = vector.shape_cast %parallel_loop3A_943 : vector<1x1x1x16xf32> to vector<16xf32>
        %parallel_loop3A_945 = vector.shape_cast %parallel_loop3A_936 : vector<16xf32> to vector<1x1x1x16xf32>
        tpu.vector_store %arg6[%parallel_loop3A_939, %parallel_loop3A_940, %parallel_loop3A_941, %parallel_loop3A_942], %parallel_loop3A_945 {strides = array<i32>} : memref<4x4x200x32xf32, #tpu.memory_space<vmem>>, vector<1x1x1x16xf32>,
      } {sc.loop_unroll_factor = 8 : i64, sc.parallel_access}
      %mul3A_519 = arith.constant 4 : i32
      %mul3A_520 = arith.muli %add3A_428, %mul3A_519 : i32
      %add3A_521 = arith.addi %mul3A_2, %mul3A_520 : i32
      %dma_start3A_522 = arith.constant 0 : i32
      %dma_start3A_523 = arith.constant 0 : i32
      %dma_start3A_524 = arith.constant 0 : i32
      %dma_start3A_525 = arith.constant 0 : i32
      %dma_start3A_526 = arith.constant 0 : i32
      %dma_start3A_527 = tpu.memref_slice %arg6[%dma_start3A_522, %dma_start3A_524, %dma_start3A_525, %dma_start3A_526] : memref<4x4x200x32xf32, #tpu.memory_space<vmem>> -> memref<1x4x200x32xf32, #tpu.memory_space<vmem>>
      %dma_start3A_528 = tpu.memref_squeeze %dma_start3A_527 : memref<1x4x200x32xf32, #tpu.memory_space<vmem>> -> memref<4x200x32xf32, #tpu.memory_space<vmem>>
      %dma_start3A_529 = arith.constant 0 : i32
      %dma_start3A_530 = arith.constant 0 : i32
      %dma_start3A_531 = tpu.memref_slice %arg4[%add3A_521, %dma_start3A_529, %dma_start3A_530] : memref<16384x200x128xf32, #tpu.memory_space<hbm>> -> memref<4x200x32xf32, #tpu.memory_space<hbm>>
      %dma_start3A_532 = tpu.memref_slice %arg9[%dma_start3A_523] : memref<4x!tpu.dma_semaphore, #tpu.memory_space<semaphore_mem>> -> memref<1x!tpu.dma_semaphore, #tpu.memory_space<semaphore_mem>>
      %dma_start3A_533 = tpu.memref_squeeze %dma_start3A_532 : memref<1x!tpu.dma_semaphore, #tpu.memory_space<semaphore_mem>> -> memref<!tpu.dma_semaphore, #tpu.memory_space<semaphore_mem>>
      %dma_start3A_534 = arith.constant 0 : i32
      %dma_start3A_535 = arith.constant 0 : i32
      %dma_start3A_536 = tpu.memref_slice %arg4[%add3A_521, %dma_start3A_534, %dma_start3A_535] : memref<16384x200x128xf32, #tpu.memory_space<hbm>> -> memref<4x200x32xf32, #tpu.memory_space<hbm>>
      %dma_start3A_537 = arith.constant 0 : i32
      %dma_start3A_538 = arith.constant 0 : i32
      %dma_start3A_539 = arith.constant 0 : i32
      %dma_start3A_540 = tpu.memref_slice %arg6[%dma_start3A_522, %dma_start3A_537, %dma_start3A_538, %dma_start3A_539] : memref<4x4x200x32xf32, #tpu.memory_space<vmem>> -> memref<1x4x200x32xf32, #tpu.memory_space<vmem>>
      %dma_start3A_541 = tpu.memref_squeeze %dma_start3A_540 : memref<1x4x200x32xf32, #tpu.memory_space<vmem>> -> memref<4x200x32xf32, #tpu.memory_space<vmem>>
      tpu.enqueue_dma source(%dma_start3A_541 : memref<4x200x32xf32, #tpu.memory_space<vmem>>) target(%dma_start3A_536 : memref<4x200x32xf32, #tpu.memory_space<hbm>>) target_semaphore(%dma_start3A_533 : memref<!tpu.dma_semaphore, #tpu.memory_space<semaphore_mem>>)
      %mul3A_542 = arith.constant 4 : i32
      %mul3A_543 = arith.muli %mul3A_542, %scan3A_424 : i32
      %add3A_544 = arith.constant 1 : i32
      %add3A_545 = arith.addi %mul3A_543, %add3A_544 : i32
      %dma_wait3A_546 = arith.constant 1 : i32
      %dma_wait3A_547 = arith.constant 0 : i32
      %dma_wait3A_548 = arith.constant 1 : i32
      %dma_wait3A_549 = arith.constant 0 : i32
      %dma_wait3A_550 = arith.constant 1 : i32
      %dma_wait3A_551 = arith.constant 0 : i32
      %dma_wait3A_552 = arith.constant 0 : i32
      %dma_wait3A_553 = tpu.memref_slice %arg6[%dma_wait3A_548, %dma_wait3A_549, %dma_wait3A_551, %dma_wait3A_552] : memref<4x4x200x32xf32, #tpu.memory_space<vmem>> -> memref<1x1x200x32xf32, #tpu.memory_space<vmem>>
      %dma_wait3A_554 = tpu.memref_squeeze %dma_wait3A_553 : memref<1x1x200x32xf32, #tpu.memory_space<vmem>> -> memref<200x32xf32, #tpu.memory_space<vmem>>
      %dma_wait3A_555 = arith.constant 0 : i32
      %dma_wait3A_556 = tpu.memref_slice %arg5[%dma_wait3A_546, %dma_wait3A_547, %dma_wait3A_555] : memref<4x4x200xi32, #tpu.memory_space<vmem>> -> memref<1x1x200xi32, #tpu.memory_space<vmem>>
      %dma_wait3A_557 = tpu.memref_squeeze %dma_wait3A_556 : memref<1x1x200xi32, #tpu.memory_space<vmem>> -> memref<200xi32, #tpu.memory_space<vmem>>
      %dma_wait3A_558 = arith.constant 0 : i32
      %dma_wait3A_559 = arith.constant 0 : i32
      %dma_wait3A_560 = tpu.memref_slice %arg3[%dma_wait3A_558, %dma_wait3A_559] : memref<1000000x32xf32, #tpu.memory_space<hbm>> -> memref<1000000x32xf32, #tpu.memory_space<hbm>>
      %dma_wait3A_561 = tpu.memref_slice %arg8[%dma_wait3A_550] : memref<4x!tpu.dma_semaphore, #tpu.memory_space<semaphore_mem>> -> memref<1x!tpu.dma_semaphore, #tpu.memory_space<semaphore_mem>>
      %dma_wait3A_562 = tpu.memref_squeeze %dma_wait3A_561 : memref<1x!tpu.dma_semaphore, #tpu.memory_space<semaphore_mem>> -> memref<!tpu.dma_semaphore, #tpu.memory_space<semaphore_mem>>
      tpu.wait_indirect_dma semaphore(%dma_wait3A_562 : memref<!tpu.dma_semaphore, #tpu.memory_space<semaphore_mem>>) src(%dma_wait3A_560 : memref<1000000x32xf32, #tpu.memory_space<hbm>>) dst(%dma_wait3A_554 : memref<200x32xf32, #tpu.memory_space<vmem>>)
      %dma_wait3A_563 = arith.constant 1 : i32
      %dma_wait3A_564 = arith.constant 1 : i32
      %dma_wait3A_565 = arith.constant 1 : i32
      %dma_wait3A_566 = arith.constant 1 : i32
      %dma_wait3A_567 = arith.constant 1 : i32
      %dma_wait3A_568 = arith.constant 0 : i32
      %dma_wait3A_569 = arith.constant 0 : i32
      %dma_wait3A_570 = tpu.memref_slice %arg6[%dma_wait3A_565, %dma_wait3A_566, %dma_wait3A_568, %dma_wait3A_569] : memref<4x4x200x32xf32, #tpu.memory_space<vmem>> -> memref<1x1x200x32xf32, #tpu.memory_space<vmem>>
      %dma_wait3A_571 = tpu.memref_squeeze %dma_wait3A_570 : memref<1x1x200x32xf32, #tpu.memory_space<vmem>> -> memref<200x32xf32, #tpu.memory_space<vmem>>
      %dma_wait3A_572 = arith.constant 0 : i32
      %dma_wait3A_573 = tpu.memref_slice %arg5[%dma_wait3A_563, %dma_wait3A_564, %dma_wait3A_572] : memref<4x4x200xi32, #tpu.memory_space<vmem>> -> memref<1x1x200xi32, #tpu.memory_space<vmem>>
      %dma_wait3A_574 = tpu.memref_squeeze %dma_wait3A_573 : memref<1x1x200xi32, #tpu.memory_space<vmem>> -> memref<200xi32, #tpu.memory_space<vmem>>
      %dma_wait3A_575 = arith.constant 0 : i32
      %dma_wait3A_576 = arith.constant 0 : i32
      %dma_wait3A_577 = tpu.memref_slice %arg3[%dma_wait3A_575, %dma_wait3A_576] : memref<1000000x32xf32, #tpu.memory_space<hbm>> -> memref<1000000x32xf32, #tpu.memory_space<hbm>>
      %dma_wait3A_578 = tpu.memref_slice %arg8[%dma_wait3A_567] : memref<4x!tpu.dma_semaphore, #tpu.memory_space<semaphore_mem>> -> memref<1x!tpu.dma_semaphore, #tpu.memory_space<semaphore_mem>>
      %dma_wait3A_579 = tpu.memref_squeeze %dma_wait3A_578 : memref<1x!tpu.dma_semaphore, #tpu.memory_space<semaphore_mem>> -> memref<!tpu.dma_semaphore, #tpu.memory_space<semaphore_mem>>
      tpu.wait_indirect_dma semaphore(%dma_wait3A_579 : memref<!tpu.dma_semaphore, #tpu.memory_space<semaphore_mem>>) src(%dma_wait3A_577 : memref<1000000x32xf32, #tpu.memory_space<hbm>>) dst(%dma_wait3A_571 : memref<200x32xf32, #tpu.memory_space<vmem>>)
      %dma_wait3A_580 = arith.constant 1 : i32
      %dma_wait3A_581 = arith.constant 2 : i32
      %dma_wait3A_582 = arith.constant 1 : i32
      %dma_wait3A_583 = arith.constant 2 : i32
      %dma_wait3A_584 = arith.constant 1 : i32
      %dma_wait3A_585 = arith.constant 0 : i32
      %dma_wait3A_586 = arith.constant 0 : i32
      %dma_wait3A_587 = tpu.memref_slice %arg6[%dma_wait3A_582, %dma_wait3A_583, %dma_wait3A_585, %dma_wait3A_586] : memref<4x4x200x32xf32, #tpu.memory_space<vmem>> -> memref<1x1x200x32xf32, #tpu.memory_space<vmem>>
      %dma_wait3A_588 = tpu.memref_squeeze %dma_wait3A_587 : memref<1x1x200x32xf32, #tpu.memory_space<vmem>> -> memref<200x32xf32, #tpu.memory_space<vmem>>
      %dma_wait3A_589 = arith.constant 0 : i32
      %dma_wait3A_590 = tpu.memref_slice %arg5[%dma_wait3A_580, %dma_wait3A_581, %dma_wait3A_589] : memref<4x4x200xi32, #tpu.memory_space<vmem>> -> memref<1x1x200xi32, #tpu.memory_space<vmem>>
      %dma_wait3A_591 = tpu.memref_squeeze %dma_wait3A_590 : memref<1x1x200xi32, #tpu.memory_space<vmem>> -> memref<200xi32, #tpu.memory_space<vmem>>
      %dma_wait3A_592 = arith.constant 0 : i32
      %dma_wait3A_593 = arith.constant 0 : i32
      %dma_wait3A_594 = tpu.memref_slice %arg3[%dma_wait3A_592, %dma_wait3A_593] : memref<1000000x32xf32, #tpu.memory_space<hbm>> -> memref<1000000x32xf32, #tpu.memory_space<hbm>>
      %dma_wait3A_595 = tpu.memref_slice %arg8[%dma_wait3A_584] : memref<4x!tpu.dma_semaphore, #tpu.memory_space<semaphore_mem>> -> memref<1x!tpu.dma_semaphore, #tpu.memory_space<semaphore_mem>>
      %dma_wait3A_596 = tpu.memref_squeeze %dma_wait3A_595 : memref<1x!tpu.dma_semaphore, #tpu.memory_space<semaphore_mem>> -> memref<!tpu.dma_semaphore, #tpu.memory_space<semaphore_mem>>
      tpu.wait_indirect_dma semaphore(%dma_wait3A_596 : memref<!tpu.dma_semaphore, #tpu.memory_space<semaphore_mem>>) src(%dma_wait3A_594 : memref<1000000x32xf32, #tpu.memory_space<hbm>>) dst(%dma_wait3A_588 : memref<200x32xf32, #tpu.memory_space<vmem>>)
      %dma_wait3A_597 = arith.constant 1 : i32
      %dma_wait3A_598 = arith.constant 3 : i32
      %dma_wait3A_599 = arith.constant 1 : i32
      %dma_wait3A_600 = arith.constant 3 : i32
      %dma_wait3A_601 = arith.constant 1 : i32
      %dma_wait3A_602 = arith.constant 0 : i32
      %dma_wait3A_603 = arith.constant 0 : i32
      %dma_wait3A_604 = tpu.memref_slice %arg6[%dma_wait3A_599, %dma_wait3A_600, %dma_wait3A_602, %dma_wait3A_603] : memref<4x4x200x32xf32, #tpu.memory_space<vmem>> -> memref<1x1x200x32xf32, #tpu.memory_space<vmem>>
      %dma_wait3A_605 = tpu.memref_squeeze %dma_wait3A_604 : memref<1x1x200x32xf32, #tpu.memory_space<vmem>> -> memref<200x32xf32, #tpu.memory_space<vmem>>
      %dma_wait3A_606 = arith.constant 0 : i32
      %dma_wait3A_607 = tpu.memref_slice %arg5[%dma_wait3A_597, %dma_wait3A_598, %dma_wait3A_606] : memref<4x4x200xi32, #tpu.memory_space<vmem>> -> memref<1x1x200xi32, #tpu.memory_space<vmem>>
      %dma_wait3A_608 = tpu.memref_squeeze %dma_wait3A_607 : memref<1x1x200xi32, #tpu.memory_space<vmem>> -> memref<200xi32, #tpu.memory_space<vmem>>
      %dma_wait3A_609 = arith.constant 0 : i32
      %dma_wait3A_610 = arith.constant 0 : i32
      %dma_wait3A_611 = tpu.memref_slice %arg3[%dma_wait3A_609, %dma_wait3A_610] : memref<1000000x32xf32, #tpu.memory_space<hbm>> -> memref<1000000x32xf32, #tpu.memory_space<hbm>>
      %dma_wait3A_612 = tpu.memref_slice %arg8[%dma_wait3A_601] : memref<4x!tpu.dma_semaphore, #tpu.memory_space<semaphore_mem>> -> memref<1x!tpu.dma_semaphore, #tpu.memory_space<semaphore_mem>>
      %dma_wait3A_613 = tpu.memref_squeeze %dma_wait3A_612 : memref<1x!tpu.dma_semaphore, #tpu.memory_space<semaphore_mem>> -> memref<!tpu.dma_semaphore, #tpu.memory_space<semaphore_mem>>
      tpu.wait_indirect_dma semaphore(%dma_wait3A_613 : memref<!tpu.dma_semaphore, #tpu.memory_space<semaphore_mem>>) src(%dma_wait3A_611 : memref<1000000x32xf32, #tpu.memory_space<hbm>>) dst(%dma_wait3A_605 : memref<200x32xf32, #tpu.memory_space<vmem>>)
      %add3A_614 = arith.constant 4 : i32
      %add3A_615 = arith.addi %add3A_545, %add3A_614 : i32
      %lt3A_616 = arith.constant 128 : i32
      %lt3A_617 = arith.cmpi slt, %add3A_615, %lt3A_616 : i32
      %convert_element_type3A_618 = arith.extui %lt3A_617 : i1 to i32
      %cond3A_619 = arith.constant 0 : i32
      %cond3A_620 = arith.cmpi ne, %convert_element_type3A_618, %cond3A_619 : i32
      scf.if %cond3A_620 {
        %add3A_905 = arith.constant 4 : i32
        %add3A_906 = arith.addi %add3A_545, %add3A_905 : i32
        %mul3A_907 = arith.constant 4 : i32
        %mul3A_908 = arith.muli %add3A_906, %mul3A_907 : i32
        %add3A_909 = arith.addi %mul3A_2, %mul3A_908 : i32
        %dma_start3A_910 = arith.constant 1 : i32
        %dma_start3A_911 = arith.constant 1 : i32
        %dma_start3A_912 = arith.constant 0 : i32
        %dma_start3A_913 = arith.constant 0 : i32
        %dma_start3A_914 = tpu.memref_slice %arg5[%dma_start3A_910, %dma_start3A_912, %dma_start3A_913] : memref<4x4x200xi32, #tpu.memory_space<vmem>> -> memref<1x4x200xi32, #tpu.memory_space<vmem>>
        %dma_start3A_915 = tpu.memref_squeeze %dma_start3A_914 : memref<1x4x200xi32, #tpu.memory_space<vmem>> -> memref<4x200xi32, #tpu.memory_space<vmem>>
        %dma_start3A_916 = arith.constant 0 : i32
        %dma_start3A_917 = tpu.memref_slice %arg2[%add3A_909, %dma_start3A_916] : memref<16384x200xi32, #tpu.memory_space<hbm>> -> memref<4x200xi32, #tpu.memory_space<hbm>>
        %dma_start3A_918 = tpu.memref_slice %arg7[%dma_start3A_911] : memref<4x!tpu.dma_semaphore, #tpu.memory_space<semaphore_mem>> -> memref<1x!tpu.dma_semaphore, #tpu.memory_space<semaphore_mem>>
        %dma_start3A_919 = tpu.memref_squeeze %dma_start3A_918 : memref<1x!tpu.dma_semaphore, #tpu.memory_space<semaphore_mem>> -> memref<!tpu.dma_semaphore, #tpu.memory_space<semaphore_mem>>
        %dma_start3A_920 = arith.constant 0 : i32
        %dma_start3A_921 = arith.constant 0 : i32
        %dma_start3A_922 = tpu.memref_slice %arg5[%dma_start3A_910, %dma_start3A_920, %dma_start3A_921] : memref<4x4x200xi32, #tpu.memory_space<vmem>> -> memref<1x4x200xi32, #tpu.memory_space<vmem>>
        %dma_start3A_923 = tpu.memref_squeeze %dma_start3A_922 : memref<1x4x200xi32, #tpu.memory_space<vmem>> -> memref<4x200xi32, #tpu.memory_space<vmem>>
        %dma_start3A_924 = arith.constant 0 : i32
        %dma_start3A_925 = tpu.memref_slice %arg2[%add3A_909, %dma_start3A_924] : memref<16384x200xi32, #tpu.memory_space<hbm>> -> memref<4x200xi32, #tpu.memory_space<hbm>>
        tpu.enqueue_dma source(%dma_start3A_925 : memref<4x200xi32, #tpu.memory_space<hbm>>) target(%dma_start3A_923 : memref<4x200xi32, #tpu.memory_space<vmem>>) target_semaphore(%dma_start3A_919 : memref<!tpu.dma_semaphore, #tpu.memory_space<semaphore_mem>>)
      } else {
      }
      %add3A_621 = arith.constant 3 : i32
      %add3A_622 = arith.addi %add3A_545, %add3A_621 : i32
      %lt3A_623 = arith.constant 128 : i32
      %lt3A_624 = arith.cmpi slt, %add3A_622, %lt3A_623 : i32
      %convert_element_type3A_625 = arith.extui %lt3A_624 : i1 to i32
      %cond3A_626 = arith.constant 0 : i32
      %cond3A_627 = arith.cmpi ne, %convert_element_type3A_625, %cond3A_626 : i32
      scf.if %cond3A_627 {
        %ge3A = arith.constant 1 : i32
        %ge3A_905 = arith.cmpi sge, %add3A_545, %ge3A : i32
        %convert_element_type3A_906 = arith.extui %ge3A_905 : i1 to i32
        %cond3A_907 = arith.constant 0 : i32
        %cond3A_908 = arith.cmpi ne, %convert_element_type3A_906, %cond3A_907 : i32
        scf.if %cond3A_908 {
          %dma_wait3A_995 = arith.constant 0 : i32
          %dma_wait3A_996 = arith.constant 0 : i32
          %dma_wait3A_997 = arith.constant 0 : i32
          %dma_wait3A_998 = arith.constant 0 : i32
          %dma_wait3A_999 = arith.constant 0 : i32
          %dma_wait3A_1000 = tpu.memref_slice %arg6[%dma_wait3A_995, %dma_wait3A_997, %dma_wait3A_998, %dma_wait3A_999] : memref<4x4x200x32xf32, #tpu.memory_space<vmem>> -> memref<1x4x200x32xf32, #tpu.memory_space<vmem>>
          %dma_wait3A_1001 = tpu.memref_squeeze %dma_wait3A_1000 : memref<1x4x200x32xf32, #tpu.memory_space<vmem>> -> memref<4x200x32xf32, #tpu.memory_space<vmem>>
          %dma_wait3A_1002 = arith.constant 0 : i32
          %dma_wait3A_1003 = arith.constant 0 : i32
          %dma_wait3A_1004 = arith.constant 0 : i32
          %dma_wait3A_1005 = tpu.memref_slice %arg4[%dma_wait3A_1002, %dma_wait3A_1003, %dma_wait3A_1004] : memref<16384x200x128xf32, #tpu.memory_space<hbm>> -> memref<4x200x32xf32, #tpu.memory_space<hbm>>
          %dma_wait3A_1006 = tpu.memref_slice %arg9[%dma_wait3A_996] : memref<4x!tpu.dma_semaphore, #tpu.memory_space<semaphore_mem>> -> memref<1x!tpu.dma_semaphore, #tpu.memory_space<semaphore_mem>>
          %dma_wait3A_1007 = tpu.memref_squeeze %dma_wait3A_1006 : memref<1x!tpu.dma_semaphore, #tpu.memory_space<semaphore_mem>> -> memref<!tpu.dma_semaphore, #tpu.memory_space<semaphore_mem>>
          %dma_wait3A_1008 = arith.constant 0 : i32
          %dma_wait3A_1009 = arith.constant 0 : i32
          %dma_wait3A_1010 = arith.constant 0 : i32
          %dma_wait3A_1011 = tpu.memref_slice %arg4[%dma_wait3A_1008, %dma_wait3A_1009, %dma_wait3A_1010] : memref<16384x200x128xf32, #tpu.memory_space<hbm>> -> memref<4x200x32xf32, #tpu.memory_space<hbm>>
          %dma_wait3A_1012 = arith.constant 0 : i32
          %dma_wait3A_1013 = arith.constant 0 : i32
          %dma_wait3A_1014 = arith.constant 0 : i32
          %dma_wait3A_1015 = tpu.memref_slice %arg6[%dma_wait3A_995, %dma_wait3A_1012, %dma_wait3A_1013, %dma_wait3A_1014] : memref<4x4x200x32xf32, #tpu.memory_space<vmem>> -> memref<1x4x200x32xf32, #tpu.memory_space<vmem>>
          %dma_wait3A_1016 = tpu.memref_squeeze %dma_wait3A_1015 : memref<1x4x200x32xf32, #tpu.memory_space<vmem>> -> memref<4x200x32xf32, #tpu.memory_space<vmem>>
          tpu.wait_dma2 semaphore(%dma_wait3A_1007 : memref<!tpu.dma_semaphore, #tpu.memory_space<semaphore_mem>>) src(%dma_wait3A_1016 : memref<4x200x32xf32, #tpu.memory_space<vmem>>) dst(%dma_wait3A_1011 : memref<4x200x32xf32, #tpu.memory_space<hbm>>)
        } else {
        }
        %dma_wait3A_909 = arith.constant 0 : i32
        %dma_wait3A_910 = arith.constant 0 : i32
        %dma_wait3A_911 = arith.constant 0 : i32
        %dma_wait3A_912 = arith.constant 0 : i32
        %dma_wait3A_913 = tpu.memref_slice %arg5[%dma_wait3A_909, %dma_wait3A_911, %dma_wait3A_912] : memref<4x4x200xi32, #tpu.memory_space<vmem>> -> memref<1x4x200xi32, #tpu.memory_space<vmem>>
        %dma_wait3A_914 = tpu.memref_squeeze %dma_wait3A_913 : memref<1x4x200xi32, #tpu.memory_space<vmem>> -> memref<4x200xi32, #tpu.memory_space<vmem>>
        %dma_wait3A_915 = arith.constant 0 : i32
        %dma_wait3A_916 = arith.constant 0 : i32
        %dma_wait3A_917 = tpu.memref_slice %arg2[%dma_wait3A_915, %dma_wait3A_916] : memref<16384x200xi32, #tpu.memory_space<hbm>> -> memref<4x200xi32, #tpu.memory_space<hbm>>
        %dma_wait3A_918 = tpu.memref_slice %arg7[%dma_wait3A_910] : memref<4x!tpu.dma_semaphore, #tpu.memory_space<semaphore_mem>> -> memref<1x!tpu.dma_semaphore, #tpu.memory_space<semaphore_mem>>
        %dma_wait3A_919 = tpu.memref_squeeze %dma_wait3A_918 : memref<1x!tpu.dma_semaphore, #tpu.memory_space<semaphore_mem>> -> memref<!tpu.dma_semaphore, #tpu.memory_space<semaphore_mem>>
        %dma_wait3A_920 = arith.constant 0 : i32
        %dma_wait3A_921 = arith.constant 0 : i32
        %dma_wait3A_922 = tpu.memref_slice %arg5[%dma_wait3A_909, %dma_wait3A_920, %dma_wait3A_921] : memref<4x4x200xi32, #tpu.memory_space<vmem>> -> memref<1x4x200xi32, #tpu.memory_space<vmem>>
        %dma_wait3A_923 = tpu.memref_squeeze %dma_wait3A_922 : memref<1x4x200xi32, #tpu.memory_space<vmem>> -> memref<4x200xi32, #tpu.memory_space<vmem>>
        %dma_wait3A_924 = arith.constant 0 : i32
        %dma_wait3A_925 = arith.constant 0 : i32
        %dma_wait3A_926 = tpu.memref_slice %arg2[%dma_wait3A_924, %dma_wait3A_925] : memref<16384x200xi32, #tpu.memory_space<hbm>> -> memref<4x200xi32, #tpu.memory_space<hbm>>
        tpu.wait_dma2 semaphore(%dma_wait3A_919 : memref<!tpu.dma_semaphore, #tpu.memory_space<semaphore_mem>>) src(%dma_wait3A_926 : memref<4x200xi32, #tpu.memory_space<hbm>>) dst(%dma_wait3A_923 : memref<4x200xi32, #tpu.memory_space<vmem>>)
        %dma_start3A_927 = arith.constant 0 : i32
        %dma_start3A_928 = arith.constant 0 : i32
        %dma_start3A_929 = arith.constant 0 : i32
        %dma_start3A_930 = arith.constant 0 : i32
        %dma_start3A_931 = arith.constant 0 : i32
        %dma_start3A_932 = arith.constant 0 : i32
        %dma_start3A_933 = arith.constant 0 : i32
        %dma_start3A_934 = tpu.memref_slice %arg6[%dma_start3A_929, %dma_start3A_930, %dma_start3A_932, %dma_start3A_933] : memref<4x4x200x32xf32, #tpu.memory_space<vmem>> -> memref<1x1x200x32xf32, #tpu.memory_space<vmem>>
        %dma_start3A_935 = tpu.memref_squeeze %dma_start3A_934 : memref<1x1x200x32xf32, #tpu.memory_space<vmem>> -> memref<200x32xf32, #tpu.memory_space<vmem>>
        %dma_start3A_936 = arith.constant 0 : i32
        %dma_start3A_937 = tpu.memref_slice %arg5[%dma_start3A_927, %dma_start3A_928, %dma_start3A_936] : memref<4x4x200xi32, #tpu.memory_space<vmem>> -> memref<1x1x200xi32, #tpu.memory_space<vmem>>
        %dma_start3A_938 = tpu.memref_squeeze %dma_start3A_937 : memref<1x1x200xi32, #tpu.memory_space<vmem>> -> memref<200xi32, #tpu.memory_space<vmem>>
        %dma_start3A_939 = arith.constant 0 : i32
        %dma_start3A_940 = arith.constant 0 : i32
        %dma_start3A_941 = tpu.memref_slice %arg3[%dma_start3A_939, %dma_start3A_940] : memref<1000000x32xf32, #tpu.memory_space<hbm>> -> memref<1000000x32xf32, #tpu.memory_space<hbm>>
        %dma_start3A_942 = tpu.memref_slice %arg8[%dma_start3A_931] : memref<4x!tpu.dma_semaphore, #tpu.memory_space<semaphore_mem>> -> memref<1x!tpu.dma_semaphore, #tpu.memory_space<semaphore_mem>>
        %dma_start3A_943 = tpu.memref_squeeze %dma_start3A_942 : memref<1x!tpu.dma_semaphore, #tpu.memory_space<semaphore_mem>> -> memref<!tpu.dma_semaphore, #tpu.memory_space<semaphore_mem>>
        tpu.enqueue_indirect_dma source(%dma_start3A_941 : memref<1000000x32xf32, #tpu.memory_space<hbm>>) target(%dma_start3A_935 : memref<200x32xf32, #tpu.memory_space<vmem>>) offsets(%dma_start3A_938 : memref<200xi32, #tpu.memory_space<vmem>>) semaphore(%dma_start3A_943 : memref<!tpu.dma_semaphore, #tpu.memory_space<semaphore_mem>>)
        %dma_start3A_944 = arith.constant 0 : i32
        %dma_start3A_945 = arith.constant 1 : i32
        %dma_start3A_946 = arith.constant 0 : i32
        %dma_start3A_947 = arith.constant 1 : i32
        %dma_start3A_948 = arith.constant 0 : i32
        %dma_start3A_949 = arith.constant 0 : i32
        %dma_start3A_950 = arith.constant 0 : i32
        %dma_start3A_951 = tpu.memref_slice %arg6[%dma_start3A_946, %dma_start3A_947, %dma_start3A_949, %dma_start3A_950] : memref<4x4x200x32xf32, #tpu.memory_space<vmem>> -> memref<1x1x200x32xf32, #tpu.memory_space<vmem>>
        %dma_start3A_952 = tpu.memref_squeeze %dma_start3A_951 : memref<1x1x200x32xf32, #tpu.memory_space<vmem>> -> memref<200x32xf32, #tpu.memory_space<vmem>>
        %dma_start3A_953 = arith.constant 0 : i32
        %dma_start3A_954 = tpu.memref_slice %arg5[%dma_start3A_944, %dma_start3A_945, %dma_start3A_953] : memref<4x4x200xi32, #tpu.memory_space<vmem>> -> memref<1x1x200xi32, #tpu.memory_space<vmem>>
        %dma_start3A_955 = tpu.memref_squeeze %dma_start3A_954 : memref<1x1x200xi32, #tpu.memory_space<vmem>> -> memref<200xi32, #tpu.memory_space<vmem>>
        %dma_start3A_956 = arith.constant 0 : i32
        %dma_start3A_957 = arith.constant 0 : i32
        %dma_start3A_958 = tpu.memref_slice %arg3[%dma_start3A_956, %dma_start3A_957] : memref<1000000x32xf32, #tpu.memory_space<hbm>> -> memref<1000000x32xf32, #tpu.memory_space<hbm>>
        %dma_start3A_959 = tpu.memref_slice %arg8[%dma_start3A_948] : memref<4x!tpu.dma_semaphore, #tpu.memory_space<semaphore_mem>> -> memref<1x!tpu.dma_semaphore, #tpu.memory_space<semaphore_mem>>
        %dma_start3A_960 = tpu.memref_squeeze %dma_start3A_959 : memref<1x!tpu.dma_semaphore, #tpu.memory_space<semaphore_mem>> -> memref<!tpu.dma_semaphore, #tpu.memory_space<semaphore_mem>>
        tpu.enqueue_indirect_dma source(%dma_start3A_958 : memref<1000000x32xf32, #tpu.memory_space<hbm>>) target(%dma_start3A_952 : memref<200x32xf32, #tpu.memory_space<vmem>>) offsets(%dma_start3A_955 : memref<200xi32, #tpu.memory_space<vmem>>) semaphore(%dma_start3A_960 : memref<!tpu.dma_semaphore, #tpu.memory_space<semaphore_mem>>)
        %dma_start3A_961 = arith.constant 0 : i32
        %dma_start3A_962 = arith.constant 2 : i32
        %dma_start3A_963 = arith.constant 0 : i32
        %dma_start3A_964 = arith.constant 2 : i32
        %dma_start3A_965 = arith.constant 0 : i32
        %dma_start3A_966 = arith.constant 0 : i32
        %dma_start3A_967 = arith.constant 0 : i32
        %dma_start3A_968 = tpu.memref_slice %arg6[%dma_start3A_963, %dma_start3A_964, %dma_start3A_966, %dma_start3A_967] : memref<4x4x200x32xf32, #tpu.memory_space<vmem>> -> memref<1x1x200x32xf32, #tpu.memory_space<vmem>>
        %dma_start3A_969 = tpu.memref_squeeze %dma_start3A_968 : memref<1x1x200x32xf32, #tpu.memory_space<vmem>> -> memref<200x32xf32, #tpu.memory_space<vmem>>
        %dma_start3A_970 = arith.constant 0 : i32
        %dma_start3A_971 = tpu.memref_slice %arg5[%dma_start3A_961, %dma_start3A_962, %dma_start3A_970] : memref<4x4x200xi32, #tpu.memory_space<vmem>> -> memref<1x1x200xi32, #tpu.memory_space<vmem>>
        %dma_start3A_972 = tpu.memref_squeeze %dma_start3A_971 : memref<1x1x200xi32, #tpu.memory_space<vmem>> -> memref<200xi32, #tpu.memory_space<vmem>>
        %dma_start3A_973 = arith.constant 0 : i32
        %dma_start3A_974 = arith.constant 0 : i32
        %dma_start3A_975 = tpu.memref_slice %arg3[%dma_start3A_973, %dma_start3A_974] : memref<1000000x32xf32, #tpu.memory_space<hbm>> -> memref<1000000x32xf32, #tpu.memory_space<hbm>>
        %dma_start3A_976 = tpu.memref_slice %arg8[%dma_start3A_965] : memref<4x!tpu.dma_semaphore, #tpu.memory_space<semaphore_mem>> -> memref<1x!tpu.dma_semaphore, #tpu.memory_space<semaphore_mem>>
        %dma_start3A_977 = tpu.memref_squeeze %dma_start3A_976 : memref<1x!tpu.dma_semaphore, #tpu.memory_space<semaphore_mem>> -> memref<!tpu.dma_semaphore, #tpu.memory_space<semaphore_mem>>
        tpu.enqueue_indirect_dma source(%dma_start3A_975 : memref<1000000x32xf32, #tpu.memory_space<hbm>>) target(%dma_start3A_969 : memref<200x32xf32, #tpu.memory_space<vmem>>) offsets(%dma_start3A_972 : memref<200xi32, #tpu.memory_space<vmem>>) semaphore(%dma_start3A_977 : memref<!tpu.dma_semaphore, #tpu.memory_space<semaphore_mem>>)
        %dma_start3A_978 = arith.constant 0 : i32
        %dma_start3A_979 = arith.constant 3 : i32
        %dma_start3A_980 = arith.constant 0 : i32
        %dma_start3A_981 = arith.constant 3 : i32
        %dma_start3A_982 = arith.constant 0 : i32
        %dma_start3A_983 = arith.constant 0 : i32
        %dma_start3A_984 = arith.constant 0 : i32
        %dma_start3A_985 = tpu.memref_slice %arg6[%dma_start3A_980, %dma_start3A_981, %dma_start3A_983, %dma_start3A_984] : memref<4x4x200x32xf32, #tpu.memory_space<vmem>> -> memref<1x1x200x32xf32, #tpu.memory_space<vmem>>
        %dma_start3A_986 = tpu.memref_squeeze %dma_start3A_985 : memref<1x1x200x32xf32, #tpu.memory_space<vmem>> -> memref<200x32xf32, #tpu.memory_space<vmem>>
        %dma_start3A_987 = arith.constant 0 : i32
        %dma_start3A_988 = tpu.memref_slice %arg5[%dma_start3A_978, %dma_start3A_979, %dma_start3A_987] : memref<4x4x200xi32, #tpu.memory_space<vmem>> -> memref<1x1x200xi32, #tpu.memory_space<vmem>>
        %dma_start3A_989 = tpu.memref_squeeze %dma_start3A_988 : memref<1x1x200xi32, #tpu.memory_space<vmem>> -> memref<200xi32, #tpu.memory_space<vmem>>
        %dma_start3A_990 = arith.constant 0 : i32
        %dma_start3A_991 = arith.constant 0 : i32
        %dma_start3A_992 = tpu.memref_slice %arg3[%dma_start3A_990, %dma_start3A_991] : memref<1000000x32xf32, #tpu.memory_space<hbm>> -> memref<1000000x32xf32, #tpu.memory_space<hbm>>
        %dma_start3A_993 = tpu.memref_slice %arg8[%dma_start3A_982] : memref<4x!tpu.dma_semaphore, #tpu.memory_space<semaphore_mem>> -> memref<1x!tpu.dma_semaphore, #tpu.memory_space<semaphore_mem>>
        %dma_start3A_994 = tpu.memref_squeeze %dma_start3A_993 : memref<1x!tpu.dma_semaphore, #tpu.memory_space<semaphore_mem>> -> memref<!tpu.dma_semaphore, #tpu.memory_space<semaphore_mem>>
        tpu.enqueue_indirect_dma source(%dma_start3A_992 : memref<1000000x32xf32, #tpu.memory_space<hbm>>) target(%dma_start3A_986 : memref<200x32xf32, #tpu.memory_space<vmem>>) offsets(%dma_start3A_989 : memref<200xi32, #tpu.memory_space<vmem>>) semaphore(%dma_start3A_994 : memref<!tpu.dma_semaphore, #tpu.memory_space<semaphore_mem>>)
      } else {
      }
      %parallel_loop3A_628 = arith.constant 0 : i32
      %parallel_loop3A_629 = arith.constant 200 : i32
      %parallel_loop3A_630 = arith.constant 1 : i32
      scf.for %parallel_loop3A_905 = %parallel_loop3A_628 to %parallel_loop3A_629 step %parallel_loop3A_630  : i32 {
        %parallel_loop3A_906 = arith.constant 1 : i32
        %parallel_loop3A_907 = arith.constant 0 : i32
        %parallel_loop3A_908 = arith.index_cast %parallel_loop3A_906 : i32 to index
        %parallel_loop3A_909 = arith.index_cast %parallel_loop3A_907 : i32 to index
        %parallel_loop3A_910 = arith.index_cast %parallel_loop3A_905 : i32 to index
        %parallel_loop3A_911 = arith.constant 0 : index
        %parallel_loop3A_912 = tpu.vector_load %arg6[%parallel_loop3A_908, %parallel_loop3A_909, %parallel_loop3A_910, %parallel_loop3A_911] {strides = array<i32>} : memref<4x4x200x32xf32, #tpu.memory_space<vmem>>, vector<1x1x1x16xf32>,
        %parallel_loop3A_913 = vector.shape_cast %parallel_loop3A_912 : vector<1x1x1x16xf32> to vector<16xf32>
        %parallel_loop3A_914 = arith.constant 5.65685415 : f32
        %parallel_loop3A_915 = vector.broadcast %parallel_loop3A_914 : f32 to vector<16xf32>
        %parallel_loop3A_916 = arith.mulf %parallel_loop3A_913, %parallel_loop3A_915 : vector<16xf32>
        %parallel_loop3A_917 = arith.constant 1 : i32
        %parallel_loop3A_918 = arith.constant 0 : i32
        %parallel_loop3A_919 = arith.index_cast %parallel_loop3A_917 : i32 to index
        %parallel_loop3A_920 = arith.index_cast %parallel_loop3A_918 : i32 to index
        %parallel_loop3A_921 = arith.index_cast %parallel_loop3A_905 : i32 to index
        %parallel_loop3A_922 = arith.constant 0 : index
        %parallel_loop3A_923 = tpu.vector_load %arg6[%parallel_loop3A_919, %parallel_loop3A_920, %parallel_loop3A_921, %parallel_loop3A_922] {strides = array<i32>} : memref<4x4x200x32xf32, #tpu.memory_space<vmem>>, vector<1x1x1x16xf32>,
        %parallel_loop3A_924 = vector.shape_cast %parallel_loop3A_923 : vector<1x1x1x16xf32> to vector<16xf32>
        %parallel_loop3A_925 = vector.shape_cast %parallel_loop3A_916 : vector<16xf32> to vector<1x1x1x16xf32>
        tpu.vector_store %arg6[%parallel_loop3A_919, %parallel_loop3A_920, %parallel_loop3A_921, %parallel_loop3A_922], %parallel_loop3A_925 {strides = array<i32>} : memref<4x4x200x32xf32, #tpu.memory_space<vmem>>, vector<1x1x1x16xf32>,
        %parallel_loop3A_926 = arith.constant 1 : i32
        %parallel_loop3A_927 = arith.constant 0 : i32
        %parallel_loop3A_928 = arith.index_cast %parallel_loop3A_926 : i32 to index
        %parallel_loop3A_929 = arith.index_cast %parallel_loop3A_927 : i32 to index
        %parallel_loop3A_930 = arith.index_cast %parallel_loop3A_905 : i32 to index
        %parallel_loop3A_931 = arith.constant 16 : index
        %parallel_loop3A_932 = tpu.vector_load %arg6[%parallel_loop3A_928, %parallel_loop3A_929, %parallel_loop3A_930, %parallel_loop3A_931] {strides = array<i32>} : memref<4x4x200x32xf32, #tpu.memory_space<vmem>>, vector<1x1x1x16xf32>,
        %parallel_loop3A_933 = vector.shape_cast %parallel_loop3A_932 : vector<1x1x1x16xf32> to vector<16xf32>
        %parallel_loop3A_934 = arith.constant 5.65685415 : f32
        %parallel_loop3A_935 = vector.broadcast %parallel_loop3A_934 : f32 to vector<16xf32>
        %parallel_loop3A_936 = arith.mulf %parallel_loop3A_933, %parallel_loop3A_935 : vector<16xf32>
        %parallel_loop3A_937 = arith.constant 1 : i32
        %parallel_loop3A_938 = arith.constant 0 : i32
        %parallel_loop3A_939 = arith.index_cast %parallel_loop3A_937 : i32 to index
        %parallel_loop3A_940 = arith.index_cast %parallel_loop3A_938 : i32 to index
        %parallel_loop3A_941 = arith.index_cast %parallel_loop3A_905 : i32 to index
        %parallel_loop3A_942 = arith.constant 16 : index
        %parallel_loop3A_943 = tpu.vector_load %arg6[%parallel_loop3A_939, %parallel_loop3A_940, %parallel_loop3A_941, %parallel_loop3A_942] {strides = array<i32>} : memref<4x4x200x32xf32, #tpu.memory_space<vmem>>, vector<1x1x1x16xf32>,
        %parallel_loop3A_944 = vector.shape_cast %parallel_loop3A_943 : vector<1x1x1x16xf32> to vector<16xf32>
        %parallel_loop3A_945 = vector.shape_cast %parallel_loop3A_936 : vector<16xf32> to vector<1x1x1x16xf32>
        tpu.vector_store %arg6[%parallel_loop3A_939, %parallel_loop3A_940, %parallel_loop3A_941, %parallel_loop3A_942], %parallel_loop3A_945 {strides = array<i32>} : memref<4x4x200x32xf32, #tpu.memory_space<vmem>>, vector<1x1x1x16xf32>,
      } {sc.loop_unroll_factor = 8 : i64, sc.parallel_access}
      %parallel_loop3A_631 = arith.constant 0 : i32
      %parallel_loop3A_632 = arith.constant 200 : i32
      %parallel_loop3A_633 = arith.constant 1 : i32
      scf.for %parallel_loop3A_905 = %parallel_loop3A_631 to %parallel_loop3A_632 step %parallel_loop3A_633  : i32 {
        %parallel_loop3A_906 = arith.constant 1 : i32
        %parallel_loop3A_907 = arith.constant 1 : i32
        %parallel_loop3A_908 = arith.index_cast %parallel_loop3A_906 : i32 to index
        %parallel_loop3A_909 = arith.index_cast %parallel_loop3A_907 : i32 to index
        %parallel_loop3A_910 = arith.index_cast %parallel_loop3A_905 : i32 to index
        %parallel_loop3A_911 = arith.constant 0 : index
        %parallel_loop3A_912 = tpu.vector_load %arg6[%parallel_loop3A_908, %parallel_loop3A_909, %parallel_loop3A_910, %parallel_loop3A_911] {strides = array<i32>} : memref<4x4x200x32xf32, #tpu.memory_space<vmem>>, vector<1x1x1x16xf32>,
        %parallel_loop3A_913 = vector.shape_cast %parallel_loop3A_912 : vector<1x1x1x16xf32> to vector<16xf32>
        %parallel_loop3A_914 = arith.constant 5.65685415 : f32
        %parallel_loop3A_915 = vector.broadcast %parallel_loop3A_914 : f32 to vector<16xf32>
        %parallel_loop3A_916 = arith.mulf %parallel_loop3A_913, %parallel_loop3A_915 : vector<16xf32>
        %parallel_loop3A_917 = arith.constant 1 : i32
        %parallel_loop3A_918 = arith.constant 1 : i32
        %parallel_loop3A_919 = arith.index_cast %parallel_loop3A_917 : i32 to index
        %parallel_loop3A_920 = arith.index_cast %parallel_loop3A_918 : i32 to index
        %parallel_loop3A_921 = arith.index_cast %parallel_loop3A_905 : i32 to index
        %parallel_loop3A_922 = arith.constant 0 : index
        %parallel_loop3A_923 = tpu.vector_load %arg6[%parallel_loop3A_919, %parallel_loop3A_920, %parallel_loop3A_921, %parallel_loop3A_922] {strides = array<i32>} : memref<4x4x200x32xf32, #tpu.memory_space<vmem>>, vector<1x1x1x16xf32>,
        %parallel_loop3A_924 = vector.shape_cast %parallel_loop3A_923 : vector<1x1x1x16xf32> to vector<16xf32>
        %parallel_loop3A_925 = vector.shape_cast %parallel_loop3A_916 : vector<16xf32> to vector<1x1x1x16xf32>
        tpu.vector_store %arg6[%parallel_loop3A_919, %parallel_loop3A_920, %parallel_loop3A_921, %parallel_loop3A_922], %parallel_loop3A_925 {strides = array<i32>} : memref<4x4x200x32xf32, #tpu.memory_space<vmem>>, vector<1x1x1x16xf32>,
        %parallel_loop3A_926 = arith.constant 1 : i32
        %parallel_loop3A_927 = arith.constant 1 : i32
        %parallel_loop3A_928 = arith.index_cast %parallel_loop3A_926 : i32 to index
        %parallel_loop3A_929 = arith.index_cast %parallel_loop3A_927 : i32 to index
        %parallel_loop3A_930 = arith.index_cast %parallel_loop3A_905 : i32 to index
        %parallel_loop3A_931 = arith.constant 16 : index
        %parallel_loop3A_932 = tpu.vector_load %arg6[%parallel_loop3A_928, %parallel_loop3A_929, %parallel_loop3A_930, %parallel_loop3A_931] {strides = array<i32>} : memref<4x4x200x32xf32, #tpu.memory_space<vmem>>, vector<1x1x1x16xf32>,
        %parallel_loop3A_933 = vector.shape_cast %parallel_loop3A_932 : vector<1x1x1x16xf32> to vector<16xf32>
        %parallel_loop3A_934 = arith.constant 5.65685415 : f32
        %parallel_loop3A_935 = vector.broadcast %parallel_loop3A_934 : f32 to vector<16xf32>
        %parallel_loop3A_936 = arith.mulf %parallel_loop3A_933, %parallel_loop3A_935 : vector<16xf32>
        %parallel_loop3A_937 = arith.constant 1 : i32
        %parallel_loop3A_938 = arith.constant 1 : i32
        %parallel_loop3A_939 = arith.index_cast %parallel_loop3A_937 : i32 to index
        %parallel_loop3A_940 = arith.index_cast %parallel_loop3A_938 : i32 to index
        %parallel_loop3A_941 = arith.index_cast %parallel_loop3A_905 : i32 to index
        %parallel_loop3A_942 = arith.constant 16 : index
        %parallel_loop3A_943 = tpu.vector_load %arg6[%parallel_loop3A_939, %parallel_loop3A_940, %parallel_loop3A_941, %parallel_loop3A_942] {strides = array<i32>} : memref<4x4x200x32xf32, #tpu.memory_space<vmem>>, vector<1x1x1x16xf32>,
        %parallel_loop3A_944 = vector.shape_cast %parallel_loop3A_943 : vector<1x1x1x16xf32> to vector<16xf32>
        %parallel_loop3A_945 = vector.shape_cast %parallel_loop3A_936 : vector<16xf32> to vector<1x1x1x16xf32>
        tpu.vector_store %arg6[%parallel_loop3A_939, %parallel_loop3A_940, %parallel_loop3A_941, %parallel_loop3A_942], %parallel_loop3A_945 {strides = array<i32>} : memref<4x4x200x32xf32, #tpu.memory_space<vmem>>, vector<1x1x1x16xf32>,
      } {sc.loop_unroll_factor = 8 : i64, sc.parallel_access}
      %parallel_loop3A_634 = arith.constant 0 : i32
      %parallel_loop3A_635 = arith.constant 200 : i32
      %parallel_loop3A_636 = arith.constant 1 : i32
      scf.for %parallel_loop3A_905 = %parallel_loop3A_634 to %parallel_loop3A_635 step %parallel_loop3A_636  : i32 {
        %parallel_loop3A_906 = arith.constant 1 : i32
        %parallel_loop3A_907 = arith.constant 2 : i32
        %parallel_loop3A_908 = arith.index_cast %parallel_loop3A_906 : i32 to index
        %parallel_loop3A_909 = arith.index_cast %parallel_loop3A_907 : i32 to index
        %parallel_loop3A_910 = arith.index_cast %parallel_loop3A_905 : i32 to index
        %parallel_loop3A_911 = arith.constant 0 : index
        %parallel_loop3A_912 = tpu.vector_load %arg6[%parallel_loop3A_908, %parallel_loop3A_909, %parallel_loop3A_910, %parallel_loop3A_911] {strides = array<i32>} : memref<4x4x200x32xf32, #tpu.memory_space<vmem>>, vector<1x1x1x16xf32>,
        %parallel_loop3A_913 = vector.shape_cast %parallel_loop3A_912 : vector<1x1x1x16xf32> to vector<16xf32>
        %parallel_loop3A_914 = arith.constant 5.65685415 : f32
        %parallel_loop3A_915 = vector.broadcast %parallel_loop3A_914 : f32 to vector<16xf32>
        %parallel_loop3A_916 = arith.mulf %parallel_loop3A_913, %parallel_loop3A_915 : vector<16xf32>
        %parallel_loop3A_917 = arith.constant 1 : i32
        %parallel_loop3A_918 = arith.constant 2 : i32
        %parallel_loop3A_919 = arith.index_cast %parallel_loop3A_917 : i32 to index
        %parallel_loop3A_920 = arith.index_cast %parallel_loop3A_918 : i32 to index
        %parallel_loop3A_921 = arith.index_cast %parallel_loop3A_905 : i32 to index
        %parallel_loop3A_922 = arith.constant 0 : index
        %parallel_loop3A_923 = tpu.vector_load %arg6[%parallel_loop3A_919, %parallel_loop3A_920, %parallel_loop3A_921, %parallel_loop3A_922] {strides = array<i32>} : memref<4x4x200x32xf32, #tpu.memory_space<vmem>>, vector<1x1x1x16xf32>,
        %parallel_loop3A_924 = vector.shape_cast %parallel_loop3A_923 : vector<1x1x1x16xf32> to vector<16xf32>
        %parallel_loop3A_925 = vector.shape_cast %parallel_loop3A_916 : vector<16xf32> to vector<1x1x1x16xf32>
        tpu.vector_store %arg6[%parallel_loop3A_919, %parallel_loop3A_920, %parallel_loop3A_921, %parallel_loop3A_922], %parallel_loop3A_925 {strides = array<i32>} : memref<4x4x200x32xf32, #tpu.memory_space<vmem>>, vector<1x1x1x16xf32>,
        %parallel_loop3A_926 = arith.constant 1 : i32
        %parallel_loop3A_927 = arith.constant 2 : i32
        %parallel_loop3A_928 = arith.index_cast %parallel_loop3A_926 : i32 to index
        %parallel_loop3A_929 = arith.index_cast %parallel_loop3A_927 : i32 to index
        %parallel_loop3A_930 = arith.index_cast %parallel_loop3A_905 : i32 to index
        %parallel_loop3A_931 = arith.constant 16 : index
        %parallel_loop3A_932 = tpu.vector_load %arg6[%parallel_loop3A_928, %parallel_loop3A_929, %parallel_loop3A_930, %parallel_loop3A_931] {strides = array<i32>} : memref<4x4x200x32xf32, #tpu.memory_space<vmem>>, vector<1x1x1x16xf32>,
        %parallel_loop3A_933 = vector.shape_cast %parallel_loop3A_932 : vector<1x1x1x16xf32> to vector<16xf32>
        %parallel_loop3A_934 = arith.constant 5.65685415 : f32
        %parallel_loop3A_935 = vector.broadcast %parallel_loop3A_934 : f32 to vector<16xf32>
        %parallel_loop3A_936 = arith.mulf %parallel_loop3A_933, %parallel_loop3A_935 : vector<16xf32>
        %parallel_loop3A_937 = arith.constant 1 : i32
        %parallel_loop3A_938 = arith.constant 2 : i32
        %parallel_loop3A_939 = arith.index_cast %parallel_loop3A_937 : i32 to index
        %parallel_loop3A_940 = arith.index_cast %parallel_loop3A_938 : i32 to index
        %parallel_loop3A_941 = arith.index_cast %parallel_loop3A_905 : i32 to index
        %parallel_loop3A_942 = arith.constant 16 : index
        %parallel_loop3A_943 = tpu.vector_load %arg6[%parallel_loop3A_939, %parallel_loop3A_940, %parallel_loop3A_941, %parallel_loop3A_942] {strides = array<i32>} : memref<4x4x200x32xf32, #tpu.memory_space<vmem>>, vector<1x1x1x16xf32>,
        %parallel_loop3A_944 = vector.shape_cast %parallel_loop3A_943 : vector<1x1x1x16xf32> to vector<16xf32>
        %parallel_loop3A_945 = vector.shape_cast %parallel_loop3A_936 : vector<16xf32> to vector<1x1x1x16xf32>
        tpu.vector_store %arg6[%parallel_loop3A_939, %parallel_loop3A_940, %parallel_loop3A_941, %parallel_loop3A_942], %parallel_loop3A_945 {strides = array<i32>} : memref<4x4x200x32xf32, #tpu.memory_space<vmem>>, vector<1x1x1x16xf32>,
      } {sc.loop_unroll_factor = 8 : i64, sc.parallel_access}
      %parallel_loop3A_637 = arith.constant 0 : i32
      %parallel_loop3A_638 = arith.constant 200 : i32
      %parallel_loop3A_639 = arith.constant 1 : i32
      scf.for %parallel_loop3A_905 = %parallel_loop3A_637 to %parallel_loop3A_638 step %parallel_loop3A_639  : i32 {
        %parallel_loop3A_906 = arith.constant 1 : i32
        %parallel_loop3A_907 = arith.constant 3 : i32
        %parallel_loop3A_908 = arith.index_cast %parallel_loop3A_906 : i32 to index
        %parallel_loop3A_909 = arith.index_cast %parallel_loop3A_907 : i32 to index
        %parallel_loop3A_910 = arith.index_cast %parallel_loop3A_905 : i32 to index
        %parallel_loop3A_911 = arith.constant 0 : index
        %parallel_loop3A_912 = tpu.vector_load %arg6[%parallel_loop3A_908, %parallel_loop3A_909, %parallel_loop3A_910, %parallel_loop3A_911] {strides = array<i32>} : memref<4x4x200x32xf32, #tpu.memory_space<vmem>>, vector<1x1x1x16xf32>,
        %parallel_loop3A_913 = vector.shape_cast %parallel_loop3A_912 : vector<1x1x1x16xf32> to vector<16xf32>
        %parallel_loop3A_914 = arith.constant 5.65685415 : f32
        %parallel_loop3A_915 = vector.broadcast %parallel_loop3A_914 : f32 to vector<16xf32>
        %parallel_loop3A_916 = arith.mulf %parallel_loop3A_913, %parallel_loop3A_915 : vector<16xf32>
        %parallel_loop3A_917 = arith.constant 1 : i32
        %parallel_loop3A_918 = arith.constant 3 : i32
        %parallel_loop3A_919 = arith.index_cast %parallel_loop3A_917 : i32 to index
        %parallel_loop3A_920 = arith.index_cast %parallel_loop3A_918 : i32 to index
        %parallel_loop3A_921 = arith.index_cast %parallel_loop3A_905 : i32 to index
        %parallel_loop3A_922 = arith.constant 0 : index
        %parallel_loop3A_923 = tpu.vector_load %arg6[%parallel_loop3A_919, %parallel_loop3A_920, %parallel_loop3A_921, %parallel_loop3A_922] {strides = array<i32>} : memref<4x4x200x32xf32, #tpu.memory_space<vmem>>, vector<1x1x1x16xf32>,
        %parallel_loop3A_924 = vector.shape_cast %parallel_loop3A_923 : vector<1x1x1x16xf32> to vector<16xf32>
        %parallel_loop3A_925 = vector.shape_cast %parallel_loop3A_916 : vector<16xf32> to vector<1x1x1x16xf32>
        tpu.vector_store %arg6[%parallel_loop3A_919, %parallel_loop3A_920, %parallel_loop3A_921, %parallel_loop3A_922], %parallel_loop3A_925 {strides = array<i32>} : memref<4x4x200x32xf32, #tpu.memory_space<vmem>>, vector<1x1x1x16xf32>,
        %parallel_loop3A_926 = arith.constant 1 : i32
        %parallel_loop3A_927 = arith.constant 3 : i32
        %parallel_loop3A_928 = arith.index_cast %parallel_loop3A_926 : i32 to index
        %parallel_loop3A_929 = arith.index_cast %parallel_loop3A_927 : i32 to index
        %parallel_loop3A_930 = arith.index_cast %parallel_loop3A_905 : i32 to index
        %parallel_loop3A_931 = arith.constant 16 : index
        %parallel_loop3A_932 = tpu.vector_load %arg6[%parallel_loop3A_928, %parallel_loop3A_929, %parallel_loop3A_930, %parallel_loop3A_931] {strides = array<i32>} : memref<4x4x200x32xf32, #tpu.memory_space<vmem>>, vector<1x1x1x16xf32>,
        %parallel_loop3A_933 = vector.shape_cast %parallel_loop3A_932 : vector<1x1x1x16xf32> to vector<16xf32>
        %parallel_loop3A_934 = arith.constant 5.65685415 : f32
        %parallel_loop3A_935 = vector.broadcast %parallel_loop3A_934 : f32 to vector<16xf32>
        %parallel_loop3A_936 = arith.mulf %parallel_loop3A_933, %parallel_loop3A_935 : vector<16xf32>
        %parallel_loop3A_937 = arith.constant 1 : i32
        %parallel_loop3A_938 = arith.constant 3 : i32
        %parallel_loop3A_939 = arith.index_cast %parallel_loop3A_937 : i32 to index
        %parallel_loop3A_940 = arith.index_cast %parallel_loop3A_938 : i32 to index
        %parallel_loop3A_941 = arith.index_cast %parallel_loop3A_905 : i32 to index
        %parallel_loop3A_942 = arith.constant 16 : index
        %parallel_loop3A_943 = tpu.vector_load %arg6[%parallel_loop3A_939, %parallel_loop3A_940, %parallel_loop3A_941, %parallel_loop3A_942] {strides = array<i32>} : memref<4x4x200x32xf32, #tpu.memory_space<vmem>>, vector<1x1x1x16xf32>,
        %parallel_loop3A_944 = vector.shape_cast %parallel_loop3A_943 : vector<1x1x1x16xf32> to vector<16xf32>
        %parallel_loop3A_945 = vector.shape_cast %parallel_loop3A_936 : vector<16xf32> to vector<1x1x1x16xf32>
        tpu.vector_store %arg6[%parallel_loop3A_939, %parallel_loop3A_940, %parallel_loop3A_941, %parallel_loop3A_942], %parallel_loop3A_945 {strides = array<i32>} : memref<4x4x200x32xf32, #tpu.memory_space<vmem>>, vector<1x1x1x16xf32>,
      } {sc.loop_unroll_factor = 8 : i64, sc.parallel_access}
      %mul3A_640 = arith.constant 4 : i32
      %mul3A_641 = arith.muli %add3A_545, %mul3A_640 : i32
      %add3A_642 = arith.addi %mul3A_2, %mul3A_641 : i32
      %dma_start3A_643 = arith.constant 1 : i32
      %dma_start3A_644 = arith.constant 1 : i32
      %dma_start3A_645 = arith.constant 0 : i32
      %dma_start3A_646 = arith.constant 0 : i32
      %dma_start3A_647 = arith.constant 0 : i32
      %dma_start3A_648 = tpu.memref_slice %arg6[%dma_start3A_643, %dma_start3A_645, %dma_start3A_646, %dma_start3A_647] : memref<4x4x200x32xf32, #tpu.memory_space<vmem>> -> memref<1x4x200x32xf32, #tpu.memory_space<vmem>>
      %dma_start3A_649 = tpu.memref_squeeze %dma_start3A_648 : memref<1x4x200x32xf32, #tpu.memory_space<vmem>> -> memref<4x200x32xf32, #tpu.memory_space<vmem>>
      %dma_start3A_650 = arith.constant 0 : i32
      %dma_start3A_651 = arith.constant 0 : i32
      %dma_start3A_652 = tpu.memref_slice %arg4[%add3A_642, %dma_start3A_650, %dma_start3A_651] : memref<16384x200x128xf32, #tpu.memory_space<hbm>> -> memref<4x200x32xf32, #tpu.memory_space<hbm>>
      %dma_start3A_653 = tpu.memref_slice %arg9[%dma_start3A_644] : memref<4x!tpu.dma_semaphore, #tpu.memory_space<semaphore_mem>> -> memref<1x!tpu.dma_semaphore, #tpu.memory_space<semaphore_mem>>
      %dma_start3A_654 = tpu.memref_squeeze %dma_start3A_653 : memref<1x!tpu.dma_semaphore, #tpu.memory_space<semaphore_mem>> -> memref<!tpu.dma_semaphore, #tpu.memory_space<semaphore_mem>>
      %dma_start3A_655 = arith.constant 0 : i32
      %dma_start3A_656 = arith.constant 0 : i32
      %dma_start3A_657 = tpu.memref_slice %arg4[%add3A_642, %dma_start3A_655, %dma_start3A_656] : memref<16384x200x128xf32, #tpu.memory_space<hbm>> -> memref<4x200x32xf32, #tpu.memory_space<hbm>>
      %dma_start3A_658 = arith.constant 0 : i32
      %dma_start3A_659 = arith.constant 0 : i32
      %dma_start3A_660 = arith.constant 0 : i32
      %dma_start3A_661 = tpu.memref_slice %arg6[%dma_start3A_643, %dma_start3A_658, %dma_start3A_659, %dma_start3A_660] : memref<4x4x200x32xf32, #tpu.memory_space<vmem>> -> memref<1x4x200x32xf32, #tpu.memory_space<vmem>>
      %dma_start3A_662 = tpu.memref_squeeze %dma_start3A_661 : memref<1x4x200x32xf32, #tpu.memory_space<vmem>> -> memref<4x200x32xf32, #tpu.memory_space<vmem>>
      tpu.enqueue_dma source(%dma_start3A_662 : memref<4x200x32xf32, #tpu.memory_space<vmem>>) target(%dma_start3A_657 : memref<4x200x32xf32, #tpu.memory_space<hbm>>) target_semaphore(%dma_start3A_654 : memref<!tpu.dma_semaphore, #tpu.memory_space<semaphore_mem>>)
      %mul3A_663 = arith.constant 4 : i32
      %mul3A_664 = arith.muli %mul3A_663, %scan3A_424 : i32
      %add3A_665 = arith.constant 2 : i32
      %add3A_666 = arith.addi %mul3A_664, %add3A_665 : i32
      %dma_wait3A_667 = arith.constant 2 : i32
      %dma_wait3A_668 = arith.constant 0 : i32
      %dma_wait3A_669 = arith.constant 2 : i32
      %dma_wait3A_670 = arith.constant 0 : i32
      %dma_wait3A_671 = arith.constant 2 : i32
      %dma_wait3A_672 = arith.constant 0 : i32
      %dma_wait3A_673 = arith.constant 0 : i32
      %dma_wait3A_674 = tpu.memref_slice %arg6[%dma_wait3A_669, %dma_wait3A_670, %dma_wait3A_672, %dma_wait3A_673] : memref<4x4x200x32xf32, #tpu.memory_space<vmem>> -> memref<1x1x200x32xf32, #tpu.memory_space<vmem>>
      %dma_wait3A_675 = tpu.memref_squeeze %dma_wait3A_674 : memref<1x1x200x32xf32, #tpu.memory_space<vmem>> -> memref<200x32xf32, #tpu.memory_space<vmem>>
      %dma_wait3A_676 = arith.constant 0 : i32
      %dma_wait3A_677 = tpu.memref_slice %arg5[%dma_wait3A_667, %dma_wait3A_668, %dma_wait3A_676] : memref<4x4x200xi32, #tpu.memory_space<vmem>> -> memref<1x1x200xi32, #tpu.memory_space<vmem>>
      %dma_wait3A_678 = tpu.memref_squeeze %dma_wait3A_677 : memref<1x1x200xi32, #tpu.memory_space<vmem>> -> memref<200xi32, #tpu.memory_space<vmem>>
      %dma_wait3A_679 = arith.constant 0 : i32
      %dma_wait3A_680 = arith.constant 0 : i32
      %dma_wait3A_681 = tpu.memref_slice %arg3[%dma_wait3A_679, %dma_wait3A_680] : memref<1000000x32xf32, #tpu.memory_space<hbm>> -> memref<1000000x32xf32, #tpu.memory_space<hbm>>
      %dma_wait3A_682 = tpu.memref_slice %arg8[%dma_wait3A_671] : memref<4x!tpu.dma_semaphore, #tpu.memory_space<semaphore_mem>> -> memref<1x!tpu.dma_semaphore, #tpu.memory_space<semaphore_mem>>
      %dma_wait3A_683 = tpu.memref_squeeze %dma_wait3A_682 : memref<1x!tpu.dma_semaphore, #tpu.memory_space<semaphore_mem>> -> memref<!tpu.dma_semaphore, #tpu.memory_space<semaphore_mem>>
      tpu.wait_indirect_dma semaphore(%dma_wait3A_683 : memref<!tpu.dma_semaphore, #tpu.memory_space<semaphore_mem>>) src(%dma_wait3A_681 : memref<1000000x32xf32, #tpu.memory_space<hbm>>) dst(%dma_wait3A_675 : memref<200x32xf32, #tpu.memory_space<vmem>>)
      %dma_wait3A_684 = arith.constant 2 : i32
      %dma_wait3A_685 = arith.constant 1 : i32
      %dma_wait3A_686 = arith.constant 2 : i32
      %dma_wait3A_687 = arith.constant 1 : i32
      %dma_wait3A_688 = arith.constant 2 : i32
      %dma_wait3A_689 = arith.constant 0 : i32
      %dma_wait3A_690 = arith.constant 0 : i32
      %dma_wait3A_691 = tpu.memref_slice %arg6[%dma_wait3A_686, %dma_wait3A_687, %dma_wait3A_689, %dma_wait3A_690] : memref<4x4x200x32xf32, #tpu.memory_space<vmem>> -> memref<1x1x200x32xf32, #tpu.memory_space<vmem>>
      %dma_wait3A_692 = tpu.memref_squeeze %dma_wait3A_691 : memref<1x1x200x32xf32, #tpu.memory_space<vmem>> -> memref<200x32xf32, #tpu.memory_space<vmem>>
      %dma_wait3A_693 = arith.constant 0 : i32
      %dma_wait3A_694 = tpu.memref_slice %arg5[%dma_wait3A_684, %dma_wait3A_685, %dma_wait3A_693] : memref<4x4x200xi32, #tpu.memory_space<vmem>> -> memref<1x1x200xi32, #tpu.memory_space<vmem>>
      %dma_wait3A_695 = tpu.memref_squeeze %dma_wait3A_694 : memref<1x1x200xi32, #tpu.memory_space<vmem>> -> memref<200xi32, #tpu.memory_space<vmem>>
      %dma_wait3A_696 = arith.constant 0 : i32
      %dma_wait3A_697 = arith.constant 0 : i32
      %dma_wait3A_698 = tpu.memref_slice %arg3[%dma_wait3A_696, %dma_wait3A_697] : memref<1000000x32xf32, #tpu.memory_space<hbm>> -> memref<1000000x32xf32, #tpu.memory_space<hbm>>
      %dma_wait3A_699 = tpu.memref_slice %arg8[%dma_wait3A_688] : memref<4x!tpu.dma_semaphore, #tpu.memory_space<semaphore_mem>> -> memref<1x!tpu.dma_semaphore, #tpu.memory_space<semaphore_mem>>
      %dma_wait3A_700 = tpu.memref_squeeze %dma_wait3A_699 : memref<1x!tpu.dma_semaphore, #tpu.memory_space<semaphore_mem>> -> memref<!tpu.dma_semaphore, #tpu.memory_space<semaphore_mem>>
      tpu.wait_indirect_dma semaphore(%dma_wait3A_700 : memref<!tpu.dma_semaphore, #tpu.memory_space<semaphore_mem>>) src(%dma_wait3A_698 : memref<1000000x32xf32, #tpu.memory_space<hbm>>) dst(%dma_wait3A_692 : memref<200x32xf32, #tpu.memory_space<vmem>>)
      %dma_wait3A_701 = arith.constant 2 : i32
      %dma_wait3A_702 = arith.constant 2 : i32
      %dma_wait3A_703 = arith.constant 2 : i32
      %dma_wait3A_704 = arith.constant 2 : i32
      %dma_wait3A_705 = arith.constant 2 : i32
      %dma_wait3A_706 = arith.constant 0 : i32
      %dma_wait3A_707 = arith.constant 0 : i32
      %dma_wait3A_708 = tpu.memref_slice %arg6[%dma_wait3A_703, %dma_wait3A_704, %dma_wait3A_706, %dma_wait3A_707] : memref<4x4x200x32xf32, #tpu.memory_space<vmem>> -> memref<1x1x200x32xf32, #tpu.memory_space<vmem>>
      %dma_wait3A_709 = tpu.memref_squeeze %dma_wait3A_708 : memref<1x1x200x32xf32, #tpu.memory_space<vmem>> -> memref<200x32xf32, #tpu.memory_space<vmem>>
      %dma_wait3A_710 = arith.constant 0 : i32
      %dma_wait3A_711 = tpu.memref_slice %arg5[%dma_wait3A_701, %dma_wait3A_702, %dma_wait3A_710] : memref<4x4x200xi32, #tpu.memory_space<vmem>> -> memref<1x1x200xi32, #tpu.memory_space<vmem>>
      %dma_wait3A_712 = tpu.memref_squeeze %dma_wait3A_711 : memref<1x1x200xi32, #tpu.memory_space<vmem>> -> memref<200xi32, #tpu.memory_space<vmem>>
      %dma_wait3A_713 = arith.constant 0 : i32
      %dma_wait3A_714 = arith.constant 0 : i32
      %dma_wait3A_715 = tpu.memref_slice %arg3[%dma_wait3A_713, %dma_wait3A_714] : memref<1000000x32xf32, #tpu.memory_space<hbm>> -> memref<1000000x32xf32, #tpu.memory_space<hbm>>
      %dma_wait3A_716 = tpu.memref_slice %arg8[%dma_wait3A_705] : memref<4x!tpu.dma_semaphore, #tpu.memory_space<semaphore_mem>> -> memref<1x!tpu.dma_semaphore, #tpu.memory_space<semaphore_mem>>
      %dma_wait3A_717 = tpu.memref_squeeze %dma_wait3A_716 : memref<1x!tpu.dma_semaphore, #tpu.memory_space<semaphore_mem>> -> memref<!tpu.dma_semaphore, #tpu.memory_space<semaphore_mem>>
      tpu.wait_indirect_dma semaphore(%dma_wait3A_717 : memref<!tpu.dma_semaphore, #tpu.memory_space<semaphore_mem>>) src(%dma_wait3A_715 : memref<1000000x32xf32, #tpu.memory_space<hbm>>) dst(%dma_wait3A_709 : memref<200x32xf32, #tpu.memory_space<vmem>>)
      %dma_wait3A_718 = arith.constant 2 : i32
      %dma_wait3A_719 = arith.constant 3 : i32
      %dma_wait3A_720 = arith.constant 2 : i32
      %dma_wait3A_721 = arith.constant 3 : i32
      %dma_wait3A_722 = arith.constant 2 : i32
      %dma_wait3A_723 = arith.constant 0 : i32
      %dma_wait3A_724 = arith.constant 0 : i32
      %dma_wait3A_725 = tpu.memref_slice %arg6[%dma_wait3A_720, %dma_wait3A_721, %dma_wait3A_723, %dma_wait3A_724] : memref<4x4x200x32xf32, #tpu.memory_space<vmem>> -> memref<1x1x200x32xf32, #tpu.memory_space<vmem>>
      %dma_wait3A_726 = tpu.memref_squeeze %dma_wait3A_725 : memref<1x1x200x32xf32, #tpu.memory_space<vmem>> -> memref<200x32xf32, #tpu.memory_space<vmem>>
      %dma_wait3A_727 = arith.constant 0 : i32
      %dma_wait3A_728 = tpu.memref_slice %arg5[%dma_wait3A_718, %dma_wait3A_719, %dma_wait3A_727] : memref<4x4x200xi32, #tpu.memory_space<vmem>> -> memref<1x1x200xi32, #tpu.memory_space<vmem>>
      %dma_wait3A_729 = tpu.memref_squeeze %dma_wait3A_728 : memref<1x1x200xi32, #tpu.memory_space<vmem>> -> memref<200xi32, #tpu.memory_space<vmem>>
      %dma_wait3A_730 = arith.constant 0 : i32
      %dma_wait3A_731 = arith.constant 0 : i32
      %dma_wait3A_732 = tpu.memref_slice %arg3[%dma_wait3A_730, %dma_wait3A_731] : memref<1000000x32xf32, #tpu.memory_space<hbm>> -> memref<1000000x32xf32, #tpu.memory_space<hbm>>
      %dma_wait3A_733 = tpu.memref_slice %arg8[%dma_wait3A_722] : memref<4x!tpu.dma_semaphore, #tpu.memory_space<semaphore_mem>> -> memref<1x!tpu.dma_semaphore, #tpu.memory_space<semaphore_mem>>
      %dma_wait3A_734 = tpu.memref_squeeze %dma_wait3A_733 : memref<1x!tpu.dma_semaphore, #tpu.memory_space<semaphore_mem>> -> memref<!tpu.dma_semaphore, #tpu.memory_space<semaphore_mem>>
      tpu.wait_indirect_dma semaphore(%dma_wait3A_734 : memref<!tpu.dma_semaphore, #tpu.memory_space<semaphore_mem>>) src(%dma_wait3A_732 : memref<1000000x32xf32, #tpu.memory_space<hbm>>) dst(%dma_wait3A_726 : memref<200x32xf32, #tpu.memory_space<vmem>>)
      %add3A_735 = arith.constant 4 : i32
      %add3A_736 = arith.addi %add3A_666, %add3A_735 : i32
      %lt3A_737 = arith.constant 128 : i32
      %lt3A_738 = arith.cmpi slt, %add3A_736, %lt3A_737 : i32
      %convert_element_type3A_739 = arith.extui %lt3A_738 : i1 to i32
      %cond3A_740 = arith.constant 0 : i32
      %cond3A_741 = arith.cmpi ne, %convert_element_type3A_739, %cond3A_740 : i32
      scf.if %cond3A_741 {
        %add3A_905 = arith.constant 4 : i32
        %add3A_906 = arith.addi %add3A_666, %add3A_905 : i32
        %mul3A_907 = arith.constant 4 : i32
        %mul3A_908 = arith.muli %add3A_906, %mul3A_907 : i32
        %add3A_909 = arith.addi %mul3A_2, %mul3A_908 : i32
        %dma_start3A_910 = arith.constant 2 : i32
        %dma_start3A_911 = arith.constant 2 : i32
        %dma_start3A_912 = arith.constant 0 : i32
        %dma_start3A_913 = arith.constant 0 : i32
        %dma_start3A_914 = tpu.memref_slice %arg5[%dma_start3A_910, %dma_start3A_912, %dma_start3A_913] : memref<4x4x200xi32, #tpu.memory_space<vmem>> -> memref<1x4x200xi32, #tpu.memory_space<vmem>>
        %dma_start3A_915 = tpu.memref_squeeze %dma_start3A_914 : memref<1x4x200xi32, #tpu.memory_space<vmem>> -> memref<4x200xi32, #tpu.memory_space<vmem>>
        %dma_start3A_916 = arith.constant 0 : i32
        %dma_start3A_917 = tpu.memref_slice %arg2[%add3A_909, %dma_start3A_916] : memref<16384x200xi32, #tpu.memory_space<hbm>> -> memref<4x200xi32, #tpu.memory_space<hbm>>
        %dma_start3A_918 = tpu.memref_slice %arg7[%dma_start3A_911] : memref<4x!tpu.dma_semaphore, #tpu.memory_space<semaphore_mem>> -> memref<1x!tpu.dma_semaphore, #tpu.memory_space<semaphore_mem>>
        %dma_start3A_919 = tpu.memref_squeeze %dma_start3A_918 : memref<1x!tpu.dma_semaphore, #tpu.memory_space<semaphore_mem>> -> memref<!tpu.dma_semaphore, #tpu.memory_space<semaphore_mem>>
        %dma_start3A_920 = arith.constant 0 : i32
        %dma_start3A_921 = arith.constant 0 : i32
        %dma_start3A_922 = tpu.memref_slice %arg5[%dma_start3A_910, %dma_start3A_920, %dma_start3A_921] : memref<4x4x200xi32, #tpu.memory_space<vmem>> -> memref<1x4x200xi32, #tpu.memory_space<vmem>>
        %dma_start3A_923 = tpu.memref_squeeze %dma_start3A_922 : memref<1x4x200xi32, #tpu.memory_space<vmem>> -> memref<4x200xi32, #tpu.memory_space<vmem>>
        %dma_start3A_924 = arith.constant 0 : i32
        %dma_start3A_925 = tpu.memref_slice %arg2[%add3A_909, %dma_start3A_924] : memref<16384x200xi32, #tpu.memory_space<hbm>> -> memref<4x200xi32, #tpu.memory_space<hbm>>
        tpu.enqueue_dma source(%dma_start3A_925 : memref<4x200xi32, #tpu.memory_space<hbm>>) target(%dma_start3A_923 : memref<4x200xi32, #tpu.memory_space<vmem>>) target_semaphore(%dma_start3A_919 : memref<!tpu.dma_semaphore, #tpu.memory_space<semaphore_mem>>)
      } else {
      }
      %add3A_742 = arith.constant 3 : i32
      %add3A_743 = arith.addi %add3A_666, %add3A_742 : i32
      %lt3A_744 = arith.constant 128 : i32
      %lt3A_745 = arith.cmpi slt, %add3A_743, %lt3A_744 : i32
      %convert_element_type3A_746 = arith.extui %lt3A_745 : i1 to i32
      %cond3A_747 = arith.constant 0 : i32
      %cond3A_748 = arith.cmpi ne, %convert_element_type3A_746, %cond3A_747 : i32
      scf.if %cond3A_748 {
        %ge3A = arith.constant 1 : i32
        %ge3A_905 = arith.cmpi sge, %add3A_666, %ge3A : i32
        %convert_element_type3A_906 = arith.extui %ge3A_905 : i1 to i32
        %cond3A_907 = arith.constant 0 : i32
        %cond3A_908 = arith.cmpi ne, %convert_element_type3A_906, %cond3A_907 : i32
        scf.if %cond3A_908 {
          %dma_wait3A_995 = arith.constant 1 : i32
          %dma_wait3A_996 = arith.constant 1 : i32
          %dma_wait3A_997 = arith.constant 0 : i32
          %dma_wait3A_998 = arith.constant 0 : i32
          %dma_wait3A_999 = arith.constant 0 : i32
          %dma_wait3A_1000 = tpu.memref_slice %arg6[%dma_wait3A_995, %dma_wait3A_997, %dma_wait3A_998, %dma_wait3A_999] : memref<4x4x200x32xf32, #tpu.memory_space<vmem>> -> memref<1x4x200x32xf32, #tpu.memory_space<vmem>>
          %dma_wait3A_1001 = tpu.memref_squeeze %dma_wait3A_1000 : memref<1x4x200x32xf32, #tpu.memory_space<vmem>> -> memref<4x200x32xf32, #tpu.memory_space<vmem>>
          %dma_wait3A_1002 = arith.constant 0 : i32
          %dma_wait3A_1003 = arith.constant 0 : i32
          %dma_wait3A_1004 = arith.constant 0 : i32
          %dma_wait3A_1005 = tpu.memref_slice %arg4[%dma_wait3A_1002, %dma_wait3A_1003, %dma_wait3A_1004] : memref<16384x200x128xf32, #tpu.memory_space<hbm>> -> memref<4x200x32xf32, #tpu.memory_space<hbm>>
          %dma_wait3A_1006 = tpu.memref_slice %arg9[%dma_wait3A_996] : memref<4x!tpu.dma_semaphore, #tpu.memory_space<semaphore_mem>> -> memref<1x!tpu.dma_semaphore, #tpu.memory_space<semaphore_mem>>
          %dma_wait3A_1007 = tpu.memref_squeeze %dma_wait3A_1006 : memref<1x!tpu.dma_semaphore, #tpu.memory_space<semaphore_mem>> -> memref<!tpu.dma_semaphore, #tpu.memory_space<semaphore_mem>>
          %dma_wait3A_1008 = arith.constant 0 : i32
          %dma_wait3A_1009 = arith.constant 0 : i32
          %dma_wait3A_1010 = arith.constant 0 : i32
          %dma_wait3A_1011 = tpu.memref_slice %arg4[%dma_wait3A_1008, %dma_wait3A_1009, %dma_wait3A_1010] : memref<16384x200x128xf32, #tpu.memory_space<hbm>> -> memref<4x200x32xf32, #tpu.memory_space<hbm>>
          %dma_wait3A_1012 = arith.constant 0 : i32
          %dma_wait3A_1013 = arith.constant 0 : i32
          %dma_wait3A_1014 = arith.constant 0 : i32
          %dma_wait3A_1015 = tpu.memref_slice %arg6[%dma_wait3A_995, %dma_wait3A_1012, %dma_wait3A_1013, %dma_wait3A_1014] : memref<4x4x200x32xf32, #tpu.memory_space<vmem>> -> memref<1x4x200x32xf32, #tpu.memory_space<vmem>>
          %dma_wait3A_1016 = tpu.memref_squeeze %dma_wait3A_1015 : memref<1x4x200x32xf32, #tpu.memory_space<vmem>> -> memref<4x200x32xf32, #tpu.memory_space<vmem>>
          tpu.wait_dma2 semaphore(%dma_wait3A_1007 : memref<!tpu.dma_semaphore, #tpu.memory_space<semaphore_mem>>) src(%dma_wait3A_1016 : memref<4x200x32xf32, #tpu.memory_space<vmem>>) dst(%dma_wait3A_1011 : memref<4x200x32xf32, #tpu.memory_space<hbm>>)
        } else {
        }
        %dma_wait3A_909 = arith.constant 1 : i32
        %dma_wait3A_910 = arith.constant 1 : i32
        %dma_wait3A_911 = arith.constant 0 : i32
        %dma_wait3A_912 = arith.constant 0 : i32
        %dma_wait3A_913 = tpu.memref_slice %arg5[%dma_wait3A_909, %dma_wait3A_911, %dma_wait3A_912] : memref<4x4x200xi32, #tpu.memory_space<vmem>> -> memref<1x4x200xi32, #tpu.memory_space<vmem>>
        %dma_wait3A_914 = tpu.memref_squeeze %dma_wait3A_913 : memref<1x4x200xi32, #tpu.memory_space<vmem>> -> memref<4x200xi32, #tpu.memory_space<vmem>>
        %dma_wait3A_915 = arith.constant 0 : i32
        %dma_wait3A_916 = arith.constant 0 : i32
        %dma_wait3A_917 = tpu.memref_slice %arg2[%dma_wait3A_915, %dma_wait3A_916] : memref<16384x200xi32, #tpu.memory_space<hbm>> -> memref<4x200xi32, #tpu.memory_space<hbm>>
        %dma_wait3A_918 = tpu.memref_slice %arg7[%dma_wait3A_910] : memref<4x!tpu.dma_semaphore, #tpu.memory_space<semaphore_mem>> -> memref<1x!tpu.dma_semaphore, #tpu.memory_space<semaphore_mem>>
        %dma_wait3A_919 = tpu.memref_squeeze %dma_wait3A_918 : memref<1x!tpu.dma_semaphore, #tpu.memory_space<semaphore_mem>> -> memref<!tpu.dma_semaphore, #tpu.memory_space<semaphore_mem>>
        %dma_wait3A_920 = arith.constant 0 : i32
        %dma_wait3A_921 = arith.constant 0 : i32
        %dma_wait3A_922 = tpu.memref_slice %arg5[%dma_wait3A_909, %dma_wait3A_920, %dma_wait3A_921] : memref<4x4x200xi32, #tpu.memory_space<vmem>> -> memref<1x4x200xi32, #tpu.memory_space<vmem>>
        %dma_wait3A_923 = tpu.memref_squeeze %dma_wait3A_922 : memref<1x4x200xi32, #tpu.memory_space<vmem>> -> memref<4x200xi32, #tpu.memory_space<vmem>>
        %dma_wait3A_924 = arith.constant 0 : i32
        %dma_wait3A_925 = arith.constant 0 : i32
        %dma_wait3A_926 = tpu.memref_slice %arg2[%dma_wait3A_924, %dma_wait3A_925] : memref<16384x200xi32, #tpu.memory_space<hbm>> -> memref<4x200xi32, #tpu.memory_space<hbm>>
        tpu.wait_dma2 semaphore(%dma_wait3A_919 : memref<!tpu.dma_semaphore, #tpu.memory_space<semaphore_mem>>) src(%dma_wait3A_926 : memref<4x200xi32, #tpu.memory_space<hbm>>) dst(%dma_wait3A_923 : memref<4x200xi32, #tpu.memory_space<vmem>>)
        %dma_start3A_927 = arith.constant 1 : i32
        %dma_start3A_928 = arith.constant 0 : i32
        %dma_start3A_929 = arith.constant 1 : i32
        %dma_start3A_930 = arith.constant 0 : i32
        %dma_start3A_931 = arith.constant 1 : i32
        %dma_start3A_932 = arith.constant 0 : i32
        %dma_start3A_933 = arith.constant 0 : i32
        %dma_start3A_934 = tpu.memref_slice %arg6[%dma_start3A_929, %dma_start3A_930, %dma_start3A_932, %dma_start3A_933] : memref<4x4x200x32xf32, #tpu.memory_space<vmem>> -> memref<1x1x200x32xf32, #tpu.memory_space<vmem>>
        %dma_start3A_935 = tpu.memref_squeeze %dma_start3A_934 : memref<1x1x200x32xf32, #tpu.memory_space<vmem>> -> memref<200x32xf32, #tpu.memory_space<vmem>>
        %dma_start3A_936 = arith.constant 0 : i32
        %dma_start3A_937 = tpu.memref_slice %arg5[%dma_start3A_927, %dma_start3A_928, %dma_start3A_936] : memref<4x4x200xi32, #tpu.memory_space<vmem>> -> memref<1x1x200xi32, #tpu.memory_space<vmem>>
        %dma_start3A_938 = tpu.memref_squeeze %dma_start3A_937 : memref<1x1x200xi32, #tpu.memory_space<vmem>> -> memref<200xi32, #tpu.memory_space<vmem>>
        %dma_start3A_939 = arith.constant 0 : i32
        %dma_start3A_940 = arith.constant 0 : i32
        %dma_start3A_941 = tpu.memref_slice %arg3[%dma_start3A_939, %dma_start3A_940] : memref<1000000x32xf32, #tpu.memory_space<hbm>> -> memref<1000000x32xf32, #tpu.memory_space<hbm>>
        %dma_start3A_942 = tpu.memref_slice %arg8[%dma_start3A_931] : memref<4x!tpu.dma_semaphore, #tpu.memory_space<semaphore_mem>> -> memref<1x!tpu.dma_semaphore, #tpu.memory_space<semaphore_mem>>
        %dma_start3A_943 = tpu.memref_squeeze %dma_start3A_942 : memref<1x!tpu.dma_semaphore, #tpu.memory_space<semaphore_mem>> -> memref<!tpu.dma_semaphore, #tpu.memory_space<semaphore_mem>>
        tpu.enqueue_indirect_dma source(%dma_start3A_941 : memref<1000000x32xf32, #tpu.memory_space<hbm>>) target(%dma_start3A_935 : memref<200x32xf32, #tpu.memory_space<vmem>>) offsets(%dma_start3A_938 : memref<200xi32, #tpu.memory_space<vmem>>) semaphore(%dma_start3A_943 : memref<!tpu.dma_semaphore, #tpu.memory_space<semaphore_mem>>)
        %dma_start3A_944 = arith.constant 1 : i32
        %dma_start3A_945 = arith.constant 1 : i32
        %dma_start3A_946 = arith.constant 1 : i32
        %dma_start3A_947 = arith.constant 1 : i32
        %dma_start3A_948 = arith.constant 1 : i32
        %dma_start3A_949 = arith.constant 0 : i32
        %dma_start3A_950 = arith.constant 0 : i32
        %dma_start3A_951 = tpu.memref_slice %arg6[%dma_start3A_946, %dma_start3A_947, %dma_start3A_949, %dma_start3A_950] : memref<4x4x200x32xf32, #tpu.memory_space<vmem>> -> memref<1x1x200x32xf32, #tpu.memory_space<vmem>>
        %dma_start3A_952 = tpu.memref_squeeze %dma_start3A_951 : memref<1x1x200x32xf32, #tpu.memory_space<vmem>> -> memref<200x32xf32, #tpu.memory_space<vmem>>
        %dma_start3A_953 = arith.constant 0 : i32
        %dma_start3A_954 = tpu.memref_slice %arg5[%dma_start3A_944, %dma_start3A_945, %dma_start3A_953] : memref<4x4x200xi32, #tpu.memory_space<vmem>> -> memref<1x1x200xi32, #tpu.memory_space<vmem>>
        %dma_start3A_955 = tpu.memref_squeeze %dma_start3A_954 : memref<1x1x200xi32, #tpu.memory_space<vmem>> -> memref<200xi32, #tpu.memory_space<vmem>>
        %dma_start3A_956 = arith.constant 0 : i32
        %dma_start3A_957 = arith.constant 0 : i32
        %dma_start3A_958 = tpu.memref_slice %arg3[%dma_start3A_956, %dma_start3A_957] : memref<1000000x32xf32, #tpu.memory_space<hbm>> -> memref<1000000x32xf32, #tpu.memory_space<hbm>>
        %dma_start3A_959 = tpu.memref_slice %arg8[%dma_start3A_948] : memref<4x!tpu.dma_semaphore, #tpu.memory_space<semaphore_mem>> -> memref<1x!tpu.dma_semaphore, #tpu.memory_space<semaphore_mem>>
        %dma_start3A_960 = tpu.memref_squeeze %dma_start3A_959 : memref<1x!tpu.dma_semaphore, #tpu.memory_space<semaphore_mem>> -> memref<!tpu.dma_semaphore, #tpu.memory_space<semaphore_mem>>
        tpu.enqueue_indirect_dma source(%dma_start3A_958 : memref<1000000x32xf32, #tpu.memory_space<hbm>>) target(%dma_start3A_952 : memref<200x32xf32, #tpu.memory_space<vmem>>) offsets(%dma_start3A_955 : memref<200xi32, #tpu.memory_space<vmem>>) semaphore(%dma_start3A_960 : memref<!tpu.dma_semaphore, #tpu.memory_space<semaphore_mem>>)
        %dma_start3A_961 = arith.constant 1 : i32
        %dma_start3A_962 = arith.constant 2 : i32
        %dma_start3A_963 = arith.constant 1 : i32
        %dma_start3A_964 = arith.constant 2 : i32
        %dma_start3A_965 = arith.constant 1 : i32
        %dma_start3A_966 = arith.constant 0 : i32
        %dma_start3A_967 = arith.constant 0 : i32
        %dma_start3A_968 = tpu.memref_slice %arg6[%dma_start3A_963, %dma_start3A_964, %dma_start3A_966, %dma_start3A_967] : memref<4x4x200x32xf32, #tpu.memory_space<vmem>> -> memref<1x1x200x32xf32, #tpu.memory_space<vmem>>
        %dma_start3A_969 = tpu.memref_squeeze %dma_start3A_968 : memref<1x1x200x32xf32, #tpu.memory_space<vmem>> -> memref<200x32xf32, #tpu.memory_space<vmem>>
        %dma_start3A_970 = arith.constant 0 : i32
        %dma_start3A_971 = tpu.memref_slice %arg5[%dma_start3A_961, %dma_start3A_962, %dma_start3A_970] : memref<4x4x200xi32, #tpu.memory_space<vmem>> -> memref<1x1x200xi32, #tpu.memory_space<vmem>>
        %dma_start3A_972 = tpu.memref_squeeze %dma_start3A_971 : memref<1x1x200xi32, #tpu.memory_space<vmem>> -> memref<200xi32, #tpu.memory_space<vmem>>
        %dma_start3A_973 = arith.constant 0 : i32
        %dma_start3A_974 = arith.constant 0 : i32
        %dma_start3A_975 = tpu.memref_slice %arg3[%dma_start3A_973, %dma_start3A_974] : memref<1000000x32xf32, #tpu.memory_space<hbm>> -> memref<1000000x32xf32, #tpu.memory_space<hbm>>
        %dma_start3A_976 = tpu.memref_slice %arg8[%dma_start3A_965] : memref<4x!tpu.dma_semaphore, #tpu.memory_space<semaphore_mem>> -> memref<1x!tpu.dma_semaphore, #tpu.memory_space<semaphore_mem>>
        %dma_start3A_977 = tpu.memref_squeeze %dma_start3A_976 : memref<1x!tpu.dma_semaphore, #tpu.memory_space<semaphore_mem>> -> memref<!tpu.dma_semaphore, #tpu.memory_space<semaphore_mem>>
        tpu.enqueue_indirect_dma source(%dma_start3A_975 : memref<1000000x32xf32, #tpu.memory_space<hbm>>) target(%dma_start3A_969 : memref<200x32xf32, #tpu.memory_space<vmem>>) offsets(%dma_start3A_972 : memref<200xi32, #tpu.memory_space<vmem>>) semaphore(%dma_start3A_977 : memref<!tpu.dma_semaphore, #tpu.memory_space<semaphore_mem>>)
        %dma_start3A_978 = arith.constant 1 : i32
        %dma_start3A_979 = arith.constant 3 : i32
        %dma_start3A_980 = arith.constant 1 : i32
        %dma_start3A_981 = arith.constant 3 : i32
        %dma_start3A_982 = arith.constant 1 : i32
        %dma_start3A_983 = arith.constant 0 : i32
        %dma_start3A_984 = arith.constant 0 : i32
        %dma_start3A_985 = tpu.memref_slice %arg6[%dma_start3A_980, %dma_start3A_981, %dma_start3A_983, %dma_start3A_984] : memref<4x4x200x32xf32, #tpu.memory_space<vmem>> -> memref<1x1x200x32xf32, #tpu.memory_space<vmem>>
        %dma_start3A_986 = tpu.memref_squeeze %dma_start3A_985 : memref<1x1x200x32xf32, #tpu.memory_space<vmem>> -> memref<200x32xf32, #tpu.memory_space<vmem>>
        %dma_start3A_987 = arith.constant 0 : i32
        %dma_start3A_988 = tpu.memref_slice %arg5[%dma_start3A_978, %dma_start3A_979, %dma_start3A_987] : memref<4x4x200xi32, #tpu.memory_space<vmem>> -> memref<1x1x200xi32, #tpu.memory_space<vmem>>
        %dma_start3A_989 = tpu.memref_squeeze %dma_start3A_988 : memref<1x1x200xi32, #tpu.memory_space<vmem>> -> memref<200xi32, #tpu.memory_space<vmem>>
        %dma_start3A_990 = arith.constant 0 : i32
        %dma_start3A_991 = arith.constant 0 : i32
        %dma_start3A_992 = tpu.memref_slice %arg3[%dma_start3A_990, %dma_start3A_991] : memref<1000000x32xf32, #tpu.memory_space<hbm>> -> memref<1000000x32xf32, #tpu.memory_space<hbm>>
        %dma_start3A_993 = tpu.memref_slice %arg8[%dma_start3A_982] : memref<4x!tpu.dma_semaphore, #tpu.memory_space<semaphore_mem>> -> memref<1x!tpu.dma_semaphore, #tpu.memory_space<semaphore_mem>>
        %dma_start3A_994 = tpu.memref_squeeze %dma_start3A_993 : memref<1x!tpu.dma_semaphore, #tpu.memory_space<semaphore_mem>> -> memref<!tpu.dma_semaphore, #tpu.memory_space<semaphore_mem>>
        tpu.enqueue_indirect_dma source(%dma_start3A_992 : memref<1000000x32xf32, #tpu.memory_space<hbm>>) target(%dma_start3A_986 : memref<200x32xf32, #tpu.memory_space<vmem>>) offsets(%dma_start3A_989 : memref<200xi32, #tpu.memory_space<vmem>>) semaphore(%dma_start3A_994 : memref<!tpu.dma_semaphore, #tpu.memory_space<semaphore_mem>>)
      } else {
      }
      %parallel_loop3A_749 = arith.constant 0 : i32
      %parallel_loop3A_750 = arith.constant 200 : i32
      %parallel_loop3A_751 = arith.constant 1 : i32
      scf.for %parallel_loop3A_905 = %parallel_loop3A_749 to %parallel_loop3A_750 step %parallel_loop3A_751  : i32 {
        %parallel_loop3A_906 = arith.constant 2 : i32
        %parallel_loop3A_907 = arith.constant 0 : i32
        %parallel_loop3A_908 = arith.index_cast %parallel_loop3A_906 : i32 to index
        %parallel_loop3A_909 = arith.index_cast %parallel_loop3A_907 : i32 to index
        %parallel_loop3A_910 = arith.index_cast %parallel_loop3A_905 : i32 to index
        %parallel_loop3A_911 = arith.constant 0 : index
        %parallel_loop3A_912 = tpu.vector_load %arg6[%parallel_loop3A_908, %parallel_loop3A_909, %parallel_loop3A_910, %parallel_loop3A_911] {strides = array<i32>} : memref<4x4x200x32xf32, #tpu.memory_space<vmem>>, vector<1x1x1x16xf32>,
        %parallel_loop3A_913 = vector.shape_cast %parallel_loop3A_912 : vector<1x1x1x16xf32> to vector<16xf32>
        %parallel_loop3A_914 = arith.constant 5.65685415 : f32
        %parallel_loop3A_915 = vector.broadcast %parallel_loop3A_914 : f32 to vector<16xf32>
        %parallel_loop3A_916 = arith.mulf %parallel_loop3A_913, %parallel_loop3A_915 : vector<16xf32>
        %parallel_loop3A_917 = arith.constant 2 : i32
        %parallel_loop3A_918 = arith.constant 0 : i32
        %parallel_loop3A_919 = arith.index_cast %parallel_loop3A_917 : i32 to index
        %parallel_loop3A_920 = arith.index_cast %parallel_loop3A_918 : i32 to index
        %parallel_loop3A_921 = arith.index_cast %parallel_loop3A_905 : i32 to index
        %parallel_loop3A_922 = arith.constant 0 : index
        %parallel_loop3A_923 = tpu.vector_load %arg6[%parallel_loop3A_919, %parallel_loop3A_920, %parallel_loop3A_921, %parallel_loop3A_922] {strides = array<i32>} : memref<4x4x200x32xf32, #tpu.memory_space<vmem>>, vector<1x1x1x16xf32>,
        %parallel_loop3A_924 = vector.shape_cast %parallel_loop3A_923 : vector<1x1x1x16xf32> to vector<16xf32>
        %parallel_loop3A_925 = vector.shape_cast %parallel_loop3A_916 : vector<16xf32> to vector<1x1x1x16xf32>
        tpu.vector_store %arg6[%parallel_loop3A_919, %parallel_loop3A_920, %parallel_loop3A_921, %parallel_loop3A_922], %parallel_loop3A_925 {strides = array<i32>} : memref<4x4x200x32xf32, #tpu.memory_space<vmem>>, vector<1x1x1x16xf32>,
        %parallel_loop3A_926 = arith.constant 2 : i32
        %parallel_loop3A_927 = arith.constant 0 : i32
        %parallel_loop3A_928 = arith.index_cast %parallel_loop3A_926 : i32 to index
        %parallel_loop3A_929 = arith.index_cast %parallel_loop3A_927 : i32 to index
        %parallel_loop3A_930 = arith.index_cast %parallel_loop3A_905 : i32 to index
        %parallel_loop3A_931 = arith.constant 16 : index
        %parallel_loop3A_932 = tpu.vector_load %arg6[%parallel_loop3A_928, %parallel_loop3A_929, %parallel_loop3A_930, %parallel_loop3A_931] {strides = array<i32>} : memref<4x4x200x32xf32, #tpu.memory_space<vmem>>, vector<1x1x1x16xf32>,
        %parallel_loop3A_933 = vector.shape_cast %parallel_loop3A_932 : vector<1x1x1x16xf32> to vector<16xf32>
        %parallel_loop3A_934 = arith.constant 5.65685415 : f32
        %parallel_loop3A_935 = vector.broadcast %parallel_loop3A_934 : f32 to vector<16xf32>
        %parallel_loop3A_936 = arith.mulf %parallel_loop3A_933, %parallel_loop3A_935 : vector<16xf32>
        %parallel_loop3A_937 = arith.constant 2 : i32
        %parallel_loop3A_938 = arith.constant 0 : i32
        %parallel_loop3A_939 = arith.index_cast %parallel_loop3A_937 : i32 to index
        %parallel_loop3A_940 = arith.index_cast %parallel_loop3A_938 : i32 to index
        %parallel_loop3A_941 = arith.index_cast %parallel_loop3A_905 : i32 to index
        %parallel_loop3A_942 = arith.constant 16 : index
        %parallel_loop3A_943 = tpu.vector_load %arg6[%parallel_loop3A_939, %parallel_loop3A_940, %parallel_loop3A_941, %parallel_loop3A_942] {strides = array<i32>} : memref<4x4x200x32xf32, #tpu.memory_space<vmem>>, vector<1x1x1x16xf32>,
        %parallel_loop3A_944 = vector.shape_cast %parallel_loop3A_943 : vector<1x1x1x16xf32> to vector<16xf32>
        %parallel_loop3A_945 = vector.shape_cast %parallel_loop3A_936 : vector<16xf32> to vector<1x1x1x16xf32>
        tpu.vector_store %arg6[%parallel_loop3A_939, %parallel_loop3A_940, %parallel_loop3A_941, %parallel_loop3A_942], %parallel_loop3A_945 {strides = array<i32>} : memref<4x4x200x32xf32, #tpu.memory_space<vmem>>, vector<1x1x1x16xf32>,
      } {sc.loop_unroll_factor = 8 : i64, sc.parallel_access}
      %parallel_loop3A_752 = arith.constant 0 : i32
      %parallel_loop3A_753 = arith.constant 200 : i32
      %parallel_loop3A_754 = arith.constant 1 : i32
      scf.for %parallel_loop3A_905 = %parallel_loop3A_752 to %parallel_loop3A_753 step %parallel_loop3A_754  : i32 {
        %parallel_loop3A_906 = arith.constant 2 : i32
        %parallel_loop3A_907 = arith.constant 1 : i32
        %parallel_loop3A_908 = arith.index_cast %parallel_loop3A_906 : i32 to index
        %parallel_loop3A_909 = arith.index_cast %parallel_loop3A_907 : i32 to index
        %parallel_loop3A_910 = arith.index_cast %parallel_loop3A_905 : i32 to index
        %parallel_loop3A_911 = arith.constant 0 : index
        %parallel_loop3A_912 = tpu.vector_load %arg6[%parallel_loop3A_908, %parallel_loop3A_909, %parallel_loop3A_910, %parallel_loop3A_911] {strides = array<i32>} : memref<4x4x200x32xf32, #tpu.memory_space<vmem>>, vector<1x1x1x16xf32>,
        %parallel_loop3A_913 = vector.shape_cast %parallel_loop3A_912 : vector<1x1x1x16xf32> to vector<16xf32>
        %parallel_loop3A_914 = arith.constant 5.65685415 : f32
        %parallel_loop3A_915 = vector.broadcast %parallel_loop3A_914 : f32 to vector<16xf32>
        %parallel_loop3A_916 = arith.mulf %parallel_loop3A_913, %parallel_loop3A_915 : vector<16xf32>
        %parallel_loop3A_917 = arith.constant 2 : i32
        %parallel_loop3A_918 = arith.constant 1 : i32
        %parallel_loop3A_919 = arith.index_cast %parallel_loop3A_917 : i32 to index
        %parallel_loop3A_920 = arith.index_cast %parallel_loop3A_918 : i32 to index
        %parallel_loop3A_921 = arith.index_cast %parallel_loop3A_905 : i32 to index
        %parallel_loop3A_922 = arith.constant 0 : index
        %parallel_loop3A_923 = tpu.vector_load %arg6[%parallel_loop3A_919, %parallel_loop3A_920, %parallel_loop3A_921, %parallel_loop3A_922] {strides = array<i32>} : memref<4x4x200x32xf32, #tpu.memory_space<vmem>>, vector<1x1x1x16xf32>,
        %parallel_loop3A_924 = vector.shape_cast %parallel_loop3A_923 : vector<1x1x1x16xf32> to vector<16xf32>
        %parallel_loop3A_925 = vector.shape_cast %parallel_loop3A_916 : vector<16xf32> to vector<1x1x1x16xf32>
        tpu.vector_store %arg6[%parallel_loop3A_919, %parallel_loop3A_920, %parallel_loop3A_921, %parallel_loop3A_922], %parallel_loop3A_925 {strides = array<i32>} : memref<4x4x200x32xf32, #tpu.memory_space<vmem>>, vector<1x1x1x16xf32>,
        %parallel_loop3A_926 = arith.constant 2 : i32
        %parallel_loop3A_927 = arith.constant 1 : i32
        %parallel_loop3A_928 = arith.index_cast %parallel_loop3A_926 : i32 to index
        %parallel_loop3A_929 = arith.index_cast %parallel_loop3A_927 : i32 to index
        %parallel_loop3A_930 = arith.index_cast %parallel_loop3A_905 : i32 to index
        %parallel_loop3A_931 = arith.constant 16 : index
        %parallel_loop3A_932 = tpu.vector_load %arg6[%parallel_loop3A_928, %parallel_loop3A_929, %parallel_loop3A_930, %parallel_loop3A_931] {strides = array<i32>} : memref<4x4x200x32xf32, #tpu.memory_space<vmem>>, vector<1x1x1x16xf32>,
        %parallel_loop3A_933 = vector.shape_cast %parallel_loop3A_932 : vector<1x1x1x16xf32> to vector<16xf32>
        %parallel_loop3A_934 = arith.constant 5.65685415 : f32
        %parallel_loop3A_935 = vector.broadcast %parallel_loop3A_934 : f32 to vector<16xf32>
        %parallel_loop3A_936 = arith.mulf %parallel_loop3A_933, %parallel_loop3A_935 : vector<16xf32>
        %parallel_loop3A_937 = arith.constant 2 : i32
        %parallel_loop3A_938 = arith.constant 1 : i32
        %parallel_loop3A_939 = arith.index_cast %parallel_loop3A_937 : i32 to index
        %parallel_loop3A_940 = arith.index_cast %parallel_loop3A_938 : i32 to index
        %parallel_loop3A_941 = arith.index_cast %parallel_loop3A_905 : i32 to index
        %parallel_loop3A_942 = arith.constant 16 : index
        %parallel_loop3A_943 = tpu.vector_load %arg6[%parallel_loop3A_939, %parallel_loop3A_940, %parallel_loop3A_941, %parallel_loop3A_942] {strides = array<i32>} : memref<4x4x200x32xf32, #tpu.memory_space<vmem>>, vector<1x1x1x16xf32>,
        %parallel_loop3A_944 = vector.shape_cast %parallel_loop3A_943 : vector<1x1x1x16xf32> to vector<16xf32>
        %parallel_loop3A_945 = vector.shape_cast %parallel_loop3A_936 : vector<16xf32> to vector<1x1x1x16xf32>
        tpu.vector_store %arg6[%parallel_loop3A_939, %parallel_loop3A_940, %parallel_loop3A_941, %parallel_loop3A_942], %parallel_loop3A_945 {strides = array<i32>} : memref<4x4x200x32xf32, #tpu.memory_space<vmem>>, vector<1x1x1x16xf32>,
      } {sc.loop_unroll_factor = 8 : i64, sc.parallel_access}
      %parallel_loop3A_755 = arith.constant 0 : i32
      %parallel_loop3A_756 = arith.constant 200 : i32
      %parallel_loop3A_757 = arith.constant 1 : i32
      scf.for %parallel_loop3A_905 = %parallel_loop3A_755 to %parallel_loop3A_756 step %parallel_loop3A_757  : i32 {
        %parallel_loop3A_906 = arith.constant 2 : i32
        %parallel_loop3A_907 = arith.constant 2 : i32
        %parallel_loop3A_908 = arith.index_cast %parallel_loop3A_906 : i32 to index
        %parallel_loop3A_909 = arith.index_cast %parallel_loop3A_907 : i32 to index
        %parallel_loop3A_910 = arith.index_cast %parallel_loop3A_905 : i32 to index
        %parallel_loop3A_911 = arith.constant 0 : index
        %parallel_loop3A_912 = tpu.vector_load %arg6[%parallel_loop3A_908, %parallel_loop3A_909, %parallel_loop3A_910, %parallel_loop3A_911] {strides = array<i32>} : memref<4x4x200x32xf32, #tpu.memory_space<vmem>>, vector<1x1x1x16xf32>,
        %parallel_loop3A_913 = vector.shape_cast %parallel_loop3A_912 : vector<1x1x1x16xf32> to vector<16xf32>
        %parallel_loop3A_914 = arith.constant 5.65685415 : f32
        %parallel_loop3A_915 = vector.broadcast %parallel_loop3A_914 : f32 to vector<16xf32>
        %parallel_loop3A_916 = arith.mulf %parallel_loop3A_913, %parallel_loop3A_915 : vector<16xf32>
        %parallel_loop3A_917 = arith.constant 2 : i32
        %parallel_loop3A_918 = arith.constant 2 : i32
        %parallel_loop3A_919 = arith.index_cast %parallel_loop3A_917 : i32 to index
        %parallel_loop3A_920 = arith.index_cast %parallel_loop3A_918 : i32 to index
        %parallel_loop3A_921 = arith.index_cast %parallel_loop3A_905 : i32 to index
        %parallel_loop3A_922 = arith.constant 0 : index
        %parallel_loop3A_923 = tpu.vector_load %arg6[%parallel_loop3A_919, %parallel_loop3A_920, %parallel_loop3A_921, %parallel_loop3A_922] {strides = array<i32>} : memref<4x4x200x32xf32, #tpu.memory_space<vmem>>, vector<1x1x1x16xf32>,
        %parallel_loop3A_924 = vector.shape_cast %parallel_loop3A_923 : vector<1x1x1x16xf32> to vector<16xf32>
        %parallel_loop3A_925 = vector.shape_cast %parallel_loop3A_916 : vector<16xf32> to vector<1x1x1x16xf32>
        tpu.vector_store %arg6[%parallel_loop3A_919, %parallel_loop3A_920, %parallel_loop3A_921, %parallel_loop3A_922], %parallel_loop3A_925 {strides = array<i32>} : memref<4x4x200x32xf32, #tpu.memory_space<vmem>>, vector<1x1x1x16xf32>,
        %parallel_loop3A_926 = arith.constant 2 : i32
        %parallel_loop3A_927 = arith.constant 2 : i32
        %parallel_loop3A_928 = arith.index_cast %parallel_loop3A_926 : i32 to index
        %parallel_loop3A_929 = arith.index_cast %parallel_loop3A_927 : i32 to index
        %parallel_loop3A_930 = arith.index_cast %parallel_loop3A_905 : i32 to index
        %parallel_loop3A_931 = arith.constant 16 : index
        %parallel_loop3A_932 = tpu.vector_load %arg6[%parallel_loop3A_928, %parallel_loop3A_929, %parallel_loop3A_930, %parallel_loop3A_931] {strides = array<i32>} : memref<4x4x200x32xf32, #tpu.memory_space<vmem>>, vector<1x1x1x16xf32>,
        %parallel_loop3A_933 = vector.shape_cast %parallel_loop3A_932 : vector<1x1x1x16xf32> to vector<16xf32>
        %parallel_loop3A_934 = arith.constant 5.65685415 : f32
        %parallel_loop3A_935 = vector.broadcast %parallel_loop3A_934 : f32 to vector<16xf32>
        %parallel_loop3A_936 = arith.mulf %parallel_loop3A_933, %parallel_loop3A_935 : vector<16xf32>
        %parallel_loop3A_937 = arith.constant 2 : i32
        %parallel_loop3A_938 = arith.constant 2 : i32
        %parallel_loop3A_939 = arith.index_cast %parallel_loop3A_937 : i32 to index
        %parallel_loop3A_940 = arith.index_cast %parallel_loop3A_938 : i32 to index
        %parallel_loop3A_941 = arith.index_cast %parallel_loop3A_905 : i32 to index
        %parallel_loop3A_942 = arith.constant 16 : index
        %parallel_loop3A_943 = tpu.vector_load %arg6[%parallel_loop3A_939, %parallel_loop3A_940, %parallel_loop3A_941, %parallel_loop3A_942] {strides = array<i32>} : memref<4x4x200x32xf32, #tpu.memory_space<vmem>>, vector<1x1x1x16xf32>,
        %parallel_loop3A_944 = vector.shape_cast %parallel_loop3A_943 : vector<1x1x1x16xf32> to vector<16xf32>
        %parallel_loop3A_945 = vector.shape_cast %parallel_loop3A_936 : vector<16xf32> to vector<1x1x1x16xf32>
        tpu.vector_store %arg6[%parallel_loop3A_939, %parallel_loop3A_940, %parallel_loop3A_941, %parallel_loop3A_942], %parallel_loop3A_945 {strides = array<i32>} : memref<4x4x200x32xf32, #tpu.memory_space<vmem>>, vector<1x1x1x16xf32>,
      } {sc.loop_unroll_factor = 8 : i64, sc.parallel_access}
      %parallel_loop3A_758 = arith.constant 0 : i32
      %parallel_loop3A_759 = arith.constant 200 : i32
      %parallel_loop3A_760 = arith.constant 1 : i32
      scf.for %parallel_loop3A_905 = %parallel_loop3A_758 to %parallel_loop3A_759 step %parallel_loop3A_760  : i32 {
        %parallel_loop3A_906 = arith.constant 2 : i32
        %parallel_loop3A_907 = arith.constant 3 : i32
        %parallel_loop3A_908 = arith.index_cast %parallel_loop3A_906 : i32 to index
        %parallel_loop3A_909 = arith.index_cast %parallel_loop3A_907 : i32 to index
        %parallel_loop3A_910 = arith.index_cast %parallel_loop3A_905 : i32 to index
        %parallel_loop3A_911 = arith.constant 0 : index
        %parallel_loop3A_912 = tpu.vector_load %arg6[%parallel_loop3A_908, %parallel_loop3A_909, %parallel_loop3A_910, %parallel_loop3A_911] {strides = array<i32>} : memref<4x4x200x32xf32, #tpu.memory_space<vmem>>, vector<1x1x1x16xf32>,
        %parallel_loop3A_913 = vector.shape_cast %parallel_loop3A_912 : vector<1x1x1x16xf32> to vector<16xf32>
        %parallel_loop3A_914 = arith.constant 5.65685415 : f32
        %parallel_loop3A_915 = vector.broadcast %parallel_loop3A_914 : f32 to vector<16xf32>
        %parallel_loop3A_916 = arith.mulf %parallel_loop3A_913, %parallel_loop3A_915 : vector<16xf32>
        %parallel_loop3A_917 = arith.constant 2 : i32
        %parallel_loop3A_918 = arith.constant 3 : i32
        %parallel_loop3A_919 = arith.index_cast %parallel_loop3A_917 : i32 to index
        %parallel_loop3A_920 = arith.index_cast %parallel_loop3A_918 : i32 to index
        %parallel_loop3A_921 = arith.index_cast %parallel_loop3A_905 : i32 to index
        %parallel_loop3A_922 = arith.constant 0 : index
        %parallel_loop3A_923 = tpu.vector_load %arg6[%parallel_loop3A_919, %parallel_loop3A_920, %parallel_loop3A_921, %parallel_loop3A_922] {strides = array<i32>} : memref<4x4x200x32xf32, #tpu.memory_space<vmem>>, vector<1x1x1x16xf32>,
        %parallel_loop3A_924 = vector.shape_cast %parallel_loop3A_923 : vector<1x1x1x16xf32> to vector<16xf32>
        %parallel_loop3A_925 = vector.shape_cast %parallel_loop3A_916 : vector<16xf32> to vector<1x1x1x16xf32>
        tpu.vector_store %arg6[%parallel_loop3A_919, %parallel_loop3A_920, %parallel_loop3A_921, %parallel_loop3A_922], %parallel_loop3A_925 {strides = array<i32>} : memref<4x4x200x32xf32, #tpu.memory_space<vmem>>, vector<1x1x1x16xf32>,
        %parallel_loop3A_926 = arith.constant 2 : i32
        %parallel_loop3A_927 = arith.constant 3 : i32
        %parallel_loop3A_928 = arith.index_cast %parallel_loop3A_926 : i32 to index
        %parallel_loop3A_929 = arith.index_cast %parallel_loop3A_927 : i32 to index
        %parallel_loop3A_930 = arith.index_cast %parallel_loop3A_905 : i32 to index
        %parallel_loop3A_931 = arith.constant 16 : index
        %parallel_loop3A_932 = tpu.vector_load %arg6[%parallel_loop3A_928, %parallel_loop3A_929, %parallel_loop3A_930, %parallel_loop3A_931] {strides = array<i32>} : memref<4x4x200x32xf32, #tpu.memory_space<vmem>>, vector<1x1x1x16xf32>,
        %parallel_loop3A_933 = vector.shape_cast %parallel_loop3A_932 : vector<1x1x1x16xf32> to vector<16xf32>
        %parallel_loop3A_934 = arith.constant 5.65685415 : f32
        %parallel_loop3A_935 = vector.broadcast %parallel_loop3A_934 : f32 to vector<16xf32>
        %parallel_loop3A_936 = arith.mulf %parallel_loop3A_933, %parallel_loop3A_935 : vector<16xf32>
        %parallel_loop3A_937 = arith.constant 2 : i32
        %parallel_loop3A_938 = arith.constant 3 : i32
        %parallel_loop3A_939 = arith.index_cast %parallel_loop3A_937 : i32 to index
        %parallel_loop3A_940 = arith.index_cast %parallel_loop3A_938 : i32 to index
        %parallel_loop3A_941 = arith.index_cast %parallel_loop3A_905 : i32 to index
        %parallel_loop3A_942 = arith.constant 16 : index
        %parallel_loop3A_943 = tpu.vector_load %arg6[%parallel_loop3A_939, %parallel_loop3A_940, %parallel_loop3A_941, %parallel_loop3A_942] {strides = array<i32>} : memref<4x4x200x32xf32, #tpu.memory_space<vmem>>, vector<1x1x1x16xf32>,
        %parallel_loop3A_944 = vector.shape_cast %parallel_loop3A_943 : vector<1x1x1x16xf32> to vector<16xf32>
        %parallel_loop3A_945 = vector.shape_cast %parallel_loop3A_936 : vector<16xf32> to vector<1x1x1x16xf32>
        tpu.vector_store %arg6[%parallel_loop3A_939, %parallel_loop3A_940, %parallel_loop3A_941, %parallel_loop3A_942], %parallel_loop3A_945 {strides = array<i32>} : memref<4x4x200x32xf32, #tpu.memory_space<vmem>>, vector<1x1x1x16xf32>,
      } {sc.loop_unroll_factor = 8 : i64, sc.parallel_access}
      %mul3A_761 = arith.constant 4 : i32
      %mul3A_762 = arith.muli %add3A_666, %mul3A_761 : i32
      %add3A_763 = arith.addi %mul3A_2, %mul3A_762 : i32
      %dma_start3A_764 = arith.constant 2 : i32
      %dma_start3A_765 = arith.constant 2 : i32
      %dma_start3A_766 = arith.constant 0 : i32
      %dma_start3A_767 = arith.constant 0 : i32
      %dma_start3A_768 = arith.constant 0 : i32
      %dma_start3A_769 = tpu.memref_slice %arg6[%dma_start3A_764, %dma_start3A_766, %dma_start3A_767, %dma_start3A_768] : memref<4x4x200x32xf32, #tpu.memory_space<vmem>> -> memref<1x4x200x32xf32, #tpu.memory_space<vmem>>
      %dma_start3A_770 = tpu.memref_squeeze %dma_start3A_769 : memref<1x4x200x32xf32, #tpu.memory_space<vmem>> -> memref<4x200x32xf32, #tpu.memory_space<vmem>>
      %dma_start3A_771 = arith.constant 0 : i32
      %dma_start3A_772 = arith.constant 0 : i32
      %dma_start3A_773 = tpu.memref_slice %arg4[%add3A_763, %dma_start3A_771, %dma_start3A_772] : memref<16384x200x128xf32, #tpu.memory_space<hbm>> -> memref<4x200x32xf32, #tpu.memory_space<hbm>>
      %dma_start3A_774 = tpu.memref_slice %arg9[%dma_start3A_765] : memref<4x!tpu.dma_semaphore, #tpu.memory_space<semaphore_mem>> -> memref<1x!tpu.dma_semaphore, #tpu.memory_space<semaphore_mem>>
      %dma_start3A_775 = tpu.memref_squeeze %dma_start3A_774 : memref<1x!tpu.dma_semaphore, #tpu.memory_space<semaphore_mem>> -> memref<!tpu.dma_semaphore, #tpu.memory_space<semaphore_mem>>
      %dma_start3A_776 = arith.constant 0 : i32
      %dma_start3A_777 = arith.constant 0 : i32
      %dma_start3A_778 = tpu.memref_slice %arg4[%add3A_763, %dma_start3A_776, %dma_start3A_777] : memref<16384x200x128xf32, #tpu.memory_space<hbm>> -> memref<4x200x32xf32, #tpu.memory_space<hbm>>
      %dma_start3A_779 = arith.constant 0 : i32
      %dma_start3A_780 = arith.constant 0 : i32
      %dma_start3A_781 = arith.constant 0 : i32
      %dma_start3A_782 = tpu.memref_slice %arg6[%dma_start3A_764, %dma_start3A_779, %dma_start3A_780, %dma_start3A_781] : memref<4x4x200x32xf32, #tpu.memory_space<vmem>> -> memref<1x4x200x32xf32, #tpu.memory_space<vmem>>
      %dma_start3A_783 = tpu.memref_squeeze %dma_start3A_782 : memref<1x4x200x32xf32, #tpu.memory_space<vmem>> -> memref<4x200x32xf32, #tpu.memory_space<vmem>>
      tpu.enqueue_dma source(%dma_start3A_783 : memref<4x200x32xf32, #tpu.memory_space<vmem>>) target(%dma_start3A_778 : memref<4x200x32xf32, #tpu.memory_space<hbm>>) target_semaphore(%dma_start3A_775 : memref<!tpu.dma_semaphore, #tpu.memory_space<semaphore_mem>>)
      %mul3A_784 = arith.constant 4 : i32
      %mul3A_785 = arith.muli %mul3A_784, %scan3A_424 : i32
      %add3A_786 = arith.constant 3 : i32
      %add3A_787 = arith.addi %mul3A_785, %add3A_786 : i32
      %dma_wait3A_788 = arith.constant 3 : i32
      %dma_wait3A_789 = arith.constant 0 : i32
      %dma_wait3A_790 = arith.constant 3 : i32
      %dma_wait3A_791 = arith.constant 0 : i32
      %dma_wait3A_792 = arith.constant 3 : i32
      %dma_wait3A_793 = arith.constant 0 : i32
      %dma_wait3A_794 = arith.constant 0 : i32
      %dma_wait3A_795 = tpu.memref_slice %arg6[%dma_wait3A_790, %dma_wait3A_791, %dma_wait3A_793, %dma_wait3A_794] : memref<4x4x200x32xf32, #tpu.memory_space<vmem>> -> memref<1x1x200x32xf32, #tpu.memory_space<vmem>>
      %dma_wait3A_796 = tpu.memref_squeeze %dma_wait3A_795 : memref<1x1x200x32xf32, #tpu.memory_space<vmem>> -> memref<200x32xf32, #tpu.memory_space<vmem>>
      %dma_wait3A_797 = arith.constant 0 : i32
      %dma_wait3A_798 = tpu.memref_slice %arg5[%dma_wait3A_788, %dma_wait3A_789, %dma_wait3A_797] : memref<4x4x200xi32, #tpu.memory_space<vmem>> -> memref<1x1x200xi32, #tpu.memory_space<vmem>>
      %dma_wait3A_799 = tpu.memref_squeeze %dma_wait3A_798 : memref<1x1x200xi32, #tpu.memory_space<vmem>> -> memref<200xi32, #tpu.memory_space<vmem>>
      %dma_wait3A_800 = arith.constant 0 : i32
      %dma_wait3A_801 = arith.constant 0 : i32
      %dma_wait3A_802 = tpu.memref_slice %arg3[%dma_wait3A_800, %dma_wait3A_801] : memref<1000000x32xf32, #tpu.memory_space<hbm>> -> memref<1000000x32xf32, #tpu.memory_space<hbm>>
      %dma_wait3A_803 = tpu.memref_slice %arg8[%dma_wait3A_792] : memref<4x!tpu.dma_semaphore, #tpu.memory_space<semaphore_mem>> -> memref<1x!tpu.dma_semaphore, #tpu.memory_space<semaphore_mem>>
      %dma_wait3A_804 = tpu.memref_squeeze %dma_wait3A_803 : memref<1x!tpu.dma_semaphore, #tpu.memory_space<semaphore_mem>> -> memref<!tpu.dma_semaphore, #tpu.memory_space<semaphore_mem>>
      tpu.wait_indirect_dma semaphore(%dma_wait3A_804 : memref<!tpu.dma_semaphore, #tpu.memory_space<semaphore_mem>>) src(%dma_wait3A_802 : memref<1000000x32xf32, #tpu.memory_space<hbm>>) dst(%dma_wait3A_796 : memref<200x32xf32, #tpu.memory_space<vmem>>)
      %dma_wait3A_805 = arith.constant 3 : i32
      %dma_wait3A_806 = arith.constant 1 : i32
      %dma_wait3A_807 = arith.constant 3 : i32
      %dma_wait3A_808 = arith.constant 1 : i32
      %dma_wait3A_809 = arith.constant 3 : i32
      %dma_wait3A_810 = arith.constant 0 : i32
      %dma_wait3A_811 = arith.constant 0 : i32
      %dma_wait3A_812 = tpu.memref_slice %arg6[%dma_wait3A_807, %dma_wait3A_808, %dma_wait3A_810, %dma_wait3A_811] : memref<4x4x200x32xf32, #tpu.memory_space<vmem>> -> memref<1x1x200x32xf32, #tpu.memory_space<vmem>>
      %dma_wait3A_813 = tpu.memref_squeeze %dma_wait3A_812 : memref<1x1x200x32xf32, #tpu.memory_space<vmem>> -> memref<200x32xf32, #tpu.memory_space<vmem>>
      %dma_wait3A_814 = arith.constant 0 : i32
      %dma_wait3A_815 = tpu.memref_slice %arg5[%dma_wait3A_805, %dma_wait3A_806, %dma_wait3A_814] : memref<4x4x200xi32, #tpu.memory_space<vmem>> -> memref<1x1x200xi32, #tpu.memory_space<vmem>>
      %dma_wait3A_816 = tpu.memref_squeeze %dma_wait3A_815 : memref<1x1x200xi32, #tpu.memory_space<vmem>> -> memref<200xi32, #tpu.memory_space<vmem>>
      %dma_wait3A_817 = arith.constant 0 : i32
      %dma_wait3A_818 = arith.constant 0 : i32
      %dma_wait3A_819 = tpu.memref_slice %arg3[%dma_wait3A_817, %dma_wait3A_818] : memref<1000000x32xf32, #tpu.memory_space<hbm>> -> memref<1000000x32xf32, #tpu.memory_space<hbm>>
      %dma_wait3A_820 = tpu.memref_slice %arg8[%dma_wait3A_809] : memref<4x!tpu.dma_semaphore, #tpu.memory_space<semaphore_mem>> -> memref<1x!tpu.dma_semaphore, #tpu.memory_space<semaphore_mem>>
      %dma_wait3A_821 = tpu.memref_squeeze %dma_wait3A_820 : memref<1x!tpu.dma_semaphore, #tpu.memory_space<semaphore_mem>> -> memref<!tpu.dma_semaphore, #tpu.memory_space<semaphore_mem>>
      tpu.wait_indirect_dma semaphore(%dma_wait3A_821 : memref<!tpu.dma_semaphore, #tpu.memory_space<semaphore_mem>>) src(%dma_wait3A_819 : memref<1000000x32xf32, #tpu.memory_space<hbm>>) dst(%dma_wait3A_813 : memref<200x32xf32, #tpu.memory_space<vmem>>)
      %dma_wait3A_822 = arith.constant 3 : i32
      %dma_wait3A_823 = arith.constant 2 : i32
      %dma_wait3A_824 = arith.constant 3 : i32
      %dma_wait3A_825 = arith.constant 2 : i32
      %dma_wait3A_826 = arith.constant 3 : i32
      %dma_wait3A_827 = arith.constant 0 : i32
      %dma_wait3A_828 = arith.constant 0 : i32
      %dma_wait3A_829 = tpu.memref_slice %arg6[%dma_wait3A_824, %dma_wait3A_825, %dma_wait3A_827, %dma_wait3A_828] : memref<4x4x200x32xf32, #tpu.memory_space<vmem>> -> memref<1x1x200x32xf32, #tpu.memory_space<vmem>>
      %dma_wait3A_830 = tpu.memref_squeeze %dma_wait3A_829 : memref<1x1x200x32xf32, #tpu.memory_space<vmem>> -> memref<200x32xf32, #tpu.memory_space<vmem>>
      %dma_wait3A_831 = arith.constant 0 : i32
      %dma_wait3A_832 = tpu.memref_slice %arg5[%dma_wait3A_822, %dma_wait3A_823, %dma_wait3A_831] : memref<4x4x200xi32, #tpu.memory_space<vmem>> -> memref<1x1x200xi32, #tpu.memory_space<vmem>>
      %dma_wait3A_833 = tpu.memref_squeeze %dma_wait3A_832 : memref<1x1x200xi32, #tpu.memory_space<vmem>> -> memref<200xi32, #tpu.memory_space<vmem>>
      %dma_wait3A_834 = arith.constant 0 : i32
      %dma_wait3A_835 = arith.constant 0 : i32
      %dma_wait3A_836 = tpu.memref_slice %arg3[%dma_wait3A_834, %dma_wait3A_835] : memref<1000000x32xf32, #tpu.memory_space<hbm>> -> memref<1000000x32xf32, #tpu.memory_space<hbm>>
      %dma_wait3A_837 = tpu.memref_slice %arg8[%dma_wait3A_826] : memref<4x!tpu.dma_semaphore, #tpu.memory_space<semaphore_mem>> -> memref<1x!tpu.dma_semaphore, #tpu.memory_space<semaphore_mem>>
      %dma_wait3A_838 = tpu.memref_squeeze %dma_wait3A_837 : memref<1x!tpu.dma_semaphore, #tpu.memory_space<semaphore_mem>> -> memref<!tpu.dma_semaphore, #tpu.memory_space<semaphore_mem>>
      tpu.wait_indirect_dma semaphore(%dma_wait3A_838 : memref<!tpu.dma_semaphore, #tpu.memory_space<semaphore_mem>>) src(%dma_wait3A_836 : memref<1000000x32xf32, #tpu.memory_space<hbm>>) dst(%dma_wait3A_830 : memref<200x32xf32, #tpu.memory_space<vmem>>)
      %dma_wait3A_839 = arith.constant 3 : i32
      %dma_wait3A_840 = arith.constant 3 : i32
      %dma_wait3A_841 = arith.constant 3 : i32
      %dma_wait3A_842 = arith.constant 3 : i32
      %dma_wait3A_843 = arith.constant 3 : i32
      %dma_wait3A_844 = arith.constant 0 : i32
      %dma_wait3A_845 = arith.constant 0 : i32
      %dma_wait3A_846 = tpu.memref_slice %arg6[%dma_wait3A_841, %dma_wait3A_842, %dma_wait3A_844, %dma_wait3A_845] : memref<4x4x200x32xf32, #tpu.memory_space<vmem>> -> memref<1x1x200x32xf32, #tpu.memory_space<vmem>>
      %dma_wait3A_847 = tpu.memref_squeeze %dma_wait3A_846 : memref<1x1x200x32xf32, #tpu.memory_space<vmem>> -> memref<200x32xf32, #tpu.memory_space<vmem>>
      %dma_wait3A_848 = arith.constant 0 : i32
      %dma_wait3A_849 = tpu.memref_slice %arg5[%dma_wait3A_839, %dma_wait3A_840, %dma_wait3A_848] : memref<4x4x200xi32, #tpu.memory_space<vmem>> -> memref<1x1x200xi32, #tpu.memory_space<vmem>>
      %dma_wait3A_850 = tpu.memref_squeeze %dma_wait3A_849 : memref<1x1x200xi32, #tpu.memory_space<vmem>> -> memref<200xi32, #tpu.memory_space<vmem>>
      %dma_wait3A_851 = arith.constant 0 : i32
      %dma_wait3A_852 = arith.constant 0 : i32
      %dma_wait3A_853 = tpu.memref_slice %arg3[%dma_wait3A_851, %dma_wait3A_852] : memref<1000000x32xf32, #tpu.memory_space<hbm>> -> memref<1000000x32xf32, #tpu.memory_space<hbm>>
      %dma_wait3A_854 = tpu.memref_slice %arg8[%dma_wait3A_843] : memref<4x!tpu.dma_semaphore, #tpu.memory_space<semaphore_mem>> -> memref<1x!tpu.dma_semaphore, #tpu.memory_space<semaphore_mem>>
      %dma_wait3A_855 = tpu.memref_squeeze %dma_wait3A_854 : memref<1x!tpu.dma_semaphore, #tpu.memory_space<semaphore_mem>> -> memref<!tpu.dma_semaphore, #tpu.memory_space<semaphore_mem>>
      tpu.wait_indirect_dma semaphore(%dma_wait3A_855 : memref<!tpu.dma_semaphore, #tpu.memory_space<semaphore_mem>>) src(%dma_wait3A_853 : memref<1000000x32xf32, #tpu.memory_space<hbm>>) dst(%dma_wait3A_847 : memref<200x32xf32, #tpu.memory_space<vmem>>)
      %add3A_856 = arith.constant 4 : i32
      %add3A_857 = arith.addi %add3A_787, %add3A_856 : i32
      %lt3A_858 = arith.constant 128 : i32
      %lt3A_859 = arith.cmpi slt, %add3A_857, %lt3A_858 : i32
      %convert_element_type3A_860 = arith.extui %lt3A_859 : i1 to i32
      %cond3A_861 = arith.constant 0 : i32
      %cond3A_862 = arith.cmpi ne, %convert_element_type3A_860, %cond3A_861 : i32
      scf.if %cond3A_862 {
        %add3A_905 = arith.constant 4 : i32
        %add3A_906 = arith.addi %add3A_787, %add3A_905 : i32
        %mul3A_907 = arith.constant 4 : i32
        %mul3A_908 = arith.muli %add3A_906, %mul3A_907 : i32
        %add3A_909 = arith.addi %mul3A_2, %mul3A_908 : i32
        %dma_start3A_910 = arith.constant 3 : i32
        %dma_start3A_911 = arith.constant 3 : i32
        %dma_start3A_912 = arith.constant 0 : i32
        %dma_start3A_913 = arith.constant 0 : i32
        %dma_start3A_914 = tpu.memref_slice %arg5[%dma_start3A_910, %dma_start3A_912, %dma_start3A_913] : memref<4x4x200xi32, #tpu.memory_space<vmem>> -> memref<1x4x200xi32, #tpu.memory_space<vmem>>
        %dma_start3A_915 = tpu.memref_squeeze %dma_start3A_914 : memref<1x4x200xi32, #tpu.memory_space<vmem>> -> memref<4x200xi32, #tpu.memory_space<vmem>>
        %dma_start3A_916 = arith.constant 0 : i32
        %dma_start3A_917 = tpu.memref_slice %arg2[%add3A_909, %dma_start3A_916] : memref<16384x200xi32, #tpu.memory_space<hbm>> -> memref<4x200xi32, #tpu.memory_space<hbm>>
        %dma_start3A_918 = tpu.memref_slice %arg7[%dma_start3A_911] : memref<4x!tpu.dma_semaphore, #tpu.memory_space<semaphore_mem>> -> memref<1x!tpu.dma_semaphore, #tpu.memory_space<semaphore_mem>>
        %dma_start3A_919 = tpu.memref_squeeze %dma_start3A_918 : memref<1x!tpu.dma_semaphore, #tpu.memory_space<semaphore_mem>> -> memref<!tpu.dma_semaphore, #tpu.memory_space<semaphore_mem>>
        %dma_start3A_920 = arith.constant 0 : i32
        %dma_start3A_921 = arith.constant 0 : i32
        %dma_start3A_922 = tpu.memref_slice %arg5[%dma_start3A_910, %dma_start3A_920, %dma_start3A_921] : memref<4x4x200xi32, #tpu.memory_space<vmem>> -> memref<1x4x200xi32, #tpu.memory_space<vmem>>
        %dma_start3A_923 = tpu.memref_squeeze %dma_start3A_922 : memref<1x4x200xi32, #tpu.memory_space<vmem>> -> memref<4x200xi32, #tpu.memory_space<vmem>>
        %dma_start3A_924 = arith.constant 0 : i32
        %dma_start3A_925 = tpu.memref_slice %arg2[%add3A_909, %dma_start3A_924] : memref<16384x200xi32, #tpu.memory_space<hbm>> -> memref<4x200xi32, #tpu.memory_space<hbm>>
        tpu.enqueue_dma source(%dma_start3A_925 : memref<4x200xi32, #tpu.memory_space<hbm>>) target(%dma_start3A_923 : memref<4x200xi32, #tpu.memory_space<vmem>>) target_semaphore(%dma_start3A_919 : memref<!tpu.dma_semaphore, #tpu.memory_space<semaphore_mem>>)
      } else {
      }
      %add3A_863 = arith.constant 3 : i32
      %add3A_864 = arith.addi %add3A_787, %add3A_863 : i32
      %lt3A_865 = arith.constant 128 : i32
      %lt3A_866 = arith.cmpi slt, %add3A_864, %lt3A_865 : i32
      %convert_element_type3A_867 = arith.extui %lt3A_866 : i1 to i32
      %cond3A_868 = arith.constant 0 : i32
      %cond3A_869 = arith.cmpi ne, %convert_element_type3A_867, %cond3A_868 : i32
      scf.if %cond3A_869 {
        %ge3A = arith.constant 1 : i32
        %ge3A_905 = arith.cmpi sge, %add3A_787, %ge3A : i32
        %convert_element_type3A_906 = arith.extui %ge3A_905 : i1 to i32
        %cond3A_907 = arith.constant 0 : i32
        %cond3A_908 = arith.cmpi ne, %convert_element_type3A_906, %cond3A_907 : i32
        scf.if %cond3A_908 {
          %dma_wait3A_995 = arith.constant 2 : i32
          %dma_wait3A_996 = arith.constant 2 : i32
          %dma_wait3A_997 = arith.constant 0 : i32
          %dma_wait3A_998 = arith.constant 0 : i32
          %dma_wait3A_999 = arith.constant 0 : i32
          %dma_wait3A_1000 = tpu.memref_slice %arg6[%dma_wait3A_995, %dma_wait3A_997, %dma_wait3A_998, %dma_wait3A_999] : memref<4x4x200x32xf32, #tpu.memory_space<vmem>> -> memref<1x4x200x32xf32, #tpu.memory_space<vmem>>
          %dma_wait3A_1001 = tpu.memref_squeeze %dma_wait3A_1000 : memref<1x4x200x32xf32, #tpu.memory_space<vmem>> -> memref<4x200x32xf32, #tpu.memory_space<vmem>>
          %dma_wait3A_1002 = arith.constant 0 : i32
          %dma_wait3A_1003 = arith.constant 0 : i32
          %dma_wait3A_1004 = arith.constant 0 : i32
          %dma_wait3A_1005 = tpu.memref_slice %arg4[%dma_wait3A_1002, %dma_wait3A_1003, %dma_wait3A_1004] : memref<16384x200x128xf32, #tpu.memory_space<hbm>> -> memref<4x200x32xf32, #tpu.memory_space<hbm>>
          %dma_wait3A_1006 = tpu.memref_slice %arg9[%dma_wait3A_996] : memref<4x!tpu.dma_semaphore, #tpu.memory_space<semaphore_mem>> -> memref<1x!tpu.dma_semaphore, #tpu.memory_space<semaphore_mem>>
          %dma_wait3A_1007 = tpu.memref_squeeze %dma_wait3A_1006 : memref<1x!tpu.dma_semaphore, #tpu.memory_space<semaphore_mem>> -> memref<!tpu.dma_semaphore, #tpu.memory_space<semaphore_mem>>
          %dma_wait3A_1008 = arith.constant 0 : i32
          %dma_wait3A_1009 = arith.constant 0 : i32
          %dma_wait3A_1010 = arith.constant 0 : i32
          %dma_wait3A_1011 = tpu.memref_slice %arg4[%dma_wait3A_1008, %dma_wait3A_1009, %dma_wait3A_1010] : memref<16384x200x128xf32, #tpu.memory_space<hbm>> -> memref<4x200x32xf32, #tpu.memory_space<hbm>>
          %dma_wait3A_1012 = arith.constant 0 : i32
          %dma_wait3A_1013 = arith.constant 0 : i32
          %dma_wait3A_1014 = arith.constant 0 : i32
          %dma_wait3A_1015 = tpu.memref_slice %arg6[%dma_wait3A_995, %dma_wait3A_1012, %dma_wait3A_1013, %dma_wait3A_1014] : memref<4x4x200x32xf32, #tpu.memory_space<vmem>> -> memref<1x4x200x32xf32, #tpu.memory_space<vmem>>
          %dma_wait3A_1016 = tpu.memref_squeeze %dma_wait3A_1015 : memref<1x4x200x32xf32, #tpu.memory_space<vmem>> -> memref<4x200x32xf32, #tpu.memory_space<vmem>>
          tpu.wait_dma2 semaphore(%dma_wait3A_1007 : memref<!tpu.dma_semaphore, #tpu.memory_space<semaphore_mem>>) src(%dma_wait3A_1016 : memref<4x200x32xf32, #tpu.memory_space<vmem>>) dst(%dma_wait3A_1011 : memref<4x200x32xf32, #tpu.memory_space<hbm>>)
        } else {
        }
        %dma_wait3A_909 = arith.constant 2 : i32
        %dma_wait3A_910 = arith.constant 2 : i32
        %dma_wait3A_911 = arith.constant 0 : i32
        %dma_wait3A_912 = arith.constant 0 : i32
        %dma_wait3A_913 = tpu.memref_slice %arg5[%dma_wait3A_909, %dma_wait3A_911, %dma_wait3A_912] : memref<4x4x200xi32, #tpu.memory_space<vmem>> -> memref<1x4x200xi32, #tpu.memory_space<vmem>>
        %dma_wait3A_914 = tpu.memref_squeeze %dma_wait3A_913 : memref<1x4x200xi32, #tpu.memory_space<vmem>> -> memref<4x200xi32, #tpu.memory_space<vmem>>
        %dma_wait3A_915 = arith.constant 0 : i32
        %dma_wait3A_916 = arith.constant 0 : i32
        %dma_wait3A_917 = tpu.memref_slice %arg2[%dma_wait3A_915, %dma_wait3A_916] : memref<16384x200xi32, #tpu.memory_space<hbm>> -> memref<4x200xi32, #tpu.memory_space<hbm>>
        %dma_wait3A_918 = tpu.memref_slice %arg7[%dma_wait3A_910] : memref<4x!tpu.dma_semaphore, #tpu.memory_space<semaphore_mem>> -> memref<1x!tpu.dma_semaphore, #tpu.memory_space<semaphore_mem>>
        %dma_wait3A_919 = tpu.memref_squeeze %dma_wait3A_918 : memref<1x!tpu.dma_semaphore, #tpu.memory_space<semaphore_mem>> -> memref<!tpu.dma_semaphore, #tpu.memory_space<semaphore_mem>>
        %dma_wait3A_920 = arith.constant 0 : i32
        %dma_wait3A_921 = arith.constant 0 : i32
        %dma_wait3A_922 = tpu.memref_slice %arg5[%dma_wait3A_909, %dma_wait3A_920, %dma_wait3A_921] : memref<4x4x200xi32, #tpu.memory_space<vmem>> -> memref<1x4x200xi32, #tpu.memory_space<vmem>>
        %dma_wait3A_923 = tpu.memref_squeeze %dma_wait3A_922 : memref<1x4x200xi32, #tpu.memory_space<vmem>> -> memref<4x200xi32, #tpu.memory_space<vmem>>
        %dma_wait3A_924 = arith.constant 0 : i32
        %dma_wait3A_925 = arith.constant 0 : i32
        %dma_wait3A_926 = tpu.memref_slice %arg2[%dma_wait3A_924, %dma_wait3A_925] : memref<16384x200xi32, #tpu.memory_space<hbm>> -> memref<4x200xi32, #tpu.memory_space<hbm>>
        tpu.wait_dma2 semaphore(%dma_wait3A_919 : memref<!tpu.dma_semaphore, #tpu.memory_space<semaphore_mem>>) src(%dma_wait3A_926 : memref<4x200xi32, #tpu.memory_space<hbm>>) dst(%dma_wait3A_923 : memref<4x200xi32, #tpu.memory_space<vmem>>)
        %dma_start3A_927 = arith.constant 2 : i32
        %dma_start3A_928 = arith.constant 0 : i32
        %dma_start3A_929 = arith.constant 2 : i32
        %dma_start3A_930 = arith.constant 0 : i32
        %dma_start3A_931 = arith.constant 2 : i32
        %dma_start3A_932 = arith.constant 0 : i32
        %dma_start3A_933 = arith.constant 0 : i32
        %dma_start3A_934 = tpu.memref_slice %arg6[%dma_start3A_929, %dma_start3A_930, %dma_start3A_932, %dma_start3A_933] : memref<4x4x200x32xf32, #tpu.memory_space<vmem>> -> memref<1x1x200x32xf32, #tpu.memory_space<vmem>>
        %dma_start3A_935 = tpu.memref_squeeze %dma_start3A_934 : memref<1x1x200x32xf32, #tpu.memory_space<vmem>> -> memref<200x32xf32, #tpu.memory_space<vmem>>
        %dma_start3A_936 = arith.constant 0 : i32
        %dma_start3A_937 = tpu.memref_slice %arg5[%dma_start3A_927, %dma_start3A_928, %dma_start3A_936] : memref<4x4x200xi32, #tpu.memory_space<vmem>> -> memref<1x1x200xi32, #tpu.memory_space<vmem>>
        %dma_start3A_938 = tpu.memref_squeeze %dma_start3A_937 : memref<1x1x200xi32, #tpu.memory_space<vmem>> -> memref<200xi32, #tpu.memory_space<vmem>>
        %dma_start3A_939 = arith.constant 0 : i32
        %dma_start3A_940 = arith.constant 0 : i32
        %dma_start3A_941 = tpu.memref_slice %arg3[%dma_start3A_939, %dma_start3A_940] : memref<1000000x32xf32, #tpu.memory_space<hbm>> -> memref<1000000x32xf32, #tpu.memory_space<hbm>>
        %dma_start3A_942 = tpu.memref_slice %arg8[%dma_start3A_931] : memref<4x!tpu.dma_semaphore, #tpu.memory_space<semaphore_mem>> -> memref<1x!tpu.dma_semaphore, #tpu.memory_space<semaphore_mem>>
        %dma_start3A_943 = tpu.memref_squeeze %dma_start3A_942 : memref<1x!tpu.dma_semaphore, #tpu.memory_space<semaphore_mem>> -> memref<!tpu.dma_semaphore, #tpu.memory_space<semaphore_mem>>
        tpu.enqueue_indirect_dma source(%dma_start3A_941 : memref<1000000x32xf32, #tpu.memory_space<hbm>>) target(%dma_start3A_935 : memref<200x32xf32, #tpu.memory_space<vmem>>) offsets(%dma_start3A_938 : memref<200xi32, #tpu.memory_space<vmem>>) semaphore(%dma_start3A_943 : memref<!tpu.dma_semaphore, #tpu.memory_space<semaphore_mem>>)
        %dma_start3A_944 = arith.constant 2 : i32
        %dma_start3A_945 = arith.constant 1 : i32
        %dma_start3A_946 = arith.constant 2 : i32
        %dma_start3A_947 = arith.constant 1 : i32
        %dma_start3A_948 = arith.constant 2 : i32
        %dma_start3A_949 = arith.constant 0 : i32
        %dma_start3A_950 = arith.constant 0 : i32
        %dma_start3A_951 = tpu.memref_slice %arg6[%dma_start3A_946, %dma_start3A_947, %dma_start3A_949, %dma_start3A_950] : memref<4x4x200x32xf32, #tpu.memory_space<vmem>> -> memref<1x1x200x32xf32, #tpu.memory_space<vmem>>
        %dma_start3A_952 = tpu.memref_squeeze %dma_start3A_951 : memref<1x1x200x32xf32, #tpu.memory_space<vmem>> -> memref<200x32xf32, #tpu.memory_space<vmem>>
        %dma_start3A_953 = arith.constant 0 : i32
        %dma_start3A_954 = tpu.memref_slice %arg5[%dma_start3A_944, %dma_start3A_945, %dma_start3A_953] : memref<4x4x200xi32, #tpu.memory_space<vmem>> -> memref<1x1x200xi32, #tpu.memory_space<vmem>>
        %dma_start3A_955 = tpu.memref_squeeze %dma_start3A_954 : memref<1x1x200xi32, #tpu.memory_space<vmem>> -> memref<200xi32, #tpu.memory_space<vmem>>
        %dma_start3A_956 = arith.constant 0 : i32
        %dma_start3A_957 = arith.constant 0 : i32
        %dma_start3A_958 = tpu.memref_slice %arg3[%dma_start3A_956, %dma_start3A_957] : memref<1000000x32xf32, #tpu.memory_space<hbm>> -> memref<1000000x32xf32, #tpu.memory_space<hbm>>
        %dma_start3A_959 = tpu.memref_slice %arg8[%dma_start3A_948] : memref<4x!tpu.dma_semaphore, #tpu.memory_space<semaphore_mem>> -> memref<1x!tpu.dma_semaphore, #tpu.memory_space<semaphore_mem>>
        %dma_start3A_960 = tpu.memref_squeeze %dma_start3A_959 : memref<1x!tpu.dma_semaphore, #tpu.memory_space<semaphore_mem>> -> memref<!tpu.dma_semaphore, #tpu.memory_space<semaphore_mem>>
        tpu.enqueue_indirect_dma source(%dma_start3A_958 : memref<1000000x32xf32, #tpu.memory_space<hbm>>) target(%dma_start3A_952 : memref<200x32xf32, #tpu.memory_space<vmem>>) offsets(%dma_start3A_955 : memref<200xi32, #tpu.memory_space<vmem>>) semaphore(%dma_start3A_960 : memref<!tpu.dma_semaphore, #tpu.memory_space<semaphore_mem>>)
        %dma_start3A_961 = arith.constant 2 : i32
        %dma_start3A_962 = arith.constant 2 : i32
        %dma_start3A_963 = arith.constant 2 : i32
        %dma_start3A_964 = arith.constant 2 : i32
        %dma_start3A_965 = arith.constant 2 : i32
        %dma_start3A_966 = arith.constant 0 : i32
        %dma_start3A_967 = arith.constant 0 : i32
        %dma_start3A_968 = tpu.memref_slice %arg6[%dma_start3A_963, %dma_start3A_964, %dma_start3A_966, %dma_start3A_967] : memref<4x4x200x32xf32, #tpu.memory_space<vmem>> -> memref<1x1x200x32xf32, #tpu.memory_space<vmem>>
        %dma_start3A_969 = tpu.memref_squeeze %dma_start3A_968 : memref<1x1x200x32xf32, #tpu.memory_space<vmem>> -> memref<200x32xf32, #tpu.memory_space<vmem>>
        %dma_start3A_970 = arith.constant 0 : i32
        %dma_start3A_971 = tpu.memref_slice %arg5[%dma_start3A_961, %dma_start3A_962, %dma_start3A_970] : memref<4x4x200xi32, #tpu.memory_space<vmem>> -> memref<1x1x200xi32, #tpu.memory_space<vmem>>
        %dma_start3A_972 = tpu.memref_squeeze %dma_start3A_971 : memref<1x1x200xi32, #tpu.memory_space<vmem>> -> memref<200xi32, #tpu.memory_space<vmem>>
        %dma_start3A_973 = arith.constant 0 : i32
        %dma_start3A_974 = arith.constant 0 : i32
        %dma_start3A_975 = tpu.memref_slice %arg3[%dma_start3A_973, %dma_start3A_974] : memref<1000000x32xf32, #tpu.memory_space<hbm>> -> memref<1000000x32xf32, #tpu.memory_space<hbm>>
        %dma_start3A_976 = tpu.memref_slice %arg8[%dma_start3A_965] : memref<4x!tpu.dma_semaphore, #tpu.memory_space<semaphore_mem>> -> memref<1x!tpu.dma_semaphore, #tpu.memory_space<semaphore_mem>>
        %dma_start3A_977 = tpu.memref_squeeze %dma_start3A_976 : memref<1x!tpu.dma_semaphore, #tpu.memory_space<semaphore_mem>> -> memref<!tpu.dma_semaphore, #tpu.memory_space<semaphore_mem>>
        tpu.enqueue_indirect_dma source(%dma_start3A_975 : memref<1000000x32xf32, #tpu.memory_space<hbm>>) target(%dma_start3A_969 : memref<200x32xf32, #tpu.memory_space<vmem>>) offsets(%dma_start3A_972 : memref<200xi32, #tpu.memory_space<vmem>>) semaphore(%dma_start3A_977 : memref<!tpu.dma_semaphore, #tpu.memory_space<semaphore_mem>>)
        %dma_start3A_978 = arith.constant 2 : i32
        %dma_start3A_979 = arith.constant 3 : i32
        %dma_start3A_980 = arith.constant 2 : i32
        %dma_start3A_981 = arith.constant 3 : i32
        %dma_start3A_982 = arith.constant 2 : i32
        %dma_start3A_983 = arith.constant 0 : i32
        %dma_start3A_984 = arith.constant 0 : i32
        %dma_start3A_985 = tpu.memref_slice %arg6[%dma_start3A_980, %dma_start3A_981, %dma_start3A_983, %dma_start3A_984] : memref<4x4x200x32xf32, #tpu.memory_space<vmem>> -> memref<1x1x200x32xf32, #tpu.memory_space<vmem>>
        %dma_start3A_986 = tpu.memref_squeeze %dma_start3A_985 : memref<1x1x200x32xf32, #tpu.memory_space<vmem>> -> memref<200x32xf32, #tpu.memory_space<vmem>>
        %dma_start3A_987 = arith.constant 0 : i32
        %dma_start3A_988 = tpu.memref_slice %arg5[%dma_start3A_978, %dma_start3A_979, %dma_start3A_987] : memref<4x4x200xi32, #tpu.memory_space<vmem>> -> memref<1x1x200xi32, #tpu.memory_space<vmem>>
        %dma_start3A_989 = tpu.memref_squeeze %dma_start3A_988 : memref<1x1x200xi32, #tpu.memory_space<vmem>> -> memref<200xi32, #tpu.memory_space<vmem>>
        %dma_start3A_990 = arith.constant 0 : i32
        %dma_start3A_991 = arith.constant 0 : i32
        %dma_start3A_992 = tpu.memref_slice %arg3[%dma_start3A_990, %dma_start3A_991] : memref<1000000x32xf32, #tpu.memory_space<hbm>> -> memref<1000000x32xf32, #tpu.memory_space<hbm>>
        %dma_start3A_993 = tpu.memref_slice %arg8[%dma_start3A_982] : memref<4x!tpu.dma_semaphore, #tpu.memory_space<semaphore_mem>> -> memref<1x!tpu.dma_semaphore, #tpu.memory_space<semaphore_mem>>
        %dma_start3A_994 = tpu.memref_squeeze %dma_start3A_993 : memref<1x!tpu.dma_semaphore, #tpu.memory_space<semaphore_mem>> -> memref<!tpu.dma_semaphore, #tpu.memory_space<semaphore_mem>>
        tpu.enqueue_indirect_dma source(%dma_start3A_992 : memref<1000000x32xf32, #tpu.memory_space<hbm>>) target(%dma_start3A_986 : memref<200x32xf32, #tpu.memory_space<vmem>>) offsets(%dma_start3A_989 : memref<200xi32, #tpu.memory_space<vmem>>) semaphore(%dma_start3A_994 : memref<!tpu.dma_semaphore, #tpu.memory_space<semaphore_mem>>)
      } else {
      }
      %parallel_loop3A_870 = arith.constant 0 : i32
      %parallel_loop3A_871 = arith.constant 200 : i32
      %parallel_loop3A_872 = arith.constant 1 : i32
      scf.for %parallel_loop3A_905 = %parallel_loop3A_870 to %parallel_loop3A_871 step %parallel_loop3A_872  : i32 {
        %parallel_loop3A_906 = arith.constant 3 : i32
        %parallel_loop3A_907 = arith.constant 0 : i32
        %parallel_loop3A_908 = arith.index_cast %parallel_loop3A_906 : i32 to index
        %parallel_loop3A_909 = arith.index_cast %parallel_loop3A_907 : i32 to index
        %parallel_loop3A_910 = arith.index_cast %parallel_loop3A_905 : i32 to index
        %parallel_loop3A_911 = arith.constant 0 : index
        %parallel_loop3A_912 = tpu.vector_load %arg6[%parallel_loop3A_908, %parallel_loop3A_909, %parallel_loop3A_910, %parallel_loop3A_911] {strides = array<i32>} : memref<4x4x200x32xf32, #tpu.memory_space<vmem>>, vector<1x1x1x16xf32>,
        %parallel_loop3A_913 = vector.shape_cast %parallel_loop3A_912 : vector<1x1x1x16xf32> to vector<16xf32>
        %parallel_loop3A_914 = arith.constant 5.65685415 : f32
        %parallel_loop3A_915 = vector.broadcast %parallel_loop3A_914 : f32 to vector<16xf32>
        %parallel_loop3A_916 = arith.mulf %parallel_loop3A_913, %parallel_loop3A_915 : vector<16xf32>
        %parallel_loop3A_917 = arith.constant 3 : i32
        %parallel_loop3A_918 = arith.constant 0 : i32
        %parallel_loop3A_919 = arith.index_cast %parallel_loop3A_917 : i32 to index
        %parallel_loop3A_920 = arith.index_cast %parallel_loop3A_918 : i32 to index
        %parallel_loop3A_921 = arith.index_cast %parallel_loop3A_905 : i32 to index
        %parallel_loop3A_922 = arith.constant 0 : index
        %parallel_loop3A_923 = tpu.vector_load %arg6[%parallel_loop3A_919, %parallel_loop3A_920, %parallel_loop3A_921, %parallel_loop3A_922] {strides = array<i32>} : memref<4x4x200x32xf32, #tpu.memory_space<vmem>>, vector<1x1x1x16xf32>,
        %parallel_loop3A_924 = vector.shape_cast %parallel_loop3A_923 : vector<1x1x1x16xf32> to vector<16xf32>
        %parallel_loop3A_925 = vector.shape_cast %parallel_loop3A_916 : vector<16xf32> to vector<1x1x1x16xf32>
        tpu.vector_store %arg6[%parallel_loop3A_919, %parallel_loop3A_920, %parallel_loop3A_921, %parallel_loop3A_922], %parallel_loop3A_925 {strides = array<i32>} : memref<4x4x200x32xf32, #tpu.memory_space<vmem>>, vector<1x1x1x16xf32>,
        %parallel_loop3A_926 = arith.constant 3 : i32
        %parallel_loop3A_927 = arith.constant 0 : i32
        %parallel_loop3A_928 = arith.index_cast %parallel_loop3A_926 : i32 to index
        %parallel_loop3A_929 = arith.index_cast %parallel_loop3A_927 : i32 to index
        %parallel_loop3A_930 = arith.index_cast %parallel_loop3A_905 : i32 to index
        %parallel_loop3A_931 = arith.constant 16 : index
        %parallel_loop3A_932 = tpu.vector_load %arg6[%parallel_loop3A_928, %parallel_loop3A_929, %parallel_loop3A_930, %parallel_loop3A_931] {strides = array<i32>} : memref<4x4x200x32xf32, #tpu.memory_space<vmem>>, vector<1x1x1x16xf32>,
        %parallel_loop3A_933 = vector.shape_cast %parallel_loop3A_932 : vector<1x1x1x16xf32> to vector<16xf32>
        %parallel_loop3A_934 = arith.constant 5.65685415 : f32
        %parallel_loop3A_935 = vector.broadcast %parallel_loop3A_934 : f32 to vector<16xf32>
        %parallel_loop3A_936 = arith.mulf %parallel_loop3A_933, %parallel_loop3A_935 : vector<16xf32>
        %parallel_loop3A_937 = arith.constant 3 : i32
        %parallel_loop3A_938 = arith.constant 0 : i32
        %parallel_loop3A_939 = arith.index_cast %parallel_loop3A_937 : i32 to index
        %parallel_loop3A_940 = arith.index_cast %parallel_loop3A_938 : i32 to index
        %parallel_loop3A_941 = arith.index_cast %parallel_loop3A_905 : i32 to index
        %parallel_loop3A_942 = arith.constant 16 : index
        %parallel_loop3A_943 = tpu.vector_load %arg6[%parallel_loop3A_939, %parallel_loop3A_940, %parallel_loop3A_941, %parallel_loop3A_942] {strides = array<i32>} : memref<4x4x200x32xf32, #tpu.memory_space<vmem>>, vector<1x1x1x16xf32>,
        %parallel_loop3A_944 = vector.shape_cast %parallel_loop3A_943 : vector<1x1x1x16xf32> to vector<16xf32>
        %parallel_loop3A_945 = vector.shape_cast %parallel_loop3A_936 : vector<16xf32> to vector<1x1x1x16xf32>
        tpu.vector_store %arg6[%parallel_loop3A_939, %parallel_loop3A_940, %parallel_loop3A_941, %parallel_loop3A_942], %parallel_loop3A_945 {strides = array<i32>} : memref<4x4x200x32xf32, #tpu.memory_space<vmem>>, vector<1x1x1x16xf32>,
      } {sc.loop_unroll_factor = 8 : i64, sc.parallel_access}
      %parallel_loop3A_873 = arith.constant 0 : i32
      %parallel_loop3A_874 = arith.constant 200 : i32
      %parallel_loop3A_875 = arith.constant 1 : i32
      scf.for %parallel_loop3A_905 = %parallel_loop3A_873 to %parallel_loop3A_874 step %parallel_loop3A_875  : i32 {
        %parallel_loop3A_906 = arith.constant 3 : i32
        %parallel_loop3A_907 = arith.constant 1 : i32
        %parallel_loop3A_908 = arith.index_cast %parallel_loop3A_906 : i32 to index
        %parallel_loop3A_909 = arith.index_cast %parallel_loop3A_907 : i32 to index
        %parallel_loop3A_910 = arith.index_cast %parallel_loop3A_905 : i32 to index
        %parallel_loop3A_911 = arith.constant 0 : index
        %parallel_loop3A_912 = tpu.vector_load %arg6[%parallel_loop3A_908, %parallel_loop3A_909, %parallel_loop3A_910, %parallel_loop3A_911] {strides = array<i32>} : memref<4x4x200x32xf32, #tpu.memory_space<vmem>>, vector<1x1x1x16xf32>,
        %parallel_loop3A_913 = vector.shape_cast %parallel_loop3A_912 : vector<1x1x1x16xf32> to vector<16xf32>
        %parallel_loop3A_914 = arith.constant 5.65685415 : f32
        %parallel_loop3A_915 = vector.broadcast %parallel_loop3A_914 : f32 to vector<16xf32>
        %parallel_loop3A_916 = arith.mulf %parallel_loop3A_913, %parallel_loop3A_915 : vector<16xf32>
        %parallel_loop3A_917 = arith.constant 3 : i32
        %parallel_loop3A_918 = arith.constant 1 : i32
        %parallel_loop3A_919 = arith.index_cast %parallel_loop3A_917 : i32 to index
        %parallel_loop3A_920 = arith.index_cast %parallel_loop3A_918 : i32 to index
        %parallel_loop3A_921 = arith.index_cast %parallel_loop3A_905 : i32 to index
        %parallel_loop3A_922 = arith.constant 0 : index
        %parallel_loop3A_923 = tpu.vector_load %arg6[%parallel_loop3A_919, %parallel_loop3A_920, %parallel_loop3A_921, %parallel_loop3A_922] {strides = array<i32>} : memref<4x4x200x32xf32, #tpu.memory_space<vmem>>, vector<1x1x1x16xf32>,
        %parallel_loop3A_924 = vector.shape_cast %parallel_loop3A_923 : vector<1x1x1x16xf32> to vector<16xf32>
        %parallel_loop3A_925 = vector.shape_cast %parallel_loop3A_916 : vector<16xf32> to vector<1x1x1x16xf32>
        tpu.vector_store %arg6[%parallel_loop3A_919, %parallel_loop3A_920, %parallel_loop3A_921, %parallel_loop3A_922], %parallel_loop3A_925 {strides = array<i32>} : memref<4x4x200x32xf32, #tpu.memory_space<vmem>>, vector<1x1x1x16xf32>,
        %parallel_loop3A_926 = arith.constant 3 : i32
        %parallel_loop3A_927 = arith.constant 1 : i32
        %parallel_loop3A_928 = arith.index_cast %parallel_loop3A_926 : i32 to index
        %parallel_loop3A_929 = arith.index_cast %parallel_loop3A_927 : i32 to index
        %parallel_loop3A_930 = arith.index_cast %parallel_loop3A_905 : i32 to index
        %parallel_loop3A_931 = arith.constant 16 : index
        %parallel_loop3A_932 = tpu.vector_load %arg6[%parallel_loop3A_928, %parallel_loop3A_929, %parallel_loop3A_930, %parallel_loop3A_931] {strides = array<i32>} : memref<4x4x200x32xf32, #tpu.memory_space<vmem>>, vector<1x1x1x16xf32>,
        %parallel_loop3A_933 = vector.shape_cast %parallel_loop3A_932 : vector<1x1x1x16xf32> to vector<16xf32>
        %parallel_loop3A_934 = arith.constant 5.65685415 : f32
        %parallel_loop3A_935 = vector.broadcast %parallel_loop3A_934 : f32 to vector<16xf32>
        %parallel_loop3A_936 = arith.mulf %parallel_loop3A_933, %parallel_loop3A_935 : vector<16xf32>
        %parallel_loop3A_937 = arith.constant 3 : i32
        %parallel_loop3A_938 = arith.constant 1 : i32
        %parallel_loop3A_939 = arith.index_cast %parallel_loop3A_937 : i32 to index
        %parallel_loop3A_940 = arith.index_cast %parallel_loop3A_938 : i32 to index
        %parallel_loop3A_941 = arith.index_cast %parallel_loop3A_905 : i32 to index
        %parallel_loop3A_942 = arith.constant 16 : index
        %parallel_loop3A_943 = tpu.vector_load %arg6[%parallel_loop3A_939, %parallel_loop3A_940, %parallel_loop3A_941, %parallel_loop3A_942] {strides = array<i32>} : memref<4x4x200x32xf32, #tpu.memory_space<vmem>>, vector<1x1x1x16xf32>,
        %parallel_loop3A_944 = vector.shape_cast %parallel_loop3A_943 : vector<1x1x1x16xf32> to vector<16xf32>
        %parallel_loop3A_945 = vector.shape_cast %parallel_loop3A_936 : vector<16xf32> to vector<1x1x1x16xf32>
        tpu.vector_store %arg6[%parallel_loop3A_939, %parallel_loop3A_940, %parallel_loop3A_941, %parallel_loop3A_942], %parallel_loop3A_945 {strides = array<i32>} : memref<4x4x200x32xf32, #tpu.memory_space<vmem>>, vector<1x1x1x16xf32>,
      } {sc.loop_unroll_factor = 8 : i64, sc.parallel_access}
      %parallel_loop3A_876 = arith.constant 0 : i32
      %parallel_loop3A_877 = arith.constant 200 : i32
      %parallel_loop3A_878 = arith.constant 1 : i32
      scf.for %parallel_loop3A_905 = %parallel_loop3A_876 to %parallel_loop3A_877 step %parallel_loop3A_878  : i32 {
        %parallel_loop3A_906 = arith.constant 3 : i32
        %parallel_loop3A_907 = arith.constant 2 : i32
        %parallel_loop3A_908 = arith.index_cast %parallel_loop3A_906 : i32 to index
        %parallel_loop3A_909 = arith.index_cast %parallel_loop3A_907 : i32 to index
        %parallel_loop3A_910 = arith.index_cast %parallel_loop3A_905 : i32 to index
        %parallel_loop3A_911 = arith.constant 0 : index
        %parallel_loop3A_912 = tpu.vector_load %arg6[%parallel_loop3A_908, %parallel_loop3A_909, %parallel_loop3A_910, %parallel_loop3A_911] {strides = array<i32>} : memref<4x4x200x32xf32, #tpu.memory_space<vmem>>, vector<1x1x1x16xf32>,
        %parallel_loop3A_913 = vector.shape_cast %parallel_loop3A_912 : vector<1x1x1x16xf32> to vector<16xf32>
        %parallel_loop3A_914 = arith.constant 5.65685415 : f32
        %parallel_loop3A_915 = vector.broadcast %parallel_loop3A_914 : f32 to vector<16xf32>
        %parallel_loop3A_916 = arith.mulf %parallel_loop3A_913, %parallel_loop3A_915 : vector<16xf32>
        %parallel_loop3A_917 = arith.constant 3 : i32
        %parallel_loop3A_918 = arith.constant 2 : i32
        %parallel_loop3A_919 = arith.index_cast %parallel_loop3A_917 : i32 to index
        %parallel_loop3A_920 = arith.index_cast %parallel_loop3A_918 : i32 to index
        %parallel_loop3A_921 = arith.index_cast %parallel_loop3A_905 : i32 to index
        %parallel_loop3A_922 = arith.constant 0 : index
        %parallel_loop3A_923 = tpu.vector_load %arg6[%parallel_loop3A_919, %parallel_loop3A_920, %parallel_loop3A_921, %parallel_loop3A_922] {strides = array<i32>} : memref<4x4x200x32xf32, #tpu.memory_space<vmem>>, vector<1x1x1x16xf32>,
        %parallel_loop3A_924 = vector.shape_cast %parallel_loop3A_923 : vector<1x1x1x16xf32> to vector<16xf32>
        %parallel_loop3A_925 = vector.shape_cast %parallel_loop3A_916 : vector<16xf32> to vector<1x1x1x16xf32>
        tpu.vector_store %arg6[%parallel_loop3A_919, %parallel_loop3A_920, %parallel_loop3A_921, %parallel_loop3A_922], %parallel_loop3A_925 {strides = array<i32>} : memref<4x4x200x32xf32, #tpu.memory_space<vmem>>, vector<1x1x1x16xf32>,
        %parallel_loop3A_926 = arith.constant 3 : i32
        %parallel_loop3A_927 = arith.constant 2 : i32
        %parallel_loop3A_928 = arith.index_cast %parallel_loop3A_926 : i32 to index
        %parallel_loop3A_929 = arith.index_cast %parallel_loop3A_927 : i32 to index
        %parallel_loop3A_930 = arith.index_cast %parallel_loop3A_905 : i32 to index
        %parallel_loop3A_931 = arith.constant 16 : index
        %parallel_loop3A_932 = tpu.vector_load %arg6[%parallel_loop3A_928, %parallel_loop3A_929, %parallel_loop3A_930, %parallel_loop3A_931] {strides = array<i32>} : memref<4x4x200x32xf32, #tpu.memory_space<vmem>>, vector<1x1x1x16xf32>,
        %parallel_loop3A_933 = vector.shape_cast %parallel_loop3A_932 : vector<1x1x1x16xf32> to vector<16xf32>
        %parallel_loop3A_934 = arith.constant 5.65685415 : f32
        %parallel_loop3A_935 = vector.broadcast %parallel_loop3A_934 : f32 to vector<16xf32>
        %parallel_loop3A_936 = arith.mulf %parallel_loop3A_933, %parallel_loop3A_935 : vector<16xf32>
        %parallel_loop3A_937 = arith.constant 3 : i32
        %parallel_loop3A_938 = arith.constant 2 : i32
        %parallel_loop3A_939 = arith.index_cast %parallel_loop3A_937 : i32 to index
        %parallel_loop3A_940 = arith.index_cast %parallel_loop3A_938 : i32 to index
        %parallel_loop3A_941 = arith.index_cast %parallel_loop3A_905 : i32 to index
        %parallel_loop3A_942 = arith.constant 16 : index
        %parallel_loop3A_943 = tpu.vector_load %arg6[%parallel_loop3A_939, %parallel_loop3A_940, %parallel_loop3A_941, %parallel_loop3A_942] {strides = array<i32>} : memref<4x4x200x32xf32, #tpu.memory_space<vmem>>, vector<1x1x1x16xf32>,
        %parallel_loop3A_944 = vector.shape_cast %parallel_loop3A_943 : vector<1x1x1x16xf32> to vector<16xf32>
        %parallel_loop3A_945 = vector.shape_cast %parallel_loop3A_936 : vector<16xf32> to vector<1x1x1x16xf32>
        tpu.vector_store %arg6[%parallel_loop3A_939, %parallel_loop3A_940, %parallel_loop3A_941, %parallel_loop3A_942], %parallel_loop3A_945 {strides = array<i32>} : memref<4x4x200x32xf32, #tpu.memory_space<vmem>>, vector<1x1x1x16xf32>,
      } {sc.loop_unroll_factor = 8 : i64, sc.parallel_access}
      %parallel_loop3A_879 = arith.constant 0 : i32
      %parallel_loop3A_880 = arith.constant 200 : i32
      %parallel_loop3A_881 = arith.constant 1 : i32
      scf.for %parallel_loop3A_905 = %parallel_loop3A_879 to %parallel_loop3A_880 step %parallel_loop3A_881  : i32 {
        %parallel_loop3A_906 = arith.constant 3 : i32
        %parallel_loop3A_907 = arith.constant 3 : i32
        %parallel_loop3A_908 = arith.index_cast %parallel_loop3A_906 : i32 to index
        %parallel_loop3A_909 = arith.index_cast %parallel_loop3A_907 : i32 to index
        %parallel_loop3A_910 = arith.index_cast %parallel_loop3A_905 : i32 to index
        %parallel_loop3A_911 = arith.constant 0 : index
        %parallel_loop3A_912 = tpu.vector_load %arg6[%parallel_loop3A_908, %parallel_loop3A_909, %parallel_loop3A_910, %parallel_loop3A_911] {strides = array<i32>} : memref<4x4x200x32xf32, #tpu.memory_space<vmem>>, vector<1x1x1x16xf32>,
        %parallel_loop3A_913 = vector.shape_cast %parallel_loop3A_912 : vector<1x1x1x16xf32> to vector<16xf32>
        %parallel_loop3A_914 = arith.constant 5.65685415 : f32
        %parallel_loop3A_915 = vector.broadcast %parallel_loop3A_914 : f32 to vector<16xf32>
        %parallel_loop3A_916 = arith.mulf %parallel_loop3A_913, %parallel_loop3A_915 : vector<16xf32>
        %parallel_loop3A_917 = arith.constant 3 : i32
        %parallel_loop3A_918 = arith.constant 3 : i32
        %parallel_loop3A_919 = arith.index_cast %parallel_loop3A_917 : i32 to index
        %parallel_loop3A_920 = arith.index_cast %parallel_loop3A_918 : i32 to index
        %parallel_loop3A_921 = arith.index_cast %parallel_loop3A_905 : i32 to index
        %parallel_loop3A_922 = arith.constant 0 : index
        %parallel_loop3A_923 = tpu.vector_load %arg6[%parallel_loop3A_919, %parallel_loop3A_920, %parallel_loop3A_921, %parallel_loop3A_922] {strides = array<i32>} : memref<4x4x200x32xf32, #tpu.memory_space<vmem>>, vector<1x1x1x16xf32>,
        %parallel_loop3A_924 = vector.shape_cast %parallel_loop3A_923 : vector<1x1x1x16xf32> to vector<16xf32>
        %parallel_loop3A_925 = vector.shape_cast %parallel_loop3A_916 : vector<16xf32> to vector<1x1x1x16xf32>
        tpu.vector_store %arg6[%parallel_loop3A_919, %parallel_loop3A_920, %parallel_loop3A_921, %parallel_loop3A_922], %parallel_loop3A_925 {strides = array<i32>} : memref<4x4x200x32xf32, #tpu.memory_space<vmem>>, vector<1x1x1x16xf32>,
        %parallel_loop3A_926 = arith.constant 3 : i32
        %parallel_loop3A_927 = arith.constant 3 : i32
        %parallel_loop3A_928 = arith.index_cast %parallel_loop3A_926 : i32 to index
        %parallel_loop3A_929 = arith.index_cast %parallel_loop3A_927 : i32 to index
        %parallel_loop3A_930 = arith.index_cast %parallel_loop3A_905 : i32 to index
        %parallel_loop3A_931 = arith.constant 16 : index
        %parallel_loop3A_932 = tpu.vector_load %arg6[%parallel_loop3A_928, %parallel_loop3A_929, %parallel_loop3A_930, %parallel_loop3A_931] {strides = array<i32>} : memref<4x4x200x32xf32, #tpu.memory_space<vmem>>, vector<1x1x1x16xf32>,
        %parallel_loop3A_933 = vector.shape_cast %parallel_loop3A_932 : vector<1x1x1x16xf32> to vector<16xf32>
        %parallel_loop3A_934 = arith.constant 5.65685415 : f32
        %parallel_loop3A_935 = vector.broadcast %parallel_loop3A_934 : f32 to vector<16xf32>
        %parallel_loop3A_936 = arith.mulf %parallel_loop3A_933, %parallel_loop3A_935 : vector<16xf32>
        %parallel_loop3A_937 = arith.constant 3 : i32
        %parallel_loop3A_938 = arith.constant 3 : i32
        %parallel_loop3A_939 = arith.index_cast %parallel_loop3A_937 : i32 to index
        %parallel_loop3A_940 = arith.index_cast %parallel_loop3A_938 : i32 to index
        %parallel_loop3A_941 = arith.index_cast %parallel_loop3A_905 : i32 to index
        %parallel_loop3A_942 = arith.constant 16 : index
        %parallel_loop3A_943 = tpu.vector_load %arg6[%parallel_loop3A_939, %parallel_loop3A_940, %parallel_loop3A_941, %parallel_loop3A_942] {strides = array<i32>} : memref<4x4x200x32xf32, #tpu.memory_space<vmem>>, vector<1x1x1x16xf32>,
        %parallel_loop3A_944 = vector.shape_cast %parallel_loop3A_943 : vector<1x1x1x16xf32> to vector<16xf32>
        %parallel_loop3A_945 = vector.shape_cast %parallel_loop3A_936 : vector<16xf32> to vector<1x1x1x16xf32>
        tpu.vector_store %arg6[%parallel_loop3A_939, %parallel_loop3A_940, %parallel_loop3A_941, %parallel_loop3A_942], %parallel_loop3A_945 {strides = array<i32>} : memref<4x4x200x32xf32, #tpu.memory_space<vmem>>, vector<1x1x1x16xf32>,
      } {sc.loop_unroll_factor = 8 : i64, sc.parallel_access}
      %mul3A_882 = arith.constant 4 : i32
      %mul3A_883 = arith.muli %add3A_787, %mul3A_882 : i32
      %add3A_884 = arith.addi %mul3A_2, %mul3A_883 : i32
      %dma_start3A_885 = arith.constant 3 : i32
      %dma_start3A_886 = arith.constant 3 : i32
      %dma_start3A_887 = arith.constant 0 : i32
      %dma_start3A_888 = arith.constant 0 : i32
      %dma_start3A_889 = arith.constant 0 : i32
      %dma_start3A_890 = tpu.memref_slice %arg6[%dma_start3A_885, %dma_start3A_887, %dma_start3A_888, %dma_start3A_889] : memref<4x4x200x32xf32, #tpu.memory_space<vmem>> -> memref<1x4x200x32xf32, #tpu.memory_space<vmem>>
      %dma_start3A_891 = tpu.memref_squeeze %dma_start3A_890 : memref<1x4x200x32xf32, #tpu.memory_space<vmem>> -> memref<4x200x32xf32, #tpu.memory_space<vmem>>
      %dma_start3A_892 = arith.constant 0 : i32
      %dma_start3A_893 = arith.constant 0 : i32
      %dma_start3A_894 = tpu.memref_slice %arg4[%add3A_884, %dma_start3A_892, %dma_start3A_893] : memref<16384x200x128xf32, #tpu.memory_space<hbm>> -> memref<4x200x32xf32, #tpu.memory_space<hbm>>
      %dma_start3A_895 = tpu.memref_slice %arg9[%dma_start3A_886] : memref<4x!tpu.dma_semaphore, #tpu.memory_space<semaphore_mem>> -> memref<1x!tpu.dma_semaphore, #tpu.memory_space<semaphore_mem>>
      %dma_start3A_896 = tpu.memref_squeeze %dma_start3A_895 : memref<1x!tpu.dma_semaphore, #tpu.memory_space<semaphore_mem>> -> memref<!tpu.dma_semaphore, #tpu.memory_space<semaphore_mem>>
      %dma_start3A_897 = arith.constant 0 : i32
      %dma_start3A_898 = arith.constant 0 : i32
      %dma_start3A_899 = tpu.memref_slice %arg4[%add3A_884, %dma_start3A_897, %dma_start3A_898] : memref<16384x200x128xf32, #tpu.memory_space<hbm>> -> memref<4x200x32xf32, #tpu.memory_space<hbm>>
      %dma_start3A_900 = arith.constant 0 : i32
      %dma_start3A_901 = arith.constant 0 : i32
      %dma_start3A_902 = arith.constant 0 : i32
      %dma_start3A_903 = tpu.memref_slice %arg6[%dma_start3A_885, %dma_start3A_900, %dma_start3A_901, %dma_start3A_902] : memref<4x4x200x32xf32, #tpu.memory_space<vmem>> -> memref<1x4x200x32xf32, #tpu.memory_space<vmem>>
      %dma_start3A_904 = tpu.memref_squeeze %dma_start3A_903 : memref<1x4x200x32xf32, #tpu.memory_space<vmem>> -> memref<4x200x32xf32, #tpu.memory_space<vmem>>
      tpu.enqueue_dma source(%dma_start3A_904 : memref<4x200x32xf32, #tpu.memory_space<vmem>>) target(%dma_start3A_899 : memref<4x200x32xf32, #tpu.memory_space<hbm>>) target_semaphore(%dma_start3A_896 : memref<!tpu.dma_semaphore, #tpu.memory_space<semaphore_mem>>)
    }
    %scan3A_335 = arith.constant 32 : i32
    %dma_wait3A_336 = arith.constant 0 : i32
    %dma_wait3A_337 = arith.constant 0 : i32
    %dma_wait3A_338 = arith.constant 0 : i32
    %dma_wait3A_339 = arith.constant 0 : i32
    %dma_wait3A_340 = arith.constant 0 : i32
    %dma_wait3A_341 = tpu.memref_slice %arg6[%dma_wait3A_336, %dma_wait3A_338, %dma_wait3A_339, %dma_wait3A_340] : memref<4x4x200x32xf32, #tpu.memory_space<vmem>> -> memref<1x4x200x32xf32, #tpu.memory_space<vmem>>
    %dma_wait3A_342 = tpu.memref_squeeze %dma_wait3A_341 : memref<1x4x200x32xf32, #tpu.memory_space<vmem>> -> memref<4x200x32xf32, #tpu.memory_space<vmem>>
    %dma_wait3A_343 = arith.constant 0 : i32
    %dma_wait3A_344 = arith.constant 0 : i32
    %dma_wait3A_345 = arith.constant 0 : i32
    %dma_wait3A_346 = tpu.memref_slice %arg4[%dma_wait3A_343, %dma_wait3A_344, %dma_wait3A_345] : memref<16384x200x128xf32, #tpu.memory_space<hbm>> -> memref<4x200x32xf32, #tpu.memory_space<hbm>>
    %dma_wait3A_347 = tpu.memref_slice %arg9[%dma_wait3A_337] : memref<4x!tpu.dma_semaphore, #tpu.memory_space<semaphore_mem>> -> memref<1x!tpu.dma_semaphore, #tpu.memory_space<semaphore_mem>>
    %dma_wait3A_348 = tpu.memref_squeeze %dma_wait3A_347 : memref<1x!tpu.dma_semaphore, #tpu.memory_space<semaphore_mem>> -> memref<!tpu.dma_semaphore, #tpu.memory_space<semaphore_mem>>
    %dma_wait3A_349 = arith.constant 0 : i32
    %dma_wait3A_350 = arith.constant 0 : i32
    %dma_wait3A_351 = arith.constant 0 : i32
    %dma_wait3A_352 = tpu.memref_slice %arg4[%dma_wait3A_349, %dma_wait3A_350, %dma_wait3A_351] : memref<16384x200x128xf32, #tpu.memory_space<hbm>> -> memref<4x200x32xf32, #tpu.memory_space<hbm>>
    %dma_wait3A_353 = arith.constant 0 : i32
    %dma_wait3A_354 = arith.constant 0 : i32
    %dma_wait3A_355 = arith.constant 0 : i32
    %dma_wait3A_356 = tpu.memref_slice %arg6[%dma_wait3A_336, %dma_wait3A_353, %dma_wait3A_354, %dma_wait3A_355] : memref<4x4x200x32xf32, #tpu.memory_space<vmem>> -> memref<1x4x200x32xf32, #tpu.memory_space<vmem>>
    %dma_wait3A_357 = tpu.memref_squeeze %dma_wait3A_356 : memref<1x4x200x32xf32, #tpu.memory_space<vmem>> -> memref<4x200x32xf32, #tpu.memory_space<vmem>>
    tpu.wait_dma2 semaphore(%dma_wait3A_348 : memref<!tpu.dma_semaphore, #tpu.memory_space<semaphore_mem>>) src(%dma_wait3A_357 : memref<4x200x32xf32, #tpu.memory_space<vmem>>) dst(%dma_wait3A_352 : memref<4x200x32xf32, #tpu.memory_space<hbm>>)
    %dma_wait3A_358 = arith.constant 1 : i32
    %dma_wait3A_359 = arith.constant 1 : i32
    %dma_wait3A_360 = arith.constant 0 : i32
    %dma_wait3A_361 = arith.constant 0 : i32
    %dma_wait3A_362 = arith.constant 0 : i32
    %dma_wait3A_363 = tpu.memref_slice %arg6[%dma_wait3A_358, %dma_wait3A_360, %dma_wait3A_361, %dma_wait3A_362] : memref<4x4x200x32xf32, #tpu.memory_space<vmem>> -> memref<1x4x200x32xf32, #tpu.memory_space<vmem>>
    %dma_wait3A_364 = tpu.memref_squeeze %dma_wait3A_363 : memref<1x4x200x32xf32, #tpu.memory_space<vmem>> -> memref<4x200x32xf32, #tpu.memory_space<vmem>>
    %dma_wait3A_365 = arith.constant 0 : i32
    %dma_wait3A_366 = arith.constant 0 : i32
    %dma_wait3A_367 = arith.constant 0 : i32
    %dma_wait3A_368 = tpu.memref_slice %arg4[%dma_wait3A_365, %dma_wait3A_366, %dma_wait3A_367] : memref<16384x200x128xf32, #tpu.memory_space<hbm>> -> memref<4x200x32xf32, #tpu.memory_space<hbm>>
    %dma_wait3A_369 = tpu.memref_slice %arg9[%dma_wait3A_359] : memref<4x!tpu.dma_semaphore, #tpu.memory_space<semaphore_mem>> -> memref<1x!tpu.dma_semaphore, #tpu.memory_space<semaphore_mem>>
    %dma_wait3A_370 = tpu.memref_squeeze %dma_wait3A_369 : memref<1x!tpu.dma_semaphore, #tpu.memory_space<semaphore_mem>> -> memref<!tpu.dma_semaphore, #tpu.memory_space<semaphore_mem>>
    %dma_wait3A_371 = arith.constant 0 : i32
    %dma_wait3A_372 = arith.constant 0 : i32
    %dma_wait3A_373 = arith.constant 0 : i32
    %dma_wait3A_374 = tpu.memref_slice %arg4[%dma_wait3A_371, %dma_wait3A_372, %dma_wait3A_373] : memref<16384x200x128xf32, #tpu.memory_space<hbm>> -> memref<4x200x32xf32, #tpu.memory_space<hbm>>
    %dma_wait3A_375 = arith.constant 0 : i32
    %dma_wait3A_376 = arith.constant 0 : i32
    %dma_wait3A_377 = arith.constant 0 : i32
    %dma_wait3A_378 = tpu.memref_slice %arg6[%dma_wait3A_358, %dma_wait3A_375, %dma_wait3A_376, %dma_wait3A_377] : memref<4x4x200x32xf32, #tpu.memory_space<vmem>> -> memref<1x4x200x32xf32, #tpu.memory_space<vmem>>
    %dma_wait3A_379 = tpu.memref_squeeze %dma_wait3A_378 : memref<1x4x200x32xf32, #tpu.memory_space<vmem>> -> memref<4x200x32xf32, #tpu.memory_space<vmem>>
    tpu.wait_dma2 semaphore(%dma_wait3A_370 : memref<!tpu.dma_semaphore, #tpu.memory_space<semaphore_mem>>) src(%dma_wait3A_379 : memref<4x200x32xf32, #tpu.memory_space<vmem>>) dst(%dma_wait3A_374 : memref<4x200x32xf32, #tpu.memory_space<hbm>>)
    %dma_wait3A_380 = arith.constant 2 : i32
    %dma_wait3A_381 = arith.constant 2 : i32
    %dma_wait3A_382 = arith.constant 0 : i32
    %dma_wait3A_383 = arith.constant 0 : i32
    %dma_wait3A_384 = arith.constant 0 : i32
    %dma_wait3A_385 = tpu.memref_slice %arg6[%dma_wait3A_380, %dma_wait3A_382, %dma_wait3A_383, %dma_wait3A_384] : memref<4x4x200x32xf32, #tpu.memory_space<vmem>> -> memref<1x4x200x32xf32, #tpu.memory_space<vmem>>
    %dma_wait3A_386 = tpu.memref_squeeze %dma_wait3A_385 : memref<1x4x200x32xf32, #tpu.memory_space<vmem>> -> memref<4x200x32xf32, #tpu.memory_space<vmem>>
    %dma_wait3A_387 = arith.constant 0 : i32
    %dma_wait3A_388 = arith.constant 0 : i32
    %dma_wait3A_389 = arith.constant 0 : i32
    %dma_wait3A_390 = tpu.memref_slice %arg4[%dma_wait3A_387, %dma_wait3A_388, %dma_wait3A_389] : memref<16384x200x128xf32, #tpu.memory_space<hbm>> -> memref<4x200x32xf32, #tpu.memory_space<hbm>>
    %dma_wait3A_391 = tpu.memref_slice %arg9[%dma_wait3A_381] : memref<4x!tpu.dma_semaphore, #tpu.memory_space<semaphore_mem>> -> memref<1x!tpu.dma_semaphore, #tpu.memory_space<semaphore_mem>>
    %dma_wait3A_392 = tpu.memref_squeeze %dma_wait3A_391 : memref<1x!tpu.dma_semaphore, #tpu.memory_space<semaphore_mem>> -> memref<!tpu.dma_semaphore, #tpu.memory_space<semaphore_mem>>
    %dma_wait3A_393 = arith.constant 0 : i32
    %dma_wait3A_394 = arith.constant 0 : i32
    %dma_wait3A_395 = arith.constant 0 : i32
    %dma_wait3A_396 = tpu.memref_slice %arg4[%dma_wait3A_393, %dma_wait3A_394, %dma_wait3A_395] : memref<16384x200x128xf32, #tpu.memory_space<hbm>> -> memref<4x200x32xf32, #tpu.memory_space<hbm>>
    %dma_wait3A_397 = arith.constant 0 : i32
    %dma_wait3A_398 = arith.constant 0 : i32
    %dma_wait3A_399 = arith.constant 0 : i32
    %dma_wait3A_400 = tpu.memref_slice %arg6[%dma_wait3A_380, %dma_wait3A_397, %dma_wait3A_398, %dma_wait3A_399] : memref<4x4x200x32xf32, #tpu.memory_space<vmem>> -> memref<1x4x200x32xf32, #tpu.memory_space<vmem>>
    %dma_wait3A_401 = tpu.memref_squeeze %dma_wait3A_400 : memref<1x4x200x32xf32, #tpu.memory_space<vmem>> -> memref<4x200x32xf32, #tpu.memory_space<vmem>>
    tpu.wait_dma2 semaphore(%dma_wait3A_392 : memref<!tpu.dma_semaphore, #tpu.memory_space<semaphore_mem>>) src(%dma_wait3A_401 : memref<4x200x32xf32, #tpu.memory_space<vmem>>) dst(%dma_wait3A_396 : memref<4x200x32xf32, #tpu.memory_space<hbm>>)
    %dma_wait3A_402 = arith.constant 3 : i32
    %dma_wait3A_403 = arith.constant 3 : i32
    %dma_wait3A_404 = arith.constant 0 : i32
    %dma_wait3A_405 = arith.constant 0 : i32
    %dma_wait3A_406 = arith.constant 0 : i32
    %dma_wait3A_407 = tpu.memref_slice %arg6[%dma_wait3A_402, %dma_wait3A_404, %dma_wait3A_405, %dma_wait3A_406] : memref<4x4x200x32xf32, #tpu.memory_space<vmem>> -> memref<1x4x200x32xf32, #tpu.memory_space<vmem>>
    %dma_wait3A_408 = tpu.memref_squeeze %dma_wait3A_407 : memref<1x4x200x32xf32, #tpu.memory_space<vmem>> -> memref<4x200x32xf32, #tpu.memory_space<vmem>>
    %dma_wait3A_409 = arith.constant 0 : i32
    %dma_wait3A_410 = arith.constant 0 : i32
    %dma_wait3A_411 = arith.constant 0 : i32
    %dma_wait3A_412 = tpu.memref_slice %arg4[%dma_wait3A_409, %dma_wait3A_410, %dma_wait3A_411] : memref<16384x200x128xf32, #tpu.memory_space<hbm>> -> memref<4x200x32xf32, #tpu.memory_space<hbm>>
    %dma_wait3A_413 = tpu.memref_slice %arg9[%dma_wait3A_403] : memref<4x!tpu.dma_semaphore, #tpu.memory_space<semaphore_mem>> -> memref<1x!tpu.dma_semaphore, #tpu.memory_space<semaphore_mem>>
    %dma_wait3A_414 = tpu.memref_squeeze %dma_wait3A_413 : memref<1x!tpu.dma_semaphore, #tpu.memory_space<semaphore_mem>> -> memref<!tpu.dma_semaphore, #tpu.memory_space<semaphore_mem>>
    %dma_wait3A_415 = arith.constant 0 : i32
    %dma_wait3A_416 = arith.constant 0 : i32
    %dma_wait3A_417 = arith.constant 0 : i32
    %dma_wait3A_418 = tpu.memref_slice %arg4[%dma_wait3A_415, %dma_wait3A_416, %dma_wait3A_417] : memref<16384x200x128xf32, #tpu.memory_space<hbm>> -> memref<4x200x32xf32, #tpu.memory_space<hbm>>
    %dma_wait3A_419 = arith.constant 0 : i32
    %dma_wait3A_420 = arith.constant 0 : i32
    %dma_wait3A_421 = arith.constant 0 : i32
    %dma_wait3A_422 = tpu.memref_slice %arg6[%dma_wait3A_402, %dma_wait3A_419, %dma_wait3A_420, %dma_wait3A_421] : memref<4x4x200x32xf32, #tpu.memory_space<vmem>> -> memref<1x4x200x32xf32, #tpu.memory_space<vmem>>
    %dma_wait3A_423 = tpu.memref_squeeze %dma_wait3A_422 : memref<1x4x200x32xf32, #tpu.memory_space<vmem>> -> memref<4x200x32xf32, #tpu.memory_space<vmem>>
    tpu.wait_dma2 semaphore(%dma_wait3A_414 : memref<!tpu.dma_semaphore, #tpu.memory_space<semaphore_mem>>) src(%dma_wait3A_423 : memref<4x200x32xf32, #tpu.memory_space<vmem>>) dst(%dma_wait3A_418 : memref<4x200x32xf32, #tpu.memory_space<hbm>>)
    return
  }
}

</mosaic_0001>

<sc_bundles>
// kernel: kernel.3.cloned.1.call-start
scs
__scs_entry_jumppad:
0x0: {  	(pc) =	sbr.rel $0x88, $3  }
0x1: {  	(tag) =	ssettag $0x0;
	lr =	simm.s32 $0x1  }
0x2: {  	[smem:$0x3F9F] =	sst lr;
	_ =	strace $0xD0000000  }
0x3: {  	_ = 	snop  }
0x4: {  	_ = 	snop  }
0x5: {  	_ = 	snop  }
0x6: {  	_ = 	snop  }
0x7: {  	_ = 	snop  }
__scs_overlays_trampoline_lowered:
0x8: {  	[smem:$0x3FAE] =	sst s0  }
0x9: {  	[smem:$0x3FAF] =	sst s1  }
0xa: {  	[smem:$0x3FB0] =	sst s2  }
0xb: {  	[smem:$0x3FB1] =	sst s3  }
0xc: {  	[smem:$0x3FB2] =	sst s4  }
0xd: {  	[smem:$0x3FB3] =	sst s5  }
0xe: {  	[smem:$0x3FB4] =	sst s6  }
0xf: {  	[smem:$0x3FB5] =	sst s7  }
0x10: {  	[smem:$0x3FB6] =	sst s8  }
0x11: {  	[smem:$0x3FB7] =	sst s9;
	s0 =	simm.s32 @!p0 $0x0  }
0x12: {  	s1 =	sld [smem:$0x3F9D];
	s0 =	simm.s32 @p0 $0x1  }
0x13: {  	[smem:$0x3FB8] =	sst s0;
	s0 =	simm.s32 @!p1 $0x0  }
0x14: {  	s2 =	sld [smem:$0x3F9C];
	s0 =	simm.s32 @p1 $0x1  }
0x15: {  	[smem:$0x3FB9] =	sst s0;
	s0 =	simm.s32 @!p2 $0x0  }
0x16: {  	s3 =	sld [smem:$0x3FDB];
	s0 =	simm.s32 @p2 $0x1  }
0x17: {  	s4 =	simm.s32 $0x1BF5;
	[smem:$0x3FBB] =	sst s0  }
0x18: {  	s0 =	sld [smem:$0x3F9E];
	_ =	swait.ge [sflag:s4], $0x0  }
0x19: {  	s7 =	sld [smem:$0x3F9F]  }
0x1a: {  	s8 =	sadd.s32 $0xFFFFE003, lr  }
0x1b: {  	s9 =	sadd.s32 $0xFFFFFEF7, lr;
	s5 =	simm.s32 $0xFFFFFFFF;
	p2 =	slt.u32 s8, $0xFFFFF086  }
0x1c: {  	p1 =	slt.u32 s9, $0xF7A;
	s5 =	simm.s32 @!p2 $0x0  }
0x1d: {  	s5 =	simm.s32 @p1 $0x1;
	p0 =	seq.s32 s7, s2  }
0x1e: {  	s7 =	smul.u32 @!p0 $0xF7A, s2;
	p2 =	seq.s32 @!p0 s5, $0x0  }
0x1f: {  	s9 =	smul.u32 $0xF7A, s1;
	s8 =	simm.s32 @!p0 $0x1BF5;
	p2 =	por !p2, p0  }
0x20: {  	[sflag:s8] =	ssyncset.s32 @!p0 $0xFFFFF086;
	s6 =	sadd.s32 @!p0 s3, s7;
	s7 =	simm.s32 @!p0 $0x108  }
0x21: {  	s3 =	sadd.s32 s3, s9;
	s6 =	sadd.s32 @!p0 $0x88, s6;
	s7 =	simm.s32 @p2 $0x1082  }
0x22: {  	[simem:s7], [sflag:s8] =	dma.local @!p0 [hbm:s6], $0xF7A  }
0x23: {  	s9 =	sor.u32 $0xD0000000, s2;
	s6 =	simm.s32 $0x108;
	_ =	swait.ge @!p0 [sflag:s8], $0x0  }
0x24: {  	s3 =	sadd.s32 $0x88, s3;
	s6 =	simm.s32 @!p1 $0x1082;
	[sflag:s4] =	ssyncset.s32 $0xFFFFF086  }
0x25: {  	[simem:s6], [sflag:s4] =	dma.local [hbm:s3], $0xF7A  }
0x26: {  	[smem:$0x3F9F] =	sst s1;
	(tag) =	ssettag s2;
	_ =	strace s9  }
0x27: {  	s1 =	sld [smem:$0x3FAF]  }
0x28: {  	s2 =	sld [smem:$0x3FB0]  }
0x29: {  	s4 =	sld [smem:$0x3FB2]  }
0x2a: {  	p0 =	seq.s32 s5, $0x0;
	s5 =	sld [smem:$0x3FB3]  }
0x2b: {  	s6 =	sld [smem:$0x3FB4]  }
0x2c: {  	s7 =	sld [smem:$0x3FB5]  }
0x2d: {  	s3 =	simm.s32 $0x108;
	s8 =	sld [smem:$0x3FB6]  }
0x2e: {  	s3 =	simm.s32 @!p0 $0x1082;
	s9 =	sld [smem:$0x3FB7]  }
0x2f: {  	lr =	sadd.s32 s0, s3;
	s0 =	sld [smem:$0x3FAE]  }
0x30: {  	s3 =	sld [smem:$0x3FB1]  }
0x31: {  	[smem:$0x3FBA] =	sst s10  }
0x32: {  	s10 =	sld [smem:$0x3FB8];
	_ =	sdelay $0x3  }
0x33: {  	p0 =	seq.s32 s10, $0x1;
	s10 =	sld [smem:$0x3FBA];
	_ =	sdelay $0x3  }
0x34: {  	[smem:$0x3FBA] =	sst s10  }
0x35: {  	s10 =	sld [smem:$0x3FB9];
	_ =	sdelay $0x3  }
0x36: {  	p1 =	seq.s32 s10, $0x1;
	s10 =	sld [smem:$0x3FBA];
	_ =	sdelay $0x3  }
0x37: {  	[smem:$0x3FBA] =	sst s10  }
0x38: {  	s10 =	sld [smem:$0x3FBB]  }
0x39: {  	_ = 	snop;
	(pc) =	sbr.ind lr, $3  }
0x3a: {  	_ = 	snop  }
0x3b: {  	_ = 	snop  }
0x3c: {  	p2 =	seq.s32 s10, $0x1;
	s10 =	sld [smem:$0x3FBA]  }
0x3d: {  	_ =	shalt  }
0x3e: {  	_ =	shalt  }
0x3f: {  	_ =	shalt  }
0x40: {  	_ =	shalt  }
0x41: {  	_ =	shalt  }
0x42: {  	_ =	shalt  }
0x43: {  	_ =	shalt  }
0x44: {  	_ =	shalt  }
0x45: {  	_ =	shalt  }
0x46: {  	_ =	shalt  }
0x47: {  	_ =	shalt  }
0x48: {  	_ =	shalt  }
0x49: {  	_ =	shalt  }
0x4a: {  	_ =	shalt  }
0x4b: {  	_ =	shalt  }
0x4c: {  	_ =	shalt  }
0x4d: {  	_ =	shalt  }
0x4e: {  	_ =	shalt  }
0x4f: {  	_ =	shalt  }
0x50: {  	_ =	shalt  }
0x51: {  	_ =	shalt  }
0x52: {  	_ =	shalt  }
0x53: {  	_ =	shalt  }
0x54: {  	_ =	shalt  }
0x55: {  	_ =	shalt  }
0x56: {  	_ =	shalt  }
0x57: {  	_ =	shalt  }
0x58: {  	_ =	shalt  }
0x59: {  	_ =	shalt  }
0x5a: {  	_ =	shalt  }
0x5b: {  	_ =	shalt  }
0x5c: {  	_ =	shalt  }
0x5d: {  	_ =	shalt  }
0x5e: {  	_ =	shalt  }
0x5f: {  	_ =	shalt  }
0x60: {  	_ =	shalt  }
0x61: {  	_ =	shalt  }
0x62: {  	_ =	shalt  }
0x63: {  	_ =	shalt  }
0x64: {  	_ =	shalt  }
0x65: {  	_ =	shalt  }
0x66: {  	_ =	shalt  }
0x67: {  	_ =	shalt  }
0x68: {  	_ =	shalt  }
0x69: {  	_ =	shalt  }
0x6a: {  	_ =	shalt  }
0x6b: {  	_ =	shalt  }
0x6c: {  	_ =	shalt  }
0x6d: {  	_ =	shalt  }
0x6e: {  	_ =	shalt  }
0x6f: {  	_ =	shalt  }
0x70: {  	_ =	shalt  }
0x71: {  	_ =	shalt  }
0x72: {  	_ =	shalt  }
0x73: {  	_ =	shalt  }
0x74: {  	_ =	shalt  }
0x75: {  	_ =	shalt  }
0x76: {  	_ =	shalt  }
0x77: {  	_ =	shalt  }
0x78: {  	_ =	shalt  }
0x79: {  	_ =	shalt  }
0x7a: {  	_ =	shalt  }
0x7b: {  	_ =	shalt  }
0x7c: {  	_ =	shalt  }
0x7d: {  	_ =	shalt  }
0x7e: {  	_ =	shalt  }
0x7f: {  	_ =	shalt  }
0x80: {  	_ =	shalt  }
0x81: {  	_ =	shalt  }
0x82: {  	_ =	shalt  }
0x83: {  	_ =	shalt  }
0x84: {  	_ =	shalt  }
0x85: {  	_ =	shalt  }
0x86: {  	_ =	shalt  }
0x87: {  	_ =	shalt  }
.Lfunc_end0:
.L_simem_size_0:
called_computation.1_lowered:
.L_overlay_start_0:
0x88: {  	s2 =	sld [smem:$0x3FD9]  }
0x89: {  	s3 =	sld [smem:$0x3FFE];
	_ =	sdelay $0x1  }
0x8a: {  	s1 =	srdreg.scid  }
0x8b: {  	s0 =	sand.u32 $0x1, s1  }
0x8c: {  	s17 =	sshll.u32 s0, $0xA;
	s2 =	sadd.s32 s3, s2  }
0x8d: {  	s2 =	sadd.s32 s2, s17  }
0x8e: {  	[smem:$0x3FC6] =	sst s2  }
0x8f: {  	_ = 	snop  }
0x90: {  	s2 =	sld [smem:$0x3FD0];
	(tm) =	ssettm $0x1  }
0x91: {  	s18 =	sld [smem:$0x3FFB];
	_ =	sdelay $0x3  }
0x92: {  	_ =	strace s18  }
0x93: {  	s3 =	sld [smem:$0x3FFC];
	_ =	sdelay $0x3  }
0x94: {  	_ =	strace s3  }
0x95: {  	s3 =	sld [smem:$0x3FFD];
	_ =	sdelay $0x3  }
0x96: {  	_ =	strace s3  }
0x97: {  	_ =	strace $0x8FFFFFFF  }
0x98: {  	s19 =	sld [smem:$0x3FDB];
	_ =	sdelay $0x1  }
0x99: {  	s4 =	simm.s32 $_scs_section_size  }
0x9a: {  	s5 =	simm.s32 $_size__tile_overlayer_lowered;
	s6 =	simm.s32 $_tile_overlayer_lowered  }
0x9b: {  	s22 =	simm.s32 $0x1BFF;
	s21 =	sshll.u32 s6, $0x1;
	s3 =	sadd.s32 s4, s19  }
0x9c: {  	s7 =	simm.s32 $0x0;
	s20 =	sshll.u32 s5, $0x1;
	s5 =	sadd.s32 s21, s3  }
0x9d: {  	[timem:s7], [sflag:s22] =	dma.local [hbm:s5], s20  }
0x9e: {  	_ =	swait.ge [sflag:s22], s20  }
0x9f: {  	s4 =	ssub.s32 $0x0, s20;
	[sflag:s22] =	ssyncset.done $0x0  }
0xa0: {  	[sflag:s22] =	ssyncadd.s32 s4;
	_ =	sdelay $0x1  }
0xa1: {  	s23 =	simm.s32 $0x1B8B  }
0xa2: {  	_ =	swait.ge [sflag:s23], $0x1  }
0xa3: {  	[sflag:s23] =	ssyncset.done $0x0  }
0xa4: {  	s25 =	simm.s32 $0x1B8E;
	s24 =	sld [smem:$0x3FFE];
	[sflag:s23] =	ssyncadd.s32 $0xFFFFFFFF  }
0xa5: {  	s26 =	simm.s32 $execute0_lowered;
	[smem:$0x3FD2] =	sst s25  }
0xa6: {  	s5 =	sshll.u32 s26, $0x1;
	_ =	strace $0x80000046;
	[dreg:$0x1] =	wrdreg $0xFFFFFFFF  }
0xa7: {  	s28 =	simm.s32 $_size_execute0_lowered;
	s3 =	sadd.s32 s3, s5;
	[dreg:$0x0] =	wrdreg $0x0  }
0xa8: {  	s5 =	sshll.u32 s28, $0x1;
	[dreg:$0x2] =	wrdreg s3  }
0xa9: {  	[dreg:$0x3] =	wrdreg s5  }
0xaa: {  	[dreg:$0x4] =	wrdreg $0xC0  }
0xab: {  	_ =	task [dreg:s7], $0x5FFFF  }
0xac: {  	[dreg:$0x1] =	wrdreg $0xFFFFFFFF  }
0xad: {  	[dreg:$0x0] =	wrdreg $0x60  }
0xae: {  	[dreg:$0x2] =	wrdreg s24  }
0xaf: {  	[dreg:$0x3] =	wrdreg s2  }
0xb0: {  	[dreg:$0x4] =	wrdreg $0x9  }
0xb1: {  	_ =	task.clear_ibuf [dreg:s7], $0x5FFFF;
	_ =	strace $0x90000046  }
0xb2: {  	s29 =	simm.s32 $0x9;
	_ =	strace $0x80000048  }
0xb3: {  	_ =	swait.ge [sflag:s29], $0x1  }
0xb4: {  	[sflag:s29] =	ssyncadd.s32 $0xFFFFFFFF  }
0xb5: {  	_ =	strace $0x90000048  }
0xb6: {  	_ =	sfence  }
0xb7: {  	s30 =	sld [smem:$0x0];
	_ =	sdelay $0x2  }
0xb8: {  	s31 =	sshll.u32 s1, $0xD;
	s1 =	sshrl.u32 s1, $0x2  }
0xb9: {  	s3 =	sand.u32 $0x4000, s31;
	s1 =	sadd.s32 s1, s30  }
0xba: {  	s0 =	sor.u32 s3, s0;
	s1 =	sshll.u32 s1, $0x11  }
0xbb: {  	s0 =	sor.u32 s1, s0  }
0xbc: {  	s0 =	sadd.s32 $0x8F2B, s0  }
0xbd: {  	[sflag:s0] =	ssyncadd.remote.s32 $0x1  }
0xbe: {  	_ =	sfence.sel $0xFFFF  }
0xbf: {  	[dreg:$0x0] =	wrdreg $0xFFFFFFFF;
	(pc) =	sbr.abs _section_cstart, $3  }
0xc0: {  	[dreg:$0x1] =	wrdreg $0xFFFFFFFF  }
0xc1: {  	_ =	task.clear_ibuf [dreg:s7], $0x2FFFF;
	_ =	strace $0x9FFFFFFF  }
0xc2: {  	(tm) =	ssettm $0x7FFFFFFF  }
0xc3: {  	_ =	shalt  }
tec
execute0_lowered:
.L_overlay_start_1:
0x0: {  	(tag) =	ssettag $0x1  }
0x1: {  	s0 =	srdreg.scid;
	s1 =	rddreg [dreg:$0x0]  }
0x2: {  	s3 =	stileid.u32;
	s2 =	rddreg [dreg:$0x1];
	s5 =	simm.s32 $0x0  }
0x3: {  	s18 =	simm.s32 $0x960;
	s20 =	simm.s32 $0xC8;
	s21 =	simm.s32 $0xC80  }
0x4: {  	s29 =	simm.s32 $0x7080;
	s25 =	simm.s32 $0xD480;
	s23 =	simm.s32 $0x5  }
0x5: {  	s26 =	simm.s32 $0x4;
	s30 =	simm.s32 $0x13880;
	s17 =	simm.s32 $0x18380  }
0x6: {  	s8 =	simm.s32 $0x20;
	s9 =	simm.s32 $0x80;
	s10 =	simm.s32 $0x6  }
0x7: {  	s15 =	simm.s32 $0x7;
	s19 =	simm.s32 $0xC;
	s0 =	sand.u32 $0x1, s0  }
0x8: {  	s3 =	sshll.u32 s3, $0xA;
	s4 =	sshll.u32 s0, $0x9;
	s0 =	ssub.s32 $0x2, s0  }
0x9: {  	[smem:$0x7FF] =	sst s5;
	s4 =	sor.u32 s4, s3;
	s7 =	sshrl.u32 s0, $0x1  }
0xa: {  	s5 =	sadd.s32 $0x800, s1;
	s3 =	smul.u32 $0x19, s4;
	s0 =	ssub.s32 s0, s7  }
0xb: {  	s6 =	sadd.s32 $0x64800, s1;
	_ =	strace $0x80000047;
	s0 =	smax.u32 s0, $0x1  }
0xc: {  	s11 =	sor.u32 $0x10, s4;
	s28 =	sadd.s32 s5, s3;
	[dreg:$0x7] =	wrdreg s0  }
0xd: {  	s12 =	sor.u32 $0x14, s4;
	s3 =	sadd.s32 $0x64, s28;
	[dreg:$0x3] =	wrdreg s28  }
0xe: {  	s13 =	sor.u32 $0x18, s4;
	s31 =	sadd.s32 $0xC8, s28;
	[dreg:$0x4] =	wrdreg s3  }
0xf: {  	s14 =	sor.u32 $0x1C, s4;
	s1 =	sadd.s32 $0x12C, s28;
	[dreg:$0x5] =	wrdreg s31  }
0x10: {  	s7 =	simm.s32 $0x8;
	[dreg:$0x6] =	wrdreg s1;
	s1 =	simm.s32 $0x0  }
.LBB2_1:
0x11: {  	[dreg:$0x8] =	wrdreg s1  }
0x12: {  	s0 =	simm.s32 $0x0;
	s3 =	rddreg [dreg:$0x3]  }
0x13: {  	[tilespmem:s0], [sflag:$0x1] =	stream.linear.gather [hbm4b:s3+s0], $0x320, $0x38;
	[tilespmem:$0x19C80] =	vst v63  }
0x14: {  	s16 =	rddreg [dreg:$0x4];
	s3 =	simm.s32 $0x320  }
0x15: {  	[tilespmem:s3], [sflag:$0x2] =	stream.linear.gather [hbm4b:s16+s0], $0x320, $0x38;
	[tilespmem:$0x19C80] =	vst v63  }
0x16: {  	s22 =	rddreg [dreg:$0x5];
	s16 =	simm.s32 $0x640  }
0x17: {  	[tilespmem:s16], [sflag:$0x3] =	stream.linear.gather [hbm4b:s22+s0], $0x320, $0x38;
	[tilespmem:$0x19C80] =	vst v63  }
0x18: {  	s24 =	rddreg [dreg:$0x6];
	s28 =	simm.s32 $0x1  }
0x19: {  	[tilespmem:s18], [sflag:$0x4] =	stream.linear.gather [hbm4b:s24+s0], $0x320, $0x38;
	[tilespmem:$0x19C80] =	vst v63  }
0x1a: {  	_ =	swait.ge [sflag:s28], $0x320  }
0x1b: {  	[sflag:s28] =	ssyncset.done $0x0  }
0x1c: {  	[sflag:s28] =	ssyncadd.s32 $0xFFFFFCE0  }
0x1d: {  	[tilespmem:s21], [sflag:$0x5] =	stream.indirect.gather [hbm4b:s2+s20], $0x20, s0, s20, $0xb8;
	[tilespmem:$0x19C80] =	vst v63  }
0x1e: {  	s31 =	simm.s32 $0x2580  }
0x1f: {  	[tilespmem:s31], [sflag:$0x5] =	stream.indirect.gather [hbm4b:s2+s20], $0x20, s20, s20, $0xb8;
	[tilespmem:$0x19C80] =	vst v63  }
0x20: {  	s1 =	simm.s32 $0x190;
	s22 =	simm.s32 $0x3E80  }
0x21: {  	[tilespmem:s22], [sflag:$0x5] =	stream.indirect.gather [hbm4b:s2+s20], $0x20, s1, s20, $0xb8;
	[tilespmem:$0x19C80] =	vst v63  }
0x22: {  	s24 =	simm.s32 $0x258;
	s28 =	simm.s32 $0x5780;
	s31 =	simm.s32 $0x2  }
0x23: {  	[tilespmem:s28], [sflag:$0x5] =	stream.indirect.gather [hbm4b:s2+s20], $0x20, s24, s20, $0xb8;
	[tilespmem:$0x19C80] =	vst v63  }
0x24: {  	_ =	swait.ge [sflag:s31], $0x320  }
0x25: {  	[sflag:s31] =	ssyncset.done $0x0  }
0x26: {  	[sflag:s31] =	ssyncadd.s32 $0xFFFFFCE0  }
0x27: {  	[tilespmem:s29], [sflag:$0x6] =	stream.indirect.gather [hbm4b:s2+s20], $0x20, s3, s20, $0xb8;
	[tilespmem:$0x19C80] =	vst v63  }
0x28: {  	s1 =	simm.s32 $0x3E8;
	s3 =	simm.s32 $0x8980  }
0x29: {  	[tilespmem:s3], [sflag:$0x6] =	stream.indirect.gather [hbm4b:s2+s20], $0x20, s1, s20, $0xb8;
	[tilespmem:$0x19C80] =	vst v63  }
0x2a: {  	s22 =	simm.s32 $0x4B0;
	s24 =	simm.s32 $0xA280  }
0x2b: {  	[tilespmem:s24], [sflag:$0x6] =	stream.indirect.gather [hbm4b:s2+s20], $0x20, s22, s20, $0xb8;
	[tilespmem:$0x19C80] =	vst v63  }
0x2c: {  	s28 =	simm.s32 $0x578;
	s31 =	simm.s32 $0xBB80;
	s1 =	simm.s32 $0x3  }
0x2d: {  	[tilespmem:s31], [sflag:$0x6] =	stream.indirect.gather [hbm4b:s2+s20], $0x20, s28, s20, $0xb8;
	[tilespmem:$0x19C80] =	vst v63  }
0x2e: {  	_ =	swait.ge [sflag:s1], $0x320  }
0x2f: {  	[sflag:s1] =	ssyncset.done $0x0  }
0x30: {  	[sflag:s1] =	ssyncadd.s32 $0xFFFFFCE0  }
0x31: {  	[tilespmem:s25], [sflag:$0x7] =	stream.indirect.gather [hbm4b:s2+s20], $0x20, s16, s20, $0xb8;
	[tilespmem:$0x19C80] =	vst v63  }
0x32: {  	s3 =	simm.s32 $0x708;
	s16 =	simm.s32 $0xED80  }
0x33: {  	[tilespmem:s16], [sflag:$0x7] =	stream.indirect.gather [hbm4b:s2+s20], $0x20, s3, s20, $0xb8;
	[tilespmem:$0x19C80] =	vst v63  }
0x34: {  	s22 =	simm.s32 $0x7D0;
	s24 =	simm.s32 $0x10680  }
0x35: {  	[tilespmem:s24], [sflag:$0x7] =	stream.indirect.gather [hbm4b:s2+s20], $0x20, s22, s20, $0xb8;
	[tilespmem:$0x19C80] =	vst v63  }
0x36: {  	s28 =	simm.s32 $0x898;
	s31 =	simm.s32 $0x11F80;
	s24 =	simm.s32 $0x0  }
0x37: {  	[tilespmem:s31], [sflag:$0x7] =	stream.indirect.gather [hbm4b:s2+s20], $0x20, s28, s20, $0xb8;
	[tilespmem:$0x19C80] =	vst v63  }
.LBB2_2:
0x38: {  	_ =	swait.ge [sflag:s23], $0x1900  }
0x39: {  	[sflag:s23] =	ssyncset.done $0x0  }
0x3a: {  	[sflag:s23] =	ssyncadd.s32 $0xFFFFE700  }
0x3b: {  	_ =	swait.ge [sflag:s23], $0x1900  }
0x3c: {  	[sflag:s23] =	ssyncset.done $0x0  }
0x3d: {  	p0 =	seq.s32 s24, $0x1F;
	[sflag:s23] =	ssyncadd.s32 $0xFFFFE700  }
0x3e: {  	p1 =	seq.s32 @!p0 s24, $0x0;
	_ =	swait.ge [sflag:s23], $0x1900  }
0x3f: {  	s28 =	sshll.u32 s24, $0x4;
	p1 =	por p0, !p1;
	[sflag:s23] =	ssyncset.done $0x0  }
.Ltmp0:
0x40: {  	s0 =	sadd.s32 @!p0 s28, s11;
	[sflag:s23] =	ssyncadd.s32 $0xFFFFE700;
	(pc) =	sbr.rel @!p1 .LBB2_4-.Ltmp0, $4  }
0x41: {  	s0 =	smul.u32 @!p0 $0x19, s0;
	_ =	swait.ge [sflag:s23], $0x1900  }
0x42: {  	s1 =	simm.s32 @!p0 $0x0;
	[sflag:s23] =	ssyncset.done $0x0  }
0x43: {  	s3 =	sor.u32 @!p0 $0xC, s28;
	s0 =	sadd.s32 @!p0 s5, s0;
	[sflag:s23] =	ssyncadd.s32 $0xFFFFE700  }
0x44: {  	[tilespmem:s1], [sflag:$0x1] =	stream.linear.gather @!p0 [hbm4b:s0+s1], $0x320, $0x38;
	[tilespmem:$0x19C80] =	vst v63  }
0x45: {  	_ =	swait.ge [sflag:s19], $0x6400  }
0x46: {  	[sflag:s19] =	ssyncset.done $0x0  }
0x47: {  	s3 =	simm.s32 @p0 $0x1FC;
	[sflag:s19] =	ssyncadd.s32 $0xFFFF9C00  }
.LBB2_4:
0x48: {  	_ =	swait.ge [sflag:s26], $0x320  }
0x49: {  	[sflag:s26] =	ssyncset.done $0x0  }
0x4a: {  	[sflag:s26] =	ssyncadd.s32 $0xFFFFFCE0  }
0x4b: {  	[tilespmem:s30], [sflag:$0x8] =	stream.indirect.gather [hbm4b:s2+s20], $0x20, s18, s20, $0xb8;
	[tilespmem:$0x19C80] =	vst v63  }
0x4c: {  	s0 =	simm.s32 $0xA28;
	s1 =	simm.s32 $0x15180  }
0x4d: {  	[tilespmem:s1], [sflag:$0x8] =	stream.indirect.gather [hbm4b:s2+s20], $0x20, s0, s20, $0xb8;
	[tilespmem:$0x19C80] =	vst v63  }
0x4e: {  	s16 =	simm.s32 $0x16A80;
	s1 =	simm.s32 $0xAF0  }
0x4f: {  	[tilespmem:s16], [sflag:$0x8] =	stream.indirect.gather [hbm4b:s2+s20], $0x20, s1, s20, $0xb8;
	[tilespmem:$0x19C80] =	vst v63  }
0x50: {  	s22 =	simm.s32 $0xBB8;
	s0 =	simm.s32 $0xD00  }
0x51: {  	[tilespmem:s17], [sflag:$0x8] =	stream.indirect.gather [hbm4b:s2+s20], $0x20, s22, s20, $0xb8;
	[tilespmem:$0x19C80] =	vst v63  }
0x52: {  	v0 =	vld [tilespmem:s0+$0x70]  }
0x53: {  	v1 =	vld [tilespmem:s0+$0xFFFFFF90]  }
0x54: {  	v2 =	vld [tilespmem:s0+$0xFFFFFFA0]  }
0x55: {  	v3 =	vld [tilespmem:s0+$0xFFFFFFB0]  }
0x56: {  	v4 =	vld [tilespmem:s0+$0xFFFFFFC0]  }
0x57: {  	v5 =	vld [tilespmem:s0+$0xFFFFFFD0];
	v0 =	vmul.f32 $5.656854150e+00, v0  }
0x58: {  	v6 =	vld [tilespmem:s0+$0xFFFFFFE0];
	v1 =	vmul.f32 $5.656854150e+00, v1  }
0x59: {  	v7 =	vld [tilespmem:s0+$0xFFFFFFF0];
	v2 =	vmul.f32 $5.656854150e+00, v2;
	[tilespmem:s0+$0x70] =	vst v0  }
0x5a: {  	[tilespmem:s0+$0xFFFFFF90] =	vst v1;
	v0 =	vmul.f32 $5.656854150e+00, v3;
	v3 =	vld [tilespmem:s0+$0x0]  }
0x5b: {  	[tilespmem:s0+$0xFFFFFFA0] =	vst v2;
	v1 =	vmul.f32 $5.656854150e+00, v4;
	v4 =	vld [tilespmem:s0+$0x10]  }
0x5c: {  	v8 =	vld [tilespmem:s0+$0x20];
	v2 =	vmul.f32 $5.656854150e+00, v5;
	[tilespmem:s0+$0xFFFFFFB0] =	vst v0  }
0x5d: {  	v5 =	vmul.f32 $5.656854150e+00, v6;
	[tilespmem:s0+$0xFFFFFFC0] =	vst v1;
	v0 =	vld [tilespmem:s0+$0x30]  }
0x5e: {  	v6 =	vmul.f32 $5.656854150e+00, v7;
	[tilespmem:s0+$0xFFFFFFD0] =	vst v2;
	v1 =	vld [tilespmem:s0+$0x40]  }
0x5f: {  	[tilespmem:s0+$0xFFFFFFE0] =	vst v5;
	v2 =	vld [tilespmem:s0+$0x50];
	v7 =	vmul.f32 $5.656854150e+00, v3  }
0x60: {  	[tilespmem:s0+$0xFFFFFFF0] =	vst v6;
	v3 =	vld [tilespmem:s0+$0x60];
	v5 =	vmul.f32 $5.656854150e+00, v4  }
0x61: {  	s31 =	simm.s32 $0x2670;
	s1 =	simm.s32 $0x0;
	s16 =	simm.s32 $0xE00;
	v6 =	vmul.f32 $5.656854150e+00, v8;
	v4 =	vld [tilespmem:s0+$0xFFFFFF80];
	[tilespmem:s0+$0x0] =	vst v7  }
.LBB2_5:
0x62: {  	v7 =	vld [tilespmem:s16+$0x70];
	s1 =	sadd.s32 $0x8, s1;
	[tilespmem:s0+$0x10] =	vst v5;
	v0 =	vmul.f32 $5.656854150e+00, v0  }
0x63: {  	v5 =	vld [tilespmem:s16+$0xFFFFFF90];
	p1 =	slt.u32 s1, $0xC0;
	[tilespmem:s0+$0x20] =	vst v6;
	v1 =	vmul.f32 $5.656854150e+00, v1  }
0x64: {  	v6 =	vld [tilespmem:s16+$0xFFFFFFA0];
	[tilespmem:s0+$0x30] =	vst v0;
	v0 =	vmul.f32 $5.656854150e+00, v2  }
0x65: {  	v2 =	vld [tilespmem:s16+$0xFFFFFFB0];
	[tilespmem:s0+$0x40] =	vst v1;
	v1 =	vmul.f32 $5.656854150e+00, v3  }
0x66: {  	v3 =	vld [tilespmem:s16+$0xFFFFFFC0];
	v4 =	vmul.f32 $5.656854150e+00, v4;
	[tilespmem:s0+$0x50] =	vst v0  }
0x67: {  	v0 =	vld [tilespmem:s16+$0xFFFFFFD0];
	v7 =	vmul.f32 $5.656854150e+00, v7;
	[tilespmem:s0+$0x60] =	vst v1  }
0x68: {  	v1 =	vmul.f32 $5.656854150e+00, v5;
	v5 =	vld [tilespmem:s16+$0xFFFFFFE0];
	[tilespmem:s0+$0xFFFFFF80] =	vst v4;
	s0 =	smov.u32 s16  }
0x69: {  	v4 =	vmul.f32 $5.656854150e+00, v6;
	v6 =	vld [tilespmem:s16+$0xFFFFFFF0];
	[tilespmem:s16+$0x70] =	vst v7  }
0x6a: {  	[tilespmem:s16+$0xFFFFFF90] =	vst v1;
	v1 =	vmul.f32 $5.656854150e+00, v2;
	v2 =	vld [tilespmem:s16+$0x0]  }
0x6b: {  	[tilespmem:s16+$0xFFFFFFA0] =	vst v4;
	v3 =	vmul.f32 $5.656854150e+00, v3;
	v4 =	vld [tilespmem:s16+$0x10]  }
0x6c: {  	[tilespmem:s16+$0xFFFFFFB0] =	vst v1;
	v1 =	vmul.f32 $5.656854150e+00, v0;
	v7 =	vld [tilespmem:s16+$0x20]  }
.Ltmp1:
0x6d: {  	[tilespmem:s16+$0xFFFFFFC0] =	vst v3;
	v3 =	vmul.f32 $5.656854150e+00, v5;
	v0 =	vld [tilespmem:s16+$0x30];
	(pc) =	sbr.rel @p1 .LBB2_5-.Ltmp1, $4  }
0x6e: {  	[tilespmem:s16+$0xFFFFFFD0] =	vst v1;
	v5 =	vmul.f32 $5.656854150e+00, v6;
	v1 =	vld [tilespmem:s16+$0x40]  }
0x6f: {  	[tilespmem:s16+$0xFFFFFFE0] =	vst v3;
	v6 =	vmul.f32 $5.656854150e+00, v2;
	v2 =	vld [tilespmem:s16+$0x50]  }
0x70: {  	[tilespmem:s16+$0xFFFFFFF0] =	vst v5;
	v5 =	vmul.f32 $5.656854150e+00, v4;
	v3 =	vld [tilespmem:s16+$0x60]  }
0x71: {  	s16 =	sadd.s32 $0x100, s16;
	v4 =	vld [tilespmem:s0+$0xFFFFFF80];
	[tilespmem:s0+$0x0] =	vst v6;
	v6 =	vmul.f32 $5.656854150e+00, v7  }
0x72: {  	[tilespmem:s0+$0x10] =	vst v5;
	v0 =	vmul.f32 $5.656854150e+00, v0  }
0x73: {  	[tilespmem:s0+$0x20] =	vst v6;
	v1 =	vmul.f32 $5.656854150e+00, v1  }
0x74: {  	[tilespmem:s0+$0x30] =	vst v0;
	v0 =	vmul.f32 $5.656854150e+00, v2  }
0x75: {  	[tilespmem:s0+$0x40] =	vst v1;
	v1 =	vmul.f32 $5.656854150e+00, v3  }
0x76: {  	v2 =	vmul.f32 $5.656854150e+00, v4;
	[tilespmem:s0+$0x50] =	vst v0  }
0x77: {  	[tilespmem:s0+$0x60] =	vst v1  }
0x78: {  	[tilespmem:s0+$0xFFFFFF80] =	vst v2  }
0x79: {  	v0 =	vld [tilespmem:s31+$0x0]  }
0x7a: {  	v1 =	vld [tilespmem:s31+$0xFFFFFF20]  }
0x7b: {  	v2 =	vld [tilespmem:s31+$0xFFFFFF30]  }
0x7c: {  	v3 =	vld [tilespmem:s31+$0xFFFFFF40]  }
0x7d: {  	v4 =	vld [tilespmem:s31+$0xFFFFFF50]  }
0x7e: {  	v5 =	vld [tilespmem:s31+$0xFFFFFF60];
	v0 =	vmul.f32 $5.656854150e+00, v0  }
0x7f: {  	v6 =	vld [tilespmem:s31+$0xFFFFFF70];
	v1 =	vmul.f32 $5.656854150e+00, v1  }
0x80: {  	v7 =	vld [tilespmem:s31+$0xFFFFFF80];
	v2 =	vmul.f32 $5.656854150e+00, v2;
	[tilespmem:s31+$0x0] =	vst v0  }
0x81: {  	[tilespmem:s31+$0xFFFFFF20] =	vst v1;
	v0 =	vmul.f32 $5.656854150e+00, v3;
	v3 =	vld [tilespmem:s31+$0xFFFFFF90]  }
0x82: {  	[tilespmem:s31+$0xFFFFFF30] =	vst v2;
	v1 =	vmul.f32 $5.656854150e+00, v4;
	v4 =	vld [tilespmem:s31+$0xFFFFFFA0]  }
0x83: {  	v8 =	vld [tilespmem:s31+$0xFFFFFFB0];
	v2 =	vmul.f32 $5.656854150e+00, v5;
	[tilespmem:s31+$0xFFFFFF40] =	vst v0  }
0x84: {  	v5 =	vmul.f32 $5.656854150e+00, v6;
	[tilespmem:s31+$0xFFFFFF50] =	vst v1;
	v0 =	vld [tilespmem:s31+$0xFFFFFFC0]  }
0x85: {  	v6 =	vmul.f32 $5.656854150e+00, v7;
	[tilespmem:s31+$0xFFFFFF60] =	vst v2;
	v1 =	vld [tilespmem:s31+$0xFFFFFFD0]  }
0x86: {  	[tilespmem:s31+$0xFFFFFF70] =	vst v5;
	v2 =	vld [tilespmem:s31+$0xFFFFFFE0];
	v7 =	vmul.f32 $5.656854150e+00, v3  }
0x87: {  	[tilespmem:s31+$0xFFFFFF80] =	vst v6;
	v3 =	vld [tilespmem:s31+$0xFFFFFFF0];
	v5 =	vmul.f32 $5.656854150e+00, v4  }
0x88: {  	s1 =	simm.s32 $0x3F70;
	s16 =	simm.s32 $0x2770;
	s0 =	simm.s32 $0x0;
	v6 =	vmul.f32 $5.656854150e+00, v8;
	v4 =	vld [tilespmem:s31+$0xFFFFFF10];
	[tilespmem:s31+$0xFFFFFF90] =	vst v7  }
.LBB2_7:
0x89: {  	v7 =	vld [tilespmem:s16+$0x0];
	s0 =	sadd.s32 $0x8, s0;
	[tilespmem:s31+$0xFFFFFFA0] =	vst v5;
	v0 =	vmul.f32 $5.656854150e+00, v0  }
0x8a: {  	v5 =	vld [tilespmem:s16+$0xFFFFFF20];
	p1 =	slt.u32 s0, $0xC0;
	[tilespmem:s31+$0xFFFFFFB0] =	vst v6;
	v1 =	vmul.f32 $5.656854150e+00, v1  }
0x8b: {  	v6 =	vld [tilespmem:s16+$0xFFFFFF30];
	[tilespmem:s31+$0xFFFFFFC0] =	vst v0;
	v0 =	vmul.f32 $5.656854150e+00, v2  }
0x8c: {  	v2 =	vld [tilespmem:s16+$0xFFFFFF40];
	[tilespmem:s31+$0xFFFFFFD0] =	vst v1;
	v1 =	vmul.f32 $5.656854150e+00, v3  }
0x8d: {  	v3 =	vld [tilespmem:s16+$0xFFFFFF50];
	v4 =	vmul.f32 $5.656854150e+00, v4;
	[tilespmem:s31+$0xFFFFFFE0] =	vst v0  }
0x8e: {  	v0 =	vld [tilespmem:s16+$0xFFFFFF60];
	v7 =	vmul.f32 $5.656854150e+00, v7;
	[tilespmem:s31+$0xFFFFFFF0] =	vst v1  }
0x8f: {  	v1 =	vmul.f32 $5.656854150e+00, v5;
	v5 =	vld [tilespmem:s16+$0xFFFFFF70];
	[tilespmem:s31+$0xFFFFFF10] =	vst v4;
	s31 =	smov.u32 s16  }
0x90: {  	v4 =	vmul.f32 $5.656854150e+00, v6;
	v6 =	vld [tilespmem:s16+$0xFFFFFF80];
	[tilespmem:s16+$0x0] =	vst v7  }
0x91: {  	[tilespmem:s16+$0xFFFFFF20] =	vst v1;
	v1 =	vmul.f32 $5.656854150e+00, v2;
	v2 =	vld [tilespmem:s16+$0xFFFFFF90]  }
0x92: {  	[tilespmem:s16+$0xFFFFFF30] =	vst v4;
	v3 =	vmul.f32 $5.656854150e+00, v3;
	v4 =	vld [tilespmem:s16+$0xFFFFFFA0]  }
0x93: {  	[tilespmem:s16+$0xFFFFFF40] =	vst v1;
	v1 =	vmul.f32 $5.656854150e+00, v0;
	v7 =	vld [tilespmem:s16+$0xFFFFFFB0]  }
.Ltmp2:
0x94: {  	[tilespmem:s16+$0xFFFFFF50] =	vst v3;
	v3 =	vmul.f32 $5.656854150e+00, v5;
	v0 =	vld [tilespmem:s16+$0xFFFFFFC0];
	(pc) =	sbr.rel @p1 .LBB2_7-.Ltmp2, $4  }
0x95: {  	[tilespmem:s16+$0xFFFFFF60] =	vst v1;
	v5 =	vmul.f32 $5.656854150e+00, v6;
	v1 =	vld [tilespmem:s16+$0xFFFFFFD0]  }
0x96: {  	[tilespmem:s16+$0xFFFFFF70] =	vst v3;
	v6 =	vmul.f32 $5.656854150e+00, v2;
	v2 =	vld [tilespmem:s16+$0xFFFFFFE0]  }
0x97: {  	[tilespmem:s16+$0xFFFFFF80] =	vst v5;
	v5 =	vmul.f32 $5.656854150e+00, v4;
	v3 =	vld [tilespmem:s16+$0xFFFFFFF0]  }
0x98: {  	s16 =	sadd.s32 $0x100, s16;
	v4 =	vld [tilespmem:s31+$0xFFFFFF10];
	[tilespmem:s31+$0xFFFFFF90] =	vst v6;
	v6 =	vmul.f32 $5.656854150e+00, v7  }
0x99: {  	[tilespmem:s31+$0xFFFFFFA0] =	vst v5;
	v0 =	vmul.f32 $5.656854150e+00, v0  }
0x9a: {  	[tilespmem:s31+$0xFFFFFFB0] =	vst v6;
	v1 =	vmul.f32 $5.656854150e+00, v1  }
0x9b: {  	[tilespmem:s31+$0xFFFFFFC0] =	vst v0;
	v0 =	vmul.f32 $5.656854150e+00, v2  }
0x9c: {  	[tilespmem:s31+$0xFFFFFFD0] =	vst v1;
	v1 =	vmul.f32 $5.656854150e+00, v3  }
0x9d: {  	v2 =	vmul.f32 $5.656854150e+00, v4;
	[tilespmem:s31+$0xFFFFFFE0] =	vst v0  }
0x9e: {  	[tilespmem:s31+$0xFFFFFFF0] =	vst v1  }
0x9f: {  	[tilespmem:s31+$0xFFFFFF10] =	vst v2  }
0xa0: {  	v0 =	vld [tilespmem:s1+$0x0]  }
0xa1: {  	v1 =	vld [tilespmem:s1+$0xFFFFFF20]  }
0xa2: {  	v2 =	vld [tilespmem:s1+$0xFFFFFF30]  }
0xa3: {  	v3 =	vld [tilespmem:s1+$0xFFFFFF40]  }
0xa4: {  	v4 =	vld [tilespmem:s1+$0xFFFFFF50]  }
0xa5: {  	v5 =	vld [tilespmem:s1+$0xFFFFFF60];
	v0 =	vmul.f32 $5.656854150e+00, v0  }
0xa6: {  	v6 =	vld [tilespmem:s1+$0xFFFFFF70];
	v1 =	vmul.f32 $5.656854150e+00, v1  }
0xa7: {  	v7 =	vld [tilespmem:s1+$0xFFFFFF80];
	v2 =	vmul.f32 $5.656854150e+00, v2;
	[tilespmem:s1+$0x0] =	vst v0  }
0xa8: {  	[tilespmem:s1+$0xFFFFFF20] =	vst v1;
	v0 =	vmul.f32 $5.656854150e+00, v3;
	v3 =	vld [tilespmem:s1+$0xFFFFFF90]  }
0xa9: {  	[tilespmem:s1+$0xFFFFFF30] =	vst v2;
	v1 =	vmul.f32 $5.656854150e+00, v4;
	v4 =	vld [tilespmem:s1+$0xFFFFFFA0]  }
0xaa: {  	v8 =	vld [tilespmem:s1+$0xFFFFFFB0];
	v2 =	vmul.f32 $5.656854150e+00, v5;
	[tilespmem:s1+$0xFFFFFF40] =	vst v0  }
0xab: {  	v5 =	vmul.f32 $5.656854150e+00, v6;
	[tilespmem:s1+$0xFFFFFF50] =	vst v1;
	v0 =	vld [tilespmem:s1+$0xFFFFFFC0]  }
0xac: {  	v6 =	vmul.f32 $5.656854150e+00, v7;
	[tilespmem:s1+$0xFFFFFF60] =	vst v2;
	v1 =	vld [tilespmem:s1+$0xFFFFFFD0]  }
0xad: {  	[tilespmem:s1+$0xFFFFFF70] =	vst v5;
	v2 =	vld [tilespmem:s1+$0xFFFFFFE0];
	v7 =	vmul.f32 $5.656854150e+00, v3  }
0xae: {  	[tilespmem:s1+$0xFFFFFF80] =	vst v6;
	v3 =	vld [tilespmem:s1+$0xFFFFFFF0];
	v5 =	vmul.f32 $5.656854150e+00, v4  }
0xaf: {  	s0 =	simm.s32 $0x0;
	s22 =	simm.s32 $0x4070;
	v6 =	vmul.f32 $5.656854150e+00, v8;
	v4 =	vld [tilespmem:s1+$0xFFFFFF10];
	[tilespmem:s1+$0xFFFFFF90] =	vst v7  }
.LBB2_9:
0xb0: {  	v7 =	vld [tilespmem:s22+$0x0];
	s0 =	sadd.s32 $0x8, s0;
	[tilespmem:s1+$0xFFFFFFA0] =	vst v5;
	v0 =	vmul.f32 $5.656854150e+00, v0  }
0xb1: {  	v5 =	vld [tilespmem:s22+$0xFFFFFF20];
	p1 =	slt.u32 s0, $0xC0;
	[tilespmem:s1+$0xFFFFFFB0] =	vst v6;
	v1 =	vmul.f32 $5.656854150e+00, v1  }
0xb2: {  	v6 =	vld [tilespmem:s22+$0xFFFFFF30];
	[tilespmem:s1+$0xFFFFFFC0] =	vst v0;
	v0 =	vmul.f32 $5.656854150e+00, v2  }
0xb3: {  	v2 =	vld [tilespmem:s22+$0xFFFFFF40];
	[tilespmem:s1+$0xFFFFFFD0] =	vst v1;
	v1 =	vmul.f32 $5.656854150e+00, v3  }
0xb4: {  	v3 =	vld [tilespmem:s22+$0xFFFFFF50];
	v4 =	vmul.f32 $5.656854150e+00, v4;
	[tilespmem:s1+$0xFFFFFFE0] =	vst v0  }
0xb5: {  	v0 =	vld [tilespmem:s22+$0xFFFFFF60];
	v7 =	vmul.f32 $5.656854150e+00, v7;
	[tilespmem:s1+$0xFFFFFFF0] =	vst v1  }
0xb6: {  	v1 =	vmul.f32 $5.656854150e+00, v5;
	v5 =	vld [tilespmem:s22+$0xFFFFFF70];
	[tilespmem:s1+$0xFFFFFF10] =	vst v4;
	s1 =	smov.u32 s22  }
0xb7: {  	s31 =	simm.s32 $0x5780;
	v4 =	vmul.f32 $5.656854150e+00, v6;
	v6 =	vld [tilespmem:s22+$0xFFFFFF80];
	[tilespmem:s22+$0x0] =	vst v7  }
0xb8: {  	[tilespmem:s22+$0xFFFFFF20] =	vst v1;
	v1 =	vmul.f32 $5.656854150e+00, v2;
	v2 =	vld [tilespmem:s22+$0xFFFFFF90]  }
0xb9: {  	[tilespmem:s22+$0xFFFFFF30] =	vst v4;
	v3 =	vmul.f32 $5.656854150e+00, v3;
	v4 =	vld [tilespmem:s22+$0xFFFFFFA0]  }
0xba: {  	[tilespmem:s22+$0xFFFFFF40] =	vst v1;
	v1 =	vmul.f32 $5.656854150e+00, v0;
	v7 =	vld [tilespmem:s22+$0xFFFFFFB0]  }
.Ltmp3:
0xbb: {  	[tilespmem:s22+$0xFFFFFF50] =	vst v3;
	v3 =	vmul.f32 $5.656854150e+00, v5;
	v0 =	vld [tilespmem:s22+$0xFFFFFFC0];
	(pc) =	sbr.rel @p1 .LBB2_9-.Ltmp3, $4  }
0xbc: {  	[tilespmem:s22+$0xFFFFFF60] =	vst v1;
	v5 =	vmul.f32 $5.656854150e+00, v6;
	v1 =	vld [tilespmem:s22+$0xFFFFFFD0]  }
0xbd: {  	[tilespmem:s22+$0xFFFFFF70] =	vst v3;
	v6 =	vmul.f32 $5.656854150e+00, v2;
	v2 =	vld [tilespmem:s22+$0xFFFFFFE0]  }
0xbe: {  	[tilespmem:s22+$0xFFFFFF80] =	vst v5;
	v5 =	vmul.f32 $5.656854150e+00, v4;
	v3 =	vld [tilespmem:s22+$0xFFFFFFF0]  }
0xbf: {  	s22 =	sadd.s32 $0x100, s22;
	v4 =	vld [tilespmem:s1+$0xFFFFFF10];
	[tilespmem:s1+$0xFFFFFF90] =	vst v6;
	v6 =	vmul.f32 $5.656854150e+00, v7  }
0xc0: {  	[tilespmem:s1+$0xFFFFFFA0] =	vst v5;
	v0 =	vmul.f32 $5.656854150e+00, v0  }
0xc1: {  	[tilespmem:s1+$0xFFFFFFB0] =	vst v6;
	v1 =	vmul.f32 $5.656854150e+00, v1  }
0xc2: {  	[tilespmem:s1+$0xFFFFFFC0] =	vst v0;
	v0 =	vmul.f32 $5.656854150e+00, v2  }
0xc3: {  	[tilespmem:s1+$0xFFFFFFD0] =	vst v1;
	v1 =	vmul.f32 $5.656854150e+00, v3  }
0xc4: {  	v2 =	vmul.f32 $5.656854150e+00, v4;
	[tilespmem:s1+$0xFFFFFFE0] =	vst v0  }
0xc5: {  	[tilespmem:s1+$0xFFFFFFF0] =	vst v1  }
0xc6: {  	[tilespmem:s1+$0xFFFFFF10] =	vst v2  }
0xc7: {  	v0 =	vld [tilespmem:s31+$0xF0]  }
0xc8: {  	v1 =	vld [tilespmem:s31+$0x10]  }
0xc9: {  	v2 =	vld [tilespmem:s31+$0x20]  }
0xca: {  	v3 =	vld [tilespmem:s31+$0x30]  }
0xcb: {  	v4 =	vld [tilespmem:s31+$0x40]  }
0xcc: {  	v5 =	vld [tilespmem:s31+$0x50];
	v0 =	vmul.f32 $5.656854150e+00, v0  }
0xcd: {  	v6 =	vld [tilespmem:s31+$0x60];
	v1 =	vmul.f32 $5.656854150e+00, v1  }
0xce: {  	v7 =	vld [tilespmem:s31+$0x70];
	v2 =	vmul.f32 $5.656854150e+00, v2;
	[tilespmem:s31+$0xF0] =	vst v0  }
0xcf: {  	[tilespmem:s31+$0x10] =	vst v1;
	v0 =	vmul.f32 $5.656854150e+00, v3;
	v3 =	vld [tilespmem:s31+$0x80]  }
0xd0: {  	[tilespmem:s31+$0x20] =	vst v2;
	v1 =	vmul.f32 $5.656854150e+00, v4;
	v4 =	vld [tilespmem:s31+$0x90]  }
0xd1: {  	v8 =	vld [tilespmem:s31+$0xA0];
	v2 =	vmul.f32 $5.656854150e+00, v5;
	[tilespmem:s31+$0x30] =	vst v0  }
0xd2: {  	v5 =	vmul.f32 $5.656854150e+00, v6;
	[tilespmem:s31+$0x40] =	vst v1;
	v0 =	vld [tilespmem:s31+$0xB0]  }
0xd3: {  	v6 =	vmul.f32 $5.656854150e+00, v7;
	[tilespmem:s31+$0x50] =	vst v2;
	v1 =	vld [tilespmem:s31+$0xC0]  }
0xd4: {  	[tilespmem:s31+$0x60] =	vst v5;
	v2 =	vld [tilespmem:s31+$0xD0];
	v7 =	vmul.f32 $5.656854150e+00, v3  }
0xd5: {  	[tilespmem:s31+$0x70] =	vst v6;
	v3 =	vld [tilespmem:s31+$0xE0];
	v5 =	vmul.f32 $5.656854150e+00, v4  }
0xd6: {  	s0 =	simm.s32 $0x0;
	s1 =	simm.s32 $0x5880;
	v6 =	vmul.f32 $5.656854150e+00, v8;
	v4 =	vld [tilespmem:s31+$0x0];
	[tilespmem:s31+$0x80] =	vst v7  }
.LBB2_11:
0xd7: {  	v7 =	vld [tilespmem:s1+$0xF0];
	s0 =	sadd.s32 $0x8, s0;
	[tilespmem:s31+$0x90] =	vst v5;
	v0 =	vmul.f32 $5.656854150e+00, v0  }
0xd8: {  	v5 =	vld [tilespmem:s1+$0x10];
	p1 =	slt.u32 s0, $0xC0;
	[tilespmem:s31+$0xA0] =	vst v6;
	v1 =	vmul.f32 $5.656854150e+00, v1  }
0xd9: {  	v6 =	vld [tilespmem:s1+$0x20];
	[tilespmem:s31+$0xB0] =	vst v0;
	v0 =	vmul.f32 $5.656854150e+00, v2  }
0xda: {  	v2 =	vld [tilespmem:s1+$0x30];
	[tilespmem:s31+$0xC0] =	vst v1;
	v1 =	vmul.f32 $5.656854150e+00, v3  }
0xdb: {  	v3 =	vld [tilespmem:s1+$0x40];
	v4 =	vmul.f32 $5.656854150e+00, v4;
	[tilespmem:s31+$0xD0] =	vst v0  }
0xdc: {  	v0 =	vld [tilespmem:s1+$0x50];
	v7 =	vmul.f32 $5.656854150e+00, v7;
	[tilespmem:s31+$0xE0] =	vst v1  }
0xdd: {  	v1 =	vmul.f32 $5.656854150e+00, v5;
	v5 =	vld [tilespmem:s1+$0x60];
	[tilespmem:s31+$0x0] =	vst v4;
	s31 =	smov.u32 s1  }
0xde: {  	v4 =	vmul.f32 $5.656854150e+00, v6;
	v6 =	vld [tilespmem:s1+$0x70];
	[tilespmem:s1+$0xF0] =	vst v7  }
0xdf: {  	[tilespmem:s1+$0x10] =	vst v1;
	v1 =	vmul.f32 $5.656854150e+00, v2;
	v2 =	vld [tilespmem:s1+$0x80]  }
0xe0: {  	[tilespmem:s1+$0x20] =	vst v4;
	v3 =	vmul.f32 $5.656854150e+00, v3;
	v4 =	vld [tilespmem:s1+$0x90]  }
0xe1: {  	[tilespmem:s1+$0x30] =	vst v1;
	v1 =	vmul.f32 $5.656854150e+00, v0;
	v7 =	vld [tilespmem:s1+$0xA0]  }
.Ltmp4:
0xe2: {  	[tilespmem:s1+$0x40] =	vst v3;
	v3 =	vmul.f32 $5.656854150e+00, v5;
	v0 =	vld [tilespmem:s1+$0xB0];
	(pc) =	sbr.rel @p1 .LBB2_11-.Ltmp4, $4  }
0xe3: {  	[tilespmem:s1+$0x50] =	vst v1;
	v5 =	vmul.f32 $5.656854150e+00, v6;
	v1 =	vld [tilespmem:s1+$0xC0]  }
0xe4: {  	[tilespmem:s1+$0x60] =	vst v3;
	v6 =	vmul.f32 $5.656854150e+00, v2;
	v2 =	vld [tilespmem:s1+$0xD0]  }
0xe5: {  	[tilespmem:s1+$0x70] =	vst v5;
	v5 =	vmul.f32 $5.656854150e+00, v4;
	v3 =	vld [tilespmem:s1+$0xE0]  }
0xe6: {  	s1 =	sadd.s32 $0x100, s1;
	v4 =	vld [tilespmem:s31+$0x0];
	[tilespmem:s31+$0x80] =	vst v6;
	v6 =	vmul.f32 $5.656854150e+00, v7  }
0xe7: {  	[tilespmem:s31+$0x90] =	vst v5;
	v0 =	vmul.f32 $5.656854150e+00, v0  }
0xe8: {  	[tilespmem:s31+$0xA0] =	vst v6;
	v1 =	vmul.f32 $5.656854150e+00, v1  }
0xe9: {  	[tilespmem:s31+$0xB0] =	vst v0;
	v0 =	vmul.f32 $5.656854150e+00, v2  }
0xea: {  	s0 =	sadd.s32 s4, s28;
	[tilespmem:s31+$0xC0] =	vst v1;
	v1 =	vmul.f32 $5.656854150e+00, v3  }
0xeb: {  	s0 =	smul.u32 $0xC80, s0;
	v2 =	vmul.f32 $5.656854150e+00, v4;
	[tilespmem:s31+$0xD0] =	vst v0  }
0xec: {  	[tilespmem:s31+$0xE0] =	vst v1  }
0xed: {  	s0 =	sadd.s32 s6, s0;
	[tilespmem:s31+$0x0] =	vst v2  }
0xee: {  	[hbm4b:s0+s8] =	stream.strided.scatter [tilespmem:s21], [sflag:$0x9], $0x6400, s9, s8, $0x38;
	[tilespmem:$0x19C80] =	vst v63  }
0xef: {  	_ =	swait.ge [sflag:s10], $0x1900  }
0xf0: {  	[sflag:s10] =	ssyncset.done $0x0  }
0xf1: {  	[sflag:s10] =	ssyncadd.s32 $0xFFFFE700  }
0xf2: {  	_ =	swait.ge [sflag:s10], $0x1900  }
0xf3: {  	[sflag:s10] =	ssyncset.done $0x0  }
0xf4: {  	[sflag:s10] =	ssyncadd.s32 $0xFFFFE700  }
0xf5: {  	_ =	swait.ge [sflag:s10], $0x1900  }
0xf6: {  	[sflag:s10] =	ssyncset.done $0x0  }
0xf7: {  	s0 =	sadd.s32 @!p0 s28, s12;
	[sflag:s10] =	ssyncadd.s32 $0xFFFFE700  }
0xf8: {  	s0 =	smul.u32 @!p0 $0x19, s0;
	_ =	swait.ge [sflag:s10], $0x1900  }
0xf9: {  	s1 =	simm.s32 @!p0 $0x0;
	[sflag:s10] =	ssyncset.done $0x0  }
0xfa: {  	s16 =	simm.s32 @!p0 $0x320;
	s0 =	sadd.s32 @!p0 s5, s0;
	[sflag:s10] =	ssyncadd.s32 $0xFFFFE700  }
0xfb: {  	[tilespmem:s16], [sflag:$0x2] =	stream.linear.gather @!p0 [hbm4b:s0+s1], $0x320, $0x38;
	[tilespmem:$0x19C80] =	vst v63  }
0xfc: {  	s0 =	simm.s32 @!p0 $0x9  }
0xfd: {  	_ =	swait.ge @!p0 [sflag:s0], $0x6400  }
0xfe: {  	[sflag:s0] =	ssyncset.done @!p0 $0x0  }
0xff: {  	[sflag:s0] =	ssyncadd.s32 @!p0 $0xFFFF9C00;
	s0 =	simm.s32 @!p0 $0x1  }
0x100: {  	_ =	swait.ge @!p0 [sflag:s0], $0x320  }
0x101: {  	[sflag:s0] =	ssyncset.done @!p0 $0x0  }
0x102: {  	s16 =	simm.s32 @!p0 $0xC80;
	[sflag:s0] =	ssyncadd.s32 @!p0 $0xFFFFFCE0;
	s0 =	simm.s32 @!p0 $0xC8  }
0x103: {  	[tilespmem:s16], [sflag:$0x5] =	stream.indirect.gather @!p0 [hbm4b:s2+s0], $0x20, s1, s0, $0xb8;
	[tilespmem:$0x19C80] =	vst v63  }
0x104: {  	s1 =	simm.s32 @!p0 $0x2580  }
0x105: {  	[tilespmem:s1], [sflag:$0x5] =	stream.indirect.gather @!p0 [hbm4b:s2+s0], $0x20, s0, s0, $0xb8;
	[tilespmem:$0x19C80] =	vst v63  }
0x106: {  	s16 =	simm.s32 @!p0 $0x3E80;
	s1 =	simm.s32 @!p0 $0x190  }
0x107: {  	[tilespmem:s16], [sflag:$0x5] =	stream.indirect.gather @!p0 [hbm4b:s2+s0], $0x20, s1, s0, $0xb8;
	[tilespmem:$0x19C80] =	vst v63  }
0x108: {  	s1 =	simm.s32 @!p0 $0x258;
	s16 =	simm.s32 @!p0 $0x5780  }
0x109: {  	[tilespmem:s16], [sflag:$0x5] =	stream.indirect.gather @!p0 [hbm4b:s2+s0], $0x20, s1, s0, $0xb8;
	[tilespmem:$0x19C80] =	vst v63  }
0x10a: {  	s0 =	simm.s32 $0x7080  }
0x10b: {  	v0 =	vld [tilespmem:s0+$0xF0]  }
0x10c: {  	v1 =	vld [tilespmem:s0+$0x10]  }
0x10d: {  	v2 =	vld [tilespmem:s0+$0x20]  }
0x10e: {  	v3 =	vld [tilespmem:s0+$0x30]  }
0x10f: {  	v4 =	vld [tilespmem:s0+$0x40]  }
0x110: {  	v5 =	vld [tilespmem:s0+$0x50];
	v0 =	vmul.f32 $5.656854150e+00, v0  }
0x111: {  	v6 =	vld [tilespmem:s0+$0x60];
	v1 =	vmul.f32 $5.656854150e+00, v1  }
0x112: {  	v7 =	vld [tilespmem:s0+$0x70];
	v2 =	vmul.f32 $5.656854150e+00, v2;
	[tilespmem:s0+$0xF0] =	vst v0  }
0x113: {  	[tilespmem:s0+$0x10] =	vst v1;
	v0 =	vmul.f32 $5.656854150e+00, v3;
	v3 =	vld [tilespmem:s0+$0x80]  }
0x114: {  	[tilespmem:s0+$0x20] =	vst v2;
	v1 =	vmul.f32 $5.656854150e+00, v4;
	v4 =	vld [tilespmem:s0+$0x90]  }
0x115: {  	v8 =	vld [tilespmem:s0+$0xA0];
	v2 =	vmul.f32 $5.656854150e+00, v5;
	[tilespmem:s0+$0x30] =	vst v0  }
0x116: {  	v5 =	vmul.f32 $5.656854150e+00, v6;
	[tilespmem:s0+$0x40] =	vst v1;
	v0 =	vld [tilespmem:s0+$0xB0]  }
0x117: {  	v6 =	vmul.f32 $5.656854150e+00, v7;
	[tilespmem:s0+$0x50] =	vst v2;
	v1 =	vld [tilespmem:s0+$0xC0]  }
0x118: {  	[tilespmem:s0+$0x60] =	vst v5;
	v2 =	vld [tilespmem:s0+$0xD0];
	v7 =	vmul.f32 $5.656854150e+00, v3  }
0x119: {  	[tilespmem:s0+$0x70] =	vst v6;
	v3 =	vld [tilespmem:s0+$0xE0];
	v5 =	vmul.f32 $5.656854150e+00, v4  }
0x11a: {  	s22 =	simm.s32 $0x7180;
	s31 =	simm.s32 $0x0;
	v6 =	vmul.f32 $5.656854150e+00, v8;
	v4 =	vld [tilespmem:s0+$0x0];
	[tilespmem:s0+$0x80] =	vst v7  }
.LBB2_13:
0x11b: {  	v7 =	vld [tilespmem:s22+$0xF0];
	s31 =	sadd.s32 $0x8, s31;
	[tilespmem:s0+$0x90] =	vst v5;
	v0 =	vmul.f32 $5.656854150e+00, v0  }
0x11c: {  	v5 =	vld [tilespmem:s22+$0x10];
	p1 =	slt.u32 s31, $0xC0;
	[tilespmem:s0+$0xA0] =	vst v6;
	v1 =	vmul.f32 $5.656854150e+00, v1  }
0x11d: {  	v6 =	vld [tilespmem:s22+$0x20];
	[tilespmem:s0+$0xB0] =	vst v0;
	v0 =	vmul.f32 $5.656854150e+00, v2  }
0x11e: {  	v2 =	vld [tilespmem:s22+$0x30];
	[tilespmem:s0+$0xC0] =	vst v1;
	v1 =	vmul.f32 $5.656854150e+00, v3  }
0x11f: {  	v3 =	vld [tilespmem:s22+$0x40];
	v4 =	vmul.f32 $5.656854150e+00, v4;
	[tilespmem:s0+$0xD0] =	vst v0  }
0x120: {  	v0 =	vld [tilespmem:s22+$0x50];
	v7 =	vmul.f32 $5.656854150e+00, v7;
	[tilespmem:s0+$0xE0] =	vst v1  }
0x121: {  	v1 =	vmul.f32 $5.656854150e+00, v5;
	v5 =	vld [tilespmem:s22+$0x60];
	[tilespmem:s0+$0x0] =	vst v4;
	s0 =	smov.u32 s22  }
0x122: {  	s1 =	simm.s32 $0x8980;
	v4 =	vmul.f32 $5.656854150e+00, v6;
	v6 =	vld [tilespmem:s22+$0x70];
	[tilespmem:s22+$0xF0] =	vst v7  }
0x123: {  	[tilespmem:s22+$0x10] =	vst v1;
	v1 =	vmul.f32 $5.656854150e+00, v2;
	v2 =	vld [tilespmem:s22+$0x80]  }
0x124: {  	[tilespmem:s22+$0x20] =	vst v4;
	v3 =	vmul.f32 $5.656854150e+00, v3;
	v4 =	vld [tilespmem:s22+$0x90]  }
0x125: {  	[tilespmem:s22+$0x30] =	vst v1;
	v1 =	vmul.f32 $5.656854150e+00, v0;
	v7 =	vld [tilespmem:s22+$0xA0]  }
.Ltmp5:
0x126: {  	[tilespmem:s22+$0x40] =	vst v3;
	v3 =	vmul.f32 $5.656854150e+00, v5;
	v0 =	vld [tilespmem:s22+$0xB0];
	(pc) =	sbr.rel @p1 .LBB2_13-.Ltmp5, $4  }
0x127: {  	[tilespmem:s22+$0x50] =	vst v1;
	v5 =	vmul.f32 $5.656854150e+00, v6;
	v1 =	vld [tilespmem:s22+$0xC0]  }
0x128: {  	[tilespmem:s22+$0x60] =	vst v3;
	v6 =	vmul.f32 $5.656854150e+00, v2;
	v2 =	vld [tilespmem:s22+$0xD0]  }
0x129: {  	[tilespmem:s22+$0x70] =	vst v5;
	v5 =	vmul.f32 $5.656854150e+00, v4;
	v3 =	vld [tilespmem:s22+$0xE0]  }
0x12a: {  	s22 =	sadd.s32 $0x100, s22;
	v4 =	vld [tilespmem:s0+$0x0];
	[tilespmem:s0+$0x80] =	vst v6;
	v6 =	vmul.f32 $5.656854150e+00, v7  }
0x12b: {  	[tilespmem:s0+$0x90] =	vst v5;
	v0 =	vmul.f32 $5.656854150e+00, v0  }
0x12c: {  	[tilespmem:s0+$0xA0] =	vst v6;
	v1 =	vmul.f32 $5.656854150e+00, v1  }
0x12d: {  	[tilespmem:s0+$0xB0] =	vst v0;
	v0 =	vmul.f32 $5.656854150e+00, v2  }
0x12e: {  	[tilespmem:s0+$0xC0] =	vst v1;
	v1 =	vmul.f32 $5.656854150e+00, v3  }
0x12f: {  	v2 =	vmul.f32 $5.656854150e+00, v4;
	[tilespmem:s0+$0xD0] =	vst v0  }
0x130: {  	[tilespmem:s0+$0xE0] =	vst v1  }
0x131: {  	[tilespmem:s0+$0x0] =	vst v2  }
0x132: {  	v0 =	vld [tilespmem:s1+$0xF0]  }
0x133: {  	v1 =	vld [tilespmem:s1+$0x10]  }
0x134: {  	v2 =	vld [tilespmem:s1+$0x20]  }
0x135: {  	v3 =	vld [tilespmem:s1+$0x30]  }
0x136: {  	v4 =	vld [tilespmem:s1+$0x40]  }
0x137: {  	v5 =	vld [tilespmem:s1+$0x50];
	v0 =	vmul.f32 $5.656854150e+00, v0  }
0x138: {  	v6 =	vld [tilespmem:s1+$0x60];
	v1 =	vmul.f32 $5.656854150e+00, v1  }
0x139: {  	v7 =	vld [tilespmem:s1+$0x70];
	v2 =	vmul.f32 $5.656854150e+00, v2;
	[tilespmem:s1+$0xF0] =	vst v0  }
0x13a: {  	[tilespmem:s1+$0x10] =	vst v1;
	v0 =	vmul.f32 $5.656854150e+00, v3;
	v3 =	vld [tilespmem:s1+$0x80]  }
0x13b: {  	[tilespmem:s1+$0x20] =	vst v2;
	v1 =	vmul.f32 $5.656854150e+00, v4;
	v4 =	vld [tilespmem:s1+$0x90]  }
0x13c: {  	v8 =	vld [tilespmem:s1+$0xA0];
	v2 =	vmul.f32 $5.656854150e+00, v5;
	[tilespmem:s1+$0x30] =	vst v0  }
0x13d: {  	v5 =	vmul.f32 $5.656854150e+00, v6;
	[tilespmem:s1+$0x40] =	vst v1;
	v0 =	vld [tilespmem:s1+$0xB0]  }
0x13e: {  	v6 =	vmul.f32 $5.656854150e+00, v7;
	[tilespmem:s1+$0x50] =	vst v2;
	v1 =	vld [tilespmem:s1+$0xC0]  }
0x13f: {  	[tilespmem:s1+$0x60] =	vst v5;
	v2 =	vld [tilespmem:s1+$0xD0];
	v7 =	vmul.f32 $5.656854150e+00, v3  }
0x140: {  	[tilespmem:s1+$0x70] =	vst v6;
	v3 =	vld [tilespmem:s1+$0xE0];
	v5 =	vmul.f32 $5.656854150e+00, v4  }
0x141: {  	s22 =	simm.s32 $0x8A80;
	s0 =	simm.s32 $0x0;
	v6 =	vmul.f32 $5.656854150e+00, v8;
	v4 =	vld [tilespmem:s1+$0x0];
	[tilespmem:s1+$0x80] =	vst v7  }
.LBB2_15:
0x142: {  	v7 =	vld [tilespmem:s22+$0xF0];
	s0 =	sadd.s32 $0x8, s0;
	[tilespmem:s1+$0x90] =	vst v5;
	v0 =	vmul.f32 $5.656854150e+00, v0  }
0x143: {  	v5 =	vld [tilespmem:s22+$0x10];
	p1 =	slt.u32 s0, $0xC0;
	[tilespmem:s1+$0xA0] =	vst v6;
	v1 =	vmul.f32 $5.656854150e+00, v1  }
0x144: {  	v6 =	vld [tilespmem:s22+$0x20];
	[tilespmem:s1+$0xB0] =	vst v0;
	v0 =	vmul.f32 $5.656854150e+00, v2  }
0x145: {  	v2 =	vld [tilespmem:s22+$0x30];
	[tilespmem:s1+$0xC0] =	vst v1;
	v1 =	vmul.f32 $5.656854150e+00, v3  }
0x146: {  	v3 =	vld [tilespmem:s22+$0x40];
	v4 =	vmul.f32 $5.656854150e+00, v4;
	[tilespmem:s1+$0xD0] =	vst v0  }
0x147: {  	v0 =	vld [tilespmem:s22+$0x50];
	v7 =	vmul.f32 $5.656854150e+00, v7;
	[tilespmem:s1+$0xE0] =	vst v1  }
0x148: {  	v1 =	vmul.f32 $5.656854150e+00, v5;
	v5 =	vld [tilespmem:s22+$0x60];
	[tilespmem:s1+$0x0] =	vst v4;
	s1 =	smov.u32 s22  }
0x149: {  	s31 =	simm.s32 $0xA280;
	v4 =	vmul.f32 $5.656854150e+00, v6;
	v6 =	vld [tilespmem:s22+$0x70];
	[tilespmem:s22+$0xF0] =	vst v7  }
0x14a: {  	[tilespmem:s22+$0x10] =	vst v1;
	v1 =	vmul.f32 $5.656854150e+00, v2;
	v2 =	vld [tilespmem:s22+$0x80]  }
0x14b: {  	[tilespmem:s22+$0x20] =	vst v4;
	v3 =	vmul.f32 $5.656854150e+00, v3;
	v4 =	vld [tilespmem:s22+$0x90]  }
0x14c: {  	[tilespmem:s22+$0x30] =	vst v1;
	v1 =	vmul.f32 $5.656854150e+00, v0;
	v7 =	vld [tilespmem:s22+$0xA0]  }
.Ltmp6:
0x14d: {  	[tilespmem:s22+$0x40] =	vst v3;
	v3 =	vmul.f32 $5.656854150e+00, v5;
	v0 =	vld [tilespmem:s22+$0xB0];
	(pc) =	sbr.rel @p1 .LBB2_15-.Ltmp6, $4  }
0x14e: {  	[tilespmem:s22+$0x50] =	vst v1;
	v5 =	vmul.f32 $5.656854150e+00, v6;
	v1 =	vld [tilespmem:s22+$0xC0]  }
0x14f: {  	[tilespmem:s22+$0x60] =	vst v3;
	v6 =	vmul.f32 $5.656854150e+00, v2;
	v2 =	vld [tilespmem:s22+$0xD0]  }
0x150: {  	[tilespmem:s22+$0x70] =	vst v5;
	v5 =	vmul.f32 $5.656854150e+00, v4;
	v3 =	vld [tilespmem:s22+$0xE0]  }
0x151: {  	s22 =	sadd.s32 $0x100, s22;
	v4 =	vld [tilespmem:s1+$0x0];
	[tilespmem:s1+$0x80] =	vst v6;
	v6 =	vmul.f32 $5.656854150e+00, v7  }
0x152: {  	[tilespmem:s1+$0x90] =	vst v5;
	v0 =	vmul.f32 $5.656854150e+00, v0  }
0x153: {  	[tilespmem:s1+$0xA0] =	vst v6;
	v1 =	vmul.f32 $5.656854150e+00, v1  }
0x154: {  	[tilespmem:s1+$0xB0] =	vst v0;
	v0 =	vmul.f32 $5.656854150e+00, v2  }
0x155: {  	[tilespmem:s1+$0xC0] =	vst v1;
	v1 =	vmul.f32 $5.656854150e+00, v3  }
0x156: {  	v2 =	vmul.f32 $5.656854150e+00, v4;
	[tilespmem:s1+$0xD0] =	vst v0  }
0x157: {  	[tilespmem:s1+$0xE0] =	vst v1  }
0x158: {  	[tilespmem:s1+$0x0] =	vst v2  }
0x159: {  	v0 =	vld [tilespmem:s31+$0xF0]  }
0x15a: {  	v1 =	vld [tilespmem:s31+$0x10]  }
0x15b: {  	v2 =	vld [tilespmem:s31+$0x20]  }
0x15c: {  	v3 =	vld [tilespmem:s31+$0x30]  }
0x15d: {  	v4 =	vld [tilespmem:s31+$0x40]  }
0x15e: {  	v5 =	vld [tilespmem:s31+$0x50];
	v0 =	vmul.f32 $5.656854150e+00, v0  }
0x15f: {  	v6 =	vld [tilespmem:s31+$0x60];
	v1 =	vmul.f32 $5.656854150e+00, v1  }
0x160: {  	v7 =	vld [tilespmem:s31+$0x70];
	v2 =	vmul.f32 $5.656854150e+00, v2;
	[tilespmem:s31+$0xF0] =	vst v0  }
0x161: {  	[tilespmem:s31+$0x10] =	vst v1;
	v0 =	vmul.f32 $5.656854150e+00, v3;
	v3 =	vld [tilespmem:s31+$0x80]  }
0x162: {  	[tilespmem:s31+$0x20] =	vst v2;
	v1 =	vmul.f32 $5.656854150e+00, v4;
	v4 =	vld [tilespmem:s31+$0x90]  }
0x163: {  	v8 =	vld [tilespmem:s31+$0xA0];
	v2 =	vmul.f32 $5.656854150e+00, v5;
	[tilespmem:s31+$0x30] =	vst v0  }
0x164: {  	v5 =	vmul.f32 $5.656854150e+00, v6;
	[tilespmem:s31+$0x40] =	vst v1;
	v0 =	vld [tilespmem:s31+$0xB0]  }
0x165: {  	v6 =	vmul.f32 $5.656854150e+00, v7;
	[tilespmem:s31+$0x50] =	vst v2;
	v1 =	vld [tilespmem:s31+$0xC0]  }
0x166: {  	[tilespmem:s31+$0x60] =	vst v5;
	v2 =	vld [tilespmem:s31+$0xD0];
	v7 =	vmul.f32 $5.656854150e+00, v3  }
0x167: {  	[tilespmem:s31+$0x70] =	vst v6;
	v3 =	vld [tilespmem:s31+$0xE0];
	v5 =	vmul.f32 $5.656854150e+00, v4  }
0x168: {  	s0 =	simm.s32 $0x0;
	s22 =	simm.s32 $0xA380;
	v6 =	vmul.f32 $5.656854150e+00, v8;
	v4 =	vld [tilespmem:s31+$0x0];
	[tilespmem:s31+$0x80] =	vst v7  }
.LBB2_17:
0x169: {  	v7 =	vld [tilespmem:s22+$0xF0];
	s0 =	sadd.s32 $0x8, s0;
	[tilespmem:s31+$0x90] =	vst v5;
	v0 =	vmul.f32 $5.656854150e+00, v0  }
0x16a: {  	v5 =	vld [tilespmem:s22+$0x10];
	p1 =	slt.u32 s0, $0xC0;
	[tilespmem:s31+$0xA0] =	vst v6;
	v1 =	vmul.f32 $5.656854150e+00, v1  }
0x16b: {  	v6 =	vld [tilespmem:s22+$0x20];
	[tilespmem:s31+$0xB0] =	vst v0;
	v0 =	vmul.f32 $5.656854150e+00, v2  }
0x16c: {  	v2 =	vld [tilespmem:s22+$0x30];
	[tilespmem:s31+$0xC0] =	vst v1;
	v1 =	vmul.f32 $5.656854150e+00, v3  }
0x16d: {  	v3 =	vld [tilespmem:s22+$0x40];
	v4 =	vmul.f32 $5.656854150e+00, v4;
	[tilespmem:s31+$0xD0] =	vst v0  }
0x16e: {  	v0 =	vld [tilespmem:s22+$0x50];
	v7 =	vmul.f32 $5.656854150e+00, v7;
	[tilespmem:s31+$0xE0] =	vst v1  }
0x16f: {  	v1 =	vmul.f32 $5.656854150e+00, v5;
	v5 =	vld [tilespmem:s22+$0x60];
	[tilespmem:s31+$0x0] =	vst v4;
	s31 =	smov.u32 s22  }
0x170: {  	s1 =	simm.s32 $0xBB80;
	v4 =	vmul.f32 $5.656854150e+00, v6;
	v6 =	vld [tilespmem:s22+$0x70];
	[tilespmem:s22+$0xF0] =	vst v7  }
0x171: {  	[tilespmem:s22+$0x10] =	vst v1;
	v1 =	vmul.f32 $5.656854150e+00, v2;
	v2 =	vld [tilespmem:s22+$0x80]  }
0x172: {  	[tilespmem:s22+$0x20] =	vst v4;
	v3 =	vmul.f32 $5.656854150e+00, v3;
	v4 =	vld [tilespmem:s22+$0x90]  }
0x173: {  	[tilespmem:s22+$0x30] =	vst v1;
	v1 =	vmul.f32 $5.656854150e+00, v0;
	v7 =	vld [tilespmem:s22+$0xA0]  }
.Ltmp7:
0x174: {  	[tilespmem:s22+$0x40] =	vst v3;
	v3 =	vmul.f32 $5.656854150e+00, v5;
	v0 =	vld [tilespmem:s22+$0xB0];
	(pc) =	sbr.rel @p1 .LBB2_17-.Ltmp7, $4  }
0x175: {  	[tilespmem:s22+$0x50] =	vst v1;
	v5 =	vmul.f32 $5.656854150e+00, v6;
	v1 =	vld [tilespmem:s22+$0xC0]  }
0x176: {  	[tilespmem:s22+$0x60] =	vst v3;
	v6 =	vmul.f32 $5.656854150e+00, v2;
	v2 =	vld [tilespmem:s22+$0xD0]  }
0x177: {  	[tilespmem:s22+$0x70] =	vst v5;
	v5 =	vmul.f32 $5.656854150e+00, v4;
	v3 =	vld [tilespmem:s22+$0xE0]  }
0x178: {  	s22 =	sadd.s32 $0x100, s22;
	v4 =	vld [tilespmem:s31+$0x0];
	[tilespmem:s31+$0x80] =	vst v6;
	v6 =	vmul.f32 $5.656854150e+00, v7  }
0x179: {  	[tilespmem:s31+$0x90] =	vst v5;
	v0 =	vmul.f32 $5.656854150e+00, v0  }
0x17a: {  	[tilespmem:s31+$0xA0] =	vst v6;
	v1 =	vmul.f32 $5.656854150e+00, v1  }
0x17b: {  	[tilespmem:s31+$0xB0] =	vst v0;
	v0 =	vmul.f32 $5.656854150e+00, v2  }
0x17c: {  	[tilespmem:s31+$0xC0] =	vst v1;
	v1 =	vmul.f32 $5.656854150e+00, v3  }
0x17d: {  	v2 =	vmul.f32 $5.656854150e+00, v4;
	[tilespmem:s31+$0xD0] =	vst v0  }
0x17e: {  	[tilespmem:s31+$0xE0] =	vst v1  }
0x17f: {  	[tilespmem:s31+$0x0] =	vst v2  }
0x180: {  	v0 =	vld [tilespmem:s1+$0xF0]  }
0x181: {  	v1 =	vld [tilespmem:s1+$0x10]  }
0x182: {  	v2 =	vld [tilespmem:s1+$0x20]  }
0x183: {  	v3 =	vld [tilespmem:s1+$0x30]  }
0x184: {  	v4 =	vld [tilespmem:s1+$0x40]  }
0x185: {  	v5 =	vld [tilespmem:s1+$0x50];
	v0 =	vmul.f32 $5.656854150e+00, v0  }
0x186: {  	v6 =	vld [tilespmem:s1+$0x60];
	v1 =	vmul.f32 $5.656854150e+00, v1  }
0x187: {  	v7 =	vld [tilespmem:s1+$0x70];
	v2 =	vmul.f32 $5.656854150e+00, v2;
	[tilespmem:s1+$0xF0] =	vst v0  }
0x188: {  	[tilespmem:s1+$0x10] =	vst v1;
	v0 =	vmul.f32 $5.656854150e+00, v3;
	v3 =	vld [tilespmem:s1+$0x80]  }
0x189: {  	v8 =	vld [tilespmem:s1+$0x90];
	[tilespmem:s1+$0x20] =	vst v2;
	v1 =	vmul.f32 $5.656854150e+00, v4  }
0x18a: {  	v9 =	vld [tilespmem:s1+$0xA0];
	v2 =	vmul.f32 $5.656854150e+00, v5;
	[tilespmem:s1+$0x30] =	vst v0  }
0x18b: {  	v4 =	vmul.f32 $5.656854150e+00, v6;
	[tilespmem:s1+$0x40] =	vst v1;
	v0 =	vld [tilespmem:s1+$0xB0]  }
0x18c: {  	[tilespmem:s1+$0x50] =	vst v2;
	v2 =	vmul.f32 $5.656854150e+00, v7;
	v1 =	vld [tilespmem:s1+$0xC0]  }
0x18d: {  	[tilespmem:s1+$0x60] =	vst v4;
	v4 =	vld [tilespmem:s1+$0xD0];
	v6 =	vmul.f32 $5.656854150e+00, v3  }
0x18e: {  	v5 =	vmul.f32 $5.656854150e+00, v8;
	[tilespmem:s1+$0x70] =	vst v2;
	v2 =	vld [tilespmem:s1+$0xE0]  }
0x18f: {  	s0 =	simm.s32 $0x0;
	s16 =	simm.s32 $0xBC80;
	v3 =	vld [tilespmem:s1+$0x0];
	[tilespmem:s1+$0x80] =	vst v6;
	v6 =	vmul.f32 $5.656854150e+00, v9  }
.LBB2_19:
0x190: {  	v7 =	vld [tilespmem:s16+$0xF0];
	s0 =	sadd.s32 $0x8, s0;
	[tilespmem:s1+$0x90] =	vst v5;
	v0 =	vmul.f32 $5.656854150e+00, v0  }
0x191: {  	v5 =	vld [tilespmem:s16+$0x10];
	p1 =	slt.u32 s0, $0xC0;
	[tilespmem:s1+$0xA0] =	vst v6;
	v1 =	vmul.f32 $5.656854150e+00, v1  }
0x192: {  	v6 =	vld [tilespmem:s16+$0x20];
	[tilespmem:s1+$0xB0] =	vst v0;
	v0 =	vmul.f32 $5.656854150e+00, v4  }
0x193: {  	v4 =	vld [tilespmem:s16+$0x30];
	[tilespmem:s1+$0xC0] =	vst v1;
	v1 =	vmul.f32 $5.656854150e+00, v2  }
0x194: {  	v2 =	vld [tilespmem:s16+$0x40];
	v3 =	vmul.f32 $5.656854150e+00, v3;
	[tilespmem:s1+$0xD0] =	vst v0  }
0x195: {  	v0 =	vld [tilespmem:s16+$0x50];
	v7 =	vmul.f32 $5.656854150e+00, v7;
	[tilespmem:s1+$0xE0] =	vst v1  }
0x196: {  	v1 =	vmul.f32 $5.656854150e+00, v5;
	v5 =	vld [tilespmem:s16+$0x60];
	[tilespmem:s1+$0x0] =	vst v3;
	s1 =	smov.u32 s16  }
0x197: {  	v3 =	vmul.f32 $5.656854150e+00, v6;
	v6 =	vld [tilespmem:s16+$0x70];
	[tilespmem:s16+$0xF0] =	vst v7  }
0x198: {  	[tilespmem:s16+$0x10] =	vst v1;
	v1 =	vmul.f32 $5.656854150e+00, v4;
	v4 =	vld [tilespmem:s16+$0x80]  }
0x199: {  	[tilespmem:s16+$0x20] =	vst v3;
	v2 =	vmul.f32 $5.656854150e+00, v2;
	v3 =	vld [tilespmem:s16+$0x90]  }
0x19a: {  	[tilespmem:s16+$0x30] =	vst v1;
	v1 =	vmul.f32 $5.656854150e+00, v0;
	v7 =	vld [tilespmem:s16+$0xA0]  }
.Ltmp8:
0x19b: {  	[tilespmem:s16+$0x40] =	vst v2;
	v2 =	vmul.f32 $5.656854150e+00, v5;
	v0 =	vld [tilespmem:s16+$0xB0];
	(pc) =	sbr.rel @p1 .LBB2_19-.Ltmp8, $4  }
0x19c: {  	[tilespmem:s16+$0x50] =	vst v1;
	v5 =	vmul.f32 $5.656854150e+00, v6;
	v1 =	vld [tilespmem:s16+$0xC0]  }
0x19d: {  	[tilespmem:s16+$0x60] =	vst v2;
	v6 =	vmul.f32 $5.656854150e+00, v4;
	v4 =	vld [tilespmem:s16+$0xD0]  }
0x19e: {  	[tilespmem:s16+$0x70] =	vst v5;
	v5 =	vmul.f32 $5.656854150e+00, v3;
	v2 =	vld [tilespmem:s16+$0xE0]  }
0x19f: {  	s16 =	sadd.s32 $0x100, s16;
	v3 =	vld [tilespmem:s1+$0x0];
	[tilespmem:s1+$0x80] =	vst v6;
	v6 =	vmul.f32 $5.656854150e+00, v7  }
0x1a0: {  	[tilespmem:s1+$0x90] =	vst v5;
	v0 =	vmul.f32 $5.656854150e+00, v0  }
0x1a1: {  	[tilespmem:s1+$0xA0] =	vst v6;
	v1 =	vmul.f32 $5.656854150e+00, v1  }
0x1a2: {  	s0 =	sadd.s32 s28, s4;
	[tilespmem:s1+$0xB0] =	vst v0;
	v0 =	vmul.f32 $5.656854150e+00, v4  }
0x1a3: {  	s0 =	smul.u32 $0xC80, s0;
	[tilespmem:s1+$0xC0] =	vst v1;
	v1 =	vmul.f32 $5.656854150e+00, v2  }
0x1a4: {  	v2 =	vmul.f32 $5.656854150e+00, v3;
	[tilespmem:s1+$0xD0] =	vst v0  }
0x1a5: {  	s31 =	sadd.s32 s6, s0;
	[tilespmem:s1+$0xE0] =	vst v1  }
0x1a6: {  	s0 =	sadd.s32 $0x3200, s31;
	[tilespmem:s1+$0x0] =	vst v2  }
0x1a7: {  	[hbm4b:s0+s8] =	stream.strided.scatter [tilespmem:s29], [sflag:$0xA], $0x6400, s9, s8, $0x38;
	[tilespmem:$0x19C80] =	vst v63  }
0x1a8: {  	_ =	swait.ge [sflag:s15], $0x1900  }
0x1a9: {  	[sflag:s15] =	ssyncset.done $0x0  }
0x1aa: {  	[sflag:s15] =	ssyncadd.s32 $0xFFFFE700  }
0x1ab: {  	_ =	swait.ge [sflag:s15], $0x1900  }
0x1ac: {  	[sflag:s15] =	ssyncset.done $0x0  }
0x1ad: {  	[sflag:s15] =	ssyncadd.s32 $0xFFFFE700  }
0x1ae: {  	_ =	swait.ge [sflag:s15], $0x1900  }
0x1af: {  	[sflag:s15] =	ssyncset.done $0x0  }
0x1b0: {  	s0 =	sadd.s32 @!p0 s28, s13;
	[sflag:s15] =	ssyncadd.s32 $0xFFFFE700  }
0x1b1: {  	s0 =	smul.u32 @!p0 $0x19, s0;
	_ =	swait.ge [sflag:s15], $0x1900  }
0x1b2: {  	s16 =	simm.s32 @!p0 $0x640;
	[sflag:s15] =	ssyncset.done $0x0  }
0x1b3: {  	s1 =	simm.s32 @!p0 $0x0;
	s0 =	sadd.s32 @!p0 s5, s0;
	[sflag:s15] =	ssyncadd.s32 $0xFFFFE700  }
0x1b4: {  	[tilespmem:s16], [sflag:$0x3] =	stream.linear.gather @!p0 [hbm4b:s0+s1], $0x320, $0x38;
	[tilespmem:$0x19C80] =	vst v63  }
0x1b5: {  	s0 =	simm.s32 @!p0 $0xA  }
0x1b6: {  	_ =	swait.ge @!p0 [sflag:s0], $0x6400  }
0x1b7: {  	[sflag:s0] =	ssyncset.done @!p0 $0x0  }
0x1b8: {  	[sflag:s0] =	ssyncadd.s32 @!p0 $0xFFFF9C00;
	s0 =	simm.s32 @!p0 $0x2  }
0x1b9: {  	_ =	swait.ge @!p0 [sflag:s0], $0x320  }
0x1ba: {  	s1 =	simm.s32 @!p0 $0x320;
	[sflag:s0] =	ssyncset.done @!p0 $0x0  }
0x1bb: {  	s16 =	simm.s32 @!p0 $0x7080;
	[sflag:s0] =	ssyncadd.s32 @!p0 $0xFFFFFCE0;
	s0 =	simm.s32 @!p0 $0xC8  }
0x1bc: {  	[tilespmem:s16], [sflag:$0x6] =	stream.indirect.gather @!p0 [hbm4b:s2+s0], $0x20, s1, s0, $0xb8;
	[tilespmem:$0x19C80] =	vst v63  }
0x1bd: {  	s1 =	simm.s32 @!p0 $0x3E8;
	s16 =	simm.s32 @!p0 $0x8980  }
0x1be: {  	[tilespmem:s16], [sflag:$0x6] =	stream.indirect.gather @!p0 [hbm4b:s2+s0], $0x20, s1, s0, $0xb8;
	[tilespmem:$0x19C80] =	vst v63  }
0x1bf: {  	s1 =	simm.s32 @!p0 $0x4B0;
	s16 =	simm.s32 @!p0 $0xA280  }
0x1c0: {  	[tilespmem:s16], [sflag:$0x6] =	stream.indirect.gather @!p0 [hbm4b:s2+s0], $0x20, s1, s0, $0xb8;
	[tilespmem:$0x19C80] =	vst v63  }
0x1c1: {  	s1 =	simm.s32 @!p0 $0x578;
	s16 =	simm.s32 @!p0 $0xBB80  }
0x1c2: {  	[tilespmem:s16], [sflag:$0x6] =	stream.indirect.gather @!p0 [hbm4b:s2+s0], $0x20, s1, s0, $0xb8;
	[tilespmem:$0x19C80] =	vst v63  }
0x1c3: {  	s0 =	simm.s32 $0xD480  }
0x1c4: {  	v0 =	vld [tilespmem:s0+$0xF0]  }
0x1c5: {  	v1 =	vld [tilespmem:s0+$0x10]  }
0x1c6: {  	v2 =	vld [tilespmem:s0+$0x20]  }
0x1c7: {  	v3 =	vld [tilespmem:s0+$0x30]  }
0x1c8: {  	v4 =	vld [tilespmem:s0+$0x40]  }
0x1c9: {  	v5 =	vld [tilespmem:s0+$0x50];
	v0 =	vmul.f32 $5.656854150e+00, v0  }
0x1ca: {  	v6 =	vld [tilespmem:s0+$0x60];
	v1 =	vmul.f32 $5.656854150e+00, v1  }
0x1cb: {  	v7 =	vld [tilespmem:s0+$0x70];
	v2 =	vmul.f32 $5.656854150e+00, v2;
	[tilespmem:s0+$0xF0] =	vst v0  }
0x1cc: {  	[tilespmem:s0+$0x10] =	vst v1;
	v0 =	vmul.f32 $5.656854150e+00, v3;
	v3 =	vld [tilespmem:s0+$0x80]  }
0x1cd: {  	[tilespmem:s0+$0x20] =	vst v2;
	v1 =	vmul.f32 $5.656854150e+00, v4;
	v4 =	vld [tilespmem:s0+$0x90]  }
0x1ce: {  	v8 =	vld [tilespmem:s0+$0xA0];
	v2 =	vmul.f32 $5.656854150e+00, v5;
	[tilespmem:s0+$0x30] =	vst v0  }
0x1cf: {  	v5 =	vmul.f32 $5.656854150e+00, v6;
	[tilespmem:s0+$0x40] =	vst v1;
	v0 =	vld [tilespmem:s0+$0xB0]  }
0x1d0: {  	v6 =	vmul.f32 $5.656854150e+00, v7;
	[tilespmem:s0+$0x50] =	vst v2;
	v1 =	vld [tilespmem:s0+$0xC0]  }
0x1d1: {  	[tilespmem:s0+$0x60] =	vst v5;
	v2 =	vld [tilespmem:s0+$0xD0];
	v7 =	vmul.f32 $5.656854150e+00, v3  }
0x1d2: {  	[tilespmem:s0+$0x70] =	vst v6;
	v3 =	vld [tilespmem:s0+$0xE0];
	v5 =	vmul.f32 $5.656854150e+00, v4  }
0x1d3: {  	s22 =	simm.s32 $0x0;
	s16 =	simm.s32 $0xD580;
	v6 =	vmul.f32 $5.656854150e+00, v8;
	v4 =	vld [tilespmem:s0+$0x0];
	[tilespmem:s0+$0x80] =	vst v7  }
.LBB2_21:
0x1d4: {  	v7 =	vld [tilespmem:s16+$0xF0];
	s22 =	sadd.s32 $0x8, s22;
	[tilespmem:s0+$0x90] =	vst v5;
	v0 =	vmul.f32 $5.656854150e+00, v0  }
0x1d5: {  	v5 =	vld [tilespmem:s16+$0x10];
	p1 =	slt.u32 s22, $0xC0;
	[tilespmem:s0+$0xA0] =	vst v6;
	v1 =	vmul.f32 $5.656854150e+00, v1  }
0x1d6: {  	v6 =	vld [tilespmem:s16+$0x20];
	[tilespmem:s0+$0xB0] =	vst v0;
	v0 =	vmul.f32 $5.656854150e+00, v2  }
0x1d7: {  	v2 =	vld [tilespmem:s16+$0x30];
	[tilespmem:s0+$0xC0] =	vst v1;
	v1 =	vmul.f32 $5.656854150e+00, v3  }
0x1d8: {  	v3 =	vld [tilespmem:s16+$0x40];
	v4 =	vmul.f32 $5.656854150e+00, v4;
	[tilespmem:s0+$0xD0] =	vst v0  }
0x1d9: {  	v0 =	vld [tilespmem:s16+$0x50];
	v7 =	vmul.f32 $5.656854150e+00, v7;
	[tilespmem:s0+$0xE0] =	vst v1  }
0x1da: {  	v1 =	vmul.f32 $5.656854150e+00, v5;
	v5 =	vld [tilespmem:s16+$0x60];
	[tilespmem:s0+$0x0] =	vst v4;
	s0 =	smov.u32 s16  }
0x1db: {  	s1 =	simm.s32 $0xED80;
	v4 =	vmul.f32 $5.656854150e+00, v6;
	v6 =	vld [tilespmem:s16+$0x70];
	[tilespmem:s16+$0xF0] =	vst v7  }
0x1dc: {  	[tilespmem:s16+$0x10] =	vst v1;
	v1 =	vmul.f32 $5.656854150e+00, v2;
	v2 =	vld [tilespmem:s16+$0x80]  }
0x1dd: {  	[tilespmem:s16+$0x20] =	vst v4;
	v3 =	vmul.f32 $5.656854150e+00, v3;
	v4 =	vld [tilespmem:s16+$0x90]  }
0x1de: {  	[tilespmem:s16+$0x30] =	vst v1;
	v1 =	vmul.f32 $5.656854150e+00, v0;
	v7 =	vld [tilespmem:s16+$0xA0]  }
.Ltmp9:
0x1df: {  	[tilespmem:s16+$0x40] =	vst v3;
	v3 =	vmul.f32 $5.656854150e+00, v5;
	v0 =	vld [tilespmem:s16+$0xB0];
	(pc) =	sbr.rel @p1 .LBB2_21-.Ltmp9, $4  }
0x1e0: {  	[tilespmem:s16+$0x50] =	vst v1;
	v5 =	vmul.f32 $5.656854150e+00, v6;
	v1 =	vld [tilespmem:s16+$0xC0]  }
0x1e1: {  	[tilespmem:s16+$0x60] =	vst v3;
	v6 =	vmul.f32 $5.656854150e+00, v2;
	v2 =	vld [tilespmem:s16+$0xD0]  }
0x1e2: {  	[tilespmem:s16+$0x70] =	vst v5;
	v5 =	vmul.f32 $5.656854150e+00, v4;
	v3 =	vld [tilespmem:s16+$0xE0]  }
0x1e3: {  	s16 =	sadd.s32 $0x100, s16;
	v4 =	vld [tilespmem:s0+$0x0];
	[tilespmem:s0+$0x80] =	vst v6;
	v6 =	vmul.f32 $5.656854150e+00, v7  }
0x1e4: {  	[tilespmem:s0+$0x90] =	vst v5;
	v0 =	vmul.f32 $5.656854150e+00, v0  }
0x1e5: {  	[tilespmem:s0+$0xA0] =	vst v6;
	v1 =	vmul.f32 $5.656854150e+00, v1  }
0x1e6: {  	[tilespmem:s0+$0xB0] =	vst v0;
	v0 =	vmul.f32 $5.656854150e+00, v2  }
0x1e7: {  	[tilespmem:s0+$0xC0] =	vst v1;
	v1 =	vmul.f32 $5.656854150e+00, v3  }
0x1e8: {  	v2 =	vmul.f32 $5.656854150e+00, v4;
	[tilespmem:s0+$0xD0] =	vst v0  }
0x1e9: {  	[tilespmem:s0+$0xE0] =	vst v1  }
0x1ea: {  	[tilespmem:s0+$0x0] =	vst v2  }
0x1eb: {  	v0 =	vld [tilespmem:s1+$0xF0]  }
0x1ec: {  	v1 =	vld [tilespmem:s1+$0x10]  }
0x1ed: {  	v2 =	vld [tilespmem:s1+$0x20]  }
0x1ee: {  	v3 =	vld [tilespmem:s1+$0x30]  }
0x1ef: {  	v4 =	vld [tilespmem:s1+$0x40]  }
0x1f0: {  	v5 =	vld [tilespmem:s1+$0x50];
	v0 =	vmul.f32 $5.656854150e+00, v0  }
0x1f1: {  	v6 =	vld [tilespmem:s1+$0x60];
	v1 =	vmul.f32 $5.656854150e+00, v1  }
0x1f2: {  	v7 =	vld [tilespmem:s1+$0x70];
	v2 =	vmul.f32 $5.656854150e+00, v2;
	[tilespmem:s1+$0xF0] =	vst v0  }
0x1f3: {  	[tilespmem:s1+$0x10] =	vst v1;
	v0 =	vmul.f32 $5.656854150e+00, v3;
	v3 =	vld [tilespmem:s1+$0x80]  }
0x1f4: {  	[tilespmem:s1+$0x20] =	vst v2;
	v1 =	vmul.f32 $5.656854150e+00, v4;
	v4 =	vld [tilespmem:s1+$0x90]  }
0x1f5: {  	v8 =	vld [tilespmem:s1+$0xA0];
	v2 =	vmul.f32 $5.656854150e+00, v5;
	[tilespmem:s1+$0x30] =	vst v0  }
0x1f6: {  	v5 =	vmul.f32 $5.656854150e+00, v6;
	[tilespmem:s1+$0x40] =	vst v1;
	v0 =	vld [tilespmem:s1+$0xB0]  }
0x1f7: {  	v6 =	vmul.f32 $5.656854150e+00, v7;
	[tilespmem:s1+$0x50] =	vst v2;
	v1 =	vld [tilespmem:s1+$0xC0]  }
0x1f8: {  	[tilespmem:s1+$0x60] =	vst v5;
	v2 =	vld [tilespmem:s1+$0xD0];
	v7 =	vmul.f32 $5.656854150e+00, v3  }
0x1f9: {  	[tilespmem:s1+$0x70] =	vst v6;
	v3 =	vld [tilespmem:s1+$0xE0];
	v5 =	vmul.f32 $5.656854150e+00, v4  }
0x1fa: {  	s22 =	simm.s32 $0x0;
	s16 =	simm.s32 $0xEE80;
	v6 =	vmul.f32 $5.656854150e+00, v8;
	v4 =	vld [tilespmem:s1+$0x0];
	[tilespmem:s1+$0x80] =	vst v7  }
.LBB2_23:
0x1fb: {  	v7 =	vld [tilespmem:s16+$0xF0];
	s22 =	sadd.s32 $0x8, s22;
	[tilespmem:s1+$0x90] =	vst v5;
	v0 =	vmul.f32 $5.656854150e+00, v0  }
0x1fc: {  	v5 =	vld [tilespmem:s16+$0x10];
	p1 =	slt.u32 s22, $0xC0;
	[tilespmem:s1+$0xA0] =	vst v6;
	v1 =	vmul.f32 $5.656854150e+00, v1  }
0x1fd: {  	v6 =	vld [tilespmem:s16+$0x20];
	[tilespmem:s1+$0xB0] =	vst v0;
	v0 =	vmul.f32 $5.656854150e+00, v2  }
0x1fe: {  	v2 =	vld [tilespmem:s16+$0x30];
	[tilespmem:s1+$0xC0] =	vst v1;
	v1 =	vmul.f32 $5.656854150e+00, v3  }
0x1ff: {  	v3 =	vld [tilespmem:s16+$0x40];
	v4 =	vmul.f32 $5.656854150e+00, v4;
	[tilespmem:s1+$0xD0] =	vst v0  }
0x200: {  	v0 =	vld [tilespmem:s16+$0x50];
	v7 =	vmul.f32 $5.656854150e+00, v7;
	[tilespmem:s1+$0xE0] =	vst v1  }
0x201: {  	v1 =	vmul.f32 $5.656854150e+00, v5;
	v5 =	vld [tilespmem:s16+$0x60];
	[tilespmem:s1+$0x0] =	vst v4;
	s1 =	smov.u32 s16  }
0x202: {  	s0 =	simm.s32 $0x10680;
	v4 =	vmul.f32 $5.656854150e+00, v6;
	v6 =	vld [tilespmem:s16+$0x70];
	[tilespmem:s16+$0xF0] =	vst v7  }
0x203: {  	[tilespmem:s16+$0x10] =	vst v1;
	v1 =	vmul.f32 $5.656854150e+00, v2;
	v2 =	vld [tilespmem:s16+$0x80]  }
0x204: {  	[tilespmem:s16+$0x20] =	vst v4;
	v3 =	vmul.f32 $5.656854150e+00, v3;
	v4 =	vld [tilespmem:s16+$0x90]  }
0x205: {  	[tilespmem:s16+$0x30] =	vst v1;
	v1 =	vmul.f32 $5.656854150e+00, v0;
	v7 =	vld [tilespmem:s16+$0xA0]  }
.Ltmp10:
0x206: {  	[tilespmem:s16+$0x40] =	vst v3;
	v3 =	vmul.f32 $5.656854150e+00, v5;
	v0 =	vld [tilespmem:s16+$0xB0];
	(pc) =	sbr.rel @p1 .LBB2_23-.Ltmp10, $4  }
0x207: {  	[tilespmem:s16+$0x50] =	vst v1;
	v5 =	vmul.f32 $5.656854150e+00, v6;
	v1 =	vld [tilespmem:s16+$0xC0]  }
0x208: {  	[tilespmem:s16+$0x60] =	vst v3;
	v6 =	vmul.f32 $5.656854150e+00, v2;
	v2 =	vld [tilespmem:s16+$0xD0]  }
0x209: {  	[tilespmem:s16+$0x70] =	vst v5;
	v5 =	vmul.f32 $5.656854150e+00, v4;
	v3 =	vld [tilespmem:s16+$0xE0]  }
0x20a: {  	s16 =	sadd.s32 $0x100, s16;
	v4 =	vld [tilespmem:s1+$0x0];
	[tilespmem:s1+$0x80] =	vst v6;
	v6 =	vmul.f32 $5.656854150e+00, v7  }
0x20b: {  	[tilespmem:s1+$0x90] =	vst v5;
	v0 =	vmul.f32 $5.656854150e+00, v0  }
0x20c: {  	[tilespmem:s1+$0xA0] =	vst v6;
	v1 =	vmul.f32 $5.656854150e+00, v1  }
0x20d: {  	[tilespmem:s1+$0xB0] =	vst v0;
	v0 =	vmul.f32 $5.656854150e+00, v2  }
0x20e: {  	[tilespmem:s1+$0xC0] =	vst v1;
	v1 =	vmul.f32 $5.656854150e+00, v3  }
0x20f: {  	v2 =	vmul.f32 $5.656854150e+00, v4;
	[tilespmem:s1+$0xD0] =	vst v0  }
0x210: {  	[tilespmem:s1+$0xE0] =	vst v1  }
0x211: {  	[tilespmem:s1+$0x0] =	vst v2  }
0x212: {  	v0 =	vld [tilespmem:s0+$0xF0]  }
0x213: {  	v1 =	vld [tilespmem:s0+$0x10]  }
0x214: {  	v2 =	vld [tilespmem:s0+$0x20]  }
0x215: {  	v3 =	vld [tilespmem:s0+$0x30]  }
0x216: {  	v4 =	vld [tilespmem:s0+$0x40]  }
0x217: {  	v5 =	vld [tilespmem:s0+$0x50];
	v0 =	vmul.f32 $5.656854150e+00, v0  }
0x218: {  	v6 =	vld [tilespmem:s0+$0x60];
	v1 =	vmul.f32 $5.656854150e+00, v1  }
0x219: {  	v7 =	vld [tilespmem:s0+$0x70];
	v2 =	vmul.f32 $5.656854150e+00, v2;
	[tilespmem:s0+$0xF0] =	vst v0  }
0x21a: {  	[tilespmem:s0+$0x10] =	vst v1;
	v0 =	vmul.f32 $5.656854150e+00, v3;
	v3 =	vld [tilespmem:s0+$0x80]  }
0x21b: {  	[tilespmem:s0+$0x20] =	vst v2;
	v1 =	vmul.f32 $5.656854150e+00, v4;
	v4 =	vld [tilespmem:s0+$0x90]  }
0x21c: {  	v8 =	vld [tilespmem:s0+$0xA0];
	v2 =	vmul.f32 $5.656854150e+00, v5;
	[tilespmem:s0+$0x30] =	vst v0  }
0x21d: {  	v5 =	vmul.f32 $5.656854150e+00, v6;
	[tilespmem:s0+$0x40] =	vst v1;
	v0 =	vld [tilespmem:s0+$0xB0]  }
0x21e: {  	v6 =	vmul.f32 $5.656854150e+00, v7;
	[tilespmem:s0+$0x50] =	vst v2;
	v1 =	vld [tilespmem:s0+$0xC0]  }
0x21f: {  	[tilespmem:s0+$0x60] =	vst v5;
	v2 =	vld [tilespmem:s0+$0xD0];
	v7 =	vmul.f32 $5.656854150e+00, v3  }
0x220: {  	[tilespmem:s0+$0x70] =	vst v6;
	v3 =	vld [tilespmem:s0+$0xE0];
	v5 =	vmul.f32 $5.656854150e+00, v4  }
0x221: {  	s22 =	simm.s32 $0x0;
	s16 =	simm.s32 $0x10780;
	v6 =	vmul.f32 $5.656854150e+00, v8;
	v4 =	vld [tilespmem:s0+$0x0];
	[tilespmem:s0+$0x80] =	vst v7  }
.LBB2_25:
0x222: {  	v7 =	vld [tilespmem:s16+$0xF0];
	s22 =	sadd.s32 $0x8, s22;
	[tilespmem:s0+$0x90] =	vst v5;
	v0 =	vmul.f32 $5.656854150e+00, v0  }
0x223: {  	v5 =	vld [tilespmem:s16+$0x10];
	p1 =	slt.u32 s22, $0xC0;
	[tilespmem:s0+$0xA0] =	vst v6;
	v1 =	vmul.f32 $5.656854150e+00, v1  }
0x224: {  	v6 =	vld [tilespmem:s16+$0x20];
	[tilespmem:s0+$0xB0] =	vst v0;
	v0 =	vmul.f32 $5.656854150e+00, v2  }
0x225: {  	v2 =	vld [tilespmem:s16+$0x30];
	[tilespmem:s0+$0xC0] =	vst v1;
	v1 =	vmul.f32 $5.656854150e+00, v3  }
0x226: {  	v3 =	vld [tilespmem:s16+$0x40];
	v4 =	vmul.f32 $5.656854150e+00, v4;
	[tilespmem:s0+$0xD0] =	vst v0  }
0x227: {  	v0 =	vld [tilespmem:s16+$0x50];
	v7 =	vmul.f32 $5.656854150e+00, v7;
	[tilespmem:s0+$0xE0] =	vst v1  }
0x228: {  	v1 =	vmul.f32 $5.656854150e+00, v5;
	v5 =	vld [tilespmem:s16+$0x60];
	[tilespmem:s0+$0x0] =	vst v4;
	s0 =	smov.u32 s16  }
0x229: {  	s1 =	simm.s32 $0x11F80;
	v4 =	vmul.f32 $5.656854150e+00, v6;
	v6 =	vld [tilespmem:s16+$0x70];
	[tilespmem:s16+$0xF0] =	vst v7  }
0x22a: {  	[tilespmem:s16+$0x10] =	vst v1;
	v1 =	vmul.f32 $5.656854150e+00, v2;
	v2 =	vld [tilespmem:s16+$0x80]  }
0x22b: {  	[tilespmem:s16+$0x20] =	vst v4;
	v3 =	vmul.f32 $5.656854150e+00, v3;
	v4 =	vld [tilespmem:s16+$0x90]  }
0x22c: {  	[tilespmem:s16+$0x30] =	vst v1;
	v1 =	vmul.f32 $5.656854150e+00, v0;
	v7 =	vld [tilespmem:s16+$0xA0]  }
.Ltmp11:
0x22d: {  	[tilespmem:s16+$0x40] =	vst v3;
	v3 =	vmul.f32 $5.656854150e+00, v5;
	v0 =	vld [tilespmem:s16+$0xB0];
	(pc) =	sbr.rel @p1 .LBB2_25-.Ltmp11, $4  }
0x22e: {  	[tilespmem:s16+$0x50] =	vst v1;
	v5 =	vmul.f32 $5.656854150e+00, v6;
	v1 =	vld [tilespmem:s16+$0xC0]  }
0x22f: {  	[tilespmem:s16+$0x60] =	vst v3;
	v6 =	vmul.f32 $5.656854150e+00, v2;
	v2 =	vld [tilespmem:s16+$0xD0]  }
0x230: {  	[tilespmem:s16+$0x70] =	vst v5;
	v5 =	vmul.f32 $5.656854150e+00, v4;
	v3 =	vld [tilespmem:s16+$0xE0]  }
0x231: {  	s16 =	sadd.s32 $0x100, s16;
	v4 =	vld [tilespmem:s0+$0x0];
	[tilespmem:s0+$0x80] =	vst v6;
	v6 =	vmul.f32 $5.656854150e+00, v7  }
0x232: {  	[tilespmem:s0+$0x90] =	vst v5;
	v0 =	vmul.f32 $5.656854150e+00, v0  }
0x233: {  	[tilespmem:s0+$0xA0] =	vst v6;
	v1 =	vmul.f32 $5.656854150e+00, v1  }
0x234: {  	[tilespmem:s0+$0xB0] =	vst v0;
	v0 =	vmul.f32 $5.656854150e+00, v2  }
0x235: {  	[tilespmem:s0+$0xC0] =	vst v1;
	v1 =	vmul.f32 $5.656854150e+00, v3  }
0x236: {  	v2 =	vmul.f32 $5.656854150e+00, v4;
	[tilespmem:s0+$0xD0] =	vst v0  }
0x237: {  	[tilespmem:s0+$0xE0] =	vst v1  }
0x238: {  	[tilespmem:s0+$0x0] =	vst v2  }
0x239: {  	v0 =	vld [tilespmem:s1+$0xF0]  }
0x23a: {  	v1 =	vld [tilespmem:s1+$0x10]  }
0x23b: {  	v2 =	vld [tilespmem:s1+$0x20]  }
0x23c: {  	v3 =	vld [tilespmem:s1+$0x30]  }
0x23d: {  	v4 =	vld [tilespmem:s1+$0x40]  }
0x23e: {  	v5 =	vld [tilespmem:s1+$0x50];
	v0 =	vmul.f32 $5.656854150e+00, v0  }
0x23f: {  	v6 =	vld [tilespmem:s1+$0x60];
	v1 =	vmul.f32 $5.656854150e+00, v1  }
0x240: {  	v7 =	vld [tilespmem:s1+$0x70];
	v2 =	vmul.f32 $5.656854150e+00, v2;
	[tilespmem:s1+$0xF0] =	vst v0  }
0x241: {  	[tilespmem:s1+$0x10] =	vst v1;
	v0 =	vmul.f32 $5.656854150e+00, v3;
	v3 =	vld [tilespmem:s1+$0x80]  }
0x242: {  	[tilespmem:s1+$0x20] =	vst v2;
	v1 =	vmul.f32 $5.656854150e+00, v4;
	v4 =	vld [tilespmem:s1+$0x90]  }
0x243: {  	v8 =	vld [tilespmem:s1+$0xA0];
	v2 =	vmul.f32 $5.656854150e+00, v5;
	[tilespmem:s1+$0x30] =	vst v0  }
0x244: {  	v5 =	vmul.f32 $5.656854150e+00, v6;
	[tilespmem:s1+$0x40] =	vst v1;
	v0 =	vld [tilespmem:s1+$0xB0]  }
0x245: {  	v6 =	vmul.f32 $5.656854150e+00, v7;
	[tilespmem:s1+$0x50] =	vst v2;
	v1 =	vld [tilespmem:s1+$0xC0]  }
0x246: {  	[tilespmem:s1+$0x60] =	vst v5;
	v2 =	vld [tilespmem:s1+$0xD0];
	v7 =	vmul.f32 $5.656854150e+00, v3  }
0x247: {  	[tilespmem:s1+$0x70] =	vst v6;
	v3 =	vld [tilespmem:s1+$0xE0];
	v5 =	vmul.f32 $5.656854150e+00, v4  }
0x248: {  	s16 =	simm.s32 $0x12080;
	s0 =	simm.s32 $0x0;
	v6 =	vmul.f32 $5.656854150e+00, v8;
	v4 =	vld [tilespmem:s1+$0x0];
	[tilespmem:s1+$0x80] =	vst v7  }
.LBB2_27:
0x249: {  	v7 =	vld [tilespmem:s16+$0xF0];
	s0 =	sadd.s32 $0x8, s0;
	[tilespmem:s1+$0x90] =	vst v5;
	v0 =	vmul.f32 $5.656854150e+00, v0  }
0x24a: {  	v5 =	vld [tilespmem:s16+$0x10];
	p1 =	slt.u32 s0, $0xC0;
	[tilespmem:s1+$0xA0] =	vst v6;
	v1 =	vmul.f32 $5.656854150e+00, v1  }
0x24b: {  	v6 =	vld [tilespmem:s16+$0x20];
	[tilespmem:s1+$0xB0] =	vst v0;
	v0 =	vmul.f32 $5.656854150e+00, v2  }
0x24c: {  	v2 =	vld [tilespmem:s16+$0x30];
	[tilespmem:s1+$0xC0] =	vst v1;
	v1 =	vmul.f32 $5.656854150e+00, v3  }
0x24d: {  	v3 =	vld [tilespmem:s16+$0x40];
	v4 =	vmul.f32 $5.656854150e+00, v4;
	[tilespmem:s1+$0xD0] =	vst v0  }
0x24e: {  	v0 =	vld [tilespmem:s16+$0x50];
	v7 =	vmul.f32 $5.656854150e+00, v7;
	[tilespmem:s1+$0xE0] =	vst v1  }
0x24f: {  	v1 =	vmul.f32 $5.656854150e+00, v5;
	v5 =	vld [tilespmem:s16+$0x60];
	[tilespmem:s1+$0x0] =	vst v4;
	s1 =	smov.u32 s16  }
0x250: {  	v4 =	vmul.f32 $5.656854150e+00, v6;
	v6 =	vld [tilespmem:s16+$0x70];
	[tilespmem:s16+$0xF0] =	vst v7  }
0x251: {  	[tilespmem:s16+$0x10] =	vst v1;
	v1 =	vmul.f32 $5.656854150e+00, v2;
	v2 =	vld [tilespmem:s16+$0x80]  }
0x252: {  	[tilespmem:s16+$0x20] =	vst v4;
	v3 =	vmul.f32 $5.656854150e+00, v3;
	v4 =	vld [tilespmem:s16+$0x90]  }
0x253: {  	[tilespmem:s16+$0x30] =	vst v1;
	v1 =	vmul.f32 $5.656854150e+00, v0;
	v7 =	vld [tilespmem:s16+$0xA0]  }
.Ltmp12:
0x254: {  	[tilespmem:s16+$0x40] =	vst v3;
	v3 =	vmul.f32 $5.656854150e+00, v5;
	v0 =	vld [tilespmem:s16+$0xB0];
	(pc) =	sbr.rel @p1 .LBB2_27-.Ltmp12, $4  }
0x255: {  	[tilespmem:s16+$0x50] =	vst v1;
	v5 =	vmul.f32 $5.656854150e+00, v6;
	v1 =	vld [tilespmem:s16+$0xC0]  }
0x256: {  	[tilespmem:s16+$0x60] =	vst v3;
	v6 =	vmul.f32 $5.656854150e+00, v2;
	v2 =	vld [tilespmem:s16+$0xD0]  }
0x257: {  	[tilespmem:s16+$0x70] =	vst v5;
	v5 =	vmul.f32 $5.656854150e+00, v4;
	v3 =	vld [tilespmem:s16+$0xE0]  }
0x258: {  	s16 =	sadd.s32 $0x100, s16;
	v4 =	vld [tilespmem:s1+$0x0];
	[tilespmem:s1+$0x80] =	vst v6;
	v6 =	vmul.f32 $5.656854150e+00, v7  }
0x259: {  	[tilespmem:s1+$0x90] =	vst v5;
	v0 =	vmul.f32 $5.656854150e+00, v0  }
0x25a: {  	[tilespmem:s1+$0xA0] =	vst v6;
	v1 =	vmul.f32 $5.656854150e+00, v1  }
0x25b: {  	[tilespmem:s1+$0xB0] =	vst v0;
	v0 =	vmul.f32 $5.656854150e+00, v2  }
0x25c: {  	[tilespmem:s1+$0xC0] =	vst v1;
	v1 =	vmul.f32 $5.656854150e+00, v3  }
0x25d: {  	v2 =	vmul.f32 $5.656854150e+00, v4;
	[tilespmem:s1+$0xD0] =	vst v0  }
0x25e: {  	[tilespmem:s1+$0xE0] =	vst v1  }
0x25f: {  	s0 =	sadd.s32 $0x6400, s31;
	[tilespmem:s1+$0x0] =	vst v2  }
0x260: {  	[hbm4b:s0+s8] =	stream.strided.scatter [tilespmem:s25], [sflag:$0xB], $0x6400, s9, s8, $0x38;
	[tilespmem:$0x19C80] =	vst v63  }
0x261: {  	_ =	swait.ge [sflag:s7], $0x1900  }
0x262: {  	[sflag:s7] =	ssyncset.done $0x0  }
0x263: {  	[sflag:s7] =	ssyncadd.s32 $0xFFFFE700  }
0x264: {  	_ =	swait.ge [sflag:s7], $0x1900  }
0x265: {  	[sflag:s7] =	ssyncset.done $0x0  }
0x266: {  	[sflag:s7] =	ssyncadd.s32 $0xFFFFE700  }
0x267: {  	_ =	swait.ge [sflag:s7], $0x1900  }
0x268: {  	[sflag:s7] =	ssyncset.done $0x0  }
0x269: {  	s0 =	sadd.s32 @!p0 s28, s14;
	[sflag:s7] =	ssyncadd.s32 $0xFFFFE700  }
0x26a: {  	s0 =	smul.u32 @!p0 $0x19, s0;
	_ =	swait.ge [sflag:s7], $0x1900  }
0x26b: {  	s16 =	simm.s32 @!p0 $0x960;
	[sflag:s7] =	ssyncset.done $0x0  }
0x26c: {  	s1 =	simm.s32 @!p0 $0x0;
	s0 =	sadd.s32 @!p0 s5, s0;
	[sflag:s7] =	ssyncadd.s32 $0xFFFFE700  }
0x26d: {  	[tilespmem:s16], [sflag:$0x4] =	stream.linear.gather @!p0 [hbm4b:s0+s1], $0x320, $0x38;
	[tilespmem:$0x19C80] =	vst v63  }
0x26e: {  	s0 =	simm.s32 @!p0 $0xB  }
0x26f: {  	_ =	swait.ge @!p0 [sflag:s0], $0x6400  }
0x270: {  	[sflag:s0] =	ssyncset.done @!p0 $0x0  }
0x271: {  	[sflag:s0] =	ssyncadd.s32 @!p0 $0xFFFF9C00;
	s0 =	simm.s32 @!p0 $0x3  }
0x272: {  	_ =	swait.ge @!p0 [sflag:s0], $0x320  }
0x273: {  	s1 =	simm.s32 @!p0 $0x640;
	[sflag:s0] =	ssyncset.done @!p0 $0x0  }
0x274: {  	s16 =	simm.s32 @!p0 $0xD480;
	[sflag:s0] =	ssyncadd.s32 @!p0 $0xFFFFFCE0;
	s0 =	simm.s32 @!p0 $0xC8  }
0x275: {  	[tilespmem:s16], [sflag:$0x7] =	stream.indirect.gather @!p0 [hbm4b:s2+s0], $0x20, s1, s0, $0xb8;
	[tilespmem:$0x19C80] =	vst v63  }
0x276: {  	s1 =	simm.s32 @!p0 $0x708;
	s16 =	simm.s32 @!p0 $0xED80  }
0x277: {  	[tilespmem:s16], [sflag:$0x7] =	stream.indirect.gather @!p0 [hbm4b:s2+s0], $0x20, s1, s0, $0xb8;
	[tilespmem:$0x19C80] =	vst v63  }
0x278: {  	s1 =	simm.s32 @!p0 $0x7D0;
	s16 =	simm.s32 @!p0 $0x10680  }
0x279: {  	[tilespmem:s16], [sflag:$0x7] =	stream.indirect.gather @!p0 [hbm4b:s2+s0], $0x20, s1, s0, $0xb8;
	[tilespmem:$0x19C80] =	vst v63  }
0x27a: {  	s1 =	simm.s32 @!p0 $0x898;
	s16 =	simm.s32 @!p0 $0x11F80  }
0x27b: {  	[tilespmem:s16], [sflag:$0x7] =	stream.indirect.gather @!p0 [hbm4b:s2+s0], $0x20, s1, s0, $0xb8;
	[tilespmem:$0x19C80] =	vst v63  }
0x27c: {  	s1 =	simm.s32 $0x13880  }
0x27d: {  	v0 =	vld [tilespmem:s1+$0xF0]  }
0x27e: {  	v1 =	vld [tilespmem:s1+$0x10]  }
0x27f: {  	v2 =	vld [tilespmem:s1+$0x20]  }
0x280: {  	v3 =	vld [tilespmem:s1+$0x30]  }
0x281: {  	v4 =	vld [tilespmem:s1+$0x40]  }
0x282: {  	v5 =	vld [tilespmem:s1+$0x50];
	v0 =	vmul.f32 $5.656854150e+00, v0  }
0x283: {  	v6 =	vld [tilespmem:s1+$0x60];
	v1 =	vmul.f32 $5.656854150e+00, v1  }
0x284: {  	v7 =	vld [tilespmem:s1+$0x70];
	v2 =	vmul.f32 $5.656854150e+00, v2;
	[tilespmem:s1+$0xF0] =	vst v0  }
0x285: {  	[tilespmem:s1+$0x10] =	vst v1;
	v0 =	vmul.f32 $5.656854150e+00, v3;
	v3 =	vld [tilespmem:s1+$0x80]  }
0x286: {  	[tilespmem:s1+$0x20] =	vst v2;
	v1 =	vmul.f32 $5.656854150e+00, v4;
	v4 =	vld [tilespmem:s1+$0x90]  }
0x287: {  	v8 =	vld [tilespmem:s1+$0xA0];
	v2 =	vmul.f32 $5.656854150e+00, v5;
	[tilespmem:s1+$0x30] =	vst v0  }
0x288: {  	v5 =	vmul.f32 $5.656854150e+00, v6;
	[tilespmem:s1+$0x40] =	vst v1;
	v0 =	vld [tilespmem:s1+$0xB0]  }
0x289: {  	v6 =	vmul.f32 $5.656854150e+00, v7;
	[tilespmem:s1+$0x50] =	vst v2;
	v1 =	vld [tilespmem:s1+$0xC0]  }
0x28a: {  	[tilespmem:s1+$0x60] =	vst v5;
	v2 =	vld [tilespmem:s1+$0xD0];
	v7 =	vmul.f32 $5.656854150e+00, v3  }
0x28b: {  	[tilespmem:s1+$0x70] =	vst v6;
	v3 =	vld [tilespmem:s1+$0xE0];
	v5 =	vmul.f32 $5.656854150e+00, v4  }
0x28c: {  	s22 =	simm.s32 $0x0;
	s16 =	simm.s32 $0x13980;
	v6 =	vmul.f32 $5.656854150e+00, v8;
	v4 =	vld [tilespmem:s1+$0x0];
	[tilespmem:s1+$0x80] =	vst v7  }
.LBB2_29:
0x28d: {  	v7 =	vld [tilespmem:s16+$0xF0];
	s22 =	sadd.s32 $0x8, s22;
	[tilespmem:s1+$0x90] =	vst v5;
	v0 =	vmul.f32 $5.656854150e+00, v0  }
0x28e: {  	v5 =	vld [tilespmem:s16+$0x10];
	p0 =	slt.u32 s22, $0xC0;
	[tilespmem:s1+$0xA0] =	vst v6;
	v1 =	vmul.f32 $5.656854150e+00, v1  }
0x28f: {  	v6 =	vld [tilespmem:s16+$0x20];
	[tilespmem:s1+$0xB0] =	vst v0;
	v0 =	vmul.f32 $5.656854150e+00, v2  }
0x290: {  	v2 =	vld [tilespmem:s16+$0x30];
	[tilespmem:s1+$0xC0] =	vst v1;
	v1 =	vmul.f32 $5.656854150e+00, v3  }
0x291: {  	v3 =	vld [tilespmem:s16+$0x40];
	v4 =	vmul.f32 $5.656854150e+00, v4;
	[tilespmem:s1+$0xD0] =	vst v0  }
0x292: {  	v0 =	vld [tilespmem:s16+$0x50];
	v7 =	vmul.f32 $5.656854150e+00, v7;
	[tilespmem:s1+$0xE0] =	vst v1  }
0x293: {  	v1 =	vmul.f32 $5.656854150e+00, v5;
	v5 =	vld [tilespmem:s16+$0x60];
	[tilespmem:s1+$0x0] =	vst v4;
	s1 =	smov.u32 s16  }
0x294: {  	s0 =	simm.s32 $0x15180;
	v4 =	vmul.f32 $5.656854150e+00, v6;
	v6 =	vld [tilespmem:s16+$0x70];
	[tilespmem:s16+$0xF0] =	vst v7  }
0x295: {  	[tilespmem:s16+$0x10] =	vst v1;
	v1 =	vmul.f32 $5.656854150e+00, v2;
	v2 =	vld [tilespmem:s16+$0x80]  }
0x296: {  	[tilespmem:s16+$0x20] =	vst v4;
	v3 =	vmul.f32 $5.656854150e+00, v3;
	v4 =	vld [tilespmem:s16+$0x90]  }
0x297: {  	[tilespmem:s16+$0x30] =	vst v1;
	v1 =	vmul.f32 $5.656854150e+00, v0;
	v7 =	vld [tilespmem:s16+$0xA0]  }
.Ltmp13:
0x298: {  	[tilespmem:s16+$0x40] =	vst v3;
	v3 =	vmul.f32 $5.656854150e+00, v5;
	v0 =	vld [tilespmem:s16+$0xB0];
	(pc) =	sbr.rel @p0 .LBB2_29-.Ltmp13, $4  }
0x299: {  	[tilespmem:s16+$0x50] =	vst v1;
	v5 =	vmul.f32 $5.656854150e+00, v6;
	v1 =	vld [tilespmem:s16+$0xC0]  }
0x29a: {  	[tilespmem:s16+$0x60] =	vst v3;
	v6 =	vmul.f32 $5.656854150e+00, v2;
	v2 =	vld [tilespmem:s16+$0xD0]  }
0x29b: {  	[tilespmem:s16+$0x70] =	vst v5;
	v5 =	vmul.f32 $5.656854150e+00, v4;
	v3 =	vld [tilespmem:s16+$0xE0]  }
0x29c: {  	s16 =	sadd.s32 $0x100, s16;
	v4 =	vld [tilespmem:s1+$0x0];
	[tilespmem:s1+$0x80] =	vst v6;
	v6 =	vmul.f32 $5.656854150e+00, v7  }
0x29d: {  	[tilespmem:s1+$0x90] =	vst v5;
	v0 =	vmul.f32 $5.656854150e+00, v0  }
0x29e: {  	[tilespmem:s1+$0xA0] =	vst v6;
	v1 =	vmul.f32 $5.656854150e+00, v1  }
0x29f: {  	[tilespmem:s1+$0xB0] =	vst v0;
	v0 =	vmul.f32 $5.656854150e+00, v2  }
0x2a0: {  	[tilespmem:s1+$0xC0] =	vst v1;
	v1 =	vmul.f32 $5.656854150e+00, v3  }
0x2a1: {  	v2 =	vmul.f32 $5.656854150e+00, v4;
	[tilespmem:s1+$0xD0] =	vst v0  }
0x2a2: {  	[tilespmem:s1+$0xE0] =	vst v1  }
0x2a3: {  	[tilespmem:s1+$0x0] =	vst v2  }
0x2a4: {  	v0 =	vld [tilespmem:s0+$0xF0]  }
0x2a5: {  	v1 =	vld [tilespmem:s0+$0x10]  }
0x2a6: {  	v2 =	vld [tilespmem:s0+$0x20]  }
0x2a7: {  	v3 =	vld [tilespmem:s0+$0x30]  }
0x2a8: {  	v4 =	vld [tilespmem:s0+$0x40]  }
0x2a9: {  	v5 =	vld [tilespmem:s0+$0x50];
	v0 =	vmul.f32 $5.656854150e+00, v0  }
0x2aa: {  	v6 =	vld [tilespmem:s0+$0x60];
	v1 =	vmul.f32 $5.656854150e+00, v1  }
0x2ab: {  	v7 =	vld [tilespmem:s0+$0x70];
	v2 =	vmul.f32 $5.656854150e+00, v2;
	[tilespmem:s0+$0xF0] =	vst v0  }
0x2ac: {  	[tilespmem:s0+$0x10] =	vst v1;
	v0 =	vmul.f32 $5.656854150e+00, v3;
	v3 =	vld [tilespmem:s0+$0x80]  }
0x2ad: {  	[tilespmem:s0+$0x20] =	vst v2;
	v1 =	vmul.f32 $5.656854150e+00, v4;
	v4 =	vld [tilespmem:s0+$0x90]  }
0x2ae: {  	v8 =	vld [tilespmem:s0+$0xA0];
	v2 =	vmul.f32 $5.656854150e+00, v5;
	[tilespmem:s0+$0x30] =	vst v0  }
0x2af: {  	v5 =	vmul.f32 $5.656854150e+00, v6;
	[tilespmem:s0+$0x40] =	vst v1;
	v0 =	vld [tilespmem:s0+$0xB0]  }
0x2b0: {  	v6 =	vmul.f32 $5.656854150e+00, v7;
	[tilespmem:s0+$0x50] =	vst v2;
	v1 =	vld [tilespmem:s0+$0xC0]  }
0x2b1: {  	[tilespmem:s0+$0x60] =	vst v5;
	v2 =	vld [tilespmem:s0+$0xD0];
	v7 =	vmul.f32 $5.656854150e+00, v3  }
0x2b2: {  	[tilespmem:s0+$0x70] =	vst v6;
	v3 =	vld [tilespmem:s0+$0xE0];
	v5 =	vmul.f32 $5.656854150e+00, v4  }
0x2b3: {  	s16 =	simm.s32 $0x15280;
	s1 =	simm.s32 $0x0;
	v6 =	vmul.f32 $5.656854150e+00, v8;
	v4 =	vld [tilespmem:s0+$0x0];
	[tilespmem:s0+$0x80] =	vst v7  }
.LBB2_31:
0x2b4: {  	v7 =	vld [tilespmem:s16+$0xF0];
	s1 =	sadd.s32 $0x8, s1;
	[tilespmem:s0+$0x90] =	vst v5;
	v0 =	vmul.f32 $5.656854150e+00, v0  }
0x2b5: {  	v5 =	vld [tilespmem:s16+$0x10];
	p0 =	slt.u32 s1, $0xC0;
	[tilespmem:s0+$0xA0] =	vst v6;
	v1 =	vmul.f32 $5.656854150e+00, v1  }
0x2b6: {  	v6 =	vld [tilespmem:s16+$0x20];
	[tilespmem:s0+$0xB0] =	vst v0;
	v0 =	vmul.f32 $5.656854150e+00, v2  }
0x2b7: {  	v2 =	vld [tilespmem:s16+$0x30];
	[tilespmem:s0+$0xC0] =	vst v1;
	v1 =	vmul.f32 $5.656854150e+00, v3  }
0x2b8: {  	v3 =	vld [tilespmem:s16+$0x40];
	v4 =	vmul.f32 $5.656854150e+00, v4;
	[tilespmem:s0+$0xD0] =	vst v0  }
0x2b9: {  	v0 =	vld [tilespmem:s16+$0x50];
	v7 =	vmul.f32 $5.656854150e+00, v7;
	[tilespmem:s0+$0xE0] =	vst v1  }
0x2ba: {  	v1 =	vmul.f32 $5.656854150e+00, v5;
	v5 =	vld [tilespmem:s16+$0x60];
	[tilespmem:s0+$0x0] =	vst v4;
	s0 =	smov.u32 s16  }
0x2bb: {  	s28 =	simm.s32 $0x16A80;
	v4 =	vmul.f32 $5.656854150e+00, v6;
	v6 =	vld [tilespmem:s16+$0x70];
	[tilespmem:s16+$0xF0] =	vst v7  }
0x2bc: {  	[tilespmem:s16+$0x10] =	vst v1;
	v1 =	vmul.f32 $5.656854150e+00, v2;
	v2 =	vld [tilespmem:s16+$0x80]  }
0x2bd: {  	[tilespmem:s16+$0x20] =	vst v4;
	v3 =	vmul.f32 $5.656854150e+00, v3;
	v4 =	vld [tilespmem:s16+$0x90]  }
0x2be: {  	[tilespmem:s16+$0x30] =	vst v1;
	v1 =	vmul.f32 $5.656854150e+00, v0;
	v7 =	vld [tilespmem:s16+$0xA0]  }
.Ltmp14:
0x2bf: {  	[tilespmem:s16+$0x40] =	vst v3;
	v3 =	vmul.f32 $5.656854150e+00, v5;
	v0 =	vld [tilespmem:s16+$0xB0];
	(pc) =	sbr.rel @p0 .LBB2_31-.Ltmp14, $4  }
0x2c0: {  	[tilespmem:s16+$0x50] =	vst v1;
	v5 =	vmul.f32 $5.656854150e+00, v6;
	v1 =	vld [tilespmem:s16+$0xC0]  }
0x2c1: {  	[tilespmem:s16+$0x60] =	vst v3;
	v6 =	vmul.f32 $5.656854150e+00, v2;
	v2 =	vld [tilespmem:s16+$0xD0]  }
0x2c2: {  	[tilespmem:s16+$0x70] =	vst v5;
	v5 =	vmul.f32 $5.656854150e+00, v4;
	v3 =	vld [tilespmem:s16+$0xE0]  }
0x2c3: {  	s16 =	sadd.s32 $0x100, s16;
	v4 =	vld [tilespmem:s0+$0x0];
	[tilespmem:s0+$0x80] =	vst v6;
	v6 =	vmul.f32 $5.656854150e+00, v7  }
0x2c4: {  	[tilespmem:s0+$0x90] =	vst v5;
	v0 =	vmul.f32 $5.656854150e+00, v0  }
0x2c5: {  	[tilespmem:s0+$0xA0] =	vst v6;
	v1 =	vmul.f32 $5.656854150e+00, v1  }
0x2c6: {  	[tilespmem:s0+$0xB0] =	vst v0;
	v0 =	vmul.f32 $5.656854150e+00, v2  }
0x2c7: {  	[tilespmem:s0+$0xC0] =	vst v1;
	v1 =	vmul.f32 $5.656854150e+00, v3  }
0x2c8: {  	v2 =	vmul.f32 $5.656854150e+00, v4;
	[tilespmem:s0+$0xD0] =	vst v0  }
0x2c9: {  	[tilespmem:s0+$0xE0] =	vst v1  }
0x2ca: {  	[tilespmem:s0+$0x0] =	vst v2  }
0x2cb: {  	v0 =	vld [tilespmem:s28+$0xF0]  }
0x2cc: {  	v1 =	vld [tilespmem:s28+$0x10]  }
0x2cd: {  	v2 =	vld [tilespmem:s28+$0x20]  }
0x2ce: {  	v3 =	vld [tilespmem:s28+$0x30]  }
0x2cf: {  	v4 =	vld [tilespmem:s28+$0x40]  }
0x2d0: {  	v5 =	vld [tilespmem:s28+$0x50];
	v0 =	vmul.f32 $5.656854150e+00, v0  }
0x2d1: {  	v6 =	vld [tilespmem:s28+$0x60];
	v1 =	vmul.f32 $5.656854150e+00, v1  }
0x2d2: {  	v7 =	vld [tilespmem:s28+$0x70];
	v2 =	vmul.f32 $5.656854150e+00, v2;
	[tilespmem:s28+$0xF0] =	vst v0  }
0x2d3: {  	[tilespmem:s28+$0x10] =	vst v1;
	v0 =	vmul.f32 $5.656854150e+00, v3;
	v3 =	vld [tilespmem:s28+$0x80]  }
0x2d4: {  	[tilespmem:s28+$0x20] =	vst v2;
	v1 =	vmul.f32 $5.656854150e+00, v4;
	v4 =	vld [tilespmem:s28+$0x90]  }
0x2d5: {  	v8 =	vld [tilespmem:s28+$0xA0];
	v2 =	vmul.f32 $5.656854150e+00, v5;
	[tilespmem:s28+$0x30] =	vst v0  }
0x2d6: {  	v5 =	vmul.f32 $5.656854150e+00, v6;
	[tilespmem:s28+$0x40] =	vst v1;
	v0 =	vld [tilespmem:s28+$0xB0]  }
0x2d7: {  	v6 =	vmul.f32 $5.656854150e+00, v7;
	[tilespmem:s28+$0x50] =	vst v2;
	v1 =	vld [tilespmem:s28+$0xC0]  }
0x2d8: {  	[tilespmem:s28+$0x60] =	vst v5;
	v2 =	vld [tilespmem:s28+$0xD0];
	v7 =	vmul.f32 $5.656854150e+00, v3  }
0x2d9: {  	[tilespmem:s28+$0x70] =	vst v6;
	v3 =	vld [tilespmem:s28+$0xE0];
	v5 =	vmul.f32 $5.656854150e+00, v4  }
0x2da: {  	s16 =	simm.s32 $0x16B80;
	s0 =	simm.s32 $0x0;
	v6 =	vmul.f32 $5.656854150e+00, v8;
	v4 =	vld [tilespmem:s28+$0x0];
	[tilespmem:s28+$0x80] =	vst v7  }
.LBB2_33:
0x2db: {  	v7 =	vld [tilespmem:s16+$0xF0];
	s0 =	sadd.s32 $0x8, s0;
	[tilespmem:s28+$0x90] =	vst v5;
	v0 =	vmul.f32 $5.656854150e+00, v0  }
0x2dc: {  	v5 =	vld [tilespmem:s16+$0x10];
	p0 =	slt.u32 s0, $0xC0;
	[tilespmem:s28+$0xA0] =	vst v6;
	v1 =	vmul.f32 $5.656854150e+00, v1  }
0x2dd: {  	v6 =	vld [tilespmem:s16+$0x20];
	[tilespmem:s28+$0xB0] =	vst v0;
	v0 =	vmul.f32 $5.656854150e+00, v2  }
0x2de: {  	v2 =	vld [tilespmem:s16+$0x30];
	[tilespmem:s28+$0xC0] =	vst v1;
	v1 =	vmul.f32 $5.656854150e+00, v3  }
0x2df: {  	v3 =	vld [tilespmem:s16+$0x40];
	v4 =	vmul.f32 $5.656854150e+00, v4;
	[tilespmem:s28+$0xD0] =	vst v0  }
0x2e0: {  	v0 =	vld [tilespmem:s16+$0x50];
	v7 =	vmul.f32 $5.656854150e+00, v7;
	[tilespmem:s28+$0xE0] =	vst v1  }
0x2e1: {  	v1 =	vmul.f32 $5.656854150e+00, v5;
	v5 =	vld [tilespmem:s16+$0x60];
	[tilespmem:s28+$0x0] =	vst v4;
	s28 =	smov.u32 s16  }
0x2e2: {  	s1 =	simm.s32 $0x18380;
	v4 =	vmul.f32 $5.656854150e+00, v6;
	v6 =	vld [tilespmem:s16+$0x70];
	[tilespmem:s16+$0xF0] =	vst v7  }
0x2e3: {  	[tilespmem:s16+$0x10] =	vst v1;
	v1 =	vmul.f32 $5.656854150e+00, v2;
	v2 =	vld [tilespmem:s16+$0x80]  }
0x2e4: {  	[tilespmem:s16+$0x20] =	vst v4;
	v3 =	vmul.f32 $5.656854150e+00, v3;
	v4 =	vld [tilespmem:s16+$0x90]  }
0x2e5: {  	[tilespmem:s16+$0x30] =	vst v1;
	v1 =	vmul.f32 $5.656854150e+00, v0;
	v7 =	vld [tilespmem:s16+$0xA0]  }
.Ltmp15:
0x2e6: {  	[tilespmem:s16+$0x40] =	vst v3;
	v3 =	vmul.f32 $5.656854150e+00, v5;
	v0 =	vld [tilespmem:s16+$0xB0];
	(pc) =	sbr.rel @p0 .LBB2_33-.Ltmp15, $4  }
0x2e7: {  	[tilespmem:s16+$0x50] =	vst v1;
	v5 =	vmul.f32 $5.656854150e+00, v6;
	v1 =	vld [tilespmem:s16+$0xC0]  }
0x2e8: {  	[tilespmem:s16+$0x60] =	vst v3;
	v6 =	vmul.f32 $5.656854150e+00, v2;
	v2 =	vld [tilespmem:s16+$0xD0]  }
0x2e9: {  	[tilespmem:s16+$0x70] =	vst v5;
	v5 =	vmul.f32 $5.656854150e+00, v4;
	v3 =	vld [tilespmem:s16+$0xE0]  }
0x2ea: {  	s16 =	sadd.s32 $0x100, s16;
	v4 =	vld [tilespmem:s28+$0x0];
	[tilespmem:s28+$0x80] =	vst v6;
	v6 =	vmul.f32 $5.656854150e+00, v7  }
0x2eb: {  	[tilespmem:s28+$0x90] =	vst v5;
	v0 =	vmul.f32 $5.656854150e+00, v0  }
0x2ec: {  	[tilespmem:s28+$0xA0] =	vst v6;
	v1 =	vmul.f32 $5.656854150e+00, v1  }
0x2ed: {  	[tilespmem:s28+$0xB0] =	vst v0;
	v0 =	vmul.f32 $5.656854150e+00, v2  }
0x2ee: {  	[tilespmem:s28+$0xC0] =	vst v1;
	v1 =	vmul.f32 $5.656854150e+00, v3  }
0x2ef: {  	v2 =	vmul.f32 $5.656854150e+00, v4;
	[tilespmem:s28+$0xD0] =	vst v0  }
0x2f0: {  	[tilespmem:s28+$0xE0] =	vst v1  }
0x2f1: {  	[tilespmem:s28+$0x0] =	vst v2  }
0x2f2: {  	v0 =	vld [tilespmem:s1+$0xF0]  }
0x2f3: {  	v1 =	vld [tilespmem:s1+$0x10]  }
0x2f4: {  	v2 =	vld [tilespmem:s1+$0x20]  }
0x2f5: {  	v3 =	vld [tilespmem:s1+$0x30]  }
0x2f6: {  	v4 =	vld [tilespmem:s1+$0x40]  }
0x2f7: {  	v5 =	vld [tilespmem:s1+$0x50];
	v0 =	vmul.f32 $5.656854150e+00, v0  }
0x2f8: {  	v6 =	vld [tilespmem:s1+$0x60];
	v1 =	vmul.f32 $5.656854150e+00, v1  }
0x2f9: {  	v7 =	vld [tilespmem:s1+$0x70];
	v2 =	vmul.f32 $5.656854150e+00, v2;
	[tilespmem:s1+$0xF0] =	vst v0  }
0x2fa: {  	[tilespmem:s1+$0x10] =	vst v1;
	v0 =	vmul.f32 $5.656854150e+00, v3;
	v3 =	vld [tilespmem:s1+$0x80]  }
0x2fb: {  	[tilespmem:s1+$0x20] =	vst v2;
	v1 =	vmul.f32 $5.656854150e+00, v4;
	v4 =	vld [tilespmem:s1+$0x90]  }
0x2fc: {  	v8 =	vld [tilespmem:s1+$0xA0];
	v2 =	vmul.f32 $5.656854150e+00, v5;
	[tilespmem:s1+$0x30] =	vst v0  }
0x2fd: {  	v5 =	vmul.f32 $5.656854150e+00, v6;
	[tilespmem:s1+$0x40] =	vst v1;
	v0 =	vld [tilespmem:s1+$0xB0]  }
0x2fe: {  	v6 =	vmul.f32 $5.656854150e+00, v7;
	[tilespmem:s1+$0x50] =	vst v2;
	v1 =	vld [tilespmem:s1+$0xC0]  }
0x2ff: {  	[tilespmem:s1+$0x60] =	vst v5;
	v2 =	vld [tilespmem:s1+$0xD0];
	v7 =	vmul.f32 $5.656854150e+00, v3  }
0x300: {  	[tilespmem:s1+$0x70] =	vst v6;
	v3 =	vld [tilespmem:s1+$0xE0];
	v5 =	vmul.f32 $5.656854150e+00, v4  }
0x301: {  	s0 =	simm.s32 $0x0;
	s16 =	simm.s32 $0x18480;
	v6 =	vmul.f32 $5.656854150e+00, v8;
	v4 =	vld [tilespmem:s1+$0x0];
	[tilespmem:s1+$0x80] =	vst v7  }
.LBB2_35:
0x302: {  	v7 =	vld [tilespmem:s16+$0xF0];
	s0 =	sadd.s32 $0x8, s0;
	[tilespmem:s1+$0x90] =	vst v5;
	v0 =	vmul.f32 $5.656854150e+00, v0  }
0x303: {  	v5 =	vld [tilespmem:s16+$0x10];
	p0 =	slt.u32 s0, $0xC0;
	[tilespmem:s1+$0xA0] =	vst v6;
	v1 =	vmul.f32 $5.656854150e+00, v1  }
0x304: {  	v6 =	vld [tilespmem:s16+$0x20];
	[tilespmem:s1+$0xB0] =	vst v0;
	v0 =	vmul.f32 $5.656854150e+00, v2  }
0x305: {  	v2 =	vld [tilespmem:s16+$0x30];
	[tilespmem:s1+$0xC0] =	vst v1;
	v1 =	vmul.f32 $5.656854150e+00, v3  }
0x306: {  	v3 =	vld [tilespmem:s16+$0x40];
	v4 =	vmul.f32 $5.656854150e+00, v4;
	[tilespmem:s1+$0xD0] =	vst v0  }
0x307: {  	v0 =	vld [tilespmem:s16+$0x50];
	v7 =	vmul.f32 $5.656854150e+00, v7;
	[tilespmem:s1+$0xE0] =	vst v1  }
0x308: {  	v1 =	vmul.f32 $5.656854150e+00, v5;
	v5 =	vld [tilespmem:s16+$0x60];
	[tilespmem:s1+$0x0] =	vst v4;
	s1 =	smov.u32 s16  }
0x309: {  	v4 =	vmul.f32 $5.656854150e+00, v6;
	v6 =	vld [tilespmem:s16+$0x70];
	[tilespmem:s16+$0xF0] =	vst v7  }
0x30a: {  	[tilespmem:s16+$0x10] =	vst v1;
	v1 =	vmul.f32 $5.656854150e+00, v2;
	v2 =	vld [tilespmem:s16+$0x80]  }
0x30b: {  	[tilespmem:s16+$0x20] =	vst v4;
	v3 =	vmul.f32 $5.656854150e+00, v3;
	v4 =	vld [tilespmem:s16+$0x90]  }
0x30c: {  	[tilespmem:s16+$0x30] =	vst v1;
	v1 =	vmul.f32 $5.656854150e+00, v0;
	v7 =	vld [tilespmem:s16+$0xA0]  }
.Ltmp16:
0x30d: {  	[tilespmem:s16+$0x40] =	vst v3;
	v3 =	vmul.f32 $5.656854150e+00, v5;
	v0 =	vld [tilespmem:s16+$0xB0];
	(pc) =	sbr.rel @p0 .LBB2_35-.Ltmp16, $4  }
0x30e: {  	[tilespmem:s16+$0x50] =	vst v1;
	v5 =	vmul.f32 $5.656854150e+00, v6;
	v1 =	vld [tilespmem:s16+$0xC0]  }
0x30f: {  	[tilespmem:s16+$0x60] =	vst v3;
	v6 =	vmul.f32 $5.656854150e+00, v2;
	v2 =	vld [tilespmem:s16+$0xD0]  }
0x310: {  	[tilespmem:s16+$0x70] =	vst v5;
	v5 =	vmul.f32 $5.656854150e+00, v4;
	v3 =	vld [tilespmem:s16+$0xE0]  }
0x311: {  	s16 =	sadd.s32 $0x100, s16;
	v4 =	vld [tilespmem:s1+$0x0];
	[tilespmem:s1+$0x80] =	vst v6;
	v6 =	vmul.f32 $5.656854150e+00, v7  }
0x312: {  	[tilespmem:s1+$0x90] =	vst v5;
	v0 =	vmul.f32 $5.656854150e+00, v0  }
0x313: {  	s24 =	sadd.s32 $0x1, s24;
	[tilespmem:s1+$0xA0] =	vst v6;
	v1 =	vmul.f32 $5.656854150e+00, v1  }
0x314: {  	p0 =	sne.s32 s24, $0x20;
	[tilespmem:s1+$0xB0] =	vst v0;
	v61 =	vmul.f32 $5.656854150e+00, v2  }
.Ltmp17:
0x315: {  	s0 =	sadd.s32 s4, s3;
	[tilespmem:s1+$0xC0] =	vst v1;
	v62 =	vmul.f32 $5.656854150e+00, v3;
	(pc) =	sbr.rel @p0 .LBB2_2-.Ltmp17, $4  }
0x316: {  	s0 =	smul.u32 $0xC80, s0;
	v63 =	vmul.f32 $5.656854150e+00, v4;
	[tilespmem:s1+$0xD0] =	vst v61  }
0x317: {  	[tilespmem:s1+$0xE0] =	vst v62  }
0x318: {  	s0 =	sadd.s32 s6, s0;
	[tilespmem:s1+$0x0] =	vst v63  }
0x319: {  	[hbm4b:s0+s8] =	stream.strided.scatter [tilespmem:s30], [sflag:$0xC], $0x6400, s9, s8, $0x38;
	[tilespmem:$0x19C80] =	vst v63  }
0x31a: {  	s0 =	simm.s32 $0x9  }
0x31b: {  	_ =	swait.ge [sflag:s0], $0x6400  }
0x31c: {  	[sflag:s0] =	ssyncset.done $0x0  }
0x31d: {  	s24 =	simm.s32 $0xA;
	[sflag:s0] =	ssyncadd.s32 $0xFFFF9C00  }
0x31e: {  	_ =	swait.ge [sflag:s24], $0x6400  }
0x31f: {  	[sflag:s24] =	ssyncset.done $0x0  }
0x320: {  	s28 =	simm.s32 $0xB;
	[sflag:s24] =	ssyncadd.s32 $0xFFFF9C00  }
0x321: {  	_ =	swait.ge [sflag:s28], $0x6400  }
0x322: {  	[sflag:s28] =	ssyncset.done $0x0  }
0x323: {  	[sflag:s28] =	ssyncadd.s32 $0xFFFF9C00  }
0x324: {  	_ =	swait.ge [sflag:s19], $0x6400  }
0x325: {  	s1 =	rddreg [dreg:$0x8]  }
0x326: {  	s31 =	rddreg [dreg:$0x7];
	s1 =	sadd.s32 $0x1, s1  }
0x327: {  	p0 =	sne.s32 s1, s31  }
.Ltmp18:
0x328: {  	_ = 	snop;
	(pc) =	sbr.rel @p0 .LBB2_1-.Ltmp18, $3  }
0x329: {  	_ =	sdelay $0x1  }
0x32a: {  	[sflag:s19] =	ssyncset.done $0x0  }
0x32b: {  	[sflag:s19] =	ssyncadd.s32 $0xFFFF9C00  }
0x32c: {  	_ =	sfence.sel $0x180000  }
0x32d: {  	[bflag:$0x0] =	sbarrier.arrive $0xFFFF  }
0x32e: {  	_ =	strace $0x90000047  }
0x32f: {  	s0 =	stileid.u32;
	[bflag:$0x2] =	sbarrier.arrive $0xFFFF  }
0x330: {  	p0 =	sne.s32 s0, $0x0;
	s0 =	rddreg [dreg:$0x2]  }
0x331: {  	s0 =	sadd.s32 @!p0 $0x100000, s0  }
0x332: {  	[sflag:s0] =	ssyncadd.tile.s32 @!p0 $0x1;
	_ =	shalt  }
.Lfunc_end2:
_tile_overlayer_lowered:
.L_overlay_start_2:
0x333: {  	(tag) =	ssettag $0x2  }
0x334: {  	s0 =	rddreg [dreg:$0x0];
	s2 =	stileid.u32  }
0x335: {  	s1 =	rddreg [dreg:$0x1];
	p0 =	sne.s32 s2, $0x0  }
0x336: {  	s3 =	rddreg [dreg:$0x2];
	[bflag:$0x3] =	sbarrier.arrive $0xFFFF;
	s2 =	simm.s32 @!p0 $0x1C0D  }
0x337: {  	[timem:s3], [sflag:s2] =	dma.local @!p0 [hbm:s0], s1  }
0x338: {  	s0 =	simm.s32 @!p0 $0xD  }
0x339: {  	_ =	swait.ge @!p0 [sflag:s0], s1  }
0x33a: {  	s1 =	ssub.s32 @!p0 $0x0, s1;
	[sflag:s0] =	ssyncset.done @!p0 $0x0  }
0x33b: {  	[sflag:s0] =	ssyncadd.s32 @!p0 s1  }
0x33c: {  	[bflag:$0x3] =	sbarrier.arrive $0xFFFF  }
0x33d: {  	_ =	shalt  }

// kernel: sparse-core-data-format-call.cloned.1.call-start
scs
called_computation_lowered:
.L_overlay_start_0:
0x0: {  	s2 =	sld [smem:$0x3FD9]  }
0x1: {  	s3 =	sld [smem:$0x3FFE];
	_ =	sdelay $0x1  }
0x2: {  	s1 =	srdreg.scid  }
0x3: {  	s0 =	sand.u32 $0x1, s1  }
0x4: {  	s18 =	sshll.u32 s0, $0xA;
	s2 =	sadd.s32 s3, s2  }
0x5: {  	s2 =	sadd.s32 s2, s18  }
0x6: {  	[smem:$0x3FC6] =	sst s2  }
0x7: {  	_ = 	snop  }
0x8: {  	s2 =	sld [smem:$0x3FD0];
	(tm) =	ssettm $0x1  }
0x9: {  	s19 =	sld [smem:$0x3FFB];
	_ =	sdelay $0x3  }
0xa: {  	_ =	strace s19  }
0xb: {  	s3 =	sld [smem:$0x3FFC];
	_ =	sdelay $0x3  }
0xc: {  	_ =	strace s3  }
0xd: {  	s3 =	sld [smem:$0x3FFD];
	_ =	sdelay $0x3  }
0xe: {  	_ =	strace s3  }
0xf: {  	_ =	strace $0x8FFFFFFF  }
0x10: {  	s20 =	sld [smem:$0x3FDB];
	_ =	sdelay $0x1  }
0x11: {  	s4 =	simm.s32 $_scs_section_size  }
0x12: {  	s5 =	simm.s32 $_size__tile_overlayer_lowered;
	s6 =	simm.s32 $_tile_overlayer_lowered  }
0x13: {  	s23 =	simm.s32 $0x1BFF;
	s22 =	sshll.u32 s6, $0x1;
	s3 =	sadd.s32 s4, s20  }
0x14: {  	s7 =	simm.s32 $0x0;
	s21 =	sshll.u32 s5, $0x1;
	s5 =	sadd.s32 s22, s3  }
0x15: {  	[timem:s7], [sflag:s23] =	dma.local [hbm:s5], s21  }
0x16: {  	_ =	swait.ge [sflag:s23], s21  }
0x17: {  	s4 =	ssub.s32 $0x0, s21;
	[sflag:s23] =	ssyncset.done $0x0  }
0x18: {  	[sflag:s23] =	ssyncadd.s32 s4;
	_ =	sdelay $0x1  }
0x19: {  	s24 =	simm.s32 $0x1B8B  }
0x1a: {  	_ =	swait.ge [sflag:s24], $0x1  }
0x1b: {  	[sflag:s24] =	ssyncset.done $0x0  }
0x1c: {  	s26 =	simm.s32 $0x1B8E;
	s25 =	sld [smem:$0x3FFE];
	[sflag:s24] =	ssyncadd.s32 $0xFFFFFFFF  }
0x1d: {  	s27 =	simm.s32 $execute0_lowered;
	[smem:$0x3FD2] =	sst s26  }
0x1e: {  	s5 =	sshll.u32 s27, $0x1;
	_ =	strace $0x80000049;
	[dreg:$0x1] =	wrdreg $0xFFFFFFFF  }
0x1f: {  	s28 =	simm.s32 $_size_execute0_lowered;
	s3 =	sadd.s32 s3, s5;
	[dreg:$0x0] =	wrdreg $0x0  }
0x20: {  	s5 =	sshll.u32 s28, $0x1;
	[dreg:$0x2] =	wrdreg s3  }
0x21: {  	[dreg:$0x3] =	wrdreg s5  }
0x22: {  	[dreg:$0x4] =	wrdreg $0xC0  }
0x23: {  	_ =	task [dreg:s7], $0x5FFFF  }
0x24: {  	[dreg:$0x1] =	wrdreg $0xFFFFFFFF  }
0x25: {  	[dreg:$0x0] =	wrdreg $0x60  }
0x26: {  	[dreg:$0x2] =	wrdreg s25  }
0x27: {  	[dreg:$0x3] =	wrdreg s2  }
0x28: {  	[dreg:$0x4] =	wrdreg $0x9  }
0x29: {  	_ =	task.clear_ibuf [dreg:s7], $0x5FFFF;
	_ =	strace $0x90000049  }
0x2a: {  	s29 =	simm.s32 $0x9;
	_ =	strace $0x8000004B  }
0x2b: {  	_ =	swait.ge [sflag:s29], $0x1  }
0x2c: {  	[sflag:s29] =	ssyncadd.s32 $0xFFFFFFFF  }
0x2d: {  	_ =	strace $0x9000004B  }
0x2e: {  	_ =	sfence  }
0x2f: {  	s30 =	sld [smem:$0x0];
	_ =	sdelay $0x2  }
0x30: {  	s31 =	sshll.u32 s1, $0xD;
	s1 =	sshrl.u32 s1, $0x2  }
0x31: {  	s3 =	sand.u32 $0x4000, s31;
	s1 =	sadd.s32 s1, s30  }
0x32: {  	s0 =	sor.u32 s3, s0;
	s1 =	sshll.u32 s1, $0x11  }
0x33: {  	s0 =	sor.u32 s1, s0  }
0x34: {  	s0 =	sadd.s32 $0x8F2B, s0  }
0x35: {  	[sflag:s0] =	ssyncadd.remote.s32 $0x1  }
0x36: {  	_ =	sfence.sel $0xFFFF  }
0x37: {  	[dreg:$0x0] =	wrdreg $0xFFFFFFFF;
	(pc) =	sbr.abs _section_cstart, $3  }
0x38: {  	[dreg:$0x1] =	wrdreg $0xFFFFFFFF  }
0x39: {  	_ =	task.clear_ibuf [dreg:s7], $0x2FFFF;
	_ =	strace $0x9FFFFFFF  }
0x3a: {  	(tm) =	ssettm $0x7FFFFFFF  }
0x3b: {  	_ =	shalt  }
tec
execute0_lowered:
.L_overlay_start_1:
0x0: {  	(tag) =	ssettag $0x1  }
0x1: {  	s0 =	srdreg.scid  }
0x2: {  	s1 =	sshll.u32 s0, $0x4  }
0x3: {  	s0 =	stileid.u32;
	s1 =	sand.u32 $0x10, s1  }
0x4: {  	s1 =	sor.u32 s0, s1  }
0x5: {  	s6 =	rddreg [dreg:$0x0];
	s4 =	simm.s32 $0x1;
	s2 =	sshll.u32 s1, $0x7  }
0x6: {  	s7 =	simm.s32 $0x2;
	s12 =	simm.s32 $0x0;
	s1 =	ssub.s32 $0x4000, s2  }
0x7: {  	s8 =	simm.s32 $0x20000;
	s13 =	simm.s32 $0x0;
	s3 =	sand.u32 $0xF80, s1  }
0x8: {  	s9 =	simm.s32 $0x0;
	s5 =	sshrl.u32 s1, $0xC;
	p0 =	sne.s32 s3, $0x0  }
.Ltmp0:
0x9: {  	s1 =	rddreg [dreg:$0x2];
	s4 =	simm.s32 @!p0 $0x0;
	(pc) =	sbr.rel .LBB1_1-.Ltmp0, $4  }
0xa: {  	s11 =	simm.s32 $0x0;
	s3 =	rddreg [dreg:$0x1];
	s5 =	sadd.s32 s4, s5  }
0xb: {  	_ =	strace $0x8000004A;
	s4 =	simm.s32 $0x1;
	s5 =	smul.u32 $0xC8, s5  }
0xc: {  	s6 =	sadd.s32 $0x64800, s6;
	s10 =	smov.u32 s2;
	[sflag:s4] =	ssyncpa.u1 $0x0  }
0xd: {  	p0 =	por $0x0, $0x0;
	[sflag:s7] =	ssyncpa.u1 $0x0;
	s7 =	sor.u32 $0x1, s5  }
.LBB1_4:
0xe: {  	s16 =	sshll.u32 s13, $0x3;
	s17 =	sand.u32 $0x78, s13  }
0xf: {  	s30 =	sand.u32 $0xF800, s13;
	s12 =	sshll.u32 s12, $0x10;
	s16 =	sand.u32 $0x3C00, s16  }
0x10: {  	s31 =	sand.u32 $0x7, s13;
	s16 =	sor.u32 s17, s16;
	s17 =	sadd.s32 s3, s30  }
0x11: {  	s13 =	sshll.u32 s31, $0x12;
	s16 =	sshrl.u32 s16, $0x3;
	s12 =	sadd.s32 s12, s17  }
0x12: {  	[tilespmem:s15+$0x0 ss:$0x81] =	vst.msk $0xffff, v0;
	s13 =	sor.u32 $0x400, s13;
	s12 =	sadd.s32 s16, s12  }
0x13: {  	[hbm4b:s12+s13] =	stream.strided.scatter [tilespmem:s14], [sflag:$0x2], $0x1000, s8, s13, $0x20;
	[tilespmem:$0x4040] =	vst v63  }
.LBB1_5:
0x14: {  	s14 =	sadd.s32 $0x1, s9  }
0x15: {  	s12 =	sadd.s32 $0x1000, s10;
	s16 =	smov.u32 s10;
	p2 =	sgt.s32 s14, $0xC7  }
0x16: {  	s16 =	smov.u32 @p2 s12  }
0x17: {  	s14 =	simm.s32 @p2 $0x0;
	p2 =	sgt.s32 s16, $0x3FFF  }
0x18: {  	s16 =	smov.u32 @p2 s2;
	p2 =	sne.s32 s11, s7  }
.Ltmp1:
0x19: {  	p1 =	slt.u32 s11, $0x2;
	(pc) =	sbr.rel @!p2 .LBB1_6-.Ltmp1, $4  }
0x1a: {  	s15 =	simm.s32 @!p1 $0x2  }
0x1b: {  	s13 =	smov.u32 s10;
	p0 =	por !p0, !p0;
	_ =	swait.ge @!p1 [sflag:s15], $0x1000  }
0x1c: {  	s12 =	smov.u32 s9;
	[sflag:s15] =	ssyncset.done @!p1 $0x0;
	s9 =	smov.u32 s14  }
0x1d: {  	s11 =	sadd.s32 $0x1, s11;
	[sflag:s15] =	ssyncadd.s32 @!p1 $0xFFFFF000;
	s10 =	smov.u32 s16  }
.LBB1_1:
0x1e: {  	p1 =	sge.u32 s11, s5  }
0x1f: {  	s14 =	sand.u32 @!p1 $0x1FFFFFF, s9  }
0x20: {  	s15 =	smulhi.u32 @!p1 $0x147AE15, s14;
	_ =	sdelay $0x1  }
0x21: {  	s15 =	smul.u32 @!p1 $0xC8, s15  }
0x22: {  	s16 =	sxor.u32 @!p1 $0xFFFFFFFF, s11;
	s17 =	smul.u32 @!p1 $0xC80, s10  }
0x23: {  	s31 =	sadd.s32 $0xFFFFFFFF, s11;
	s16 =	sshll.u32 @!p1 s16, $0xC;
	s14 =	ssub.s32 @!p1 s14, s15  }
0x24: {  	s15 =	sand.u32 @!p1 $0x1000, s16;
	s16 =	sadd.s32 @!p1 s6, s17;
	s14 =	sshll.u32 @!p1 s14, $0x4  }
0x25: {  	s17 =	simm.s32 @!p1 $0x6400;
	s14 =	sadd.s32 @!p1 s14, s16;
	s16 =	simm.s32 @!p1 $0x20  }
0x26: {  	[tilespmem:s15], [sflag:$0x1] =	stream.strided.gather @!p1 [hbm4b:s14+s16], $0x1000, s17, s16, $0x38;
	[tilespmem:$0x4040] =	vst v63  }
0x27: {  	p1 =	sge.u32 s31, s5  }
.Ltmp2:
0x28: {  	_ = 	snop;
	(pc) =	sbr.rel @p1 .LBB1_5-.Ltmp2, $1  }
0x29: {  	_ =	sdelay $0x3  }
0x2a: {  	s14 =	simm.s32 $0x1  }
0x2b: {  	_ =	swait.ge [sflag:s4], $0x1000;
	s14 =	simm.s32 @!p0 $0x0  }
0x2c: {  	[sflag:s4] =	ssyncset.done $0x0;
	s15 =	sshll.u32 s14, $0xC  }
0x2d: {  	[sflag:s4] =	ssyncadd.s32 $0xFFFFF000;
	s18 =	sor.u32 $0x10, s15  }
0x2e: {  	s14 =	smul.u32 $0x4080, s14;
	v1 =	vld [tilespmem:s18+$0x0]  }
0x2f: {  	s30 =	sand.u32 $0x1, s11;
	v0 =	vld [tilespmem:s18+$0xFFFFFFF0]  }
0x30: {  	s15 =	smul.u32 $0x4080, s30;
	s14 =	sshrl.u32 s14, $0x2  }
0x31: {  	s16 =	sor.u32 $0x2000, s14  }
0x32: {  	s31 =	sshrl.u32 s15, $0x2;
	s15 =	sadd.s32 $0x0, s16  }
0x33: {  	s17 =	simm.s32 $0x4;
	s18 =	sadd.s32 $0x20, s18;
	s14 =	sor.u32 $0x2000, s31;
	[tilespmem:s15+$0x810 ss:$0x81] =	vst.msk $0xffff, v1  }
.LBB1_3:
0x34: {  	v1 =	vld [tilespmem:s18+$0x0];
	p1 =	sne.s32 s17, $0x1FC;
	[tilespmem:s15+$0x0 ss:$0x81] =	vst.msk $0xffff, v0;
	s15 =	smov.u32 s17;
	s17 =	sadd.s32 $0x4, s17  }
.Ltmp3:
0x35: {  	v0 =	vld [tilespmem:s18+$0xFFFFFFF0];
	(pc) =	sbr.rel @p1 .LBB1_3-.Ltmp3, $4  }
0x36: {  	_ = 	snop  }
0x37: {  	s15 =	sshra.s32 s15, $0x2  }
0x38: {  	s15 =	sadd.s32 s15, s16  }
0x39: {  	s18 =	sadd.s32 $0x20, s18;
	[tilespmem:s15+$0x810 ss:$0x81] =	vst.msk $0xffff, v1  }
.Ltmp4:
0x3a: {  	_ = 	snop;
	(pc) =	sbr.rel .LBB1_4-.Ltmp4, $1  }
0x3b: {  	_ =	sdelay $0x3  }
.LBB1_6:
0x3c: {  	_ =	sfence.sel $0x180000  }
0x3d: {  	s2 =	simm.s32 $0x1;
	[bflag:$0x0] =	sbarrier.arrive $0xFFFF  }
0x3e: {  	s31 =	simm.s32 $0x2;
	[sflag:s2] =	ssyncpa.u1 $0x1  }
0x3f: {  	[sflag:s31] =	ssyncpa.u1 $0x1  }
0x40: {  	p0 =	sne.s32 s0, $0x0;
	_ =	strace $0x9000004A  }
0x41: {  	s0 =	sadd.s32 @!p0 $0x100000, s1;
	[bflag:$0x2] =	sbarrier.arrive $0xFFFF  }
0x42: {  	[sflag:s0] =	ssyncadd.tile.s32 @!p0 $0x1;
	_ =	shalt  }
.Lfunc_end1:
_tile_overlayer_lowered:
.L_overlay_start_2:
0x43: {  	(tag) =	ssettag $0x2  }
0x44: {  	s0 =	rddreg [dreg:$0x0];
	s2 =	stileid.u32  }
0x45: {  	s1 =	rddreg [dreg:$0x1];
	p0 =	sne.s32 s2, $0x0  }
0x46: {  	s3 =	rddreg [dreg:$0x2];
	[bflag:$0x3] =	sbarrier.arrive $0xFFFF;
	s2 =	simm.s32 @!p0 $0x1C01  }
0x47: {  	[timem:s3], [sflag:s2] =	dma.local @!p0 [hbm:s0], s1  }
0x48: {  	s0 =	simm.s32 @!p0 $0x1  }
0x49: {  	_ =	swait.ge @!p0 [sflag:s0], s1  }
0x4a: {  	s1 =	ssub.s32 @!p0 $0x0, s1;
	[sflag:s0] =	ssyncset.done @!p0 $0x0  }
0x4b: {  	[sflag:s0] =	ssyncadd.s32 @!p0 s1  }
0x4c: {  	[bflag:$0x3] =	sbarrier.arrive $0xFFFF  }
0x4d: {  	_ =	shalt  }

</sc_bundles>
